<compile_context>
chip_gen: v7x
topology: tpu7x:2x2x1
jax: 0.10.2.dev20260603
libtpu: 0.0.44.dev20260713+nightly
codegen_flags: <defaults>
</compile_context>

<pallas_src>
import jax
import jax.numpy as jnp
from jax import lax
from jax.experimental import pallas as pl
from jax.experimental.pallas import tpu as pltpu

N = 10000
D = 128
_DN = (((1,), (0,)), ((), ()))


def _tree8(acc):
    acc = acc[0:4, :] + acc[4:8, :]
    acc = acc[0:2, :] + acc[2:4, :]
    return acc[0:1, :] + acc[1:2, :]


def _win_sum_ref(ref, base, ntiles):
    def step(i, acc):
        return acc + ref[pl.ds(base + i * 8, 8), :]
    return _tree8(lax.fori_loop(0, ntiles, step, jnp.zeros((8, D), jnp.float32)))


def _mean5win(ref):
    s = _win_sum_ref(ref, 0, 250)
    for w in range(1, 5):
        s = s + _win_sum_ref(ref, w * 2000, 250)
    return s * jnp.float32(1e-4)


def _pool_body(h1_ref, h2_ref, h3_ref, h4_ref, mean_ref):
    refs = (h1_ref, h2_ref, h3_ref, h4_ref)
    for k in range(4):
        s = _win_sum_ref(refs[k], 0, 250)
        for w in range(1, 5):
            s = s + _win_sum_ref(refs[k], w * 2000, 250)
        mean_ref[0:1, pl.ds(k * D, D)] = s * jnp.float32(1e-4)


def _pool(h1, h2, h3, h4):
    return pl.pallas_call(
        _pool_body,
        out_shape=jax.ShapeDtypeStruct((1, 4 * D), jnp.float32),
    )(h1, h2, h3, h4)


def kernel(h, edge_index, W_self, W_neigh, bias, prelu_a, gamma, beta):
    src = edge_index[0]
    dst = edge_index[1]
    n = h.shape[0]
    cur = h
    hs = []
    for i in range(4):
        msum = jax.ops.segment_sum(cur[src], dst, num_segments=n)
        deg = jax.ops.segment_sum(jnp.ones((src.shape[0],), jnp.float32), dst,
                                  num_segments=n)
        h_neigh = msum / jnp.clip(deg, 1.0)[:, None]
        rst = cur @ W_self[i] + h_neigh @ W_neigh[i] + bias[i]
        rst = jnp.where(rst >= 0, rst, prelu_a[i] * rst)
        mu = rst.mean(axis=0)
        var = rst.var(axis=0)
        cur = (rst - mu) / jnp.sqrt(var + 1e-5) * gamma[i] + beta[i]
        hs.append(cur)
    return _pool(hs[0], hs[1], hs[2], hs[3])

# --- scband reference (transcript-rebuilt; emitter-appended) ---
"""Pipeline reference for scband-gcnlog-41858751267406 (READ-ONLY COPY).

The authoritative reference and input builder live on the scoring server;
editing this copy changes nothing except your own understanding.
"""

import jax, jax.numpy as jnp
import numpy as np

N = 10000
E = 320000
D = 128
H = 128
L = 4


def setup_inputs(seed: int = 0) -> dict:
    key = jax.random.key(seed)
    ks = jax.random.split(key, 6)
    h = jax.random.normal(ks[0], (N, D), dtype=jnp.float32)
    edge_index = jax.random.randint(ks[1], (2, E), 0, N, dtype=jnp.int32)
    # SAGEConv params per layer (embedding_size == h_feats == 128, so stacked uniformly)
    W_self = jax.random.normal(ks[2], (L, H, H), dtype=jnp.float32) * 0.05
    W_neigh = jax.random.normal(ks[3], (L, H, H), dtype=jnp.float32) * 0.05
    bias = jnp.zeros((L, H), dtype=jnp.float32)
    prelu_a = jnp.full((L, H), 0.25, dtype=jnp.float32)
    gamma = jnp.ones((L, H), dtype=jnp.float32)
    beta = jnp.zeros((L, H), dtype=jnp.float32)
    return {"h": h, "edge_index": edge_index, "W_self": W_self, "W_neigh": W_neigh,
            "bias": bias, "prelu_a": prelu_a, "gamma": gamma, "beta": beta}


def _sage_layer(h, src, dst, Wself, Wneigh, b, a, g, bt):
    n = h.shape[0]
    # mean aggregation over in-neighbors (DGL SAGEConv 'mean')
    msum = jax.ops.segment_sum(h[src], dst, num_segments=n)
    deg = jax.ops.segment_sum(jnp.ones((src.shape[0],), jnp.float32), dst, num_segments=n)
    h_neigh = msum / jnp.clip(deg, 1.0)[:, None]
    rst = h @ Wself + h_neigh @ Wneigh + b
    # PReLU (per-channel)
    rst = jnp.where(rst >= 0, rst, a * rst)
    # BatchNorm1d over nodes (training-mode batch statistics)
    mu = rst.mean(axis=0)
    var = rst.var(axis=0)
    rst = (rst - mu) / jnp.sqrt(var + 1e-5) * g + bt
    return rst


def reference(h, edge_index, W_self, W_neigh, bias, prelu_a, gamma, beta):
    src = edge_index[0]
    dst = edge_index[1]
    hs = []
    cur = h
    for i in range(L):
        cur = _sage_layer(cur, src, dst, W_self[i], W_neigh[i], bias[i], prelu_a[i], gamma[i], beta[i])
        hs.append(cur)
    hcat = jnp.concatenate(hs, axis=1)  # [N, 4*H]
    # dgl.mean_nodes over a single graph -> [1, 4*H]
    return hcat.mean(axis=0, keepdims=True)

if __name__ == "__main__":
    import jax
    _d = setup_inputs()
    print(jax.jit(kernel)(*tuple(_d.values())))

</pallas_src>

<mosaic_0001>
module attributes {stable_mosaic.version = 14 : i64} {
  func.func @_pool_body(%arg0: memref<10000x128xf32, #tpu.memory_space<vmem>>, %arg1: memref<10000x128xf32, #tpu.memory_space<vmem>>, %arg2: memref<10000x128xf32, #tpu.memory_space<vmem>>, %arg3: memref<10000x128xf32, #tpu.memory_space<vmem>>, %arg4: memref<1x512xf32, #tpu.memory_space<vmem>>) attributes {dimension_semantics = [], scalar_prefetch = 0 : i64, scratch_operands = 0 : i64, tpu.core_type = #tpu.core_type<tc>} {
    %broadcast_in_dim3A = arith.constant 0.000000e+00 : f32
    %broadcast_in_dim3A_0 = vector.broadcast %broadcast_in_dim3A : f32 to vector<8x128xf32>
    %scan3A = arith.constant 0 : i32
    %scan3A_1 = arith.constant 250 : i32
    %scan3A_2 = arith.addi %scan3A, %scan3A_1 : i32
    %scan3A_3 = arith.constant 1 : i32
    %scan3A_4 = scf.for %scan3A_374 = %scan3A to %scan3A_2 step %scan3A_3 iter_args(%scan3A_375 = %broadcast_in_dim3A_0) -> (vector<8x128xf32>)  : i32 {
      %mul3A_376 = arith.constant 8 : i32
      %mul3A_377 = arith.muli %scan3A_374, %mul3A_376 : i32
      %add3A_378 = arith.constant 0 : i32
      %add3A_379 = arith.addi %add3A_378, %mul3A_377 : i32
      %get3A = arith.index_cast %add3A_379 : i32 to index
      %get3A_380 = arith.constant 0 : index
      %get3A_381 = vector.load %arg0[%get3A, %get3A_380] : memref<10000x128xf32, #tpu.memory_space<vmem>>, vector<8x128xf32>
      %add3A_382 = arith.addf %scan3A_375, %get3A_381 : vector<8x128xf32>
      scf.yield %add3A_382 : vector<8x128xf32>
    }
    %scan3A_5 = arith.constant 250 : i32
    %slice3A = vector.extract_strided_slice %scan3A_4 {offsets = [0, 0], sizes = [4, 128], strides = [1, 1]} : vector<8x128xf32> to vector<4x128xf32>
    %slice3A_6 = vector.extract_strided_slice %scan3A_4 {offsets = [4, 0], sizes = [4, 128], strides = [1, 1]} : vector<8x128xf32> to vector<4x128xf32>
    %add3A = arith.addf %slice3A, %slice3A_6 : vector<4x128xf32>
    %slice3A_7 = vector.extract_strided_slice %add3A {offsets = [0, 0], sizes = [2, 128], strides = [1, 1]} : vector<4x128xf32> to vector<2x128xf32>
    %slice3A_8 = vector.extract_strided_slice %add3A {offsets = [2, 0], sizes = [2, 128], strides = [1, 1]} : vector<4x128xf32> to vector<2x128xf32>
    %add3A_9 = arith.addf %slice3A_7, %slice3A_8 : vector<2x128xf32>
    %slice3A_10 = vector.extract_strided_slice %add3A_9 {offsets = [0, 0], sizes = [1, 128], strides = [1, 1]} : vector<2x128xf32> to vector<1x128xf32>
    %slice3A_11 = vector.extract_strided_slice %add3A_9 {offsets = [1, 0], sizes = [1, 128], strides = [1, 1]} : vector<2x128xf32> to vector<1x128xf32>
    %add3A_12 = arith.addf %slice3A_10, %slice3A_11 : vector<1x128xf32>
    %broadcast_in_dim3A_13 = arith.constant 0.000000e+00 : f32
    %broadcast_in_dim3A_14 = vector.broadcast %broadcast_in_dim3A_13 : f32 to vector<8x128xf32>
    %scan3A_15 = arith.constant 0 : i32
    %scan3A_16 = arith.constant 250 : i32
    %scan3A_17 = arith.addi %scan3A_15, %scan3A_16 : i32
    %scan3A_18 = arith.constant 1 : i32
    %scan3A_19 = scf.for %scan3A_374 = %scan3A_15 to %scan3A_17 step %scan3A_18 iter_args(%scan3A_375 = %broadcast_in_dim3A_14) -> (vector<8x128xf32>)  : i32 {
      %mul3A_376 = arith.constant 8 : i32
      %mul3A_377 = arith.muli %scan3A_374, %mul3A_376 : i32
      %add3A_378 = arith.constant 2000 : i32
      %add3A_379 = arith.addi %add3A_378, %mul3A_377 : i32
      %get3A = arith.index_cast %add3A_379 : i32 to index
      %get3A_380 = arith.constant 0 : index
      %get3A_381 = vector.load %arg0[%get3A, %get3A_380] : memref<10000x128xf32, #tpu.memory_space<vmem>>, vector<8x128xf32>
      %add3A_382 = arith.addf %scan3A_375, %get3A_381 : vector<8x128xf32>
      scf.yield %add3A_382 : vector<8x128xf32>
    }
    %scan3A_20 = arith.constant 250 : i32
    %slice3A_21 = vector.extract_strided_slice %scan3A_19 {offsets = [0, 0], sizes = [4, 128], strides = [1, 1]} : vector<8x128xf32> to vector<4x128xf32>
    %slice3A_22 = vector.extract_strided_slice %scan3A_19 {offsets = [4, 0], sizes = [4, 128], strides = [1, 1]} : vector<8x128xf32> to vector<4x128xf32>
    %add3A_23 = arith.addf %slice3A_21, %slice3A_22 : vector<4x128xf32>
    %slice3A_24 = vector.extract_strided_slice %add3A_23 {offsets = [0, 0], sizes = [2, 128], strides = [1, 1]} : vector<4x128xf32> to vector<2x128xf32>
    %slice3A_25 = vector.extract_strided_slice %add3A_23 {offsets = [2, 0], sizes = [2, 128], strides = [1, 1]} : vector<4x128xf32> to vector<2x128xf32>
    %add3A_26 = arith.addf %slice3A_24, %slice3A_25 : vector<2x128xf32>
    %slice3A_27 = vector.extract_strided_slice %add3A_26 {offsets = [0, 0], sizes = [1, 128], strides = [1, 1]} : vector<2x128xf32> to vector<1x128xf32>
    %slice3A_28 = vector.extract_strided_slice %add3A_26 {offsets = [1, 0], sizes = [1, 128], strides = [1, 1]} : vector<2x128xf32> to vector<1x128xf32>
    %add3A_29 = arith.addf %slice3A_27, %slice3A_28 : vector<1x128xf32>
    %add3A_30 = arith.addf %add3A_12, %add3A_29 : vector<1x128xf32>
    %broadcast_in_dim3A_31 = arith.constant 0.000000e+00 : f32
    %broadcast_in_dim3A_32 = vector.broadcast %broadcast_in_dim3A_31 : f32 to vector<8x128xf32>
    %scan3A_33 = arith.constant 0 : i32
    %scan3A_34 = arith.constant 250 : i32
    %scan3A_35 = arith.addi %scan3A_33, %scan3A_34 : i32
    %scan3A_36 = arith.constant 1 : i32
    %scan3A_37 = scf.for %scan3A_374 = %scan3A_33 to %scan3A_35 step %scan3A_36 iter_args(%scan3A_375 = %broadcast_in_dim3A_32) -> (vector<8x128xf32>)  : i32 {
      %mul3A_376 = arith.constant 8 : i32
      %mul3A_377 = arith.muli %scan3A_374, %mul3A_376 : i32
      %add3A_378 = arith.constant 4000 : i32
      %add3A_379 = arith.addi %add3A_378, %mul3A_377 : i32
      %get3A = arith.index_cast %add3A_379 : i32 to index
      %get3A_380 = arith.constant 0 : index
      %get3A_381 = vector.load %arg0[%get3A, %get3A_380] : memref<10000x128xf32, #tpu.memory_space<vmem>>, vector<8x128xf32>
      %add3A_382 = arith.addf %scan3A_375, %get3A_381 : vector<8x128xf32>
      scf.yield %add3A_382 : vector<8x128xf32>
    }
    %scan3A_38 = arith.constant 250 : i32
    %slice3A_39 = vector.extract_strided_slice %scan3A_37 {offsets = [0, 0], sizes = [4, 128], strides = [1, 1]} : vector<8x128xf32> to vector<4x128xf32>
    %slice3A_40 = vector.extract_strided_slice %scan3A_37 {offsets = [4, 0], sizes = [4, 128], strides = [1, 1]} : vector<8x128xf32> to vector<4x128xf32>
    %add3A_41 = arith.addf %slice3A_39, %slice3A_40 : vector<4x128xf32>
    %slice3A_42 = vector.extract_strided_slice %add3A_41 {offsets = [0, 0], sizes = [2, 128], strides = [1, 1]} : vector<4x128xf32> to vector<2x128xf32>
    %slice3A_43 = vector.extract_strided_slice %add3A_41 {offsets = [2, 0], sizes = [2, 128], strides = [1, 1]} : vector<4x128xf32> to vector<2x128xf32>
    %add3A_44 = arith.addf %slice3A_42, %slice3A_43 : vector<2x128xf32>
    %slice3A_45 = vector.extract_strided_slice %add3A_44 {offsets = [0, 0], sizes = [1, 128], strides = [1, 1]} : vector<2x128xf32> to vector<1x128xf32>
    %slice3A_46 = vector.extract_strided_slice %add3A_44 {offsets = [1, 0], sizes = [1, 128], strides = [1, 1]} : vector<2x128xf32> to vector<1x128xf32>
    %add3A_47 = arith.addf %slice3A_45, %slice3A_46 : vector<1x128xf32>
    %add3A_48 = arith.addf %add3A_30, %add3A_47 : vector<1x128xf32>
    %broadcast_in_dim3A_49 = arith.constant 0.000000e+00 : f32
    %broadcast_in_dim3A_50 = vector.broadcast %broadcast_in_dim3A_49 : f32 to vector<8x128xf32>
    %scan3A_51 = arith.constant 0 : i32
    %scan3A_52 = arith.constant 250 : i32
    %scan3A_53 = arith.addi %scan3A_51, %scan3A_52 : i32
    %scan3A_54 = arith.constant 1 : i32
    %scan3A_55 = scf.for %scan3A_374 = %scan3A_51 to %scan3A_53 step %scan3A_54 iter_args(%scan3A_375 = %broadcast_in_dim3A_50) -> (vector<8x128xf32>)  : i32 {
      %mul3A_376 = arith.constant 8 : i32
      %mul3A_377 = arith.muli %scan3A_374, %mul3A_376 : i32
      %add3A_378 = arith.constant 6000 : i32
      %add3A_379 = arith.addi %add3A_378, %mul3A_377 : i32
      %get3A = arith.index_cast %add3A_379 : i32 to index
      %get3A_380 = arith.constant 0 : index
      %get3A_381 = vector.load %arg0[%get3A, %get3A_380] : memref<10000x128xf32, #tpu.memory_space<vmem>>, vector<8x128xf32>
      %add3A_382 = arith.addf %scan3A_375, %get3A_381 : vector<8x128xf32>
      scf.yield %add3A_382 : vector<8x128xf32>
    }
    %scan3A_56 = arith.constant 250 : i32
    %slice3A_57 = vector.extract_strided_slice %scan3A_55 {offsets = [0, 0], sizes = [4, 128], strides = [1, 1]} : vector<8x128xf32> to vector<4x128xf32>
    %slice3A_58 = vector.extract_strided_slice %scan3A_55 {offsets = [4, 0], sizes = [4, 128], strides = [1, 1]} : vector<8x128xf32> to vector<4x128xf32>
    %add3A_59 = arith.addf %slice3A_57, %slice3A_58 : vector<4x128xf32>
    %slice3A_60 = vector.extract_strided_slice %add3A_59 {offsets = [0, 0], sizes = [2, 128], strides = [1, 1]} : vector<4x128xf32> to vector<2x128xf32>
    %slice3A_61 = vector.extract_strided_slice %add3A_59 {offsets = [2, 0], sizes = [2, 128], strides = [1, 1]} : vector<4x128xf32> to vector<2x128xf32>
    %add3A_62 = arith.addf %slice3A_60, %slice3A_61 : vector<2x128xf32>
    %slice3A_63 = vector.extract_strided_slice %add3A_62 {offsets = [0, 0], sizes = [1, 128], strides = [1, 1]} : vector<2x128xf32> to vector<1x128xf32>
    %slice3A_64 = vector.extract_strided_slice %add3A_62 {offsets = [1, 0], sizes = [1, 128], strides = [1, 1]} : vector<2x128xf32> to vector<1x128xf32>
    %add3A_65 = arith.addf %slice3A_63, %slice3A_64 : vector<1x128xf32>
    %add3A_66 = arith.addf %add3A_48, %add3A_65 : vector<1x128xf32>
    %broadcast_in_dim3A_67 = arith.constant 0.000000e+00 : f32
    %broadcast_in_dim3A_68 = vector.broadcast %broadcast_in_dim3A_67 : f32 to vector<8x128xf32>
    %scan3A_69 = arith.constant 0 : i32
    %scan3A_70 = arith.constant 250 : i32
    %scan3A_71 = arith.addi %scan3A_69, %scan3A_70 : i32
    %scan3A_72 = arith.constant 1 : i32
    %scan3A_73 = scf.for %scan3A_374 = %scan3A_69 to %scan3A_71 step %scan3A_72 iter_args(%scan3A_375 = %broadcast_in_dim3A_68) -> (vector<8x128xf32>)  : i32 {
      %mul3A_376 = arith.constant 8 : i32
      %mul3A_377 = arith.muli %scan3A_374, %mul3A_376 : i32
      %add3A_378 = arith.constant 8000 : i32
      %add3A_379 = arith.addi %add3A_378, %mul3A_377 : i32
      %get3A = arith.index_cast %add3A_379 : i32 to index
      %get3A_380 = arith.constant 0 : index
      %get3A_381 = vector.load %arg0[%get3A, %get3A_380] : memref<10000x128xf32, #tpu.memory_space<vmem>>, vector<8x128xf32>
      %add3A_382 = arith.addf %scan3A_375, %get3A_381 : vector<8x128xf32>
      scf.yield %add3A_382 : vector<8x128xf32>
    }
    %scan3A_74 = arith.constant 250 : i32
    %slice3A_75 = vector.extract_strided_slice %scan3A_73 {offsets = [0, 0], sizes = [4, 128], strides = [1, 1]} : vector<8x128xf32> to vector<4x128xf32>
    %slice3A_76 = vector.extract_strided_slice %scan3A_73 {offsets = [4, 0], sizes = [4, 128], strides = [1, 1]} : vector<8x128xf32> to vector<4x128xf32>
    %add3A_77 = arith.addf %slice3A_75, %slice3A_76 : vector<4x128xf32>
    %slice3A_78 = vector.extract_strided_slice %add3A_77 {offsets = [0, 0], sizes = [2, 128], strides = [1, 1]} : vector<4x128xf32> to vector<2x128xf32>
    %slice3A_79 = vector.extract_strided_slice %add3A_77 {offsets = [2, 0], sizes = [2, 128], strides = [1, 1]} : vector<4x128xf32> to vector<2x128xf32>
    %add3A_80 = arith.addf %slice3A_78, %slice3A_79 : vector<2x128xf32>
    %slice3A_81 = vector.extract_strided_slice %add3A_80 {offsets = [0, 0], sizes = [1, 128], strides = [1, 1]} : vector<2x128xf32> to vector<1x128xf32>
    %slice3A_82 = vector.extract_strided_slice %add3A_80 {offsets = [1, 0], sizes = [1, 128], strides = [1, 1]} : vector<2x128xf32> to vector<1x128xf32>
    %add3A_83 = arith.addf %slice3A_81, %slice3A_82 : vector<1x128xf32>
    %add3A_84 = arith.addf %add3A_66, %add3A_83 : vector<1x128xf32>
    %mul3A = arith.constant 9.99999974E-5 : f32
    %mul3A_85 = vector.broadcast %mul3A : f32 to vector<1x128xf32>
    %mul3A_86 = arith.mulf %add3A_84, %mul3A_85 : vector<1x128xf32>
    %swap3A = arith.constant 0 : index
    %swap3A_87 = arith.constant 0 : index
    %swap3A_88 = vector.load %arg4[%swap3A, %swap3A_87] : memref<1x512xf32, #tpu.memory_space<vmem>>, vector<1x128xf32>
    tpu.vector_store %arg4[%swap3A, %swap3A_87], %mul3A_86 {strides = array<i32>} : memref<1x512xf32, #tpu.memory_space<vmem>>, vector<1x128xf32>,
    %broadcast_in_dim3A_89 = arith.constant 0.000000e+00 : f32
    %broadcast_in_dim3A_90 = vector.broadcast %broadcast_in_dim3A_89 : f32 to vector<8x128xf32>
    %scan3A_91 = arith.constant 0 : i32
    %scan3A_92 = arith.constant 250 : i32
    %scan3A_93 = arith.addi %scan3A_91, %scan3A_92 : i32
    %scan3A_94 = arith.constant 1 : i32
    %scan3A_95 = scf.for %scan3A_374 = %scan3A_91 to %scan3A_93 step %scan3A_94 iter_args(%scan3A_375 = %broadcast_in_dim3A_90) -> (vector<8x128xf32>)  : i32 {
      %mul3A_376 = arith.constant 8 : i32
      %mul3A_377 = arith.muli %scan3A_374, %mul3A_376 : i32
      %add3A_378 = arith.constant 0 : i32
      %add3A_379 = arith.addi %add3A_378, %mul3A_377 : i32
      %get3A = arith.index_cast %add3A_379 : i32 to index
      %get3A_380 = arith.constant 0 : index
      %get3A_381 = vector.load %arg1[%get3A, %get3A_380] : memref<10000x128xf32, #tpu.memory_space<vmem>>, vector<8x128xf32>
      %add3A_382 = arith.addf %scan3A_375, %get3A_381 : vector<8x128xf32>
      scf.yield %add3A_382 : vector<8x128xf32>
    }
    %scan3A_96 = arith.constant 250 : i32
    %slice3A_97 = vector.extract_strided_slice %scan3A_95 {offsets = [0, 0], sizes = [4, 128], strides = [1, 1]} : vector<8x128xf32> to vector<4x128xf32>
    %slice3A_98 = vector.extract_strided_slice %scan3A_95 {offsets = [4, 0], sizes = [4, 128], strides = [1, 1]} : vector<8x128xf32> to vector<4x128xf32>
    %add3A_99 = arith.addf %slice3A_97, %slice3A_98 : vector<4x128xf32>
    %slice3A_100 = vector.extract_strided_slice %add3A_99 {offsets = [0, 0], sizes = [2, 128], strides = [1, 1]} : vector<4x128xf32> to vector<2x128xf32>
    %slice3A_101 = vector.extract_strided_slice %add3A_99 {offsets = [2, 0], sizes = [2, 128], strides = [1, 1]} : vector<4x128xf32> to vector<2x128xf32>
    %add3A_102 = arith.addf %slice3A_100, %slice3A_101 : vector<2x128xf32>
    %slice3A_103 = vector.extract_strided_slice %add3A_102 {offsets = [0, 0], sizes = [1, 128], strides = [1, 1]} : vector<2x128xf32> to vector<1x128xf32>
    %slice3A_104 = vector.extract_strided_slice %add3A_102 {offsets = [1, 0], sizes = [1, 128], strides = [1, 1]} : vector<2x128xf32> to vector<1x128xf32>
    %add3A_105 = arith.addf %slice3A_103, %slice3A_104 : vector<1x128xf32>
    %broadcast_in_dim3A_106 = arith.constant 0.000000e+00 : f32
    %broadcast_in_dim3A_107 = vector.broadcast %broadcast_in_dim3A_106 : f32 to vector<8x128xf32>
    %scan3A_108 = arith.constant 0 : i32
    %scan3A_109 = arith.constant 250 : i32
    %scan3A_110 = arith.addi %scan3A_108, %scan3A_109 : i32
    %scan3A_111 = arith.constant 1 : i32
    %scan3A_112 = scf.for %scan3A_374 = %scan3A_108 to %scan3A_110 step %scan3A_111 iter_args(%scan3A_375 = %broadcast_in_dim3A_107) -> (vector<8x128xf32>)  : i32 {
      %mul3A_376 = arith.constant 8 : i32
      %mul3A_377 = arith.muli %scan3A_374, %mul3A_376 : i32
      %add3A_378 = arith.constant 2000 : i32
      %add3A_379 = arith.addi %add3A_378, %mul3A_377 : i32
      %get3A = arith.index_cast %add3A_379 : i32 to index
      %get3A_380 = arith.constant 0 : index
      %get3A_381 = vector.load %arg1[%get3A, %get3A_380] : memref<10000x128xf32, #tpu.memory_space<vmem>>, vector<8x128xf32>
      %add3A_382 = arith.addf %scan3A_375, %get3A_381 : vector<8x128xf32>
      scf.yield %add3A_382 : vector<8x128xf32>
    }
    %scan3A_113 = arith.constant 250 : i32
    %slice3A_114 = vector.extract_strided_slice %scan3A_112 {offsets = [0, 0], sizes = [4, 128], strides = [1, 1]} : vector<8x128xf32> to vector<4x128xf32>
    %slice3A_115 = vector.extract_strided_slice %scan3A_112 {offsets = [4, 0], sizes = [4, 128], strides = [1, 1]} : vector<8x128xf32> to vector<4x128xf32>
    %add3A_116 = arith.addf %slice3A_114, %slice3A_115 : vector<4x128xf32>
    %slice3A_117 = vector.extract_strided_slice %add3A_116 {offsets = [0, 0], sizes = [2, 128], strides = [1, 1]} : vector<4x128xf32> to vector<2x128xf32>
    %slice3A_118 = vector.extract_strided_slice %add3A_116 {offsets = [2, 0], sizes = [2, 128], strides = [1, 1]} : vector<4x128xf32> to vector<2x128xf32>
    %add3A_119 = arith.addf %slice3A_117, %slice3A_118 : vector<2x128xf32>
    %slice3A_120 = vector.extract_strided_slice %add3A_119 {offsets = [0, 0], sizes = [1, 128], strides = [1, 1]} : vector<2x128xf32> to vector<1x128xf32>
    %slice3A_121 = vector.extract_strided_slice %add3A_119 {offsets = [1, 0], sizes = [1, 128], strides = [1, 1]} : vector<2x128xf32> to vector<1x128xf32>
    %add3A_122 = arith.addf %slice3A_120, %slice3A_121 : vector<1x128xf32>
    %add3A_123 = arith.addf %add3A_105, %add3A_122 : vector<1x128xf32>
    %broadcast_in_dim3A_124 = arith.constant 0.000000e+00 : f32
    %broadcast_in_dim3A_125 = vector.broadcast %broadcast_in_dim3A_124 : f32 to vector<8x128xf32>
    %scan3A_126 = arith.constant 0 : i32
    %scan3A_127 = arith.constant 250 : i32
    %scan3A_128 = arith.addi %scan3A_126, %scan3A_127 : i32
    %scan3A_129 = arith.constant 1 : i32
    %scan3A_130 = scf.for %scan3A_374 = %scan3A_126 to %scan3A_128 step %scan3A_129 iter_args(%scan3A_375 = %broadcast_in_dim3A_125) -> (vector<8x128xf32>)  : i32 {
      %mul3A_376 = arith.constant 8 : i32
      %mul3A_377 = arith.muli %scan3A_374, %mul3A_376 : i32
      %add3A_378 = arith.constant 4000 : i32
      %add3A_379 = arith.addi %add3A_378, %mul3A_377 : i32
      %get3A = arith.index_cast %add3A_379 : i32 to index
      %get3A_380 = arith.constant 0 : index
      %get3A_381 = vector.load %arg1[%get3A, %get3A_380] : memref<10000x128xf32, #tpu.memory_space<vmem>>, vector<8x128xf32>
      %add3A_382 = arith.addf %scan3A_375, %get3A_381 : vector<8x128xf32>
      scf.yield %add3A_382 : vector<8x128xf32>
    }
    %scan3A_131 = arith.constant 250 : i32
    %slice3A_132 = vector.extract_strided_slice %scan3A_130 {offsets = [0, 0], sizes = [4, 128], strides = [1, 1]} : vector<8x128xf32> to vector<4x128xf32>
    %slice3A_133 = vector.extract_strided_slice %scan3A_130 {offsets = [4, 0], sizes = [4, 128], strides = [1, 1]} : vector<8x128xf32> to vector<4x128xf32>
    %add3A_134 = arith.addf %slice3A_132, %slice3A_133 : vector<4x128xf32>
    %slice3A_135 = vector.extract_strided_slice %add3A_134 {offsets = [0, 0], sizes = [2, 128], strides = [1, 1]} : vector<4x128xf32> to vector<2x128xf32>
    %slice3A_136 = vector.extract_strided_slice %add3A_134 {offsets = [2, 0], sizes = [2, 128], strides = [1, 1]} : vector<4x128xf32> to vector<2x128xf32>
    %add3A_137 = arith.addf %slice3A_135, %slice3A_136 : vector<2x128xf32>
    %slice3A_138 = vector.extract_strided_slice %add3A_137 {offsets = [0, 0], sizes = [1, 128], strides = [1, 1]} : vector<2x128xf32> to vector<1x128xf32>
    %slice3A_139 = vector.extract_strided_slice %add3A_137 {offsets = [1, 0], sizes = [1, 128], strides = [1, 1]} : vector<2x128xf32> to vector<1x128xf32>
    %add3A_140 = arith.addf %slice3A_138, %slice3A_139 : vector<1x128xf32>
    %add3A_141 = arith.addf %add3A_123, %add3A_140 : vector<1x128xf32>
    %broadcast_in_dim3A_142 = arith.constant 0.000000e+00 : f32
    %broadcast_in_dim3A_143 = vector.broadcast %broadcast_in_dim3A_142 : f32 to vector<8x128xf32>
    %scan3A_144 = arith.constant 0 : i32
    %scan3A_145 = arith.constant 250 : i32
    %scan3A_146 = arith.addi %scan3A_144, %scan3A_145 : i32
    %scan3A_147 = arith.constant 1 : i32
    %scan3A_148 = scf.for %scan3A_374 = %scan3A_144 to %scan3A_146 step %scan3A_147 iter_args(%scan3A_375 = %broadcast_in_dim3A_143) -> (vector<8x128xf32>)  : i32 {
      %mul3A_376 = arith.constant 8 : i32
      %mul3A_377 = arith.muli %scan3A_374, %mul3A_376 : i32
      %add3A_378 = arith.constant 6000 : i32
      %add3A_379 = arith.addi %add3A_378, %mul3A_377 : i32
      %get3A = arith.index_cast %add3A_379 : i32 to index
      %get3A_380 = arith.constant 0 : index
      %get3A_381 = vector.load %arg1[%get3A, %get3A_380] : memref<10000x128xf32, #tpu.memory_space<vmem>>, vector<8x128xf32>
      %add3A_382 = arith.addf %scan3A_375, %get3A_381 : vector<8x128xf32>
      scf.yield %add3A_382 : vector<8x128xf32>
    }
    %scan3A_149 = arith.constant 250 : i32
    %slice3A_150 = vector.extract_strided_slice %scan3A_148 {offsets = [0, 0], sizes = [4, 128], strides = [1, 1]} : vector<8x128xf32> to vector<4x128xf32>
    %slice3A_151 = vector.extract_strided_slice %scan3A_148 {offsets = [4, 0], sizes = [4, 128], strides = [1, 1]} : vector<8x128xf32> to vector<4x128xf32>
    %add3A_152 = arith.addf %slice3A_150, %slice3A_151 : vector<4x128xf32>
    %slice3A_153 = vector.extract_strided_slice %add3A_152 {offsets = [0, 0], sizes = [2, 128], strides = [1, 1]} : vector<4x128xf32> to vector<2x128xf32>
    %slice3A_154 = vector.extract_strided_slice %add3A_152 {offsets = [2, 0], sizes = [2, 128], strides = [1, 1]} : vector<4x128xf32> to vector<2x128xf32>
    %add3A_155 = arith.addf %slice3A_153, %slice3A_154 : vector<2x128xf32>
    %slice3A_156 = vector.extract_strided_slice %add3A_155 {offsets = [0, 0], sizes = [1, 128], strides = [1, 1]} : vector<2x128xf32> to vector<1x128xf32>
    %slice3A_157 = vector.extract_strided_slice %add3A_155 {offsets = [1, 0], sizes = [1, 128], strides = [1, 1]} : vector<2x128xf32> to vector<1x128xf32>
    %add3A_158 = arith.addf %slice3A_156, %slice3A_157 : vector<1x128xf32>
    %add3A_159 = arith.addf %add3A_141, %add3A_158 : vector<1x128xf32>
    %broadcast_in_dim3A_160 = arith.constant 0.000000e+00 : f32
    %broadcast_in_dim3A_161 = vector.broadcast %broadcast_in_dim3A_160 : f32 to vector<8x128xf32>
    %scan3A_162 = arith.constant 0 : i32
    %scan3A_163 = arith.constant 250 : i32
    %scan3A_164 = arith.addi %scan3A_162, %scan3A_163 : i32
    %scan3A_165 = arith.constant 1 : i32
    %scan3A_166 = scf.for %scan3A_374 = %scan3A_162 to %scan3A_164 step %scan3A_165 iter_args(%scan3A_375 = %broadcast_in_dim3A_161) -> (vector<8x128xf32>)  : i32 {
      %mul3A_376 = arith.constant 8 : i32
      %mul3A_377 = arith.muli %scan3A_374, %mul3A_376 : i32
      %add3A_378 = arith.constant 8000 : i32
      %add3A_379 = arith.addi %add3A_378, %mul3A_377 : i32
      %get3A = arith.index_cast %add3A_379 : i32 to index
      %get3A_380 = arith.constant 0 : index
      %get3A_381 = vector.load %arg1[%get3A, %get3A_380] : memref<10000x128xf32, #tpu.memory_space<vmem>>, vector<8x128xf32>
      %add3A_382 = arith.addf %scan3A_375, %get3A_381 : vector<8x128xf32>
      scf.yield %add3A_382 : vector<8x128xf32>
    }
    %scan3A_167 = arith.constant 250 : i32
    %slice3A_168 = vector.extract_strided_slice %scan3A_166 {offsets = [0, 0], sizes = [4, 128], strides = [1, 1]} : vector<8x128xf32> to vector<4x128xf32>
    %slice3A_169 = vector.extract_strided_slice %scan3A_166 {offsets = [4, 0], sizes = [4, 128], strides = [1, 1]} : vector<8x128xf32> to vector<4x128xf32>
    %add3A_170 = arith.addf %slice3A_168, %slice3A_169 : vector<4x128xf32>
    %slice3A_171 = vector.extract_strided_slice %add3A_170 {offsets = [0, 0], sizes = [2, 128], strides = [1, 1]} : vector<4x128xf32> to vector<2x128xf32>
    %slice3A_172 = vector.extract_strided_slice %add3A_170 {offsets = [2, 0], sizes = [2, 128], strides = [1, 1]} : vector<4x128xf32> to vector<2x128xf32>
    %add3A_173 = arith.addf %slice3A_171, %slice3A_172 : vector<2x128xf32>
    %slice3A_174 = vector.extract_strided_slice %add3A_173 {offsets = [0, 0], sizes = [1, 128], strides = [1, 1]} : vector<2x128xf32> to vector<1x128xf32>
    %slice3A_175 = vector.extract_strided_slice %add3A_173 {offsets = [1, 0], sizes = [1, 128], strides = [1, 1]} : vector<2x128xf32> to vector<1x128xf32>
    %add3A_176 = arith.addf %slice3A_174, %slice3A_175 : vector<1x128xf32>
    %add3A_177 = arith.addf %add3A_159, %add3A_176 : vector<1x128xf32>
    %mul3A_178 = arith.constant 9.99999974E-5 : f32
    %mul3A_179 = vector.broadcast %mul3A_178 : f32 to vector<1x128xf32>
    %mul3A_180 = arith.mulf %add3A_177, %mul3A_179 : vector<1x128xf32>
    %swap3A_181 = arith.constant 0 : index
    %swap3A_182 = arith.constant 128 : index
    %swap3A_183 = vector.load %arg4[%swap3A_181, %swap3A_182] : memref<1x512xf32, #tpu.memory_space<vmem>>, vector<1x128xf32>
    tpu.vector_store %arg4[%swap3A_181, %swap3A_182], %mul3A_180 {strides = array<i32>} : memref<1x512xf32, #tpu.memory_space<vmem>>, vector<1x128xf32>,
    %broadcast_in_dim3A_184 = arith.constant 0.000000e+00 : f32
    %broadcast_in_dim3A_185 = vector.broadcast %broadcast_in_dim3A_184 : f32 to vector<8x128xf32>
    %scan3A_186 = arith.constant 0 : i32
    %scan3A_187 = arith.constant 250 : i32
    %scan3A_188 = arith.addi %scan3A_186, %scan3A_187 : i32
    %scan3A_189 = arith.constant 1 : i32
    %scan3A_190 = scf.for %scan3A_374 = %scan3A_186 to %scan3A_188 step %scan3A_189 iter_args(%scan3A_375 = %broadcast_in_dim3A_185) -> (vector<8x128xf32>)  : i32 {
      %mul3A_376 = arith.constant 8 : i32
      %mul3A_377 = arith.muli %scan3A_374, %mul3A_376 : i32
      %add3A_378 = arith.constant 0 : i32
      %add3A_379 = arith.addi %add3A_378, %mul3A_377 : i32
      %get3A = arith.index_cast %add3A_379 : i32 to index
      %get3A_380 = arith.constant 0 : index
      %get3A_381 = vector.load %arg2[%get3A, %get3A_380] : memref<10000x128xf32, #tpu.memory_space<vmem>>, vector<8x128xf32>
      %add3A_382 = arith.addf %scan3A_375, %get3A_381 : vector<8x128xf32>
      scf.yield %add3A_382 : vector<8x128xf32>
    }
    %scan3A_191 = arith.constant 250 : i32
    %slice3A_192 = vector.extract_strided_slice %scan3A_190 {offsets = [0, 0], sizes = [4, 128], strides = [1, 1]} : vector<8x128xf32> to vector<4x128xf32>
    %slice3A_193 = vector.extract_strided_slice %scan3A_190 {offsets = [4, 0], sizes = [4, 128], strides = [1, 1]} : vector<8x128xf32> to vector<4x128xf32>
    %add3A_194 = arith.addf %slice3A_192, %slice3A_193 : vector<4x128xf32>
    %slice3A_195 = vector.extract_strided_slice %add3A_194 {offsets = [0, 0], sizes = [2, 128], strides = [1, 1]} : vector<4x128xf32> to vector<2x128xf32>
    %slice3A_196 = vector.extract_strided_slice %add3A_194 {offsets = [2, 0], sizes = [2, 128], strides = [1, 1]} : vector<4x128xf32> to vector<2x128xf32>
    %add3A_197 = arith.addf %slice3A_195, %slice3A_196 : vector<2x128xf32>
    %slice3A_198 = vector.extract_strided_slice %add3A_197 {offsets = [0, 0], sizes = [1, 128], strides = [1, 1]} : vector<2x128xf32> to vector<1x128xf32>
    %slice3A_199 = vector.extract_strided_slice %add3A_197 {offsets = [1, 0], sizes = [1, 128], strides = [1, 1]} : vector<2x128xf32> to vector<1x128xf32>
    %add3A_200 = arith.addf %slice3A_198, %slice3A_199 : vector<1x128xf32>
    %broadcast_in_dim3A_201 = arith.constant 0.000000e+00 : f32
    %broadcast_in_dim3A_202 = vector.broadcast %broadcast_in_dim3A_201 : f32 to vector<8x128xf32>
    %scan3A_203 = arith.constant 0 : i32
    %scan3A_204 = arith.constant 250 : i32
    %scan3A_205 = arith.addi %scan3A_203, %scan3A_204 : i32
    %scan3A_206 = arith.constant 1 : i32
    %scan3A_207 = scf.for %scan3A_374 = %scan3A_203 to %scan3A_205 step %scan3A_206 iter_args(%scan3A_375 = %broadcast_in_dim3A_202) -> (vector<8x128xf32>)  : i32 {
      %mul3A_376 = arith.constant 8 : i32
      %mul3A_377 = arith.muli %scan3A_374, %mul3A_376 : i32
      %add3A_378 = arith.constant 2000 : i32
      %add3A_379 = arith.addi %add3A_378, %mul3A_377 : i32
      %get3A = arith.index_cast %add3A_379 : i32 to index
      %get3A_380 = arith.constant 0 : index
      %get3A_381 = vector.load %arg2[%get3A, %get3A_380] : memref<10000x128xf32, #tpu.memory_space<vmem>>, vector<8x128xf32>
      %add3A_382 = arith.addf %scan3A_375, %get3A_381 : vector<8x128xf32>
      scf.yield %add3A_382 : vector<8x128xf32>
    }
    %scan3A_208 = arith.constant 250 : i32
    %slice3A_209 = vector.extract_strided_slice %scan3A_207 {offsets = [0, 0], sizes = [4, 128], strides = [1, 1]} : vector<8x128xf32> to vector<4x128xf32>
    %slice3A_210 = vector.extract_strided_slice %scan3A_207 {offsets = [4, 0], sizes = [4, 128], strides = [1, 1]} : vector<8x128xf32> to vector<4x128xf32>
    %add3A_211 = arith.addf %slice3A_209, %slice3A_210 : vector<4x128xf32>
    %slice3A_212 = vector.extract_strided_slice %add3A_211 {offsets = [0, 0], sizes = [2, 128], strides = [1, 1]} : vector<4x128xf32> to vector<2x128xf32>
    %slice3A_213 = vector.extract_strided_slice %add3A_211 {offsets = [2, 0], sizes = [2, 128], strides = [1, 1]} : vector<4x128xf32> to vector<2x128xf32>
    %add3A_214 = arith.addf %slice3A_212, %slice3A_213 : vector<2x128xf32>
    %slice3A_215 = vector.extract_strided_slice %add3A_214 {offsets = [0, 0], sizes = [1, 128], strides = [1, 1]} : vector<2x128xf32> to vector<1x128xf32>
    %slice3A_216 = vector.extract_strided_slice %add3A_214 {offsets = [1, 0], sizes = [1, 128], strides = [1, 1]} : vector<2x128xf32> to vector<1x128xf32>
    %add3A_217 = arith.addf %slice3A_215, %slice3A_216 : vector<1x128xf32>
    %add3A_218 = arith.addf %add3A_200, %add3A_217 : vector<1x128xf32>
    %broadcast_in_dim3A_219 = arith.constant 0.000000e+00 : f32
    %broadcast_in_dim3A_220 = vector.broadcast %broadcast_in_dim3A_219 : f32 to vector<8x128xf32>
    %scan3A_221 = arith.constant 0 : i32
    %scan3A_222 = arith.constant 250 : i32
    %scan3A_223 = arith.addi %scan3A_221, %scan3A_222 : i32
    %scan3A_224 = arith.constant 1 : i32
    %scan3A_225 = scf.for %scan3A_374 = %scan3A_221 to %scan3A_223 step %scan3A_224 iter_args(%scan3A_375 = %broadcast_in_dim3A_220) -> (vector<8x128xf32>)  : i32 {
      %mul3A_376 = arith.constant 8 : i32
      %mul3A_377 = arith.muli %scan3A_374, %mul3A_376 : i32
      %add3A_378 = arith.constant 4000 : i32
      %add3A_379 = arith.addi %add3A_378, %mul3A_377 : i32
      %get3A = arith.index_cast %add3A_379 : i32 to index
      %get3A_380 = arith.constant 0 : index
      %get3A_381 = vector.load %arg2[%get3A, %get3A_380] : memref<10000x128xf32, #tpu.memory_space<vmem>>, vector<8x128xf32>
      %add3A_382 = arith.addf %scan3A_375, %get3A_381 : vector<8x128xf32>
      scf.yield %add3A_382 : vector<8x128xf32>
    }
    %scan3A_226 = arith.constant 250 : i32
    %slice3A_227 = vector.extract_strided_slice %scan3A_225 {offsets = [0, 0], sizes = [4, 128], strides = [1, 1]} : vector<8x128xf32> to vector<4x128xf32>
    %slice3A_228 = vector.extract_strided_slice %scan3A_225 {offsets = [4, 0], sizes = [4, 128], strides = [1, 1]} : vector<8x128xf32> to vector<4x128xf32>
    %add3A_229 = arith.addf %slice3A_227, %slice3A_228 : vector<4x128xf32>
    %slice3A_230 = vector.extract_strided_slice %add3A_229 {offsets = [0, 0], sizes = [2, 128], strides = [1, 1]} : vector<4x128xf32> to vector<2x128xf32>
    %slice3A_231 = vector.extract_strided_slice %add3A_229 {offsets = [2, 0], sizes = [2, 128], strides = [1, 1]} : vector<4x128xf32> to vector<2x128xf32>
    %add3A_232 = arith.addf %slice3A_230, %slice3A_231 : vector<2x128xf32>
    %slice3A_233 = vector.extract_strided_slice %add3A_232 {offsets = [0, 0], sizes = [1, 128], strides = [1, 1]} : vector<2x128xf32> to vector<1x128xf32>
    %slice3A_234 = vector.extract_strided_slice %add3A_232 {offsets = [1, 0], sizes = [1, 128], strides = [1, 1]} : vector<2x128xf32> to vector<1x128xf32>
    %add3A_235 = arith.addf %slice3A_233, %slice3A_234 : vector<1x128xf32>
    %add3A_236 = arith.addf %add3A_218, %add3A_235 : vector<1x128xf32>
    %broadcast_in_dim3A_237 = arith.constant 0.000000e+00 : f32
    %broadcast_in_dim3A_238 = vector.broadcast %broadcast_in_dim3A_237 : f32 to vector<8x128xf32>
    %scan3A_239 = arith.constant 0 : i32
    %scan3A_240 = arith.constant 250 : i32
    %scan3A_241 = arith.addi %scan3A_239, %scan3A_240 : i32
    %scan3A_242 = arith.constant 1 : i32
    %scan3A_243 = scf.for %scan3A_374 = %scan3A_239 to %scan3A_241 step %scan3A_242 iter_args(%scan3A_375 = %broadcast_in_dim3A_238) -> (vector<8x128xf32>)  : i32 {
      %mul3A_376 = arith.constant 8 : i32
      %mul3A_377 = arith.muli %scan3A_374, %mul3A_376 : i32
      %add3A_378 = arith.constant 6000 : i32
      %add3A_379 = arith.addi %add3A_378, %mul3A_377 : i32
      %get3A = arith.index_cast %add3A_379 : i32 to index
      %get3A_380 = arith.constant 0 : index
      %get3A_381 = vector.load %arg2[%get3A, %get3A_380] : memref<10000x128xf32, #tpu.memory_space<vmem>>, vector<8x128xf32>
      %add3A_382 = arith.addf %scan3A_375, %get3A_381 : vector<8x128xf32>
      scf.yield %add3A_382 : vector<8x128xf32>
    }
    %scan3A_244 = arith.constant 250 : i32
    %slice3A_245 = vector.extract_strided_slice %scan3A_243 {offsets = [0, 0], sizes = [4, 128], strides = [1, 1]} : vector<8x128xf32> to vector<4x128xf32>
    %slice3A_246 = vector.extract_strided_slice %scan3A_243 {offsets = [4, 0], sizes = [4, 128], strides = [1, 1]} : vector<8x128xf32> to vector<4x128xf32>
    %add3A_247 = arith.addf %slice3A_245, %slice3A_246 : vector<4x128xf32>
    %slice3A_248 = vector.extract_strided_slice %add3A_247 {offsets = [0, 0], sizes = [2, 128], strides = [1, 1]} : vector<4x128xf32> to vector<2x128xf32>
    %slice3A_249 = vector.extract_strided_slice %add3A_247 {offsets = [2, 0], sizes = [2, 128], strides = [1, 1]} : vector<4x128xf32> to vector<2x128xf32>
    %add3A_250 = arith.addf %slice3A_248, %slice3A_249 : vector<2x128xf32>
    %slice3A_251 = vector.extract_strided_slice %add3A_250 {offsets = [0, 0], sizes = [1, 128], strides = [1, 1]} : vector<2x128xf32> to vector<1x128xf32>
    %slice3A_252 = vector.extract_strided_slice %add3A_250 {offsets = [1, 0], sizes = [1, 128], strides = [1, 1]} : vector<2x128xf32> to vector<1x128xf32>
    %add3A_253 = arith.addf %slice3A_251, %slice3A_252 : vector<1x128xf32>
    %add3A_254 = arith.addf %add3A_236, %add3A_253 : vector<1x128xf32>
    %broadcast_in_dim3A_255 = arith.constant 0.000000e+00 : f32
    %broadcast_in_dim3A_256 = vector.broadcast %broadcast_in_dim3A_255 : f32 to vector<8x128xf32>
    %scan3A_257 = arith.constant 0 : i32
    %scan3A_258 = arith.constant 250 : i32
    %scan3A_259 = arith.addi %scan3A_257, %scan3A_258 : i32
    %scan3A_260 = arith.constant 1 : i32
    %scan3A_261 = scf.for %scan3A_374 = %scan3A_257 to %scan3A_259 step %scan3A_260 iter_args(%scan3A_375 = %broadcast_in_dim3A_256) -> (vector<8x128xf32>)  : i32 {
      %mul3A_376 = arith.constant 8 : i32
      %mul3A_377 = arith.muli %scan3A_374, %mul3A_376 : i32
      %add3A_378 = arith.constant 8000 : i32
      %add3A_379 = arith.addi %add3A_378, %mul3A_377 : i32
      %get3A = arith.index_cast %add3A_379 : i32 to index
      %get3A_380 = arith.constant 0 : index
      %get3A_381 = vector.load %arg2[%get3A, %get3A_380] : memref<10000x128xf32, #tpu.memory_space<vmem>>, vector<8x128xf32>
      %add3A_382 = arith.addf %scan3A_375, %get3A_381 : vector<8x128xf32>
      scf.yield %add3A_382 : vector<8x128xf32>
    }
    %scan3A_262 = arith.constant 250 : i32
    %slice3A_263 = vector.extract_strided_slice %scan3A_261 {offsets = [0, 0], sizes = [4, 128], strides = [1, 1]} : vector<8x128xf32> to vector<4x128xf32>
    %slice3A_264 = vector.extract_strided_slice %scan3A_261 {offsets = [4, 0], sizes = [4, 128], strides = [1, 1]} : vector<8x128xf32> to vector<4x128xf32>
    %add3A_265 = arith.addf %slice3A_263, %slice3A_264 : vector<4x128xf32>
    %slice3A_266 = vector.extract_strided_slice %add3A_265 {offsets = [0, 0], sizes = [2, 128], strides = [1, 1]} : vector<4x128xf32> to vector<2x128xf32>
    %slice3A_267 = vector.extract_strided_slice %add3A_265 {offsets = [2, 0], sizes = [2, 128], strides = [1, 1]} : vector<4x128xf32> to vector<2x128xf32>
    %add3A_268 = arith.addf %slice3A_266, %slice3A_267 : vector<2x128xf32>
    %slice3A_269 = vector.extract_strided_slice %add3A_268 {offsets = [0, 0], sizes = [1, 128], strides = [1, 1]} : vector<2x128xf32> to vector<1x128xf32>
    %slice3A_270 = vector.extract_strided_slice %add3A_268 {offsets = [1, 0], sizes = [1, 128], strides = [1, 1]} : vector<2x128xf32> to vector<1x128xf32>
    %add3A_271 = arith.addf %slice3A_269, %slice3A_270 : vector<1x128xf32>
    %add3A_272 = arith.addf %add3A_254, %add3A_271 : vector<1x128xf32>
    %mul3A_273 = arith.constant 9.99999974E-5 : f32
    %mul3A_274 = vector.broadcast %mul3A_273 : f32 to vector<1x128xf32>
    %mul3A_275 = arith.mulf %add3A_272, %mul3A_274 : vector<1x128xf32>
    %swap3A_276 = arith.constant 0 : index
    %swap3A_277 = arith.constant 256 : index
    %swap3A_278 = vector.load %arg4[%swap3A_276, %swap3A_277] : memref<1x512xf32, #tpu.memory_space<vmem>>, vector<1x128xf32>
    tpu.vector_store %arg4[%swap3A_276, %swap3A_277], %mul3A_275 {strides = array<i32>} : memref<1x512xf32, #tpu.memory_space<vmem>>, vector<1x128xf32>,
    %broadcast_in_dim3A_279 = arith.constant 0.000000e+00 : f32
    %broadcast_in_dim3A_280 = vector.broadcast %broadcast_in_dim3A_279 : f32 to vector<8x128xf32>
    %scan3A_281 = arith.constant 0 : i32
    %scan3A_282 = arith.constant 250 : i32
    %scan3A_283 = arith.addi %scan3A_281, %scan3A_282 : i32
    %scan3A_284 = arith.constant 1 : i32
    %scan3A_285 = scf.for %scan3A_374 = %scan3A_281 to %scan3A_283 step %scan3A_284 iter_args(%scan3A_375 = %broadcast_in_dim3A_280) -> (vector<8x128xf32>)  : i32 {
      %mul3A_376 = arith.constant 8 : i32
      %mul3A_377 = arith.muli %scan3A_374, %mul3A_376 : i32
      %add3A_378 = arith.constant 0 : i32
      %add3A_379 = arith.addi %add3A_378, %mul3A_377 : i32
      %get3A = arith.index_cast %add3A_379 : i32 to index
      %get3A_380 = arith.constant 0 : index
      %get3A_381 = vector.load %arg3[%get3A, %get3A_380] : memref<10000x128xf32, #tpu.memory_space<vmem>>, vector<8x128xf32>
      %add3A_382 = arith.addf %scan3A_375, %get3A_381 : vector<8x128xf32>
      scf.yield %add3A_382 : vector<8x128xf32>
    }
    %scan3A_286 = arith.constant 250 : i32
    %slice3A_287 = vector.extract_strided_slice %scan3A_285 {offsets = [0, 0], sizes = [4, 128], strides = [1, 1]} : vector<8x128xf32> to vector<4x128xf32>
    %slice3A_288 = vector.extract_strided_slice %scan3A_285 {offsets = [4, 0], sizes = [4, 128], strides = [1, 1]} : vector<8x128xf32> to vector<4x128xf32>
    %add3A_289 = arith.addf %slice3A_287, %slice3A_288 : vector<4x128xf32>
    %slice3A_290 = vector.extract_strided_slice %add3A_289 {offsets = [0, 0], sizes = [2, 128], strides = [1, 1]} : vector<4x128xf32> to vector<2x128xf32>
    %slice3A_291 = vector.extract_strided_slice %add3A_289 {offsets = [2, 0], sizes = [2, 128], strides = [1, 1]} : vector<4x128xf32> to vector<2x128xf32>
    %add3A_292 = arith.addf %slice3A_290, %slice3A_291 : vector<2x128xf32>
    %slice3A_293 = vector.extract_strided_slice %add3A_292 {offsets = [0, 0], sizes = [1, 128], strides = [1, 1]} : vector<2x128xf32> to vector<1x128xf32>
    %slice3A_294 = vector.extract_strided_slice %add3A_292 {offsets = [1, 0], sizes = [1, 128], strides = [1, 1]} : vector<2x128xf32> to vector<1x128xf32>
    %add3A_295 = arith.addf %slice3A_293, %slice3A_294 : vector<1x128xf32>
    %broadcast_in_dim3A_296 = arith.constant 0.000000e+00 : f32
    %broadcast_in_dim3A_297 = vector.broadcast %broadcast_in_dim3A_296 : f32 to vector<8x128xf32>
    %scan3A_298 = arith.constant 0 : i32
    %scan3A_299 = arith.constant 250 : i32
    %scan3A_300 = arith.addi %scan3A_298, %scan3A_299 : i32
    %scan3A_301 = arith.constant 1 : i32
    %scan3A_302 = scf.for %scan3A_374 = %scan3A_298 to %scan3A_300 step %scan3A_301 iter_args(%scan3A_375 = %broadcast_in_dim3A_297) -> (vector<8x128xf32>)  : i32 {
      %mul3A_376 = arith.constant 8 : i32
      %mul3A_377 = arith.muli %scan3A_374, %mul3A_376 : i32
      %add3A_378 = arith.constant 2000 : i32
      %add3A_379 = arith.addi %add3A_378, %mul3A_377 : i32
      %get3A = arith.index_cast %add3A_379 : i32 to index
      %get3A_380 = arith.constant 0 : index
      %get3A_381 = vector.load %arg3[%get3A, %get3A_380] : memref<10000x128xf32, #tpu.memory_space<vmem>>, vector<8x128xf32>
      %add3A_382 = arith.addf %scan3A_375, %get3A_381 : vector<8x128xf32>
      scf.yield %add3A_382 : vector<8x128xf32>
    }
    %scan3A_303 = arith.constant 250 : i32
    %slice3A_304 = vector.extract_strided_slice %scan3A_302 {offsets = [0, 0], sizes = [4, 128], strides = [1, 1]} : vector<8x128xf32> to vector<4x128xf32>
    %slice3A_305 = vector.extract_strided_slice %scan3A_302 {offsets = [4, 0], sizes = [4, 128], strides = [1, 1]} : vector<8x128xf32> to vector<4x128xf32>
    %add3A_306 = arith.addf %slice3A_304, %slice3A_305 : vector<4x128xf32>
    %slice3A_307 = vector.extract_strided_slice %add3A_306 {offsets = [0, 0], sizes = [2, 128], strides = [1, 1]} : vector<4x128xf32> to vector<2x128xf32>
    %slice3A_308 = vector.extract_strided_slice %add3A_306 {offsets = [2, 0], sizes = [2, 128], strides = [1, 1]} : vector<4x128xf32> to vector<2x128xf32>
    %add3A_309 = arith.addf %slice3A_307, %slice3A_308 : vector<2x128xf32>
    %slice3A_310 = vector.extract_strided_slice %add3A_309 {offsets = [0, 0], sizes = [1, 128], strides = [1, 1]} : vector<2x128xf32> to vector<1x128xf32>
    %slice3A_311 = vector.extract_strided_slice %add3A_309 {offsets = [1, 0], sizes = [1, 128], strides = [1, 1]} : vector<2x128xf32> to vector<1x128xf32>
    %add3A_312 = arith.addf %slice3A_310, %slice3A_311 : vector<1x128xf32>
    %add3A_313 = arith.addf %add3A_295, %add3A_312 : vector<1x128xf32>
    %broadcast_in_dim3A_314 = arith.constant 0.000000e+00 : f32
    %broadcast_in_dim3A_315 = vector.broadcast %broadcast_in_dim3A_314 : f32 to vector<8x128xf32>
    %scan3A_316 = arith.constant 0 : i32
    %scan3A_317 = arith.constant 250 : i32
    %scan3A_318 = arith.addi %scan3A_316, %scan3A_317 : i32
    %scan3A_319 = arith.constant 1 : i32
    %scan3A_320 = scf.for %scan3A_374 = %scan3A_316 to %scan3A_318 step %scan3A_319 iter_args(%scan3A_375 = %broadcast_in_dim3A_315) -> (vector<8x128xf32>)  : i32 {
      %mul3A_376 = arith.constant 8 : i32
      %mul3A_377 = arith.muli %scan3A_374, %mul3A_376 : i32
      %add3A_378 = arith.constant 4000 : i32
      %add3A_379 = arith.addi %add3A_378, %mul3A_377 : i32
      %get3A = arith.index_cast %add3A_379 : i32 to index
      %get3A_380 = arith.constant 0 : index
      %get3A_381 = vector.load %arg3[%get3A, %get3A_380] : memref<10000x128xf32, #tpu.memory_space<vmem>>, vector<8x128xf32>
      %add3A_382 = arith.addf %scan3A_375, %get3A_381 : vector<8x128xf32>
      scf.yield %add3A_382 : vector<8x128xf32>
    }
    %scan3A_321 = arith.constant 250 : i32
    %slice3A_322 = vector.extract_strided_slice %scan3A_320 {offsets = [0, 0], sizes = [4, 128], strides = [1, 1]} : vector<8x128xf32> to vector<4x128xf32>
    %slice3A_323 = vector.extract_strided_slice %scan3A_320 {offsets = [4, 0], sizes = [4, 128], strides = [1, 1]} : vector<8x128xf32> to vector<4x128xf32>
    %add3A_324 = arith.addf %slice3A_322, %slice3A_323 : vector<4x128xf32>
    %slice3A_325 = vector.extract_strided_slice %add3A_324 {offsets = [0, 0], sizes = [2, 128], strides = [1, 1]} : vector<4x128xf32> to vector<2x128xf32>
    %slice3A_326 = vector.extract_strided_slice %add3A_324 {offsets = [2, 0], sizes = [2, 128], strides = [1, 1]} : vector<4x128xf32> to vector<2x128xf32>
    %add3A_327 = arith.addf %slice3A_325, %slice3A_326 : vector<2x128xf32>
    %slice3A_328 = vector.extract_strided_slice %add3A_327 {offsets = [0, 0], sizes = [1, 128], strides = [1, 1]} : vector<2x128xf32> to vector<1x128xf32>
    %slice3A_329 = vector.extract_strided_slice %add3A_327 {offsets = [1, 0], sizes = [1, 128], strides = [1, 1]} : vector<2x128xf32> to vector<1x128xf32>
    %add3A_330 = arith.addf %slice3A_328, %slice3A_329 : vector<1x128xf32>
    %add3A_331 = arith.addf %add3A_313, %add3A_330 : vector<1x128xf32>
    %broadcast_in_dim3A_332 = arith.constant 0.000000e+00 : f32
    %broadcast_in_dim3A_333 = vector.broadcast %broadcast_in_dim3A_332 : f32 to vector<8x128xf32>
    %scan3A_334 = arith.constant 0 : i32
    %scan3A_335 = arith.constant 250 : i32
    %scan3A_336 = arith.addi %scan3A_334, %scan3A_335 : i32
    %scan3A_337 = arith.constant 1 : i32
    %scan3A_338 = scf.for %scan3A_374 = %scan3A_334 to %scan3A_336 step %scan3A_337 iter_args(%scan3A_375 = %broadcast_in_dim3A_333) -> (vector<8x128xf32>)  : i32 {
      %mul3A_376 = arith.constant 8 : i32
      %mul3A_377 = arith.muli %scan3A_374, %mul3A_376 : i32
      %add3A_378 = arith.constant 6000 : i32
      %add3A_379 = arith.addi %add3A_378, %mul3A_377 : i32
      %get3A = arith.index_cast %add3A_379 : i32 to index
      %get3A_380 = arith.constant 0 : index
      %get3A_381 = vector.load %arg3[%get3A, %get3A_380] : memref<10000x128xf32, #tpu.memory_space<vmem>>, vector<8x128xf32>
      %add3A_382 = arith.addf %scan3A_375, %get3A_381 : vector<8x128xf32>
      scf.yield %add3A_382 : vector<8x128xf32>
    }
    %scan3A_339 = arith.constant 250 : i32
    %slice3A_340 = vector.extract_strided_slice %scan3A_338 {offsets = [0, 0], sizes = [4, 128], strides = [1, 1]} : vector<8x128xf32> to vector<4x128xf32>
    %slice3A_341 = vector.extract_strided_slice %scan3A_338 {offsets = [4, 0], sizes = [4, 128], strides = [1, 1]} : vector<8x128xf32> to vector<4x128xf32>
    %add3A_342 = arith.addf %slice3A_340, %slice3A_341 : vector<4x128xf32>
    %slice3A_343 = vector.extract_strided_slice %add3A_342 {offsets = [0, 0], sizes = [2, 128], strides = [1, 1]} : vector<4x128xf32> to vector<2x128xf32>
    %slice3A_344 = vector.extract_strided_slice %add3A_342 {offsets = [2, 0], sizes = [2, 128], strides = [1, 1]} : vector<4x128xf32> to vector<2x128xf32>
    %add3A_345 = arith.addf %slice3A_343, %slice3A_344 : vector<2x128xf32>
    %slice3A_346 = vector.extract_strided_slice %add3A_345 {offsets = [0, 0], sizes = [1, 128], strides = [1, 1]} : vector<2x128xf32> to vector<1x128xf32>
    %slice3A_347 = vector.extract_strided_slice %add3A_345 {offsets = [1, 0], sizes = [1, 128], strides = [1, 1]} : vector<2x128xf32> to vector<1x128xf32>
    %add3A_348 = arith.addf %slice3A_346, %slice3A_347 : vector<1x128xf32>
    %add3A_349 = arith.addf %add3A_331, %add3A_348 : vector<1x128xf32>
    %broadcast_in_dim3A_350 = arith.constant 0.000000e+00 : f32
    %broadcast_in_dim3A_351 = vector.broadcast %broadcast_in_dim3A_350 : f32 to vector<8x128xf32>
    %scan3A_352 = arith.constant 0 : i32
    %scan3A_353 = arith.constant 250 : i32
    %scan3A_354 = arith.addi %scan3A_352, %scan3A_353 : i32
    %scan3A_355 = arith.constant 1 : i32
    %scan3A_356 = scf.for %scan3A_374 = %scan3A_352 to %scan3A_354 step %scan3A_355 iter_args(%scan3A_375 = %broadcast_in_dim3A_351) -> (vector<8x128xf32>)  : i32 {
      %mul3A_376 = arith.constant 8 : i32
      %mul3A_377 = arith.muli %scan3A_374, %mul3A_376 : i32
      %add3A_378 = arith.constant 8000 : i32
      %add3A_379 = arith.addi %add3A_378, %mul3A_377 : i32
      %get3A = arith.index_cast %add3A_379 : i32 to index
      %get3A_380 = arith.constant 0 : index
      %get3A_381 = vector.load %arg3[%get3A, %get3A_380] : memref<10000x128xf32, #tpu.memory_space<vmem>>, vector<8x128xf32>
      %add3A_382 = arith.addf %scan3A_375, %get3A_381 : vector<8x128xf32>
      scf.yield %add3A_382 : vector<8x128xf32>
    }
    %scan3A_357 = arith.constant 250 : i32
    %slice3A_358 = vector.extract_strided_slice %scan3A_356 {offsets = [0, 0], sizes = [4, 128], strides = [1, 1]} : vector<8x128xf32> to vector<4x128xf32>
    %slice3A_359 = vector.extract_strided_slice %scan3A_356 {offsets = [4, 0], sizes = [4, 128], strides = [1, 1]} : vector<8x128xf32> to vector<4x128xf32>
    %add3A_360 = arith.addf %slice3A_358, %slice3A_359 : vector<4x128xf32>
    %slice3A_361 = vector.extract_strided_slice %add3A_360 {offsets = [0, 0], sizes = [2, 128], strides = [1, 1]} : vector<4x128xf32> to vector<2x128xf32>
    %slice3A_362 = vector.extract_strided_slice %add3A_360 {offsets = [2, 0], sizes = [2, 128], strides = [1, 1]} : vector<4x128xf32> to vector<2x128xf32>
    %add3A_363 = arith.addf %slice3A_361, %slice3A_362 : vector<2x128xf32>
    %slice3A_364 = vector.extract_strided_slice %add3A_363 {offsets = [0, 0], sizes = [1, 128], strides = [1, 1]} : vector<2x128xf32> to vector<1x128xf32>
    %slice3A_365 = vector.extract_strided_slice %add3A_363 {offsets = [1, 0], sizes = [1, 128], strides = [1, 1]} : vector<2x128xf32> to vector<1x128xf32>
    %add3A_366 = arith.addf %slice3A_364, %slice3A_365 : vector<1x128xf32>
    %add3A_367 = arith.addf %add3A_349, %add3A_366 : vector<1x128xf32>
    %mul3A_368 = arith.constant 9.99999974E-5 : f32
    %mul3A_369 = vector.broadcast %mul3A_368 : f32 to vector<1x128xf32>
    %mul3A_370 = arith.mulf %add3A_367, %mul3A_369 : vector<1x128xf32>
    %swap3A_371 = arith.constant 0 : index
    %swap3A_372 = arith.constant 384 : index
    %swap3A_373 = vector.load %arg4[%swap3A_371, %swap3A_372] : memref<1x512xf32, #tpu.memory_space<vmem>>, vector<1x128xf32>
    tpu.vector_store %arg4[%swap3A_371, %swap3A_372], %mul3A_370 {strides = array<i32>} : memref<1x512xf32, #tpu.memory_space<vmem>>, vector<1x128xf32>,
    return
  }
}

</mosaic_0001>

<sc_bundles>
// kernel: scatter_offload_async_start.1
scs
__scs_entry_jumppad:
0x0: {  	(pc) =	sbr.rel $0x88, $3  }
0x1: {  	(tag) =	ssettag $0x0;
	lr =	simm.s32 $0x1  }
0x2: {  	[smem:$0x3F99] =	sst lr;
	_ =	strace $0xD0000000  }
0x3: {  	_ = 	snop  }
0x4: {  	_ = 	snop  }
0x5: {  	_ = 	snop  }
0x6: {  	_ = 	snop  }
0x7: {  	_ = 	snop  }
__scs_overlays_trampoline_lowered:
0x8: {  	[smem:$0x3FA8] =	sst s0  }
0x9: {  	[smem:$0x3FA9] =	sst s1  }
0xa: {  	[smem:$0x3FAA] =	sst s2  }
0xb: {  	[smem:$0x3FAB] =	sst s3  }
0xc: {  	[smem:$0x3FAC] =	sst s4  }
0xd: {  	[smem:$0x3FAD] =	sst s5  }
0xe: {  	[smem:$0x3FAE] =	sst s6  }
0xf: {  	[smem:$0x3FAF] =	sst s7  }
0x10: {  	[smem:$0x3FB0] =	sst s8  }
0x11: {  	[smem:$0x3FB1] =	sst s9;
	s0 =	simm.s32 @!p0 $0x0  }
0x12: {  	s1 =	sld [smem:$0x3F97];
	s0 =	simm.s32 @p0 $0x1  }
0x13: {  	[smem:$0x3FB2] =	sst s0;
	s0 =	simm.s32 @!p1 $0x0  }
0x14: {  	s2 =	sld [smem:$0x3F96];
	s0 =	simm.s32 @p1 $0x1  }
0x15: {  	[smem:$0x3FB3] =	sst s0;
	s0 =	simm.s32 @!p2 $0x0  }
0x16: {  	s3 =	sld [smem:$0x3FDB];
	s0 =	simm.s32 @p2 $0x1  }
0x17: {  	s4 =	simm.s32 $0x1BF5;
	[smem:$0x3FB5] =	sst s0  }
0x18: {  	s0 =	sld [smem:$0x3F98];
	_ =	swait.ge [sflag:s4], $0x0  }
0x19: {  	s7 =	sld [smem:$0x3F99]  }
0x1a: {  	s8 =	sadd.s32 $0xFFFFE003, lr  }
0x1b: {  	s9 =	sadd.s32 $0xFFFFFEF7, lr;
	s5 =	simm.s32 $0xFFFFFFFF;
	p2 =	slt.u32 s8, $0xFFFFF086  }
0x1c: {  	p1 =	slt.u32 s9, $0xF7A;
	s5 =	simm.s32 @!p2 $0x0  }
0x1d: {  	s5 =	simm.s32 @p1 $0x1;
	p0 =	seq.s32 s7, s2  }
0x1e: {  	s7 =	smul.u32 @!p0 $0xF7A, s2;
	p2 =	seq.s32 @!p0 s5, $0x0  }
0x1f: {  	s9 =	smul.u32 $0xF7A, s1;
	s8 =	simm.s32 @!p0 $0x1BF5;
	p2 =	por !p2, p0  }
0x20: {  	[sflag:s8] =	ssyncset.s32 @!p0 $0xFFFFF086;
	s6 =	sadd.s32 @!p0 s3, s7;
	s7 =	simm.s32 @!p0 $0x108  }
0x21: {  	s3 =	sadd.s32 s3, s9;
	s6 =	sadd.s32 @!p0 $0x88, s6;
	s7 =	simm.s32 @p2 $0x1082  }
0x22: {  	[simem:s7], [sflag:s8] =	dma.local @!p0 [hbm:s6], $0xF7A  }
0x23: {  	s9 =	sor.u32 $0xD0000000, s2;
	s6 =	simm.s32 $0x108;
	_ =	swait.ge @!p0 [sflag:s8], $0x0  }
0x24: {  	s3 =	sadd.s32 $0x88, s3;
	s6 =	simm.s32 @!p1 $0x1082;
	[sflag:s4] =	ssyncset.s32 $0xFFFFF086  }
0x25: {  	[simem:s6], [sflag:s4] =	dma.local [hbm:s3], $0xF7A  }
0x26: {  	[smem:$0x3F99] =	sst s1;
	(tag) =	ssettag s2;
	_ =	strace s9  }
0x27: {  	s1 =	sld [smem:$0x3FA9]  }
0x28: {  	s2 =	sld [smem:$0x3FAA]  }
0x29: {  	s4 =	sld [smem:$0x3FAC]  }
0x2a: {  	p0 =	seq.s32 s5, $0x0;
	s5 =	sld [smem:$0x3FAD]  }
0x2b: {  	s6 =	sld [smem:$0x3FAE]  }
0x2c: {  	s7 =	sld [smem:$0x3FAF]  }
0x2d: {  	s3 =	simm.s32 $0x108;
	s8 =	sld [smem:$0x3FB0]  }
0x2e: {  	s3 =	simm.s32 @!p0 $0x1082;
	s9 =	sld [smem:$0x3FB1]  }
0x2f: {  	lr =	sadd.s32 s0, s3;
	s0 =	sld [smem:$0x3FA8]  }
0x30: {  	s3 =	sld [smem:$0x3FAB]  }
0x31: {  	[smem:$0x3FB4] =	sst s10  }
0x32: {  	s10 =	sld [smem:$0x3FB2];
	_ =	sdelay $0x3  }
0x33: {  	p0 =	seq.s32 s10, $0x1;
	s10 =	sld [smem:$0x3FB4];
	_ =	sdelay $0x3  }
0x34: {  	[smem:$0x3FB4] =	sst s10  }
0x35: {  	s10 =	sld [smem:$0x3FB3];
	_ =	sdelay $0x3  }
0x36: {  	p1 =	seq.s32 s10, $0x1;
	s10 =	sld [smem:$0x3FB4];
	_ =	sdelay $0x3  }
0x37: {  	[smem:$0x3FB4] =	sst s10  }
0x38: {  	s10 =	sld [smem:$0x3FB5]  }
0x39: {  	_ = 	snop;
	(pc) =	sbr.ind lr, $3  }
0x3a: {  	_ = 	snop  }
0x3b: {  	_ = 	snop  }
0x3c: {  	p2 =	seq.s32 s10, $0x1;
	s10 =	sld [smem:$0x3FB4]  }
0x3d: {  	_ =	shalt  }
0x3e: {  	_ =	shalt  }
0x3f: {  	_ =	shalt  }
0x40: {  	_ =	shalt  }
0x41: {  	_ =	shalt  }
0x42: {  	_ =	shalt  }
0x43: {  	_ =	shalt  }
0x44: {  	_ =	shalt  }
0x45: {  	_ =	shalt  }
0x46: {  	_ =	shalt  }
0x47: {  	_ =	shalt  }
0x48: {  	_ =	shalt  }
0x49: {  	_ =	shalt  }
0x4a: {  	_ =	shalt  }
0x4b: {  	_ =	shalt  }
0x4c: {  	_ =	shalt  }
0x4d: {  	_ =	shalt  }
0x4e: {  	_ =	shalt  }
0x4f: {  	_ =	shalt  }
0x50: {  	_ =	shalt  }
0x51: {  	_ =	shalt  }
0x52: {  	_ =	shalt  }
0x53: {  	_ =	shalt  }
0x54: {  	_ =	shalt  }
0x55: {  	_ =	shalt  }
0x56: {  	_ =	shalt  }
0x57: {  	_ =	shalt  }
0x58: {  	_ =	shalt  }
0x59: {  	_ =	shalt  }
0x5a: {  	_ =	shalt  }
0x5b: {  	_ =	shalt  }
0x5c: {  	_ =	shalt  }
0x5d: {  	_ =	shalt  }
0x5e: {  	_ =	shalt  }
0x5f: {  	_ =	shalt  }
0x60: {  	_ =	shalt  }
0x61: {  	_ =	shalt  }
0x62: {  	_ =	shalt  }
0x63: {  	_ =	shalt  }
0x64: {  	_ =	shalt  }
0x65: {  	_ =	shalt  }
0x66: {  	_ =	shalt  }
0x67: {  	_ =	shalt  }
0x68: {  	_ =	shalt  }
0x69: {  	_ =	shalt  }
0x6a: {  	_ =	shalt  }
0x6b: {  	_ =	shalt  }
0x6c: {  	_ =	shalt  }
0x6d: {  	_ =	shalt  }
0x6e: {  	_ =	shalt  }
0x6f: {  	_ =	shalt  }
0x70: {  	_ =	shalt  }
0x71: {  	_ =	shalt  }
0x72: {  	_ =	shalt  }
0x73: {  	_ =	shalt  }
0x74: {  	_ =	shalt  }
0x75: {  	_ =	shalt  }
0x76: {  	_ =	shalt  }
0x77: {  	_ =	shalt  }
0x78: {  	_ =	shalt  }
0x79: {  	_ =	shalt  }
0x7a: {  	_ =	shalt  }
0x7b: {  	_ =	shalt  }
0x7c: {  	_ =	shalt  }
0x7d: {  	_ =	shalt  }
0x7e: {  	_ =	shalt  }
0x7f: {  	_ =	shalt  }
0x80: {  	_ =	shalt  }
0x81: {  	_ =	shalt  }
0x82: {  	_ =	shalt  }
0x83: {  	_ =	shalt  }
0x84: {  	_ =	shalt  }
0x85: {  	_ =	shalt  }
0x86: {  	_ =	shalt  }
0x87: {  	_ =	shalt  }
.Lfunc_end0:
.L_simem_size_0:
called_computation.1_lowered:
.L_overlay_start_0:
0x88: {  	s0 =	sld [smem:$0x3FD9]  }
0x89: {  	s1 =	sld [smem:$0x3FFE];
	_ =	sdelay $0x3  }
0x8a: {  	s0 =	sadd.s32 s1, s0  }
0x8b: {  	[smem:$0x3FC0] =	sst s0  }
0x8c: {  	_ = 	snop  }
0x8d: {  	(tm) =	ssettm $0x1  }
0x8e: {  	s15 =	sld [smem:$0x3FFB];
	_ =	sdelay $0x3  }
0x8f: {  	_ =	strace s15  }
0x90: {  	s0 =	sld [smem:$0x3FFC];
	_ =	sdelay $0x3  }
0x91: {  	_ =	strace s0  }
0x92: {  	s0 =	sld [smem:$0x3FFD];
	_ =	sdelay $0x3  }
0x93: {  	_ =	strace s0  }
0x94: {  	_ =	strace $0x8FFFFFFF  }
0x95: {  	s16 =	sld [smem:$0x3FDB];
	_ =	sdelay $0x1  }
0x96: {  	s17 =	simm.s32 $_scs_section_size  }
0x97: {  	s2 =	simm.s32 $_size__tile_overlayer_lowered;
	s3 =	simm.s32 $_tile_overlayer_lowered  }
0x98: {  	s20 =	simm.s32 $0x1BFF;
	s19 =	sshll.u32 s3, $0x1;
	s0 =	sadd.s32 s17, s16  }
0x99: {  	s4 =	simm.s32 $0x0;
	s18 =	sshll.u32 s2, $0x1;
	s2 =	sadd.s32 s19, s0  }
0x9a: {  	[timem:s4], [sflag:s20] =	dma.local [hbm:s2], s18  }
0x9b: {  	_ =	swait.ge [sflag:s20], s18  }
0x9c: {  	s1 =	ssub.s32 $0x0, s18;
	[sflag:s20] =	ssyncset.done $0x0  }
0x9d: {  	[sflag:s20] =	ssyncadd.s32 s1;
	_ =	sdelay $0x1  }
0x9e: {  	s21 =	simm.s32 $0x1B8B  }
0x9f: {  	_ =	swait.ge [sflag:s21], $0x1  }
0xa0: {  	[sflag:s21] =	ssyncset.done $0x0  }
0xa1: {  	s23 =	simm.s32 $0x1B8E;
	s22 =	sld [smem:$0x3FFE];
	[sflag:s21] =	ssyncadd.s32 $0xFFFFFFFF  }
0xa2: {  	s24 =	simm.s32 $execute0_lowered;
	[smem:$0x3FD2] =	sst s23  }
0xa3: {  	s2 =	sshll.u32 s24, $0x1;
	_ =	strace $0x80000046;
	[dreg:$0x1] =	wrdreg $0xFFFFFFFF  }
0xa4: {  	s25 =	simm.s32 $_size_execute0_lowered;
	s0 =	sadd.s32 s0, s2;
	[dreg:$0x0] =	wrdreg $0x0  }
0xa5: {  	s2 =	sshll.u32 s25, $0x1;
	[dreg:$0x2] =	wrdreg s0  }
0xa6: {  	[dreg:$0x3] =	wrdreg s2  }
0xa7: {  	[dreg:$0x4] =	wrdreg $0xC0  }
0xa8: {  	_ =	task [dreg:s4], $0x5FFFF  }
0xa9: {  	[dreg:$0x1] =	wrdreg $0xFFFFFFFF  }
0xaa: {  	[dreg:$0x0] =	wrdreg $0x60  }
0xab: {  	[dreg:$0x2] =	wrdreg s22  }
0xac: {  	[dreg:$0x3] =	wrdreg $0xB  }
0xad: {  	_ =	task.clear_ibuf [dreg:s4], $0x4FFFF;
	_ =	strace $0x90000046  }
0xae: {  	s26 =	simm.s32 $0xB;
	_ =	strace $0x80000048  }
0xaf: {  	_ =	swait.ge [sflag:s26], $0x1  }
0xb0: {  	[sflag:s26] =	ssyncadd.s32 $0xFFFFFFFF  }
0xb1: {  	_ =	strace $0x90000048  }
0xb2: {  	_ =	sfence  }
0xb3: {  	s28 =	sld [smem:$0x0];
	_ =	sdelay $0x1  }
0xb4: {  	s29 =	srdreg.scid  }
0xb5: {  	s30 =	sshll.u32 s29, $0xD;
	s31 =	sshrl.u32 s29, $0x2  }
0xb6: {  	s1 =	sand.u32 $0x1, s29;
	s2 =	sand.u32 $0x4000, s30;
	s0 =	sadd.s32 s31, s28  }
0xb7: {  	s1 =	sor.u32 s2, s1;
	s0 =	sshll.u32 s0, $0x11  }
0xb8: {  	s0 =	sor.u32 s0, s1  }
0xb9: {  	s0 =	sadd.s32 $0x8F2B, s0  }
0xba: {  	[sflag:s0] =	ssyncadd.remote.s32 $0x1  }
0xbb: {  	_ =	sfence.sel $0xFFFF  }
0xbc: {  	[dreg:$0x0] =	wrdreg $0xFFFFFFFF;
	(pc) =	sbr.abs _section_cstart, $3  }
0xbd: {  	[dreg:$0x1] =	wrdreg $0xFFFFFFFF  }
0xbe: {  	_ =	task.clear_ibuf [dreg:s4], $0x2FFFF;
	_ =	strace $0x9FFFFFFF  }
0xbf: {  	(tm) =	ssettm $0x7FFFFFFF  }
tec
execute0_lowered:
.L_overlay_start_1:
0x0: {  	(tag) =	ssettag $0x1  }
0x1: {  	s0 =	rddreg [dreg:$0x0];
	_ =	strace $0x80000047;
	s15 =	stileid.u32  }
0x2: {  	s2 =	simm.s32 $0x1;
	s1 =	smin.u32 s15, $0x8;
	s3 =	sshll.u32 s15, $0x1  }
0x3: {  	v1 =	vimm.s32 $0xFFFFFFFF;
	[sflag:s2] =	ssyncpa.u1 $0x0;
	s1 =	sadd.s32 s1, s3  }
0x4: {  	p0 =	slt.u32 s15, $0x8;
	[tilespmem:$0x10] =	vst v1;
	s4 =	smul.u32 $0x1F40, s1;
	s1 =	simm.s32 $0x5DC0  }
0x5: {  	v0 =	vimm.f32 $0.0e+00;
	[tilespmem:$0x20] =	vst v1;
	s1 =	simm.s32 @!p0 $0x3E80  }
0x6: {  	[tilespmem:$0x30] =	vst v0;
	s1 =	sadd.s32 s1, s4  }
0x7: {  	[tilespmem:$0x40] =	vst v0;
	s5 =	smin.u32 s1, $0x4E200  }
0x8: {  	s7 =	simm.s32 $0x2;
	s8 =	simm.s32 $0x8;
	[tilespmem:$0x50] =	vst v0;
	s9 =	ssub.s32 s5, s4  }
0x9: {  	s31 =	simm.s32 $0x9;
	s16 =	simm.s32 $0x0;
	[tilespmem:$0x60] =	vst v1;
	p0 =	sgt.s32 s9, $0x0  }
0xa: {  	s17 =	simm.s32 $0xF0;
	s18 =	simm.s32 $0xFFFFFFFF;
	[tilespmem:$0x70] =	vst v1;
	s9 =	simm.s32 @!p0 $0x0  }
0xb: {  	s19 =	simm.s32 $0xFFFFC280;
	s20 =	simm.s32 $0xFFFFFFFE;
	[tilespmem:$0x80] =	vst v1;
	s30 =	smulhi.u32 $0x10624DD3, s9  }
0xc: {  	s21 =	simm.s32 $0xF;
	s25 =	simm.s32 $0x0;
	s24 =	simm.s32 $0x0;
	v1 =	vimm.s32 $0x0;
	[tilespmem:$0xB0] =	vst v0  }
0xd: {  	s6 =	sadd.s32 $0x1DC00, s0;
	s15 =	sshllo.u32 s15, $0x1;
	[tilespmem:$0x90] =	vst v1;
	s10 =	sshrl.u32 s30, $0x9  }
0xe: {  	[tilespmem:$0xA0] =	vst v1;
	[sflag:s7] =	ssyncpa.u1 $0x0;
	s7 =	simm.s32 $0x7;
	s11 =	smul.u32 $0x1F40, s10  }
.Ltmp0:
0xf: {  	s13 =	sor.u32 $0x80, s3;
	[sflag:s7] =	ssyncpa.u1 $0x0;
	(pc) =	sbr.rel .LBB2_1-.Ltmp0, $4  }
0x10: {  	s14 =	sor.u32 $0x81, s3;
	[sflag:s8] =	ssyncpa.u1 $0x0;
	p0 =	sne.s32 s9, s11  }
0x11: {  	s23 =	smov.u32 s4;
	s1 =	sadd.s32 $0x513800, s0;
	s2 =	simm.s32 @!p0 $0x0  }
0x12: {  	vm0 =	vmmov $0xffff;
	v2 =	vlaneseq.u32;
	[sflag:s31] =	ssyncpa.u1 $0x0;
	s9 =	sadd.s32 $0x27A00, s0;
	s10 =	sadd.s32 s2, s10  }
0x13: {  	vm1 =	vmxor vm1, vm1;
	vm2 =	vmmov $0x1;
	vm3 =	vcmask $0x3F3C;
	p0 =	por $0x0, $0x0;
	s11 =	sadd.s32 $0x1, s10;
	s12 =	sadd.s32 $0x2, s10  }
.LBB2_9:
0x14: {  	p1 =	slt.u32 s24, $0x3  }
0x15: {  	s0 =	simm.s32 @!p1 $0x2  }
0x16: {  	_ =	swait.ge @!p1 [sflag:s0], $0x1F40  }
0x17: {  	[sflag:s0] =	ssyncset.done @!p1 $0x0  }
0x18: {  	[sflag:s0] =	ssyncadd.s32 @!p1 $0xFFFFE0C0;
	s0 =	simm.s32 @!p1 $0x9  }
0x19: {  	_ =	swait.ge @!p1 [sflag:s0], $0x10  }
0x1a: {  	[sflag:s0] =	ssyncset.done @!p1 $0x0  }
0x1b: {  	[sflag:s0] =	ssyncadd.s32 @!p1 $0xFFFFFFF0;
	p1 =	sne.s32 s24, s12  }
.Ltmp1:
0x1c: {  	s2 =	sadd.s32 $0x1F40, s23;
	(pc) =	sbr.rel @!p1 .LBB2_10-.Ltmp1, $4  }
0x1d: {  	s22 =	smov.u32 s4;
	s31 =	sadd.s32 $0x1, s24;
	s17 =	sadd.s32 $0x1F40, s17  }
0x1e: {  	s18 =	sadd.s32 $0x1, s18;
	s25 =	smov.u32 s23;
	p2 =	slt.s32 s2, s5  }
0x1f: {  	p0 =	por !p0, !p0;
	s19 =	sadd.s32 $0x1F40, s19;
	s22 =	smov.u32 @p2 s2  }
0x20: {  	s20 =	sadd.s32 $0x1, s20;
	s23 =	smov.u32 s22;
	s24 =	smov.u32 s31  }
.LBB2_1:
0x21: {  	p1 =	sge.u32 s24, s10  }
0x22: {  	s0 =	smulhi.u32 @!p1 $0xAAAAAAAB, s24;
	_ =	sdelay $0x1  }
0x23: {  	s0 =	sshrl.u32 @!p1 s0, $0x1  }
0x24: {  	s0 =	smul.u32 @!p1 $0x3, s0;
	_ =	sdelay $0x1  }
0x25: {  	s0 =	ssub.s32 @!p1 s24, s0  }
0x26: {  	s0 =	smul.u32 @!p1 $0x7D00, s0;
	_ =	sdelay $0x1  }
0x27: {  	s2 =	sshrl.u32 @!p1 s23, $0x3;
	s0 =	sshrl.u32 @!p1 s0, $0x2  }
0x28: {  	s22 =	sand.u32 @!p1 $0x7, s23;
	s2 =	sadd.s32 @!p1 s6, s2;
	s0 =	sadd.s32 @!p1 $0x100, s0  }
0x29: {  	[tilespmem:s0], [sflag:$0x7] =	stream.linear.gather @!p1 [hbm4b:s2+s22], $0x1F40, $0x38;
	[tilespmem:$0x11A60] =	vst v63  }
0x2a: {  	s0 =	sadd.s32 $0xFFFFFFFF, s24  }
0x2b: {  	p1 =	sge.u32 s0, s10  }
.Ltmp2:
0x2c: {  	_ = 	snop;
	(pc) =	sbr.rel @p1 .LBB2_5-.Ltmp2, $1  }
0x2d: {  	_ =	sdelay $0x3  }
0x2e: {  	s2 =	smulhi.u32 $0xAAAAAAAB, s0;
	_ =	sdelay $0x1  }
0x2f: {  	s2 =	sshrl.u32 s2, $0x1  }
0x30: {  	s2 =	smul.u32 $0x3, s2;
	_ =	sdelay $0x1  }
0x31: {  	s2 =	ssub.s32 s0, s2  }
0x32: {  	s2 =	smul.u32 $0x7D00, s2  }
0x33: {  	_ =	swait.ge [sflag:s7], $0x1F40  }
0x34: {  	[sflag:s7] =	ssyncset.done $0x0;
	s2 =	sshrl.u32 s2, $0x2  }
0x35: {  	[sflag:s7] =	ssyncadd.s32 $0xFFFFE0C0;
	(ifvalue) =	ssetifvalue $0xFFFFFFFF;
	v3 =	vld.msk [tilespmem:s2+$0x100 ss:$0x1], $0xffff;
	_ =	sdelay $0x2  }
0x36: {  	s30 =	smulhi.u32 $0xAAAAAAAB, s18;
	p1 =	sne.s32 s24, $0x1  }
0x37: {  	v4 =	vimm.s32 @!p1 $0x0  }
0x38: {  	s2 =	sshrl.u32 s30, $0x1;
	v4 =	vperm.xlane @!p1 v3, v4  }
0x39: {  	s22 =	sshll.u32 s24, $0x4;
	s2 =	smul.u32 $0xFFFE8900, s2;
	vm4 =	vlt.u32 v3, $0x2800  }
0x3a: {  	s22 =	sand.u32 $0x10, s22;
	v3 =	vnsel vm4, $0xFFFFFFFE, v3;
	vm4 =	vlt.u32 @!p1 v4, $0x2800  }
0x3b: {  	s2 =	sshra.s32 s2, $0x2;
	[tilespmem:s22+$0x60] =	vst v3;
	v3 =	vnsel @!p1 vm4, $0xFFFFFFFE, v4  }
0x3c: {  	s28 =	sadd.s32 s2, s17;
	[tilespmem:$0x80] =	vst @!p1 v3  }
0x3d: {  	v3 =	vld.msk [tilespmem:s28+$0x0 ss:$0x1], $0xffff;
	_ =	sdelay $0x4  }
0x3e: {  	(xrf1) =	vunique.msk.u32 $0xffff, v3;
	_ =	sdelay $0xd  }
0x3f: {  	v4 =	vimm.s32 $0xFFFFFFFF;
	v5, _, _ =	vpop (xrf1)  }
0x40: {  	vm5 =	vne.s32 v3, v4;
	vm4 =	veq.s32 v5, v2  }
0x41: {  	vm6 =	vlt.u32 v3, $0x2800;
	vm4 =	vmand vm5, vm4  }
0x42: {  	vm4 =	vmand vm6, vm4  }
0x43: {  	v4 =	vnsel vm4, $0xFFFFFFFF, v3  }
0x44: {  	s31 =	sand.u32 $0x1, s0  }
0x45: {  	s0 =	simm.s32 $0x1F40;
	p1 =	seq.s32 s31, $0x1  }
0x46: {  	s0 =	simm.s32 @!p1 $0x0  }
0x47: {  	s26 =	sadd.s32 $0x7DF0, s0;
	(ifvalue) =	ssetifvalue $0xFFFFFFFF  }
0x48: {  	v3 =	vperm.xlane v3, v1;
	[tilespmem:s26], [sflag:$0x8] =	stream.indirect_vreg.gather [hbm4b:s1+s16], $0x1, v4, vm0, $0x4038;
	v4 =	vnsel vm6, $0xFFFFFFFE, v4;
	[tilespmem:$0x11A60] =	vst v63  }
0x49: {  	s2 =	simm.s32 $0x0;
	s22 =	sadd.s32 $0xFFFFFFF0, s28;
	[tilespmem:s28+$0x0] =	vst v4  }
.LBB2_3:
0x4a: {  	v4 =	vld.msk [tilespmem:s22+$0x0 ss:$0x1], $0xffff;
	s2 =	sadd.s32 $0x10, s2;
	v5 =	vmov v3;
	s28 =	smov.u32 s22  }
0x4b: {  	p1 =	slt.u32 s2, $0x1F30;
	_ =	sdelay $0x4  }
0x4c: {  	v3 =	vperm.xlane v4, v1;
	(xrf1) =	vunique.msk.u32 $0xffff, v4;
	_ =	sdelay $0xd  }
0x4d: {  	v6, _, _ =	vpop (xrf1)  }
0x4e: {  	vm5 =	vne.s32 v4, v5;
	vm4 =	veq.s32 v6, v2  }
0x4f: {  	vm6 =	vlt.u32 v4, $0x2800;
	vm4 =	vmand vm5, vm4  }
0x50: {  	vm4 =	vmand vm6, vm4  }
0x51: {  	v4 =	vnsel vm4, $0xFFFFFFFF, v4  }
.Ltmp3:
0x52: {  	v5 =	vnsel vm6, $0xFFFFFFFE, v4;
	(pc) =	sbr.rel @p1 .LBB2_3-.Ltmp3, $3  }
0x53: {  	_ =	sdelay $0x1  }
0x54: {  	s22 =	sadd.s32 $0xFFFFFFF0, s22;
	s26 =	sadd.s32 $0xFFFFFFF0, s26;
	(ifvalue) =	ssetifvalue $0xFFFFFFFF  }
0x55: {  	[tilespmem:s26], [sflag:$0x8] =	stream.indirect_vreg.gather [hbm4b:s1+s16], $0x1, v4, vm0, $0x4038;
	[tilespmem:s28+$0x0] =	vst v5  }
0x56: {  	s2 =	sshrl.u32 s25, $0x3  }
0x57: {  	s0 =	sadd.s32 $0x9D40, s0;
	s2 =	sadd.s32 s9, s2  }
0x58: {  	[tilespmem:s0], [sflag:$0x8] =	stream.linear.gather [hbm:s2], $0x1F40, $0x38;
	[tilespmem:$0x11A60] =	vst v63  }
.LBB2_5:
0x59: {  	p1 =	slt.u32 s24, $0x2  }
0x5a: {  	p2 =	sge.u32 @!p1 s24, s12  }
0x5b: {  	p1 =	por p1, p2  }
.Ltmp4:
0x5c: {  	_ = 	snop;
	(pc) =	sbr.rel @p1 .LBB2_9-.Ltmp4, $1  }
0x5d: {  	_ =	sdelay $0x3  }
0x5e: {  	s0 =	sadd.s32 $0xFFFFFFFE, s24  }
0x5f: {  	s2 =	smulhi.u32 $0xAAAAAAAB, s0;
	_ =	sdelay $0x1  }
0x60: {  	s2 =	sshrl.u32 s2, $0x1  }
0x61: {  	s2 =	smul.u32 $0x3, s2;
	_ =	sdelay $0x1  }
0x62: {  	s0 =	ssub.s32 s0, s2  }
0x63: {  	_ =	swait.ge [sflag:s8], $0x3E80;
	s0 =	smul.u32 $0x1F40, s0  }
0x64: {  	p1 =	sne.s32 s24, s11;
	[sflag:s8] =	ssyncset.done $0x0  }
0x65: {  	[sflag:s8] =	ssyncadd.s32 $0xFFFFC180;
	s2 =	sadd.s32 @!p1 $0x203F, s0  }
0x66: {  	[spmem:s14] =	stream.linear.scatter @!p1 [tilespmem:s2], [sflag:$0x1], $0x1, $0x38;
	[tilespmem:$0x11A60] =	vst v63  }
0x67: {  	s2 =	simm.s32 @!p1 $0x1  }
0x68: {  	_ =	swait.ge @!p1 [sflag:s2], $0x1  }
0x69: {  	s22 =	sshll.u32 s24, $0x4;
	[sflag:s2] =	ssyncset.done @!p1 $0x0  }
0x6a: {  	s25 =	sand.u32 $0x10, s22;
	[sflag:s2] =	ssyncadd.s32 @!p1 $0xFFFFFFFF  }
0x6b: {  	s2 =	sxor.u32 $0x10, s25;
	v4 =	vld [tilespmem:s25+$0x10]  }
0x6c: {  	v5 =	vld [tilespmem:s2+$0x60]  }
0x6d: {  	v3 =	vld [tilespmem:$0x80];
	_ =	sdelay $0x2  }
0x6e: {  	(v2sf) =	vpush v4, $0x0  }
0x6f: {  	(v2sf) =	vpush v5, $0x0  }
0x70: {  	(v2sf) =	vpush v3, $0x0;
	_ =	sdelay $0xc  }
0x71: {  	s22 =	spop (v2sf)  }
0x72: {  	s26 =	spop (v2sf)  }
0x73: {  	s28 =	spop (v2sf)  }
0x74: {  	p2 =	seq.s32 s22, s26;
	p3 =	seq.s32 s28, s22  }
0x75: {  	p3 =	por p2, p3  }
0x76: {  	s26 =	sand.u32 $0x1, s24;
	v4 =	vpsel p3, $0xFFFFFFFF, v4  }
0x77: {  	s29 =	smul.u32 $0x1F40, s26;
	[tilespmem:s25+$0x10] =	vst.msk $0x1, v4  }
0x78: {  	v4 =	vld [tilespmem:$0x30]  }
0x79: {  	v5 =	vld [tilespmem:s29+$0x9D40]  }
0x7a: {  	v6 =	vld [tilespmem:s25+$0x40];
	_ =	sdelay $0x3  }
0x7b: {  	vm4 =	vmmov vm1;
	v5 =	vadd.f32 v5, v4  }
0x7c: {  	vm5 =	vmmov vm2;
	vm4 =	vmmov @p2 vm2;
	s22 =	sshll.u32 s26, $0x4;
	v4 =	vadd.f32 v6, v4  }
0x7d: {  	s26 =	sor.u32 $0x11A40, s22;
	vm5 =	vmmov @p3 vm1;
	[tilespmem:s29+$0x9D40] =	vst.msk vm4, v5  }
0x7e: {  	[tilespmem:s26+$0x0] =	vst.msk vm5, v4  }
0x7f: {  	v4 =	vld [tilespmem:s29+$0x7DF0];
	_ =	sdelay $0x3  }
0x80: {  	v5 =	vimm.f32 $0.0e+00  }
0x81: {  	v4 =	vshift.insert v4, v5, s21  }
0x82: {  	s22 =	sor.u32 $0x40, s2  }
0x83: {  	[tilespmem:s22+$0x0] =	vst.msk $0x1, v4  }
0x84: {  	[tilespmem:s29+$0x7DFF] =	vst.msk $0x1, v5  }
0x85: {  	v4 =	vld [tilespmem:s0+$0x2030];
	_ =	sdelay $0x1  }
0x86: {  	s22 =	smulhi.u32 $0xAAAAAAAB, s20;
	s0 =	simm.s32 $0x1  }
0x87: {  	s0 =	simm.s32 @!p0 $0x0  }
0x88: {  	s22 =	sshrl.u32 s22, $0x1;
	s0 =	smul.u32 $0x7D00, s0  }
0x89: {  	s22 =	smul.u32 $0xFFFE8900, s22;
	v4 =	vshift.insert v4, v1, s21  }
0x8a: {  	s0 =	sshrl.u32 s0, $0x2  }
0x8b: {  	s22 =	sshra.s32 s22, $0x2;
	s30 =	sadd.s32 $0x9D40, s0;
	[tilespmem:s2+$0x10] =	vst.msk $0x1, v4  }
0x8c: {  	s22 =	sadd.s32 s22, s19;
	v6 =	vld [tilespmem:s30+$0x0]  }
0x8d: {  	v7 =	vld [tilespmem:s22+$0x0];
	_ =	sdelay $0x3  }
0x8e: {  	v5 =	vadd.f32 v6, v5  }
0x8f: {  	vm4 =	vne.s32 v7, $0xFFFFFFFF  }
0x90: {  	(xrf2) =	vadd.seg.scan.f32 vm4, v5;
	_ =	sdelay $0x3  }
0x91: {  	s31 =	sadd.s32 $0x5EC0, s0;
	v5 =	vperm.xlane v4, v1  }
0x92: {  	v6 =	vld [tilespmem:s31+$0x0]  }
0x93: {  	vm5 =	veq.s32 v7, v3;
	vm6 =	veq.s32 v7, v5  }
0x94: {  	vm7 =	vgt.u32 v7, $0xFFFFFFFD;
	vm6 =	vmor vm6, vm5  }
0x95: {  	vm6 =	vmor vm6, vm7  }
0x96: {  	v9 =	vld [tilespmem:$0xA0];
	v7 =	vsel vm6, $0xFFFFFFFF, v7  }
0x97: {  	v10 =	vld [tilespmem:$0x90];
	v6 =	vsel vm5, $0x0, v6;
	v8, _, _ =	vpop (xrf2)  }
0x98: {  	v6 =	vadd.f32 v8, v6  }
0x99: {  	s0 =	sadd.s32 $0xDBC0, s0  }
0x9a: {  	vm4 =	vmand vm4, vm3;
	[tilespmem:s0+$0x0] =	vst v6;
	(ifvalue) =	ssetifvalue $0xFFFFFFFF  }
0x9b: {  	vm6 =	veq.s32 v9, $0x1;
	[hbm4b:s1+s16] =	stream.indirect_vreg.scatter [tilespmem:s0], [sflag:$0x2], $0x1, v7, vm0, $0x4038;
	v7 =	vsel vm4, $0x0, v8;
	[tilespmem:$0x11A60] =	vst v63  }
0x9c: {  	s2 =	simm.s32 $0x0;
	s22 =	sadd.s32 $0x10, s22;
	vm4 =	vmor vm6, vm5;
	v6 =	vsel vm5, v8, v10;
	v7 =	vshift.insert v7, v0, s21  }
.LBB2_7:
0x9d: {  	v8 =	vld [tilespmem:s22+$0x0];
	s30 =	sadd.s32 $0x10, s30  }
0x9e: {  	s31 =	sadd.s32 $0x10, s31;
	v9 =	vld [tilespmem:s30+$0x0]  }
0x9f: {  	s2 =	sadd.s32 $0x10, s2;
	v10 =	vld [tilespmem:s31+$0x0]  }
0xa0: {  	p2 =	slt.u32 s2, $0x1F30;
	_ =	sdelay $0x2  }
0xa1: {  	v7 =	vadd.f32 v9, v7  }
0xa2: {  	vm5 =	vne.s32 v8, $0xFFFFFFFF  }
0xa3: {  	vm6 =	vmand vm5, vm3;
	(xrf2) =	vadd.seg.scan.f32 vm5, v7;
	_ =	sdelay $0x5  }
0xa4: {  	vm7 =	veq.s32 v8, v5;
	vm5 =	veq.s32 v8, v3  }
0xa5: {  	vm8 =	vgt.u32 v8, $0xFFFFFFFD;
	vm4 =	vmor vm4, vm5;
	vm7 =	vmor vm7, vm5  }
0xa6: {  	vm7 =	vmor vm7, vm8  }
0xa7: {  	v8 =	vsel vm7, $0xFFFFFFFF, v8  }
.Ltmp5:
0xa8: {  	v7 =	vsel vm5, $0x0, v10;
	v9, _, _ =	vpop (xrf2);
	(pc) =	sbr.rel @p2 .LBB2_7-.Ltmp5, $4  }
0xa9: {  	v6 =	vsel vm5, v9, v6;
	v10 =	vadd.f32 v9, v7;
	v7 =	vsel vm6, $0x0, v9  }
0xaa: {  	s0 =	sadd.s32 $0x10, s0;
	v7 =	vshift.insert v7, v0, s21  }
0xab: {  	s22 =	sadd.s32 $0x10, s22;
	[tilespmem:s0+$0x0] =	vst v10;
	(ifvalue) =	ssetifvalue $0xFFFFFFFF  }
0xac: {  	[hbm4b:s1+s16] =	stream.indirect_vreg.scatter [tilespmem:s0], [sflag:$0x2], $0x1, v8, vm0, $0x4038;
	[tilespmem:$0x11A60] =	vst v63  }
0xad: {  	v3 =	vld [tilespmem:s29+$0xFAF0];
	_ =	sdelay $0x4  }
0xae: {  	v3 =	vshift.insert v3, v0, s21  }
0xaf: {  	s0 =	simm.s32 $0x30  }
0xb0: {  	[tilespmem:s0+$0x0] =	vst.msk $0x1, v3  }
0xb1: {  	v3 =	vsel vm4, $0x1, v1;
	[tilespmem:$0x90] =	vst v6  }
0xb2: {  	s0 =	sadd.s32 @!p1 $0xFAFF, s29;
	[tilespmem:$0xA0] =	vst v3  }
0xb3: {  	[spmem:s15] =	stream.linear.scatter @!p1 [tilespmem:s0], [sflag:$0x1], $0x1, $0x38;
	[tilespmem:$0x11A60] =	vst v63  }
0xb4: {  	s0 =	simm.s32 @!p1 $0x1  }
0xb5: {  	v3 =	vmctz.xlane @!p1 vm4;
	_ =	swait.ge @!p1 [sflag:s0], $0x1  }
0xb6: {  	(v2sf) =	vpush @!p1 v4, $0x0  }
0xb7: {  	(v2sf) =	vpush @!p1 v3, $0x0;
	_ =	sdelay $0xd  }
0xb8: {  	s2 =	spop @!p1 (v2sf)  }
0xb9: {  	s22 =	spop @!p1 (v2sf)  }
0xba: {  	p2 =	sne.s32 @!p1 s28, s2;
	p3 =	slt.s32 @!p1 s22, $0xF  }
0xbb: {  	[sflag:s0] =	ssyncset.done @!p1 $0x0;
	p2 =	por p2, p1;
	p3 =	por !p3, p1  }
0xbc: {  	[sflag:s0] =	ssyncadd.s32 @!p1 $0xFFFFFFFF;
	v3 =	vimm.s32 @!p2 $0xFFFFFFFF;
	s22 =	simm.s32 @p3 $0xF  }
0xbd: {  	[tilespmem:$0x80] =	vst @!p2 v3;
	s2 =	sadd.s32 @!p1 $0x90, s22  }
0xbe: {  	[spmem:s3] =	stream.linear.scatter @!p1 [tilespmem:s2], [sflag:$0x1], $0x1, $0x38;
	[tilespmem:$0x11A60] =	vst v63  }
0xbf: {  	_ =	swait.ge @!p1 [sflag:s0], $0x1  }
0xc0: {  	[sflag:s0] =	ssyncset.done @!p1 $0x0  }
0xc1: {  	s2 =	simm.s32 @!p1 $0x80;
	[sflag:s0] =	ssyncadd.s32 @!p1 $0xFFFFFFFF  }
0xc2: {  	[spmem:s13] =	stream.linear.scatter @!p1 [tilespmem:s2], [sflag:$0x1], $0x1, $0x38;
	[tilespmem:$0x11A60] =	vst v63  }
0xc3: {  	_ =	swait.ge @!p1 [sflag:s0], $0x1  }
0xc4: {  	[sflag:s0] =	ssyncset.done @!p1 $0x0  }
0xc5: {  	[sflag:s0] =	ssyncadd.s32 @!p1 $0xFFFFFFFF;
	(ifvalue) =	ssetifvalue $0xFFFFFFFF;
	v3 =	vld [tilespmem:s25+$0x10];
	_ =	sdelay $0x3  }
.Ltmp6:
0xc6: {  	_ = 	snop;
	(pc) =	sbr.rel .LBB2_9-.Ltmp6, $3  }
0xc7: {  	_ =	sdelay $0x1  }
0xc8: {  	(ifvalue) =	ssetifvalue $0xFFFFFFFF  }
0xc9: {  	[hbm4b:s1+s16] =	stream.indirect_vreg.scatter [tilespmem:s26], [sflag:$0x9], $0x1, v3, vm0, $0x4038;
	[tilespmem:$0x11A60] =	vst v63  }
.LBB2_10:
0xca: {  	_ =	sfence.sel $0x180000  }
0xcb: {  	s0 =	simm.s32 $0x7;
	[bflag:$0x0] =	sbarrier.arrive $0xFFFF  }
0xcc: {  	s26 =	simm.s32 $0x8;
	[sflag:s0] =	ssyncpa.u1 $0x1  }
0xcd: {  	s28 =	simm.s32 $0x9;
	[sflag:s26] =	ssyncpa.u1 $0x1  }
0xce: {  	[sflag:s28] =	ssyncpa.u1 $0x1  }
0xcf: {  	_ =	sfence.stream.spmem  }
0xd0: {  	s29 =	simm.s32 $0x3;
	[bflag:$0x0] =	sbarrier.arrive $0xFFFF  }
0xd1: {  	s30 =	simm.s32 $0x4;
	[sflag:s29] =	ssyncpa.u1 $0x1  }
0xd2: {  	s31 =	simm.s32 $0x3C;
	s2 =	stileid.u32;
	[sflag:s30] =	ssyncpa.u1 $0x1  }
0xd3: {  	p0 =	sne.s32 s2, $0x0;
	[sflag:s31] =	ssyncpa.u1 $0x1  }
0xd4: {  	s0 =	simm.s32 @p0 $0x1;
	_ =	sfence @p0  }
0xd5: {  	[sflag:s0] =	ssyncpa.u1 @p0 $0x1;
	s0 =	simm.s32 @p0 $0x2  }
0xd6: {  	[sflag:s0] =	ssyncpa.u1 @p0 $0x1  }
0xd7: {  	_ =	strace @p0 $0x90000047  }
0xd8: {  	[bflag:$0x2] =	sbarrier.arrive @p0 $0xFFFF  }
0xd9: {  	_ =	shalt @p0  }
.LBB2_11:
0xda: {  	_ =	sfence.stream.spmem;
	s0 =	simm.s32 $0x5  }
0xdb: {  	s2 =	simm.s32 $0x80;
	s3 =	simm.s32 $0xC0;
	[sflag:s0] =	ssyncpa.u1 $0x0  }
0xdc: {  	[tilespmem:s3], [sflag:$0x5] =	stream.linear.gather [spmem:s2], $0x20, $0x38;
	[tilespmem:$0x11A60] =	vst v63  }
0xdd: {  	s2 =	simm.s32 $0x0;
	s3 =	simm.s32 $0xE0  }
0xde: {  	[tilespmem:s3], [sflag:$0x5] =	stream.linear.gather [spmem:s2], $0x20, $0x38;
	[tilespmem:$0x11A60] =	vst v63  }
.Ltmp7:
0xdf: {  	_ = 	snop;
	(pc) =	sbr.rel .LBB2_12-.Ltmp7, $4  }
0xe0: {  	_ =	swait.ge [sflag:s0], $0x40  }
0xe1: {  	[sflag:s0] =	ssyncset.done $0x0  }
0xe2: {  	s31 =	simm.s32 $0x6;
	[sflag:s0] =	ssyncadd.s32 $0xFFFFFFC0  }
0xe3: {  	s4 =	simm.s32 $0x0;
	[sflag:s31] =	ssyncpa.u1 $0x0  }
.LBB2_17:
0xe4: {  	p0 =	sgt.u32 s5, $0x27FF  }
0xe5: {  	s0 =	sshrl.u32 @!p0 s5, $0x3  }
0xe6: {  	s5 =	sand.u32 @!p0 $0x7, s5;
	s6 =	simm.s32 @!p0 $0xB0;
	s0 =	sadd.s32 @!p0 s1, s0  }
0xe7: {  	[tilespmem:s6], [sflag:$0x6] =	stream.linear.gather @!p0 [hbm4b:s0+s5], $0x1, $0x38;
	[tilespmem:$0x11A60] =	vst v63  }
0xe8: {  	s0 =	simm.s32 @!p0 $0x6  }
0xe9: {  	_ =	swait.ge @!p0 [sflag:s0], $0x1  }
0xea: {  	[sflag:s0] =	ssyncset.done @!p0 $0x0  }
0xeb: {  	[sflag:s0] =	ssyncadd.s32 @!p0 $0xFFFFFFFF  }
0xec: {  	v2 =	vmov @!p0 s4;
	v1 =	vld.msk @!p0 [tilespmem:$0xB0], $0x1;
	_ =	sdelay $0x3  }
0xed: {  	s0 =	simm.s32 @!p0 $0xE0  }
0xee: {  	[tilespmem:v2+s0+$0x0], v1 =	vst.idx.ret.add.f32.msk @!p0 $0x1, v1  }
0xef: {  	[tilespmem:s2+$0xC0] =	vst.msk $0x1, v0  }
0xf0: {  	v0 =	vld.msk [tilespmem:s4+$0xE0], $0x1;
	_ =	sdelay $0x4  }
0xf1: {  	[tilespmem:s2+$0xE0] =	vst.msk $0x1, v0;
	s2 =	sadd.s32 $0x1, s2  }
.LBB2_19:
0xf2: {  	s4 =	sadd.s32 $0x1, s4  }
0xf3: {  	p0 =	sne.s32 s4, $0x20  }
.Ltmp8:
0xf4: {  	_ = 	snop;
	(pc) =	sbr.rel @!p0 .LBB2_20-.Ltmp8, $1  }
0xf5: {  	_ =	sdelay $0x3  }
.LBB2_12:
0xf6: {  	v0 =	vld.msk [tilespmem:s4+$0xC0], $0x1;
	_ =	sdelay $0x4  }
0xf7: {  	(v2sf) =	vpush v0, $0x0;
	_ =	sdelay $0xe  }
0xf8: {  	s5 =	spop (v2sf)  }
0xf9: {  	p0 =	seq.s32 s5, $0xFFFFFFFF  }
.Ltmp9:
0xfa: {  	_ = 	snop;
	(pc) =	sbr.rel @p0 .LBB2_19-.Ltmp9, $1  }
0xfb: {  	_ =	sdelay $0x3  }
0xfc: {  	p0 =	slt.s32 s2, $0x1  }
.Ltmp10:
0xfd: {  	_ = 	snop;
	(pc) =	sbr.rel @p0 .LBB2_17-.Ltmp10, $1  }
0xfe: {  	_ =	sdelay $0x3  }
0xff: {  	s0 =	simm.s32 $0xC0;
	p0 =	por $0x0, $0x0  }
0x100: {  	v1 =	vld.msk @!p0 [tilespmem:s0+$0x0], $0x1;
	_ =	sdelay $0x4  }
0x101: {  	(v2sf) =	vpush @!p0 v1, $0x0;
	_ =	sdelay $0xd  }
0x102: {  	p2 =	sne.s32 s2, $0x1  }
.Ltmp11:
0x103: {  	s6 =	spop @!p0 (v2sf);
	(pc) =	sbr.rel @!p2 .LBB2_16-.Ltmp11, $4  }
0x104: {  	p1 =	seq.s32 @!p0 s5, s6  }
0x105: {  	s6 =	simm.s32 $0x0;
	p1 =	por !p1, p0  }
0x106: {  	s8 =	simm.s32 $0xFFFFFFFF;
	s6 =	simm.s32 @p1 $0xFFFFFFFF  }
0x107: {  	s7 =	simm.s32 $0x1;
	s6 =	smov.u32 @p0 s8  }
.LBB2_15:
0x108: {  	s8 =	smov.u32 s6;
	p0 =	sne.s32 s6, $0xFFFFFFFF  }
0x109: {  	s0 =	sadd.s32 $0x1, s0;
	s6 =	smov.u32 s7;
	s7 =	sadd.s32 $0x1, s7  }
0x10a: {  	p1 =	sne.s32 s2, s7;
	v1 =	vld.msk @!p0 [tilespmem:s0+$0x0], $0x1;
	_ =	sdelay $0x4  }
0x10b: {  	(v2sf) =	vpush @!p0 v1, $0x0;
	_ =	sdelay $0xe  }
.Ltmp12:
0x10c: {  	s9 =	spop @!p0 (v2sf);
	(pc) =	sbr.rel @p1 .LBB2_15-.Ltmp12, $4  }
0x10d: {  	p2 =	seq.s32 @!p0 s5, s9  }
0x10e: {  	p2 =	por !p2, p0  }
0x10f: {  	s6 =	simm.s32 @p2 $0xFFFFFFFF  }
0x110: {  	s6 =	smov.u32 @p0 s8  }
.LBB2_16:
0x111: {  	p0 =	sne.s32 s6, $0xFFFFFFFF  }
.Ltmp13:
0x112: {  	_ = 	snop;
	(pc) =	sbr.rel @!p0 .LBB2_17-.Ltmp13, $1  }
0x113: {  	_ =	sdelay $0x3  }
0x114: {  	v0 =	vld.msk [tilespmem:s4+$0xE0], $0x1;
	v1 =	vmov s6  }
.Ltmp14:
0x115: {  	_ = 	snop;
	(pc) =	sbr.rel .LBB2_19-.Ltmp14, $2  }
0x116: {  	_ =	sdelay $0x2  }
0x117: {  	[tilespmem:v1+s3+$0x0], v0 =	vst.idx.ret.add.f32.msk $0x1, v0  }
.LBB2_20:
0x118: {  	p0 =	slt.s32 s2, $0x1  }
.Ltmp15:
0x119: {  	_ = 	snop;
	(pc) =	sbr.rel @p0 .LBB2_24-.Ltmp15, $3  }
0x11a: {  	_ =	sdelay $0x1  }
0x11b: {  	s0 =	simm.s32 $0x6  }
0x11c: {  	s3 =	simm.s32 $0x0;
	[sflag:s0] =	ssyncpa.u1 $0x1  }
0x11d: {  	s0 =	simm.s32 $0xC0  }
0x11e: {  	v0 =	vld.msk [tilespmem:s0+$0x0], $0x1;
	_ =	sdelay $0x4  }
0x11f: {  	(v2sf) =	vpush v0, $0x0;
	_ =	sdelay $0xe  }
0x120: {  	s2 =	sadd.s32 $0xFFFFFFFF, s2;
	s4 =	spop (v2sf)  }
0x121: {  	p1 =	sne.s32 s2, $0x0;
	p0 =	sgt.u32 s4, $0x27FF  }
.Ltmp16:
0x122: {  	s5 =	sshrl.u32 @!p0 s4, $0x3;
	(pc) =	sbr.rel @!p1 .LBB2_23-.Ltmp16, $4  }
0x123: {  	s0 =	simm.s32 $0xE0;
	s4 =	sand.u32 @!p0 $0x7, s4;
	s5 =	sadd.s32 @!p0 s1, s5  }
0x124: {  	[hbm4b:s5+s4] =	stream.linear.scatter @!p0 [tilespmem:s0], [sflag:$0x5], $0x1, $0x38;
	[tilespmem:$0x11A60] =	vst v63  }
0x125: {  	s5 =	simm.s32 $0x0  }
0x126: {  	s4 =	simm.s32 $0xC1;
	s5 =	simm.s32 @!p0 $0x4  }
.LBB2_22:
0x127: {  	v0 =	vld.msk [tilespmem:s4+$0x0], $0x1;
	s2 =	sadd.s32 $0xFFFFFFFF, s2;
	s3 =	sadd.s32 s3, s5  }
0x128: {  	p0 =	sne.s32 s2, $0x0;
	_ =	sdelay $0x3  }
0x129: {  	(v2sf) =	vpush v0, $0x0;
	_ =	sdelay $0xe  }
.Ltmp17:
0x12a: {  	s6 =	spop (v2sf);
	(pc) =	sbr.rel @p0 .LBB2_22-.Ltmp17, $4  }
0x12b: {  	s5 =	simm.s32 $0x0;
	p1 =	sgt.u32 s6, $0x27FF  }
0x12c: {  	s0 =	sadd.s32 $0x1, s0;
	s5 =	simm.s32 @!p1 $0x4;
	s7 =	sshrl.u32 @!p1 s6, $0x3  }
0x12d: {  	s4 =	sadd.s32 $0x1, s4;
	s6 =	sand.u32 @!p1 $0x7, s6;
	s7 =	sadd.s32 @!p1 s1, s7  }
0x12e: {  	[hbm4b:s7+s6] =	stream.linear.scatter @!p1 [tilespmem:s0], [sflag:$0x5], $0x1, $0x38;
	[tilespmem:$0x11A60] =	vst v63  }
.LBB2_23:
0x12f: {  	s0 =	sadd.s32 s3, s5  }
0x130: {  	s3 =	sshrl.u32 s0, $0x2  }
.LBB2_24:
0x131: {  	s0 =	simm.s32 $0x5  }
0x132: {  	_ =	swait.ge [sflag:s0], s3  }
0x133: {  	s1 =	ssub.s32 $0x0, s3;
	[sflag:s0] =	ssyncset.done $0x0  }
0x134: {  	[sflag:s0] =	ssyncadd.s32 s1  }
0x135: {  	[sflag:s0] =	ssyncpa.u1 $0x1  }
0x136: {  	s29 =	simm.s32 $0x1;
	_ =	sfence  }
0x137: {  	s30 =	simm.s32 $0x2;
	[sflag:s29] =	ssyncpa.u1 $0x1  }
0x138: {  	[sflag:s30] =	ssyncpa.u1 $0x1  }
0x139: {  	_ =	strace $0x90000047  }
0x13a: {  	[bflag:$0x2] =	sbarrier.arrive $0xFFFF  }
0x13b: {  	s31 =	rddreg [dreg:$0x1]  }
0x13c: {  	s0 =	sadd.s32 $0x100000, s31  }
0x13d: {  	[sflag:s0] =	ssyncadd.tile.s32 $0x1;
	_ =	shalt  }
.Lfunc_end2:
_tile_overlayer_lowered:
.L_overlay_start_2:
0x13e: {  	(tag) =	ssettag $0x2  }
0x13f: {  	s0 =	rddreg [dreg:$0x0];
	s2 =	stileid.u32  }
0x140: {  	s1 =	rddreg [dreg:$0x1];
	p0 =	sne.s32 s2, $0x0  }
0x141: {  	s3 =	rddreg [dreg:$0x2];
	[bflag:$0x3] =	sbarrier.arrive $0xFFFF;
	s2 =	simm.s32 @!p0 $0x1C01  }
0x142: {  	[timem:s3], [sflag:s2] =	dma.local @!p0 [hbm:s0], s1  }
0x143: {  	s0 =	simm.s32 @!p0 $0x1  }
0x144: {  	_ =	swait.ge @!p0 [sflag:s0], s1  }
0x145: {  	s1 =	ssub.s32 @!p0 $0x0, s1;
	[sflag:s0] =	ssyncset.done @!p0 $0x0  }
0x146: {  	[sflag:s0] =	ssyncadd.s32 @!p0 s1  }
0x147: {  	[bflag:$0x3] =	sbarrier.arrive $0xFFFF  }
0x148: {  	_ =	shalt  }

// kernel: scatter_offload_async_start.2
scs
__scs_entry_jumppad:
0x0: {  	(pc) =	sbr.rel $0x88, $3  }
0x1: {  	(tag) =	ssettag $0x0;
	lr =	simm.s32 $0x1  }
0x2: {  	[smem:$0x3F99] =	sst lr;
	_ =	strace $0xD0000000  }
0x3: {  	_ = 	snop  }
0x4: {  	_ = 	snop  }
0x5: {  	_ = 	snop  }
0x6: {  	_ = 	snop  }
0x7: {  	_ = 	snop  }
__scs_overlays_trampoline_lowered:
0x8: {  	[smem:$0x3FA8] =	sst s0  }
0x9: {  	[smem:$0x3FA9] =	sst s1  }
0xa: {  	[smem:$0x3FAA] =	sst s2  }
0xb: {  	[smem:$0x3FAB] =	sst s3  }
0xc: {  	[smem:$0x3FAC] =	sst s4  }
0xd: {  	[smem:$0x3FAD] =	sst s5  }
0xe: {  	[smem:$0x3FAE] =	sst s6  }
0xf: {  	[smem:$0x3FAF] =	sst s7  }
0x10: {  	[smem:$0x3FB0] =	sst s8  }
0x11: {  	[smem:$0x3FB1] =	sst s9;
	s0 =	simm.s32 @!p0 $0x0  }
0x12: {  	s1 =	sld [smem:$0x3F97];
	s0 =	simm.s32 @p0 $0x1  }
0x13: {  	[smem:$0x3FB2] =	sst s0;
	s0 =	simm.s32 @!p1 $0x0  }
0x14: {  	s2 =	sld [smem:$0x3F96];
	s0 =	simm.s32 @p1 $0x1  }
0x15: {  	[smem:$0x3FB3] =	sst s0;
	s0 =	simm.s32 @!p2 $0x0  }
0x16: {  	s3 =	sld [smem:$0x3FDB];
	s0 =	simm.s32 @p2 $0x1  }
0x17: {  	s4 =	simm.s32 $0x1BF5;
	[smem:$0x3FB5] =	sst s0  }
0x18: {  	s0 =	sld [smem:$0x3F98];
	_ =	swait.ge [sflag:s4], $0x0  }
0x19: {  	s7 =	sld [smem:$0x3F99]  }
0x1a: {  	s8 =	sadd.s32 $0xFFFFE003, lr  }
0x1b: {  	s9 =	sadd.s32 $0xFFFFFEF7, lr;
	s5 =	simm.s32 $0xFFFFFFFF;
	p2 =	slt.u32 s8, $0xFFFFF086  }
0x1c: {  	p1 =	slt.u32 s9, $0xF7A;
	s5 =	simm.s32 @!p2 $0x0  }
0x1d: {  	s5 =	simm.s32 @p1 $0x1;
	p0 =	seq.s32 s7, s2  }
0x1e: {  	s7 =	smul.u32 @!p0 $0xF7A, s2;
	p2 =	seq.s32 @!p0 s5, $0x0  }
0x1f: {  	s9 =	smul.u32 $0xF7A, s1;
	s8 =	simm.s32 @!p0 $0x1BF5;
	p2 =	por !p2, p0  }
0x20: {  	[sflag:s8] =	ssyncset.s32 @!p0 $0xFFFFF086;
	s6 =	sadd.s32 @!p0 s3, s7;
	s7 =	simm.s32 @!p0 $0x108  }
0x21: {  	s3 =	sadd.s32 s3, s9;
	s6 =	sadd.s32 @!p0 $0x88, s6;
	s7 =	simm.s32 @p2 $0x1082  }
0x22: {  	[simem:s7], [sflag:s8] =	dma.local @!p0 [hbm:s6], $0xF7A  }
0x23: {  	s9 =	sor.u32 $0xD0000000, s2;
	s6 =	simm.s32 $0x108;
	_ =	swait.ge @!p0 [sflag:s8], $0x0  }
0x24: {  	s3 =	sadd.s32 $0x88, s3;
	s6 =	simm.s32 @!p1 $0x1082;
	[sflag:s4] =	ssyncset.s32 $0xFFFFF086  }
0x25: {  	[simem:s6], [sflag:s4] =	dma.local [hbm:s3], $0xF7A  }
0x26: {  	[smem:$0x3F99] =	sst s1;
	(tag) =	ssettag s2;
	_ =	strace s9  }
0x27: {  	s1 =	sld [smem:$0x3FA9]  }
0x28: {  	s2 =	sld [smem:$0x3FAA]  }
0x29: {  	s4 =	sld [smem:$0x3FAC]  }
0x2a: {  	p0 =	seq.s32 s5, $0x0;
	s5 =	sld [smem:$0x3FAD]  }
0x2b: {  	s6 =	sld [smem:$0x3FAE]  }
0x2c: {  	s7 =	sld [smem:$0x3FAF]  }
0x2d: {  	s3 =	simm.s32 $0x108;
	s8 =	sld [smem:$0x3FB0]  }
0x2e: {  	s3 =	simm.s32 @!p0 $0x1082;
	s9 =	sld [smem:$0x3FB1]  }
0x2f: {  	lr =	sadd.s32 s0, s3;
	s0 =	sld [smem:$0x3FA8]  }
0x30: {  	s3 =	sld [smem:$0x3FAB]  }
0x31: {  	[smem:$0x3FB4] =	sst s10  }
0x32: {  	s10 =	sld [smem:$0x3FB2];
	_ =	sdelay $0x3  }
0x33: {  	p0 =	seq.s32 s10, $0x1;
	s10 =	sld [smem:$0x3FB4];
	_ =	sdelay $0x3  }
0x34: {  	[smem:$0x3FB4] =	sst s10  }
0x35: {  	s10 =	sld [smem:$0x3FB3];
	_ =	sdelay $0x3  }
0x36: {  	p1 =	seq.s32 s10, $0x1;
	s10 =	sld [smem:$0x3FB4];
	_ =	sdelay $0x3  }
0x37: {  	[smem:$0x3FB4] =	sst s10  }
0x38: {  	s10 =	sld [smem:$0x3FB5]  }
0x39: {  	_ = 	snop;
	(pc) =	sbr.ind lr, $3  }
0x3a: {  	_ = 	snop  }
0x3b: {  	_ = 	snop  }
0x3c: {  	p2 =	seq.s32 s10, $0x1;
	s10 =	sld [smem:$0x3FB4]  }
0x3d: {  	_ =	shalt  }
0x3e: {  	_ =	shalt  }
0x3f: {  	_ =	shalt  }
0x40: {  	_ =	shalt  }
0x41: {  	_ =	shalt  }
0x42: {  	_ =	shalt  }
0x43: {  	_ =	shalt  }
0x44: {  	_ =	shalt  }
0x45: {  	_ =	shalt  }
0x46: {  	_ =	shalt  }
0x47: {  	_ =	shalt  }
0x48: {  	_ =	shalt  }
0x49: {  	_ =	shalt  }
0x4a: {  	_ =	shalt  }
0x4b: {  	_ =	shalt  }
0x4c: {  	_ =	shalt  }
0x4d: {  	_ =	shalt  }
0x4e: {  	_ =	shalt  }
0x4f: {  	_ =	shalt  }
0x50: {  	_ =	shalt  }
0x51: {  	_ =	shalt  }
0x52: {  	_ =	shalt  }
0x53: {  	_ =	shalt  }
0x54: {  	_ =	shalt  }
0x55: {  	_ =	shalt  }
0x56: {  	_ =	shalt  }
0x57: {  	_ =	shalt  }
0x58: {  	_ =	shalt  }
0x59: {  	_ =	shalt  }
0x5a: {  	_ =	shalt  }
0x5b: {  	_ =	shalt  }
0x5c: {  	_ =	shalt  }
0x5d: {  	_ =	shalt  }
0x5e: {  	_ =	shalt  }
0x5f: {  	_ =	shalt  }
0x60: {  	_ =	shalt  }
0x61: {  	_ =	shalt  }
0x62: {  	_ =	shalt  }
0x63: {  	_ =	shalt  }
0x64: {  	_ =	shalt  }
0x65: {  	_ =	shalt  }
0x66: {  	_ =	shalt  }
0x67: {  	_ =	shalt  }
0x68: {  	_ =	shalt  }
0x69: {  	_ =	shalt  }
0x6a: {  	_ =	shalt  }
0x6b: {  	_ =	shalt  }
0x6c: {  	_ =	shalt  }
0x6d: {  	_ =	shalt  }
0x6e: {  	_ =	shalt  }
0x6f: {  	_ =	shalt  }
0x70: {  	_ =	shalt  }
0x71: {  	_ =	shalt  }
0x72: {  	_ =	shalt  }
0x73: {  	_ =	shalt  }
0x74: {  	_ =	shalt  }
0x75: {  	_ =	shalt  }
0x76: {  	_ =	shalt  }
0x77: {  	_ =	shalt  }
0x78: {  	_ =	shalt  }
0x79: {  	_ =	shalt  }
0x7a: {  	_ =	shalt  }
0x7b: {  	_ =	shalt  }
0x7c: {  	_ =	shalt  }
0x7d: {  	_ =	shalt  }
0x7e: {  	_ =	shalt  }
0x7f: {  	_ =	shalt  }
0x80: {  	_ =	shalt  }
0x81: {  	_ =	shalt  }
0x82: {  	_ =	shalt  }
0x83: {  	_ =	shalt  }
0x84: {  	_ =	shalt  }
0x85: {  	_ =	shalt  }
0x86: {  	_ =	shalt  }
0x87: {  	_ =	shalt  }
.Lfunc_end0:
.L_simem_size_0:
called_computation.2_lowered:
.L_overlay_start_0:
0x88: {  	s2 =	sld [smem:$0x3FD9]  }
0x89: {  	s3 =	sld [smem:$0x3FFE];
	_ =	sdelay $0x1  }
0x8a: {  	s1 =	srdreg.scid  }
0x8b: {  	s0 =	sand.u32 $0x1, s1  }
0x8c: {  	s15 =	sshll.u32 s0, $0xA;
	s2 =	sadd.s32 s3, s2  }
0x8d: {  	s2 =	sadd.s32 s2, s15  }
0x8e: {  	[smem:$0x3FC0] =	sst s2  }
0x8f: {  	_ = 	snop  }
0x90: {  	(tm) =	ssettm $0x1  }
0x91: {  	s16 =	sld [smem:$0x3FFB];
	_ =	sdelay $0x3  }
0x92: {  	_ =	strace s16  }
0x93: {  	s2 =	sld [smem:$0x3FFC];
	_ =	sdelay $0x3  }
0x94: {  	_ =	strace s2  }
0x95: {  	s2 =	sld [smem:$0x3FFD];
	_ =	sdelay $0x3  }
0x96: {  	_ =	strace s2  }
0x97: {  	_ =	strace $0x8FFFFFFF  }
0x98: {  	s17 =	sld [smem:$0x3FDB];
	_ =	sdelay $0x1  }
0x99: {  	s18 =	simm.s32 $_scs_section_size  }
0x9a: {  	s4 =	simm.s32 $_size__tile_overlayer_lowered;
	s5 =	simm.s32 $_tile_overlayer_lowered  }
0x9b: {  	s6 =	simm.s32 $0x1BFF;
	s19 =	sshll.u32 s5, $0x1;
	s3 =	sadd.s32 s18, s17  }
0x9c: {  	s20 =	simm.s32 $0x0;
	s4 =	sshll.u32 s4, $0x1;
	s5 =	sadd.s32 s19, s3  }
0x9d: {  	[timem:s20], [sflag:s6] =	dma.local [hbm:s5], s4  }
0x9e: {  	_ =	swait.ge [sflag:s6], s4  }
0x9f: {  	s4 =	ssub.s32 $0x0, s4;
	[sflag:s6] =	ssyncset.done $0x0  }
0xa0: {  	[sflag:s6] =	ssyncadd.s32 s4;
	_ =	sdelay $0x1  }
0xa1: {  	s21 =	simm.s32 $0x1B8B  }
0xa2: {  	_ =	swait.ge [sflag:s21], $0x1  }
0xa3: {  	[sflag:s21] =	ssyncset.done $0x0  }
0xa4: {  	s22 =	sld [smem:$0x3FFE];
	[sflag:s21] =	ssyncadd.s32 $0xFFFFFFFF  }
0xa5: {  	s24 =	simm.s32 $0x1B8E;
	s23 =	sld [smem:$0x0]  }
0xa6: {  	s25 =	simm.s32 $execute0_lowered;
	[smem:$0x3FD2] =	sst s24  }
0xa7: {  	s6 =	sshll.u32 s25, $0x1;
	_ =	strace $0x8000004F;
	[dreg:$0x1] =	wrdreg $0xFFFFFFFF  }
0xa8: {  	s7 =	simm.s32 $_size_execute0_lowered;
	s6 =	sadd.s32 s3, s6;
	[dreg:$0x0] =	wrdreg $0x0  }
0xa9: {  	s7 =	sshll.u32 s7, $0x1;
	[dreg:$0x2] =	wrdreg s6  }
0xaa: {  	[dreg:$0x3] =	wrdreg s7  }
0xab: {  	[dreg:$0x4] =	wrdreg $0xC0  }
0xac: {  	s26 =	simm.s32 $execute1_lowered;
	_ =	task [dreg:s20], $0x5FFFF  }
0xad: {  	s6 =	sshll.u32 s26, $0x1;
	[dreg:$0x1] =	wrdreg $0xFFFFFFFF  }
0xae: {  	s3 =	sadd.s32 s3, s6;
	[dreg:$0x0] =	wrdreg $0x60  }
0xaf: {  	[dreg:$0x2] =	wrdreg s3  }
0xb0: {  	[dreg:$0x3] =	wrdreg s22  }
0xb1: {  	[dreg:$0x4] =	wrdreg $0x9  }
0xb2: {  	_ =	task.clear_ibuf [dreg:s20], $0x5FFFF;
	_ =	strace $0x9000004F  }
0xb3: {  	s28 =	simm.s32 $0x9;
	_ =	strace $0x80000051  }
0xb4: {  	_ =	swait.ge [sflag:s28], $0x1  }
0xb5: {  	[sflag:s28] =	ssyncadd.s32 $0xFFFFFFFF  }
0xb6: {  	_ =	strace $0x90000051  }
0xb7: {  	s3 =	sld [smem:$0x0]  }
0xb8: {  	s6 =	sand.u32 $0xFFFFFFFE, s1  }
0xb9: {  	p0 =	sne.s32 s1, s6  }
0xba: {  	s6 =	sshll.u32 @p0 s6, $0xE  }
0xbb: {  	s6 =	sadd.s32 @p0 $0x11BF3, s6;
	s7 =	sshll.u32 @p0 s3, $0x11  }
0xbc: {  	s6 =	sor.u32 @p0 s7, s6  }
0xbd: {  	[sflag:s6] =	ssyncadd.remote.s32 @p0 $0x1;
	_ =	sdelay $0x1  }
0xbe: {  	s6 =	simm.s32 @p0 $0x1BF3  }
0xbf: {  	_ =	swait.eq @p0 [sflag:s6], $0x1  }
0xc0: {  	[sflag:s6] =	ssyncadd.s32 @p0 $0xFFFFFFFF  }
0xc1: {  	s7 =	sshll.u32 @!p0 s1, $0xE  }
0xc2: {  	s7 =	sor.u32 @!p0 $0x4000, s7;
	s6 =	simm.s32 @!p0 $0x1BF3  }
0xc3: {  	s3 =	sshll.u32 @!p0 s3, $0x11;
	s7 =	sadd.s32 @!p0 $0x11BF3, s7;
	_ =	swait.eq @!p0 [sflag:s6], $0x1  }
0xc4: {  	s3 =	sor.u32 @!p0 s3, s7;
	[sflag:s6] =	ssyncadd.s32 @!p0 $0xFFFFFFFF  }
0xc5: {  	[sflag:s3] =	ssyncadd.remote.s32 @!p0 $0x1  }
0xc6: {  	_ =	strace $0x80000052;
	[dreg:$0x1] =	wrdreg $0xFFFFFFFF  }
0xc7: {  	[dreg:$0x0] =	wrdreg $0x2030  }
0xc8: {  	[dreg:$0x2] =	wrdreg s22  }
0xc9: {  	[dreg:$0x3] =	wrdreg s1  }
0xca: {  	[dreg:$0x4] =	wrdreg s23  }
0xcb: {  	[dreg:$0x5] =	wrdreg $0xA  }
0xcc: {  	_ =	task.clear_ibuf [dreg:s20], $0x6FFFF;
	_ =	strace $0x90000052  }
0xcd: {  	s29 =	simm.s32 $0xA;
	_ =	strace $0x80000054  }
0xce: {  	_ =	swait.ge [sflag:s29], $0x1  }
0xcf: {  	[sflag:s29] =	ssyncadd.s32 $0xFFFFFFFF  }
0xd0: {  	_ =	strace $0x90000054  }
0xd1: {  	_ =	sfence  }
0xd2: {  	s30 =	sld [smem:$0x0];
	_ =	sdelay $0x2  }
0xd3: {  	s31 =	sshll.u32 s1, $0xD;
	s1 =	sshrl.u32 s1, $0x2  }
0xd4: {  	s4 =	sand.u32 $0x4000, s31;
	s1 =	sadd.s32 s1, s30  }
0xd5: {  	s0 =	sor.u32 s4, s0;
	s1 =	sshll.u32 s1, $0x11  }
0xd6: {  	s0 =	sor.u32 s1, s0  }
0xd7: {  	s0 =	sadd.s32 $0x8F2B, s0  }
0xd8: {  	[sflag:s0] =	ssyncadd.remote.s32 $0x1  }
0xd9: {  	_ =	sfence.sel $0xFFFF  }
0xda: {  	[dreg:$0x0] =	wrdreg $0xFFFFFFFF;
	(pc) =	sbr.abs _section_cstart, $3  }
0xdb: {  	[dreg:$0x1] =	wrdreg $0xFFFFFFFF  }
0xdc: {  	_ =	task.clear_ibuf [dreg:s20], $0x2FFFF;
	_ =	strace $0x9FFFFFFF  }
0xdd: {  	(tm) =	ssettm $0x7FFFFFFF  }
tec
execute0_lowered:
.L_overlay_start_1:
0x0: {  	(tag) =	ssettag $0x1  }
0x1: {  	s2 =	rddreg [dreg:$0x0]  }
0x2: {  	s4 =	rddreg [dreg:$0x1]  }
0x3: {  	s0 =	rddreg [dreg:$0x2];
	s3 =	stileid.u32  }
0x4: {  	[bflag:$0x3] =	sbarrier.arrive $0xFFFF;
	s1 =	simm.s32 $_size_execute1_lowered;
	s29 =	srdreg.scid  }
0x5: {  	s7 =	simm.s32 $0x2;
	s8 =	simm.s32 $0x0;
	p0 =	sne.s32 s3, $0x0  }
0x6: {  	s1 =	sshll.u32 s1, $0x1;
	s5 =	simm.s32 @!p0 $0x1C3F;
	s6 =	simm.s32 @!p0 $0x4060  }
0x7: {  	[timem:s6], [sflag:s5] =	dma.local @!p0 [hbm:s2], s1  }
0x8: {  	s12 =	simm.s32 $0x0;
	s10 =	simm.s32 $0x0;
	s2 =	sshll.u32 s29, $0x7  }
.Ltmp0:
0x9: {  	s3 =	sshll.u32 s3, $0x8;
	s30 =	sand.u32 $0x80, s2;
	(pc) =	sbr.rel .LBB2_1-.Ltmp0, $4  }
0xa: {  	s11 =	simm.s32 $0x0;
	_ =	strace $0x80000050;
	s3 =	sor.u32 s3, s30  }
0xb: {  	s5 =	simm.s32 $0x1;
	s2 =	sadd.s32 $0x513E00, s4;
	s31 =	ssub.s32 $0x2700, s3  }
0xc: {  	s4 =	sadd.s32 $0x563800, s4;
	[sflag:s5] =	ssyncpa.u1 $0x0;
	s6 =	sshrl.u32 s31, $0xC  }
0xd: {  	[sflag:s7] =	ssyncpa.u1 $0x0;
	s9 =	smov.u32 s3;
	s7 =	sadd.s32 $0x2, s6  }
.LBB2_4:
0xe: {  	_ = 	snop  }
.LBB2_7:
0xf: {  	_ =	sdelay $0x3  }
0x10: {  	[tilespmem:v0+s16+$0x0 ss:$0x1] =	vst.idx.msk @p1 $0xffff, v2  }
0x11: {  	v56 =	vld.idx.msk [tilespmem:v1+s15+$0x0 ss:$0x1], $0xffff;
	s24 =	sor.u32 $0x70, s15;
	[tilespmem:v0+s17+$0x0 ss:$0x1] =	vst.idx.msk @p1 $0xffff, v4  }
0x12: {  	s25 =	sor.u32 $0x10, s15;
	[tilespmem:v0+s18+$0x0 ss:$0x1] =	vst.idx.msk @p1 $0xffff, v3;
	v57 =	vld.idx.msk [tilespmem:v1+s24+$0x0 ss:$0x1], $0xffff  }
0x13: {  	s26 =	sor.u32 $0x20, s15;
	[tilespmem:v0+s19+$0x0 ss:$0x1] =	vst.idx.msk @p1 $0xffff, v5;
	v58 =	vld.idx.msk [tilespmem:v1+s25+$0x0 ss:$0x1], $0xffff  }
0x14: {  	s28 =	sor.u32 $0x30, s15;
	[tilespmem:v0+s20+$0x0 ss:$0x1] =	vst.idx.msk @p1 $0xffff, v6;
	v59 =	vld.idx.msk [tilespmem:v1+s26+$0x0 ss:$0x1], $0xffff  }
0x15: {  	s29 =	sor.u32 $0x40, s15;
	[tilespmem:v0+s21+$0x0 ss:$0x1] =	vst.idx.msk @p1 $0xffff, v7;
	v60 =	vld.idx.msk [tilespmem:v1+s28+$0x0 ss:$0x1], $0xffff  }
0x16: {  	s30 =	sor.u32 $0x50, s15;
	v61 =	vld.idx.msk [tilespmem:v1+s29+$0x0 ss:$0x1], $0xffff;
	[tilespmem:v0+s15+$0x0 ss:$0x1] =	vst.idx.msk $0xffff, v56  }
0x17: {  	s31 =	sor.u32 $0x60, s15;
	v62 =	vld.idx.msk [tilespmem:v1+s30+$0x0 ss:$0x1], $0xffff;
	[tilespmem:v0+s24+$0x0 ss:$0x1] =	vst.idx.msk $0xffff, v57  }
0x18: {  	v63 =	vld.idx.msk [tilespmem:v1+s31+$0x0 ss:$0x1], $0xffff;
	[tilespmem:v0+s25+$0x0 ss:$0x1] =	vst.idx.msk $0xffff, v58  }
0x19: {  	[tilespmem:v0+s26+$0x0 ss:$0x1] =	vst.idx.msk $0xffff, v59  }
0x1a: {  	[tilespmem:v0+s28+$0x0 ss:$0x1] =	vst.idx.msk $0xffff, v60  }
0x1b: {  	[tilespmem:v0+s29+$0x0 ss:$0x1] =	vst.idx.msk $0xffff, v61  }
0x1c: {  	[tilespmem:v0+s30+$0x0 ss:$0x1] =	vst.idx.msk $0xffff, v62  }
0x1d: {  	[tilespmem:v0+s31+$0x0 ss:$0x1] =	vst.idx.msk $0xffff, v63  }
.LBB2_8:
0x1e: {  	s15 =	sand.u32 $0x1FFFFFF, s10  }
0x1f: {  	s16 =	smulhi.u32 $0x1A36E2F, s15;
	_ =	sdelay $0x1  }
0x20: {  	s16 =	sshrl.u32 s16, $0x6  }
0x21: {  	s16 =	smul.u32 $0x2710, s16;
	_ =	sdelay $0x1  }
0x22: {  	s15 =	ssub.s32 s15, s16  }
0x23: {  	s15 =	sshll.u32 s15, $0x4  }
0x24: {  	s15 =	sadd.s32 s4, s15  }
0x25: {  	[hbm4b:s15+s8] =	stream.linear.scatter [tilespmem:s14], [sflag:$0x2], s13, $0x38;
	[tilespmem:$0x10000] =	vst v63  }
.LBB2_9:
0x26: {  	p1 =	slt.u32 s11, $0x2  }
0x27: {  	p2 =	sgt.s32 @!p1 s12, $0x2690  }
0x28: {  	s13 =	smov.u32 s12;
	s14 =	sshra.s32 @!p1 s12, $0x1F;
	p2 =	por !p2, p1  }
0x29: {  	s12 =	sand.u32 @!p1 s14, s12;
	s13 =	simm.s32 @p2 $0x2690  }
0x2a: {  	s12 =	ssub.s32 @!p1 s13, s12  }
0x2b: {  	s12 =	sadd.s32 @!p1 $0xFFFFD970, s12  }
0x2c: {  	s13 =	sshll.u32 @!p1 s12, $0x9  }
0x2d: {  	p2 =	sgt.s32 @!p1 s12, $0x7F;
	s12 =	ssub.s32 @!p1 $0x10000, s13  }
0x2e: {  	s14 =	sadd.s32 $0x1000, s9;
	p2 =	por !p2, p1;
	s12 =	sshrl.u32 @!p1 s12, $0x2  }
0x2f: {  	s12 =	simm.s32 @!p2 $0x0;
	p2 =	sgt.s32 s14, $0x270F  }
0x30: {  	s14 =	smov.u32 @p2 s3;
	p2 =	sne.s32 s11, s7  }
.Ltmp1:
0x31: {  	_ = 	snop;
	(pc) =	sbr.rel @!p2 .LBB2_10-.Ltmp1, $4  }
0x32: {  	s13 =	simm.s32 @!p1 $0x2  }
0x33: {  	_ =	swait.ge @!p1 [sflag:s13], s12;
	s15 =	ssub.s32 @!p1 $0x0, s12  }
0x34: {  	s12 =	smov.u32 s10;
	s11 =	sadd.s32 $0x1, s11;
	[sflag:s13] =	ssyncset.done @!p1 $0x0  }
0x35: {  	s10 =	smov.u32 s9;
	s9 =	smov.u32 s14;
	[sflag:s13] =	ssyncadd.s32 @!p1 s15  }
.LBB2_1:
0x36: {  	p1 =	sgt.u32 s11, s6  }
0x37: {  	s13 =	sand.u32 @!p1 $0x1FFFFFF, s9  }
0x38: {  	p2 =	sgt.s32 @!p1 s9, $0x2690;
	s14 =	smulhi.u32 @!p1 $0x1A36E2F, s13  }
0x39: {  	s15 =	smov.u32 s9;
	s16 =	sshra.s32 @!p1 s9, $0x1F;
	p2 =	por !p2, p1  }
0x3a: {  	s16 =	sand.u32 @!p1 s16, s9;
	s15 =	simm.s32 @p2 $0x2690;
	s14 =	sshrl.u32 @!p1 s14, $0x6  }
0x3b: {  	s15 =	ssub.s32 @!p1 s15, s16;
	s14 =	smul.u32 @!p1 $0x2710, s14  }
0x3c: {  	s16 =	sxor.u32 @!p1 $0xFFFFFFFF, s11;
	s15 =	sadd.s32 @!p1 $0xFFFFD970, s15  }
0x3d: {  	s16 =	sshll.u32 @!p1 s16, $0xE;
	s13 =	ssub.s32 @!p1 s13, s14;
	s14 =	sshll.u32 @!p1 s15, $0x9  }
0x3e: {  	s16 =	sand.u32 @!p1 $0x4000, s16;
	p2 =	sgt.s32 @!p1 s15, $0x7F;
	s14 =	ssub.s32 @!p1 $0x10000, s14  }
0x3f: {  	p2 =	por !p2, p1;
	s13 =	sshll.u32 @!p1 s13, $0x4;
	s14 =	sshrl.u32 @!p1 s14, $0x2  }
0x40: {  	s15 =	simm.s32 @!p1 $0x0;
	s13 =	sadd.s32 @!p1 s2, s13;
	s14 =	simm.s32 @!p2 $0x0  }
0x41: {  	[tilespmem:s16], [sflag:$0x1] =	stream.linear.gather @!p1 [hbm4b:s13+s15], s14, $0x38;
	[tilespmem:$0x10000] =	vst v63  }
0x42: {  	p1 =	seq.s32 s11, $0x0  }
0x43: {  	p2 =	sge.u32 @!p1 s11, s7  }
0x44: {  	p1 =	por p1, p2  }
.Ltmp2:
0x45: {  	_ = 	snop;
	(pc) =	sbr.rel @p1 .LBB2_9-.Ltmp2, $1  }
0x46: {  	_ =	sdelay $0x3  }
0x47: {  	p1 =	sgt.s32 s10, $0x2690;
	s13 =	smov.u32 s10;
	s14 =	sshra.s32 s10, $0x1F  }
0x48: {  	s13 =	simm.s32 @!p1 $0x2690;
	s14 =	sand.u32 s14, s10  }
0x49: {  	s13 =	ssub.s32 s13, s14  }
0x4a: {  	s13 =	sadd.s32 $0xFFFFD970, s13  }
0x4b: {  	s31 =	sshll.u32 s13, $0x9  }
0x4c: {  	s14 =	ssub.s32 $0x10000, s31  }
0x4d: {  	p1 =	sgt.s32 s13, $0x7F;
	s13 =	sshrl.u32 s14, $0x2;
	s14 =	sadd.s32 $0x80, s10  }
0x4e: {  	s13 =	simm.s32 @p1 $0x0;
	p1 =	slt.s32 s14, $0x2710  }
0x4f: {  	s14 =	simm.s32 @!p1 $0x2710  }
0x50: {  	s16 =	ssub.s32 s14, s10  }
0x51: {  	p1 =	slt.s32 s16, $0x1  }
.Ltmp3:
0x52: {  	_ = 	snop;
	(pc) =	sbr.rel @p1 .LBB2_8-.Ltmp3, $4  }
0x53: {  	_ = 	snop  }
0x54: {  	s15 =	sshll.u32 s11, $0xE;
	_ =	swait.ge [sflag:s5], s13  }
0x55: {  	s15 =	sand.u32 $0x4000, s15;
	s17 =	ssub.s32 $0x0, s13;
	[sflag:s5] =	ssyncset.done $0x0  }
0x56: {  	s14 =	sor.u32 $0x8000, s15;
	[sflag:s5] =	ssyncadd.s32 s17  }
0x57: {  	p2 =	sne.s32 s16, $0x1  }
.Ltmp4:
0x58: {  	v1 =	vmov s15;
	v0 =	vmov s14;
	(pc) =	sbr.rel @!p2 .LBB2_4-.Ltmp4, $3  }
0x59: {  	_ =	sdelay $0x1  }
0x5a: {  	s17 =	simm.s32 $0x0  }
0x5b: {  	s23 =	sadd.s32 $0xFFFFFFFF, s16;
	p1 =	por $0x0, $0x0;
	s15 =	sand.u32 $0x3F80, s17  }
0x5c: {  	_ =	sdelay $0x3  }
0x5d: {  	v6 =	vld.idx.msk [tilespmem:v1+s15+$0x0 ss:$0x1], $0xffff;
	s24 =	sor.u32 $0x70, s15  }
0x5e: {  	s16 =	sor.u32 $0x10, s15;
	v8 =	vld.idx.msk [tilespmem:v1+s24+$0x0 ss:$0x1], $0xffff  }
0x5f: {  	s17 =	sor.u32 $0x20, s15;
	p2 =	sne.s32 s23, $0x1;
	v2 =	vld.idx.msk [tilespmem:v1+s16+$0x0 ss:$0x1], $0xffff  }
.Ltmp5:
0x60: {  	s18 =	sor.u32 $0x30, s15;
	v4 =	vld.idx.msk [tilespmem:v1+s17+$0x0 ss:$0x1], $0xffff;
	(pc) =	sbr.rel @!p2 .LBB2_7-.Ltmp5, $4  }
0x61: {  	s19 =	sor.u32 $0x40, s15;
	v3 =	vld.idx.msk [tilespmem:v1+s18+$0x0 ss:$0x1], $0xffff  }
0x62: {  	s21 =	sor.u32 $0x60, s15;
	v5 =	vld.idx.msk [tilespmem:v1+s19+$0x0 ss:$0x1], $0xffff  }
0x63: {  	s20 =	sor.u32 $0x50, s15;
	s22 =	simm.s32 $0x80;
	v7 =	vld.idx.msk [tilespmem:v1+s21+$0x0 ss:$0x1], $0xffff;
	[tilespmem:v0+s15+$0x0 ss:$0x1] =	vst.idx.msk $0xffff, v6  }
0x64: {  	s23 =	sadd.s32 $0xFFFFFFFF, s23;
	p1 =	por $0x1, $0x1;
	v6 =	vld.idx.msk [tilespmem:v1+s20+$0x0 ss:$0x1], $0xffff;
	s15 =	sand.u32 $0x3F80, s22;
	[tilespmem:v0+s24+$0x0 ss:$0x1] =	vst.idx.msk $0xffff, v8  }
.LBB2_6:
0x65: {  	p2 =	sne.s32 s23, $0x1;
	v8 =	vld.idx.msk [tilespmem:v1+s15+$0x0 ss:$0x1], $0xffff;
	s24 =	sor.u32 $0x70, s15;
	[tilespmem:v0+s16+$0x0 ss:$0x1] =	vst.idx.msk $0xffff, v2;
	s16 =	sor.u32 $0x10, s15  }
0x66: {  	s25 =	sor.u32 $0x30, s15;
	s26 =	sor.u32 $0x40, s15;
	v9 =	vld.idx.msk [tilespmem:v1+s24+$0x0 ss:$0x1], $0xffff;
	[tilespmem:v0+s17+$0x0 ss:$0x1] =	vst.idx.msk $0xffff, v4;
	s17 =	sor.u32 $0x20, s15  }
0x67: {  	s28 =	sor.u32 $0x50, s15;
	s29 =	sor.u32 $0x60, s15;
	v2 =	vld.idx.msk [tilespmem:v1+s16+$0x0 ss:$0x1], $0xffff;
	[tilespmem:v0+s18+$0x0 ss:$0x1] =	vst.idx.msk $0xffff, v3;
	s18 =	smov.u32 s25  }
.Ltmp6:
0x68: {  	v4 =	vld.idx.msk [tilespmem:v1+s17+$0x0 ss:$0x1], $0xffff;
	[tilespmem:v0+s19+$0x0 ss:$0x1] =	vst.idx.msk $0xffff, v5;
	s19 =	smov.u32 s26;
	(pc) =	sbr.rel @p2 .LBB2_6-.Ltmp6, $4  }
0x69: {  	v3 =	vld.idx.msk [tilespmem:v1+s18+$0x0 ss:$0x1], $0xffff;
	[tilespmem:v0+s20+$0x0 ss:$0x1] =	vst.idx.msk $0xffff, v6;
	s20 =	smov.u32 s28  }
0x6a: {  	v5 =	vld.idx.msk [tilespmem:v1+s19+$0x0 ss:$0x1], $0xffff;
	[tilespmem:v0+s21+$0x0 ss:$0x1] =	vst.idx.msk $0xffff, v7;
	s21 =	smov.u32 s29  }
0x6b: {  	s22 =	sadd.s32 $0x80, s22;
	[tilespmem:v0+s15+$0x0 ss:$0x1] =	vst.idx.msk $0xffff, v8;
	v6 =	vld.idx.msk [tilespmem:v1+s20+$0x0 ss:$0x1], $0xffff  }
0x6c: {  	s23 =	sadd.s32 $0xFFFFFFFF, s23;
	s15 =	sand.u32 $0x3F80, s22;
	v7 =	vld.idx.msk [tilespmem:v1+s21+$0x0 ss:$0x1], $0xffff;
	[tilespmem:v0+s24+$0x0 ss:$0x1] =	vst.idx.msk $0xffff, v9  }
.Ltmp7:
0x6d: {  	_ = 	snop;
	(pc) =	sbr.rel .LBB2_7-.Ltmp7, $1  }
0x6e: {  	_ =	sdelay $0x3  }
.LBB2_10:
0x6f: {  	_ =	sfence.sel $0x180000  }
0x70: {  	s2 =	simm.s32 $0x1;
	[bflag:$0x0] =	sbarrier.arrive $0xFFFF  }
0x71: {  	s31 =	simm.s32 $0x2;
	[sflag:s2] =	ssyncpa.u1 $0x1  }
0x72: {  	[sflag:s31] =	ssyncpa.u1 $0x1  }
0x73: {  	_ =	strace $0x90000050  }
0x74: {  	s0 =	sadd.s32 @!p0 $0x100000, s0;
	[bflag:$0x2] =	sbarrier.arrive $0xFFFF  }
0x75: {  	[sflag:s0] =	ssyncadd.tile.s32 @!p0 $0x1;
	s0 =	simm.s32 @!p0 $0x3F  }
0x76: {  	_ =	swait.ge @!p0 [sflag:s0], s1  }
0x77: {  	s1 =	ssub.s32 @!p0 $0x0, s1;
	[sflag:s0] =	ssyncset.done @!p0 $0x0  }
0x78: {  	[sflag:s0] =	ssyncadd.s32 @!p0 s1  }
0x79: {  	[bflag:$0x3] =	sbarrier.arrive $0xFFFF  }
0x7a: {  	_ =	shalt  }
.Lfunc_end2:
execute1_lowered:
.L_overlay_start_2:
0x7b: {  	(tag) =	ssettag $0x2  }
0x7c: {  	s2 =	rddreg [dreg:$0x0]  }
0x7d: {  	s3 =	rddreg [dreg:$0x1];
	_ =	strace $0x80000053;
	s0 =	simm.s32 $0x1  }
0x7e: {  	v0 =	vimm.s32 $0x0;
	[sflag:s0] =	ssyncpa.u1 $0x0;
	s0 =	simm.s32 $0x108  }
0x7f: {  	[tilespmem:s0+$0x70] =	vst v0  }
0x80: {  	[tilespmem:s0+$0x60] =	vst v0  }
0x81: {  	[tilespmem:s0+$0x50] =	vst v0  }
0x82: {  	[tilespmem:s0+$0x40] =	vst v0  }
0x83: {  	[tilespmem:s0+$0x30] =	vst v0  }
0x84: {  	s1 =	sadd.s32 $0x563800, s2;
	s15 =	sadd.s32 $0xA000, s2;
	s6 =	sadd.s32 $0x1DC00, s2;
	[tilespmem:s0+$0x20] =	vst v0  }
0x85: {  	s14 =	sadd.s32 $0x13E00, s2;
	s5 =	sand.u32 $0x1, s3;
	s3 =	simm.s32 $0x40;
	[tilespmem:s0+$0x10] =	vst v0  }
.LBB3_1:
0x86: {  	s3 =	sadd.s32 $0x40, s3;
	[tilespmem:s0+$0x0] =	vst v0;
	s0 =	sadd.s32 $0x80, s0  }
0x87: {  	p0 =	slt.u32 s3, $0x3C40;
	[tilespmem:s0+$0x70] =	vst v0  }
0x88: {  	[tilespmem:s0+$0x60] =	vst v0  }
.Ltmp8:
0x89: {  	[tilespmem:s0+$0x50] =	vst v0;
	(pc) =	sbr.rel @p0 .LBB3_1-.Ltmp8, $4  }
0x8a: {  	[tilespmem:s0+$0x40] =	vst v0  }
0x8b: {  	[tilespmem:s0+$0x30] =	vst v0  }
0x8c: {  	[tilespmem:s0+$0x20] =	vst v0  }
0x8d: {  	[tilespmem:s0+$0x10] =	vst v0  }
0x8e: {  	s9 =	stileid.u32  }
0x8f: {  	s2 =	smul.u32 $0x29, s9  }
0x90: {  	s3 =	smin.u32 s9, $0xB  }
0x91: {  	s2 =	sadd.s32 s3, s2  }
0x92: {  	p0 =	slt.u32 s9, $0xB;
	s7 =	smul.u32 $0xF0, s2;
	s2 =	simm.s32 $0x2760  }
0x93: {  	s2 =	simm.s32 @!p0 $0x2670  }
0x94: {  	s2 =	sadd.s32 s2, s7  }
0x95: {  	s8 =	smin.u32 s2, $0x27100  }
0x96: {  	s2 =	ssub.s32 s8, s7  }
0x97: {  	p0 =	sgt.s32 s2, $0x0  }
0x98: {  	s29 =	simm.s32 $0x2;
	s10 =	simm.s32 $0x9;
	s2 =	simm.s32 @!p0 $0x0  }
0x99: {  	s4 =	simm.s32 $0xA;
	s11 =	simm.s32 $0xB;
	s28 =	smulhi.u32 $0x88888889, s2  }
0x9a: {  	[dreg:$0x4] =	wrdreg s5;
	s31 =	smul.u32 $0x4E20, s5;
	s12 =	simm.s32 $0x1  }
0x9b: {  	s22 =	simm.s32 $0x0;
	s18 =	simm.s32 $0xC;
	s30 =	sshrl.u32 s28, $0x7  }
0x9c: {  	s20 =	simm.s32 $0x0;
	s21 =	simm.s32 $0x0;
	s3 =	smul.u32 $0xF0, s30  }
.Ltmp9:
0x9d: {  	[tilespmem:s0+$0x0] =	vst v0;
	v0 =	vimm.s32 $0xFFFFFFFF;
	[sflag:s29] =	ssyncpa.u1 $0x0;
	s16 =	sshll.u32 s9, $0x8;
	(pc) =	sbr.rel .LBB3_3-.Ltmp9, $4  }
0x9e: {  	[tilespmem:$0xF208] =	vst v0;
	[sflag:s10] =	ssyncpa.u1 $0x0;
	p0 =	sne.s32 s2, s3;
	s2 =	simm.s32 $0x1  }
0x9f: {  	s14 =	sadd.s32 s31, s14;
	[sflag:s4] =	ssyncpa.u1 $0x0;
	s2 =	simm.s32 @!p0 $0x0  }
0xa0: {  	s15 =	sadd.s32 s31, s15;
	[sflag:s11] =	ssyncpa.u1 $0x0;
	s13 =	sadd.s32 s2, s30  }
0xa1: {  	v0 =	vlaneseq.u32;
	s19 =	smov.u32 s7;
	p0 =	por $0x0, $0x0;
	s17 =	sadd.s32 $0x1, s13  }
.LBB3_18:
0xa2: {  	s0 =	sshrl.u32 s31, $0x2  }
.LBB3_20:
0xa3: {  	_ =	swait.ge [sflag:s18], s0  }
0xa4: {  	s31 =	ssub.s32 $0x0, s0;
	v1 =	vmov s24;
	vm0 =	veq.s32 v0, $0x0;
	[sflag:s18] =	ssyncset.done $0x0  }
0xa5: {  	vm15 =	veq.s32 v0, $0x2;
	v1 =	vsel vm0, s30, v1;
	[sflag:s18] =	ssyncadd.s32 s31  }
0xa6: {  	v1 =	vsel vm15, s22, v1;
	[sflag:s18] =	ssyncpa.u1 $0x1  }
0xa7: {  	[tilespmem:$0xF208] =	vst v1  }
.LBB3_21:
0xa8: {  	s0 =	sadd.s32 $0xF0, s19  }
0xa9: {  	s2 =	smov.u32 s7;
	p1 =	slt.s32 s0, s8  }
0xaa: {  	s2 =	smov.u32 @p1 s0;
	p1 =	sne.s32 s21, s17  }
.Ltmp10:
0xab: {  	_ = 	snop;
	(pc) =	sbr.rel @!p1 .LBB3_22-.Ltmp10, $3  }
0xac: {  	_ =	sdelay $0x1  }
0xad: {  	s22 =	smov.u32 s20;
	s31 =	sadd.s32 $0x1, s21;
	s20 =	smov.u32 s19  }
0xae: {  	p0 =	por !p0, !p0;
	s21 =	smov.u32 s31;
	s19 =	smov.u32 s2  }
.LBB3_3:
0xaf: {  	p1 =	sge.u32 s21, s13  }
0xb0: {  	s0 =	smulhi.u32 @!p1 $0xAAAAAAAB, s21  }
0xb1: {  	s2 =	smov.u32 s19;
	p2 =	sgt.s32 @!p1 s19, $0x27010  }
0xb2: {  	s3 =	sshra.s32 @!p1 s19, $0x1F;
	p2 =	por !p2, p1;
	s0 =	sshrl.u32 @!p1 s0, $0x1  }
0xb3: {  	s3 =	sand.u32 @!p1 s3, s19;
	s2 =	simm.s32 @p2 $0x27010;
	s0 =	smul.u32 @!p1 $0x3, s0  }
0xb4: {  	s2 =	ssub.s32 @!p1 s2, s3  }
0xb5: {  	s2 =	sadd.s32 @!p1 $0xFFFD8FF0, s2;
	s0 =	ssub.s32 @!p1 s21, s0  }
0xb6: {  	s3 =	sshll.u32 @!p1 s2, $0x2;
	p2 =	sgt.s32 @!p1 s2, $0xEF;
	s0 =	smul.u32 @!p1 $0x3C0, s0  }
0xb7: {  	s4 =	sand.u32 @!p1 $0x7, s19;
	s2 =	ssub.s32 @!p1 $0x3C0, s3;
	p2 =	por !p2, p1  }
0xb8: {  	s3 =	sshrl.u32 @!p1 s19, $0x3;
	s2 =	sshrl.u32 @!p1 s2, $0x2;
	s0 =	sshrl.u32 @!p1 s0, $0x2  }
0xb9: {  	s3 =	sadd.s32 @!p1 s3, s14;
	s2 =	simm.s32 @!p2 $0x0;
	s0 =	sadd.s32 @!p1 $0x10248, s0  }
0xba: {  	[tilespmem:s0], [sflag:$0xA] =	stream.linear.gather @!p1 [hbm4b:s3+s4], s2, $0x38;
	[tilespmem:$0x1F6F8] =	vst v63  }
0xbb: {  	s0 =	sadd.s32 $0xFFFFFFFF, s21  }
0xbc: {  	p1 =	sge.u32 s0, s13  }
0xbd: {  	p2 =	sgt.s32 @!p1 s20, $0x27010  }
0xbe: {  	s2 =	smov.u32 s20;
	s3 =	sshra.s32 @!p1 s20, $0x1F;
	p2 =	por !p2, p1  }
0xbf: {  	s3 =	sand.u32 @!p1 s3, s20;
	s2 =	simm.s32 @p2 $0x27010  }
0xc0: {  	s2 =	ssub.s32 @!p1 s2, s3  }
0xc1: {  	s2 =	sadd.s32 @!p1 $0xFFFD8FF0, s2  }
0xc2: {  	s4 =	sand.u32 @!p1 $0x1, s0;
	s3 =	sshll.u32 @!p1 s2, $0x2  }
0xc3: {  	p2 =	sgt.s32 @!p1 s2, $0xEF;
	s2 =	ssub.s32 @!p1 $0x3C0, s3;
	s3 =	smulhi.u32 @!p1 $0xAAAAAAAB, s0  }
0xc4: {  	s23 =	smul.u32 @!p1 $0x3C0, s4;
	p2 =	por !p2, p1;
	s2 =	sshrl.u32 @!p1 s2, $0x2  }
0xc5: {  	s5 =	simm.s32 @!p1 $0xA;
	s2 =	simm.s32 @!p2 $0x0;
	s3 =	sshrl.u32 @!p1 s3, $0x1  }
0xc6: {  	s23 =	sshrl.u32 @!p1 s23, $0x2;
	_ =	swait.ge @!p1 [sflag:s5], s2;
	s3 =	smul.u32 @!p1 $0x3, s3  }
0xc7: {  	s23 =	sadd.s32 @!p1 $0x10518, s23;
	s24 =	ssub.s32 @!p1 $0x0, s2;
	[sflag:s5] =	ssyncset.done @!p1 $0x0  }
0xc8: {  	[sflag:s5] =	ssyncadd.s32 @!p1 s24;
	s5 =	sshrl.u32 @!p1 s20, $0x3;
	s0 =	ssub.s32 @!p1 s0, s3  }
0xc9: {  	s24 =	sand.u32 @!p1 $0x7, s20;
	s5 =	sadd.s32 @!p1 s5, s15;
	s0 =	smul.u32 @!p1 $0x3C0, s0  }
0xca: {  	[tilespmem:s23], [sflag:$0xB] =	stream.linear.gather @!p1 [hbm4b:s5+s24], s2, $0x38;
	[tilespmem:$0x1F6F8] =	vst v63  }
0xcb: {  	s3 =	ssub.s32 @!p1 $0x27100, s20;
	s2 =	smul.u32 @!p1 $0x1E000, s4  }
0xcc: {  	p2 =	slt.s32 @!p1 s3, $0xF0  }
0xcd: {  	p2 =	por !p2, p1;
	s0 =	sshrl.u32 @!p1 s0, $0x2;
	s2 =	sshrl.u32 @!p1 s2, $0x2  }
0xce: {  	s3 =	simm.s32 @p2 $0xF0;
	s0 =	sadd.s32 @!p1 $0x10248, s0;
	s2 =	sor.u32 @!p1 $0x106F8, s2  }
0xcf: {  	[tilespmem:s2], [sflag:$0x9] =	stream.indirect.gather @!p1 [hbm4b:s6+s3], $0x80, s0, s3, $0xb8;
	[tilespmem:$0x1F6F8] =	vst v63  }
0xd0: {  	p1 =	slt.u32 s21, $0x2  }
.Ltmp11:
0xd1: {  	_ = 	snop;
	(pc) =	sbr.rel @p1 .LBB3_21-.Ltmp11, $1  }
0xd2: {  	_ =	sdelay $0x3  }
0xd3: {  	p1 =	sgt.s32 s22, $0x27010  }
0xd4: {  	s0 =	smov.u32 s22;
	s2 =	sshra.s32 s22, $0x1F;
	s3 =	ssub.s32 $0x27100, s22  }
0xd5: {  	s0 =	simm.s32 @!p1 $0x27010;
	s2 =	sand.u32 s2, s22;
	p1 =	slt.s32 s3, $0xF0  }
0xd6: {  	s0 =	ssub.s32 s0, s2;
	s3 =	simm.s32 @!p1 $0xF0  }
0xd7: {  	s0 =	sadd.s32 $0xFFFD8FF0, s0;
	s25 =	sshll.u32 s3, $0x7  }
0xd8: {  	s26 =	sshll.u32 s0, $0x2;
	s2 =	sand.u32 $0x3FFFFF80, s25  }
0xd9: {  	p1 =	sgt.s32 s0, $0xEF;
	s29 =	ssub.s32 $0x3C0, s26;
	_ =	swait.ge [sflag:s10], s2  }
0xda: {  	s2 =	ssub.s32 $0x0, s2;
	[sflag:s10] =	ssyncset.done $0x0;
	s0 =	sshrl.u32 s29, $0x2  }
0xdb: {  	[sflag:s10] =	ssyncadd.s32 s2;
	s0 =	simm.s32 @p1 $0x0  }
0xdc: {  	_ =	swait.ge [sflag:s11], s0  }
0xdd: {  	s0 =	ssub.s32 $0x0, s0;
	[sflag:s11] =	ssyncset.done $0x0  }
0xde: {  	[sflag:s11] =	ssyncadd.s32 s0  }
0xdf: {  	v1 =	vld [tilespmem:$0xF208];
	_ =	sdelay $0x4  }
0xe0: {  	(v2sf) =	vpush v1, $0x0  }
0xe1: {  	(v2sf) =	vpush v1, $0x1  }
0xe2: {  	(v2sf) =	vpush v1, $0x2;
	_ =	sdelay $0x3  }
0xe3: {  	s0 =	sadd.s32 $0xF0, s22  }
0xe4: {  	s2 =	ssub.s32 $0x4E200, s22;
	p1 =	slt.s32 s8, s0  }
0xe5: {  	s0 =	smov.u32 @p1 s8;
	p1 =	sgt.s32 s2, $0x0  }
0xe6: {  	s26 =	ssub.s32 s0, s22;
	s2 =	simm.s32 @!p1 $0x0  }
0xe7: {  	p1 =	slt.s32 s2, s26  }
0xe8: {  	s26 =	smov.u32 @p1 s2  }
0xe9: {  	s25 =	simm.s32 $0x1;
	p1 =	slt.s32 s26, $0x1  }
.Ltmp12:
0xea: {  	s25 =	simm.s32 @!p0 $0x0;
	(pc) =	sbr.rel @p1 .LBB3_8-.Ltmp12, $4  }
0xeb: {  	s31 =	smul.u32 $0x3C0, s25  }
0xec: {  	s28 =	spop (v2sf)  }
0xed: {  	s0 =	sshrl.u32 s31, $0x2;
	s30 =	spop (v2sf)  }
0xee: {  	s23 =	sadd.s32 $0x10518, s0;
	s22 =	spop (v2sf)  }
0xef: {  	s0 =	smin.u32 s26, $0x10  }
0xf0: {  	v1 =	vmov s0  }
0xf1: {  	p2 =	sgt.s32 s26, $0x10;
	vm1 =	vgt.u32 v1, v0  }
.Ltmp13:
0xf2: {  	_ = 	snop;
	(pc) =	sbr.rel @!p2 .LBB3_7-.Ltmp13, $2  }
0xf3: {  	_ =	sdelay $0x2  }
0xf4: {  	s4 =	simm.s32 $0x10;
	s24 =	sadd.s32 $0xFFFFFFF0, s26;
	s0 =	smov.u32 s23;
	vm0 =	vmmov vm1  }
.LBB3_6:
0xf5: {  	s2 =	smin.u32 s24, $0x10;
	s4 =	sadd.s32 $0x10, s4;
	v1 =	vld.msk [tilespmem:s0+$0x0 ss:$0x1], vm1  }
0xf6: {  	v2 =	vmov s2;
	p2 =	slt.s32 s4, s26  }
0xf7: {  	vm1 =	vgt.u32 v2, v0  }
.Ltmp14:
0xf8: {  	(pc) =	sbr.rel @p2 .LBB3_6-.Ltmp14, $3  }
0xf9: {  	_ =	sdelay $0x1  }
0xfa: {  	v1 =	vshll.u32 v1, $0x4  }
0xfb: {  	s24 =	sadd.s32 $0xFFFFFFF0, s24;
	[tilespmem:s0+$0x0] =	vst.msk vm0, v1;
	s0 =	sadd.s32 $0x10, s0;
	vm0 =	vmmov vm1  }
.LBB3_7:
0xfc: {  	_ =	sdelay $0x4  }
0xfd: {  	v1 =	vld.msk [tilespmem:s0+$0x0 ss:$0x1], vm1;
	_ =	sdelay $0x4  }
0xfe: {  	v1 =	vshll.u32 v1, $0x4  }
0xff: {  	[tilespmem:s0+$0x0] =	vst.msk vm0, v1  }
.LBB3_8:
0x100: {  	s0 =	sand.u32 $0x1, s21  }
0x101: {  	s0 =	smul.u32 $0xF0, s0  }
0x102: {  	p2 =	sne.s32 s30, $0xFFFFFFFF  }
0x103: {  	v1 =	vld.msk @!p2 [tilespmem:s0+$0x10518], $0x1;
	_ =	sdelay $0x4  }
0x104: {  	(v2sf) =	vpush @!p2 v1, $0x0;
	_ =	sdelay $0xc  }
.Ltmp15:
0x105: {  	_ = 	snop;
	(pc) =	sbr.rel @p1 .LBB3_19-.Ltmp15, $4  }
0x106: {  	_ = 	snop  }
0x107: {  	s29 =	spop @!p2 (v2sf)  }
0x108: {  	s22 =	simm.s32 @!p2 $0x0;
	s24 =	smov.u32 s29  }
0x109: {  	[sflag:s18] =	ssyncpa.u1 $0x0;
	s29 =	smov.u32 @p2 s28;
	s24 =	smov.u32 @p2 s30  }
0x10a: {  	v1 =	vld.msk [tilespmem:s23+$0x0], $0x1;
	_ =	sdelay $0x4  }
0x10b: {  	(v2sf) =	vpush v1, $0x0;
	_ =	sdelay $0xe  }
0x10c: {  	s2 =	smul.u32 $0x1E000, s25;
	s0 =	spop (v2sf)  }
0x10d: {  	s26 =	ssub.s32 $0x0, s26;
	p1 =	seq.s32 s29, s0  }
0x10e: {  	s30 =	sadd.s32 $0x1, s26;
	s2 =	sshrl.u32 s2, $0x2;
	p2 =	sgt.s32 @!p1 s29, $0x0  }
0x10f: {  	s25 =	sor.u32 $0x10738, s2;
	s2 =	smov.u32 s29;
	p2 =	por !p2, p1  }
0x110: {  	s2 =	simm.s32 @p2 $0x0;
	p2 =	seq.s32 s30, $0x0  }
.Ltmp16:
0x111: {  	_ = 	snop;
	(pc) =	sbr.rel @p2 .LBB3_11-.Ltmp16, $4  }
0x112: {  	_ = 	snop  }
0x113: {  	s28 =	simm.s32 $0x0;
	s31 =	sadd.s32 $0x1, s23;
	s2 =	smin.u32 @!p1 s2, $0x270F0  }
0x114: {  	s4 =	simm.s32 @!p1 $0x1;
	s5 =	simm.s32 @!p1 $0x7988;
	s3 =	sand.u32 @!p1 $0x3FFF8, s2  }
0x115: {  	s4 =	smov.u32 @p1 s28;
	s2 =	sand.u32 @!p1 $0x7, s2;
	s3 =	sadd.s32 @!p1 s1, s3  }
.LBB3_10:
0x116: {  	s9 =	smov.u32 s4  }
0x117: {  	[tilespmem:s5], [sflag:$0x2] =	stream.linear.gather @!p1 [hbm4b:s3+s2], $0x80, $0x38;
	[tilespmem:$0x1F6F8] =	vst v63  }
0x118: {  	s30 =	sadd.s32 $0x1, s30;
	s2 =	smov.u32 s0;
	v1 =	vld.msk [tilespmem:s31+$0x0], $0x1  }
0x119: {  	p2 =	seq.s32 s30, $0x0;
	_ =	sdelay $0x3  }
0x11a: {  	(v2sf) =	vpush v1, $0x0;
	_ =	sdelay $0xe  }
0x11b: {  	s0 =	spop (v2sf)  }
0x11c: {  	p1 =	seq.s32 s2, s0  }
0x11d: {  	p3 =	sgt.s32 @!p1 s2, $0x0;
	s3 =	sshll.u32 @!p1 s4, $0x9;
	s4 =	sadd.s32 @!p1 $0x1, s4  }
.Ltmp17:
0x11e: {  	p3 =	por !p3, p1;
	s3 =	sshra.s32 @!p1 s3, $0x2;
	(pc) =	sbr.rel @!p2 .LBB3_10-.Ltmp17, $4  }
0x11f: {  	s4 =	smov.u32 @p1 s9;
	s2 =	simm.s32 @p3 $0x0;
	s5 =	sadd.s32 @!p1 $0x7988, s3  }
0x120: {  	s2 =	smin.u32 @!p1 s2, $0x270F0  }
0x121: {  	s3 =	sand.u32 @!p1 $0x3FFF8, s2;
	s2 =	sand.u32 @!p1 $0x7, s2  }
0x122: {  	s31 =	sadd.s32 $0x1, s31;
	s3 =	sadd.s32 @!p1 s1, s3  }
.LBB3_11:
0x123: {  	[tilespmem:s5], [sflag:$0x2] =	stream.linear.gather @!p1 [hbm4b:s3+s2], $0x80, $0x38;
	[tilespmem:$0x1F6F8] =	vst v63  }
.Ltmp18:
0x124: {  	s0 =	sshll.u32 s4, $0x7;
	(pc) =	sbr.rel .LBB3_12-.Ltmp18, $4  }
0x125: {  	s30 =	simm.s32 $0x2;
	s0 =	sand.u32 $0x3FFFFF80, s0  }
0x126: {  	_ =	swait.ge [sflag:s30], s0  }
0x127: {  	s0 =	ssub.s32 $0x0, s0;
	[sflag:s30] =	ssyncset.done $0x0  }
0x128: {  	s31 =	simm.s32 $0x0;
	[sflag:s30] =	ssyncadd.s32 s0  }
.LBB3_13:
0x129: {  	v1 =	vld [tilespmem:s25+$0xFFFFFFC0];
	_ =	sdelay $0x3  }
0x12a: {  	s0 =	sshra.s32 s0, $0x2  }
0x12b: {  	[tilespmem:s0+$0x108] =	vst.add.f32.msk $0xffff, v1  }
0x12c: {  	v1 =	vld [tilespmem:s25+$0xFFFFFFD0];
	_ =	sdelay $0x4  }
0x12d: {  	[tilespmem:s0+$0x118] =	vst.add.f32.msk $0xffff, v1  }
0x12e: {  	v1 =	vld [tilespmem:s25+$0xFFFFFFE0];
	_ =	sdelay $0x4  }
0x12f: {  	[tilespmem:s0+$0x128] =	vst.add.f32.msk $0xffff, v1  }
0x130: {  	v1 =	vld [tilespmem:s25+$0xFFFFFFF0];
	_ =	sdelay $0x4  }
0x131: {  	[tilespmem:s0+$0x138] =	vst.add.f32.msk $0xffff, v1  }
0x132: {  	v1 =	vld [tilespmem:s25+$0x0];
	_ =	sdelay $0x4  }
0x133: {  	[tilespmem:s0+$0x148] =	vst.add.f32.msk $0xffff, v1  }
0x134: {  	v1 =	vld [tilespmem:s25+$0x10];
	_ =	sdelay $0x4  }
0x135: {  	[tilespmem:s0+$0x158] =	vst.add.f32.msk $0xffff, v1  }
0x136: {  	v1 =	vld [tilespmem:s25+$0x20];
	_ =	sdelay $0x4  }
0x137: {  	[tilespmem:s0+$0x168] =	vst.add.f32.msk $0xffff, v1  }
0x138: {  	v1 =	vld [tilespmem:s25+$0x30];
	_ =	sdelay $0x4  }
0x139: {  	[tilespmem:s0+$0x178] =	vst.add.f32.msk $0xffff, v1  }
.LBB3_17:
0x13a: {  	s26 =	sadd.s32 $0x1, s26  }
0x13b: {  	p1 =	seq.s32 s26, $0x0  }
.Ltmp19:
0x13c: {  	_ = 	snop;
	(pc) =	sbr.rel @p1 .LBB3_18-.Ltmp19, $2  }
0x13d: {  	_ =	sdelay $0x2  }
0x13e: {  	s23 =	sadd.s32 $0x1, s23;
	s25 =	sadd.s32 $0x80, s25;
	s29 =	smov.u32 s30  }
.LBB3_12:
0x13f: {  	v1 =	vld.msk [tilespmem:s23+$0x0], $0x1;
	_ =	sdelay $0x4  }
0x140: {  	(v2sf) =	vpush v1, $0x0;
	_ =	sdelay $0xe  }
0x141: {  	s30 =	spop (v2sf)  }
0x142: {  	p1 =	sne.s32 s29, s30  }
.Ltmp20:
0x143: {  	_ = 	snop;
	(pc) =	sbr.rel @!p1 .LBB3_13-.Ltmp20, $2  }
0x144: {  	_ =	sdelay $0x2  }
0x145: {  	s0 =	sshll.u32 s22, $0x9  }
0x146: {  	p1 =	seq.s32 s29, s24  }
.Ltmp21:
0x147: {  	_ = 	snop;
	(pc) =	sbr.rel @!p1 .LBB3_15-.Ltmp21, $1  }
0x148: {  	_ =	sdelay $0x3  }
0x149: {  	s0 =	sshra.s32 s0, $0x2  }
.Ltmp22:
0x14a: {  	s0 =	sadd.s32 $0x108, s0;
	(pc) =	sbr.rel .LBB3_16-.Ltmp22, $4  }
0x14b: {  	[spmem:s16] =	stream.linear.scatter [tilespmem:s0], [sflag:$0x1], $0x80, $0x38;
	[tilespmem:$0x1F6F8] =	vst v63  }
0x14c: {  	_ =	swait.ge [sflag:s12], $0x80  }
0x14d: {  	[sflag:s12] =	ssyncset.done $0x0  }
0x14e: {  	[sflag:s12] =	ssyncadd.s32 $0xFFFFFF80  }
.LBB3_15:
0x14f: {  	s2 =	sshll.u32 s28, $0x9  }
0x150: {  	s2 =	sshra.s32 s2, $0x2  }
0x151: {  	v1 =	vld [tilespmem:s2+$0x7988];
	_ =	sdelay $0x3  }
0x152: {  	s0 =	sshra.s32 s0, $0x2  }
0x153: {  	[tilespmem:s0+$0x108] =	vst.add.f32.msk $0xffff, v1  }
0x154: {  	v1 =	vld [tilespmem:s2+$0x7998];
	_ =	sdelay $0x4  }
0x155: {  	[tilespmem:s0+$0x118] =	vst.add.f32.msk $0xffff, v1  }
0x156: {  	v1 =	vld [tilespmem:s2+$0x79A8];
	_ =	sdelay $0x4  }
0x157: {  	[tilespmem:s0+$0x128] =	vst.add.f32.msk $0xffff, v1  }
0x158: {  	v1 =	vld [tilespmem:s2+$0x79B8];
	_ =	sdelay $0x4  }
0x159: {  	[tilespmem:s0+$0x138] =	vst.add.f32.msk $0xffff, v1  }
0x15a: {  	v1 =	vld [tilespmem:s2+$0x79C8];
	_ =	sdelay $0x4  }
0x15b: {  	[tilespmem:s0+$0x148] =	vst.add.f32.msk $0xffff, v1  }
0x15c: {  	v1 =	vld [tilespmem:s2+$0x79D8];
	_ =	sdelay $0x4  }
0x15d: {  	[tilespmem:s0+$0x158] =	vst.add.f32.msk $0xffff, v1  }
0x15e: {  	v1 =	vld [tilespmem:s2+$0x79E8];
	_ =	sdelay $0x4  }
0x15f: {  	[tilespmem:s0+$0x168] =	vst.add.f32.msk $0xffff, v1  }
0x160: {  	v1 =	vld [tilespmem:s2+$0x79F8];
	_ =	sdelay $0x2  }
0x161: {  	p1 =	sgt.u32 s29, $0x270F0  }
0x162: {  	s2 =	sand.u32 @!p1 $0x3FFF8, s29  }
0x163: {  	s3 =	sadd.s32 $0x108, s0;
	[tilespmem:s0+$0x178] =	vst.add.f32.msk $0xffff, v1;
	s0 =	sadd.s32 @!p1 s1, s2;
	s2 =	sand.u32 @!p1 $0x7, s29  }
0x164: {  	[hbm4b:s0+s2] =	stream.linear.scatter @!p1 [tilespmem:s3], [sflag:$0xC], $0x80, $0x38;
	[tilespmem:$0x1F6F8] =	vst v63  }
0x165: {  	s0 =	simm.s32 $0x0  }
0x166: {  	s0 =	simm.s32 @!p1 $0x200  }
0x167: {  	s31 =	sadd.s32 s0, s31  }
.LBB3_16:
0x168: {  	s0 =	sadd.s32 $0x1, s22  }
0x169: {  	s2 =	smulhi.u32 $0x88888889, s0;
	_ =	sdelay $0x1  }
0x16a: {  	v1 =	vld [tilespmem:s25+$0xFFFFFFC0];
	s2 =	sshrl.u32 s2, $0x7  }
0x16b: {  	s2 =	smul.u32 $0xF0, s2;
	_ =	sdelay $0x1  }
0x16c: {  	s22 =	ssub.s32 s0, s2  }
0x16d: {  	s0 =	sshll.u32 s22, $0x7  }
0x16e: {  	[tilespmem:s0+$0x108] =	vst v1  }
0x16f: {  	v1 =	vld [tilespmem:s25+$0xFFFFFFD0];
	_ =	sdelay $0x4  }
0x170: {  	[tilespmem:s0+$0x118] =	vst v1  }
0x171: {  	v1 =	vld [tilespmem:s25+$0xFFFFFFE0];
	_ =	sdelay $0x4  }
0x172: {  	[tilespmem:s0+$0x128] =	vst v1  }
0x173: {  	v1 =	vld [tilespmem:s25+$0xFFFFFFF0];
	_ =	sdelay $0x4  }
0x174: {  	[tilespmem:s0+$0x138] =	vst v1  }
0x175: {  	v1 =	vld [tilespmem:s25+$0x0];
	_ =	sdelay $0x4  }
0x176: {  	[tilespmem:s0+$0x148] =	vst v1  }
0x177: {  	v1 =	vld [tilespmem:s25+$0x10];
	_ =	sdelay $0x4  }
0x178: {  	[tilespmem:s0+$0x158] =	vst v1  }
0x179: {  	v1 =	vld [tilespmem:s25+$0x20];
	_ =	sdelay $0x4  }
0x17a: {  	[tilespmem:s0+$0x168] =	vst v1  }
0x17b: {  	v1 =	vld [tilespmem:s25+$0x30]  }
.Ltmp23:
0x17c: {  	_ = 	snop;
	(pc) =	sbr.rel .LBB3_17-.Ltmp23, $2  }
0x17d: {  	_ =	sdelay $0x2  }
0x17e: {  	s28 =	sadd.s32 $0x1, s28;
	[tilespmem:s0+$0x178] =	vst v1  }
.LBB3_19:
.Ltmp24:
0x17f: {  	(pc) =	sbr.rel .LBB3_20-.Ltmp24, $4  }
0x180: {  	_ = 	snop  }
0x181: {  	s0 =	simm.s32 $0x2  }
0x182: {  	_ =	swait.ge [sflag:s0], $0x0  }
0x183: {  	s30 =	smov.u32 s29;
	[sflag:s0] =	ssyncset.done $0x0;
	s0 =	simm.s32 $0x0  }
.LBB3_22:
0x184: {  	_ =	sfence.sel $0x180000  }
0x185: {  	s0 =	simm.s32 $0x9;
	[bflag:$0x0] =	sbarrier.arrive $0xFFFF  }
0x186: {  	s24 =	simm.s32 $0xA;
	[sflag:s0] =	ssyncpa.u1 $0x1  }
0x187: {  	s25 =	simm.s32 $0xB;
	[sflag:s24] =	ssyncpa.u1 $0x1  }
0x188: {  	s26 =	simm.s32 $0x2;
	[sflag:s25] =	ssyncpa.u1 $0x1  }
0x189: {  	[sflag:s26] =	ssyncpa.u1 $0x1  }
0x18a: {  	v0 =	vld [tilespmem:$0xF208];
	_ =	sdelay $0x4  }
0x18b: {  	(v2sf) =	vpush v0, $0x0  }
0x18c: {  	(v2sf) =	vpush v0, $0x1;
	_ =	sdelay $0x1  }
0x18d: {  	(v2sf) =	vpush v0, $0x2;
	_ =	sdelay $0xb  }
0x18e: {  	s0 =	spop (v2sf)  }
0x18f: {  	s2 =	spop (v2sf)  }
0x190: {  	s3 =	smov.u32 s0;
	p0 =	sne.s32 s0, s2  }
0x191: {  	s4 =	spop (v2sf);
	s3 =	simm.s32 @!p0 $0xFFFFFFFF  }
0x192: {  	v2 =	vimm.s32 $0x1;
	v3 =	vlaneseq.u32;
	p0 =	seq.s32 s4, $0xFFFFFFFF;
	v1 =	vmov s3  }
0x193: {  	s16 =	stileid.u32;
	v0 =	vperm.xlane v0, v2;
	p1 =	sne.s32 @!p0 s0, s2;
	v1 =	vperm.xlane v1, v3  }
0x194: {  	vm0 =	vcmask $0x3F04;
	s6 =	simm.s32 $0xF208;
	s0 =	simm.s32 @!p0 $0x1;
	p1 =	por !p1, p0  }
0x195: {  	s3 =	sshll.u32 s16, $0x1;
	s2 =	sshll.u32 @!p0 s4, $0x9;
	s0 =	simm.s32 @p1 $0x0;
	v0 =	vsel vm0, v1, v0  }
0x196: {  	s5 =	sor.u32 $0x1000, s3;
	s2 =	sshra.s32 @!p0 s2, $0x2;
	s0 =	sor.u32 @!p0 s0, s3;
	[tilespmem:$0xF208] =	vst v0  }
0x197: {  	[spmem:s5] =	stream.linear.scatter [tilespmem:s6], [sflag:$0x1], $0x2, $0x38;
	[tilespmem:$0x1F6F8] =	vst v63  }
0x198: {  	s2 =	sadd.s32 @!p0 $0x108, s2;
	s0 =	sshll.u32 @!p0 s0, $0x7  }
0x199: {  	[spmem:s0] =	stream.linear.scatter @!p0 [tilespmem:s2], [sflag:$0x1], $0x80, $0x38;
	[tilespmem:$0x1F6F8] =	vst v63  }
0x19a: {  	s0 =	simm.s32 @!p0 $0x82  }
0x19b: {  	s28 =	simm.s32 $0x1;
	s0 =	simm.s32 @p0 $0x2  }
0x19c: {  	_ =	swait.ge [sflag:s28], s0  }
0x19d: {  	s0 =	ssub.s32 $0x0, s0;
	[sflag:s28] =	ssyncset.done $0x0  }
0x19e: {  	p0 =	sne.s32 s16, $0x0;
	[sflag:s28] =	ssyncadd.s32 s0  }
.Ltmp25:
0x19f: {  	_ =	sfence.stream.spmem;
	(pc) =	sbr.rel @p0 .LBB3_39-.Ltmp25, $4  }
0x1a0: {  	s29 =	simm.s32 $0x3;
	[bflag:$0x0] =	sbarrier.arrive $0xFFFF  }
0x1a1: {  	s30 =	simm.s32 $0x4;
	[sflag:s29] =	ssyncpa.u1 $0x1  }
0x1a2: {  	s31 =	simm.s32 $0x3C;
	[sflag:s30] =	ssyncpa.u1 $0x1  }
0x1a3: {  	s15 =	rddreg [dreg:$0x4];
	[sflag:s31] =	ssyncpa.u1 $0x1  }
0x1a4: {  	_ =	sfence.stream.spmem;
	s0 =	simm.s32 $0x5  }
0x1a5: {  	s2 =	simm.s32 $0x1000;
	s3 =	simm.s32 $0xF218;
	[sflag:s0] =	ssyncpa.u1 $0x0  }
0x1a6: {  	[tilespmem:s3], [sflag:$0x5] =	stream.linear.gather [spmem:s2], $0x20, $0x38;
	[tilespmem:$0x1F6F8] =	vst v63  }
0x1a7: {  	s26 =	simm.s32 $0x0;
	s28 =	simm.s32 $0xF238  }
0x1a8: {  	[tilespmem:s28], [sflag:$0x5] =	stream.linear.gather [spmem:s26], $0x1000, $0x38;
	[tilespmem:$0x1F6F8] =	vst v63  }
0x1a9: {  	_ =	swait.ge [sflag:s0], $0x1020  }
0x1aa: {  	[sflag:s0] =	ssyncset.done $0x0  }
0x1ab: {  	s29 =	simm.s32 $0x0;
	[sflag:s0] =	ssyncadd.s32 $0xFFFFEFE0  }
0x1ac: {  	v0 =	vld.msk [tilespmem:s29+$0xF218], $0x1;
	_ =	sdelay $0x1  }
0x1ad: {  	s30 =	simm.s32 $0x1  }
0x1ae: {  	v1 =	vld.msk [tilespmem:s30+$0xF218], $0x1;
	_ =	sdelay $0x1  }
0x1af: {  	(v2sf) =	vpush v0, $0x0;
	_ =	sdelay $0x2  }
0x1b0: {  	(v2sf) =	vpush v1, $0x0;
	_ =	sdelay $0x2  }
0x1b1: {  	s31 =	simm.s32 $0x2  }
0x1b2: {  	v0 =	vld.msk [tilespmem:s31+$0xF218], $0x1;
	_ =	sdelay $0x2  }
0x1b3: {  	s4 =	simm.s32 $0xFFFFFFFF;
	s5 =	simm.s32 $0xFFFFFFFF;
	s0 =	simm.s32 $0xC  }
.LBB3_24:
0x1b4: {  	s2 =	smov.u32 s5;
	s3 =	smov.u32 s4  }
0x1b5: {  	s4 =	sshra.s32 s0, $0x2;
	p1 =	sne.s32 s0, $0x7C;
	s0 =	sadd.s32 $0x4, s0;
	(v2sf) =	vpush v0, $0x0  }
0x1b6: {  	v0 =	vld.msk [tilespmem:s4+$0xF218], $0x1  }
.Ltmp26:
0x1b7: {  	(pc) =	sbr.rel @p1 .LBB3_24-.Ltmp26, $4  }
0x1b8: {  	s5 =	spop (v2sf)  }
0x1b9: {  	p2 =	sne.s32 s3, $0xFFFFFFFF;
	s4 =	smov.u32 s5  }
0x1ba: {  	p3 =	seq.s32 s5, $0xFFFFFFFF;
	s4 =	smov.u32 @p2 s3  }
0x1bb: {  	s5 =	smov.u32 @p3 s2;
	s4 =	smov.u32 @p3 s3  }
0x1bc: {  	(v2sf) =	vpush v0, $0x0;
	_ =	sdelay $0x8  }
0x1bd: {  	s0 =	spop (v2sf)  }
0x1be: {  	p1 =	sne.s32 s4, $0xFFFFFFFF;
	s2 =	smov.u32 s0  }
0x1bf: {  	s9 =	simm.s32 $0x6;
	p2 =	seq.s32 s0, $0xFFFFFFFF;
	s2 =	smov.u32 @p1 s4  }
0x1c0: {  	s6 =	simm.s32 $0x0;
	s2 =	smov.u32 @p2 s4;
	s3 =	spop (v2sf)  }
0x1c1: {  	s0 =	smov.u32 @p2 s5;
	p1 =	sne.s32 s2, $0xFFFFFFFF;
	s4 =	smov.u32 s3  }
.Ltmp27:
0x1c2: {  	p2 =	seq.s32 s3, $0xFFFFFFFF;
	s4 =	smov.u32 @p1 s2;
	(pc) =	sbr.rel .LBB3_26-.Ltmp27, $4  }
0x1c3: {  	s10 =	simm.s32 $0xF188;
	s4 =	smov.u32 @p2 s2;
	s7 =	spop (v2sf)  }
0x1c4: {  	s11 =	simm.s32 $0x0;
	p1 =	sne.s32 s4, $0xFFFFFFFF;
	s8 =	smov.u32 s7  }
0x1c5: {  	s3 =	smov.u32 @p2 s0;
	p2 =	seq.s32 s7, $0xFFFFFFFF;
	s8 =	smov.u32 @p1 s4  }
0x1c6: {  	[sflag:s9] =	ssyncpa.u1 $0x0;
	s7 =	smov.u32 @p2 s3;
	s8 =	smov.u32 @p2 s4  }
.LBB3_32:
0x1c7: {  	p1 =	sgt.u32 s12, $0x270F0  }
0x1c8: {  	p2 =	seq.s32 @!p1 s12, s8  }
0x1c9: {  	p1 =	por p1, p2  }
0x1ca: {  	p2 =	sne.s32 @!p1 s12, s7  }
0x1cb: {  	p1 =	por p1, !p2  }
0x1cc: {  	s0 =	sshll.u32 @p1 s11, $0x9  }
0x1cd: {  	s0 =	sand.u32 @!p1 $0x3FFF8, s12  }
0x1ce: {  	s2 =	sand.u32 @!p1 $0x7, s12;
	s0 =	sadd.s32 @!p1 s1, s0  }
0x1cf: {  	[tilespmem:s10], [sflag:$0x6] =	stream.linear.gather @!p1 [hbm4b:s0+s2], $0x80, $0x38;
	[tilespmem:$0x1F6F8] =	vst v63  }
0x1d0: {  	_ =	swait.ge @!p1 [sflag:s9], $0x80  }
0x1d1: {  	[sflag:s9] =	ssyncset.done @!p1 $0x0  }
0x1d2: {  	[sflag:s9] =	ssyncadd.s32 @!p1 $0xFFFFFF80  }
0x1d3: {  	v1 =	vld @!p1 [tilespmem:$0xF188];
	_ =	sdelay $0x2  }
0x1d4: {  	s0 =	sshll.u32 @!p1 s11, $0x9  }
0x1d5: {  	s2 =	sshrl.u32 @!p1 s0, $0x2  }
0x1d6: {  	[tilespmem:s2+$0xF238] =	vst.add.f32.msk @!p1 $0xffff, v1  }
0x1d7: {  	v1 =	vld @!p1 [tilespmem:$0xF198];
	_ =	sdelay $0x4  }
0x1d8: {  	[tilespmem:s2+$0xF248] =	vst.add.f32.msk @!p1 $0xffff, v1  }
0x1d9: {  	v1 =	vld @!p1 [tilespmem:$0xF1A8];
	_ =	sdelay $0x4  }
0x1da: {  	[tilespmem:s2+$0xF258] =	vst.add.f32.msk @!p1 $0xffff, v1  }
0x1db: {  	v1 =	vld @!p1 [tilespmem:$0xF1B8];
	_ =	sdelay $0x4  }
0x1dc: {  	[tilespmem:s2+$0xF268] =	vst.add.f32.msk @!p1 $0xffff, v1  }
0x1dd: {  	v1 =	vld @!p1 [tilespmem:$0xF1C8];
	_ =	sdelay $0x4  }
0x1de: {  	[tilespmem:s2+$0xF278] =	vst.add.f32.msk @!p1 $0xffff, v1  }
0x1df: {  	v1 =	vld @!p1 [tilespmem:$0xF1D8];
	_ =	sdelay $0x4  }
0x1e0: {  	[tilespmem:s2+$0xF288] =	vst.add.f32.msk @!p1 $0xffff, v1  }
0x1e1: {  	v1 =	vld @!p1 [tilespmem:$0xF1E8];
	_ =	sdelay $0x4  }
0x1e2: {  	[tilespmem:s2+$0xF298] =	vst.add.f32.msk @!p1 $0xffff, v1  }
0x1e3: {  	v1 =	vld @!p1 [tilespmem:$0xF1F8];
	_ =	sdelay $0x4  }
0x1e4: {  	[tilespmem:s2+$0xF2A8] =	vst.add.f32.msk @!p1 $0xffff, v1  }
0x1e5: {  	s0 =	sshrl.u32 s0, $0x2;
	[tilespmem:s6+$0xF218] =	vst.msk $0x1, v0  }
0x1e6: {  	v0 =	vld [tilespmem:s0+$0xF238];
	_ =	sdelay $0x2  }
0x1e7: {  	s31 =	sshll.u32 s6, $0x9  }
0x1e8: {  	s2 =	sshra.s32 s31, $0x2  }
0x1e9: {  	[tilespmem:s2+$0xF238] =	vst v0  }
0x1ea: {  	v0 =	vld [tilespmem:s0+$0xF248];
	_ =	sdelay $0x4  }
0x1eb: {  	[tilespmem:s2+$0xF248] =	vst v0  }
0x1ec: {  	v0 =	vld [tilespmem:s0+$0xF258];
	_ =	sdelay $0x4  }
0x1ed: {  	[tilespmem:s2+$0xF258] =	vst v0  }
0x1ee: {  	v0 =	vld [tilespmem:s0+$0xF268];
	_ =	sdelay $0x4  }
0x1ef: {  	[tilespmem:s2+$0xF268] =	vst v0  }
0x1f0: {  	v0 =	vld [tilespmem:s0+$0xF278];
	_ =	sdelay $0x4  }
0x1f1: {  	[tilespmem:s2+$0xF278] =	vst v0  }
0x1f2: {  	v0 =	vld [tilespmem:s0+$0xF288];
	_ =	sdelay $0x4  }
0x1f3: {  	[tilespmem:s2+$0xF288] =	vst v0  }
0x1f4: {  	v0 =	vld [tilespmem:s0+$0xF298];
	_ =	sdelay $0x4  }
0x1f5: {  	[tilespmem:s2+$0xF298] =	vst v0  }
0x1f6: {  	v0 =	vld [tilespmem:s0+$0xF2A8];
	_ =	sdelay $0x4  }
0x1f7: {  	s6 =	sadd.s32 $0x1, s6;
	[tilespmem:s2+$0xF2A8] =	vst v0  }
.LBB3_33:
0x1f8: {  	s11 =	sadd.s32 $0x1, s11  }
0x1f9: {  	p1 =	sne.s32 s11, $0x20  }
.Ltmp28:
0x1fa: {  	_ = 	snop;
	(pc) =	sbr.rel @!p1 .LBB3_34-.Ltmp28, $1  }
0x1fb: {  	_ =	sdelay $0x3  }
.LBB3_26:
0x1fc: {  	v0 =	vld.msk [tilespmem:s11+$0xF218], $0x1;
	_ =	sdelay $0x4  }
0x1fd: {  	(v2sf) =	vpush v0, $0x0;
	_ =	sdelay $0xe  }
0x1fe: {  	s12 =	spop (v2sf)  }
0x1ff: {  	p1 =	seq.s32 s12, $0xFFFFFFFF  }
.Ltmp29:
0x200: {  	_ = 	snop;
	(pc) =	sbr.rel @p1 .LBB3_33-.Ltmp29, $1  }
0x201: {  	_ =	sdelay $0x3  }
0x202: {  	p1 =	slt.s32 s6, $0x1  }
.Ltmp30:
0x203: {  	_ = 	snop;
	(pc) =	sbr.rel @p1 .LBB3_32-.Ltmp30, $1  }
0x204: {  	_ =	sdelay $0x3  }
0x205: {  	s13 =	simm.s32 $0xF218;
	p1 =	por $0x0, $0x0  }
0x206: {  	v1 =	vld.msk @!p1 [tilespmem:s13+$0x0], $0x1;
	_ =	sdelay $0x4  }
0x207: {  	(v2sf) =	vpush @!p1 v1, $0x0;
	_ =	sdelay $0xd  }
0x208: {  	p3 =	sne.s32 s6, $0x1  }
.Ltmp31:
0x209: {  	s0 =	spop @!p1 (v2sf);
	(pc) =	sbr.rel @!p3 .LBB3_30-.Ltmp31, $4  }
0x20a: {  	p2 =	seq.s32 @!p1 s12, s0  }
0x20b: {  	s14 =	simm.s32 $0x0;
	p2 =	por !p2, p1  }
0x20c: {  	s2 =	simm.s32 $0xFFFFFFFF;
	s14 =	simm.s32 @p2 $0xFFFFFFFF  }
0x20d: {  	s0 =	simm.s32 $0x1;
	s14 =	smov.u32 @p1 s2  }
.LBB3_29:
0x20e: {  	s2 =	smov.u32 s14;
	p1 =	sne.s32 s14, $0xFFFFFFFF  }
0x20f: {  	s13 =	sadd.s32 $0x1, s13;
	s14 =	smov.u32 s0;
	s0 =	sadd.s32 $0x1, s0  }
0x210: {  	p2 =	sne.s32 s6, s0;
	v1 =	vld.msk @!p1 [tilespmem:s13+$0x0], $0x1;
	_ =	sdelay $0x4  }
0x211: {  	(v2sf) =	vpush @!p1 v1, $0x0;
	_ =	sdelay $0xe  }
.Ltmp32:
0x212: {  	s3 =	spop @!p1 (v2sf);
	(pc) =	sbr.rel @p2 .LBB3_29-.Ltmp32, $4  }
0x213: {  	p3 =	seq.s32 @!p1 s12, s3  }
0x214: {  	p3 =	por !p3, p1  }
0x215: {  	s14 =	simm.s32 @p3 $0xFFFFFFFF  }
0x216: {  	s14 =	smov.u32 @p1 s2  }
.LBB3_30:
0x217: {  	p1 =	seq.s32 s14, $0xFFFFFFFF  }
.Ltmp33:
0x218: {  	_ = 	snop;
	(pc) =	sbr.rel @p1 .LBB3_32-.Ltmp33, $1  }
0x219: {  	_ =	sdelay $0x3  }
0x21a: {  	s0 =	sshll.u32 s11, $0x7  }
0x21b: {  	s0 =	sand.u32 $0x3FFFFF80, s0  }
0x21c: {  	v0 =	vld [tilespmem:s0+$0xF238];
	_ =	sdelay $0x2  }
0x21d: {  	s2 =	sshll.u32 s14, $0x9  }
0x21e: {  	s2 =	sshra.s32 s2, $0x2  }
0x21f: {  	[tilespmem:s2+$0xF238] =	vst.add.f32.msk $0xffff, v0  }
0x220: {  	v0 =	vld [tilespmem:s0+$0xF248];
	_ =	sdelay $0x4  }
0x221: {  	[tilespmem:s2+$0xF248] =	vst.add.f32.msk $0xffff, v0  }
0x222: {  	v0 =	vld [tilespmem:s0+$0xF258];
	_ =	sdelay $0x4  }
0x223: {  	[tilespmem:s2+$0xF258] =	vst.add.f32.msk $0xffff, v0  }
0x224: {  	v0 =	vld [tilespmem:s0+$0xF268];
	_ =	sdelay $0x4  }
0x225: {  	[tilespmem:s2+$0xF268] =	vst.add.f32.msk $0xffff, v0  }
0x226: {  	v0 =	vld [tilespmem:s0+$0xF278];
	_ =	sdelay $0x4  }
0x227: {  	[tilespmem:s2+$0xF278] =	vst.add.f32.msk $0xffff, v0  }
0x228: {  	v0 =	vld [tilespmem:s0+$0xF288];
	_ =	sdelay $0x4  }
0x229: {  	[tilespmem:s2+$0xF288] =	vst.add.f32.msk $0xffff, v0  }
0x22a: {  	v0 =	vld [tilespmem:s0+$0xF298];
	_ =	sdelay $0x4  }
0x22b: {  	[tilespmem:s2+$0xF298] =	vst.add.f32.msk $0xffff, v0  }
0x22c: {  	v0 =	vld [tilespmem:s0+$0xF2A8]  }
.Ltmp34:
0x22d: {  	_ = 	snop;
	(pc) =	sbr.rel .LBB3_33-.Ltmp34, $2  }
0x22e: {  	_ =	sdelay $0x2  }
0x22f: {  	[tilespmem:s2+$0xF2A8] =	vst.add.f32.msk $0xffff, v0  }
.LBB3_34:
0x230: {  	s0 =	simm.s32 $0x6;
	p1 =	seq.s32 s6, $0x0  }
0x231: {  	[sflag:s0] =	ssyncpa.u1 $0x1;
	v0 =	vimm.s32 @p1 $0xFFFFFFFF  }
0x232: {  	s9 =	sadd.s32 $0xFFFFFFFF, s6;
	[tilespmem:$0x10238] =	vst @p1 v0  }
0x233: {  	v0 =	vld.msk @!p1 [tilespmem:s9+$0xF218], $0x1;
	_ =	sdelay $0x1  }
0x234: {  	v1 =	vld.msk @!p1 [tilespmem:$0xF218], $0x1;
	_ =	sdelay $0x2  }
0x235: {  	p2 =	seq.s32 @!p1 s9, $0x0;
	v0 =	vbroadcast @!p1 v0, $0x0  }
0x236: {  	vm0 =	vmmov @!p1 $0x1;
	p2 =	por !p2, p1  }
0x237: {  	v1 =	vnsel @!p1 vm0, $0xFFFFFFFF, v1;
	vm0 =	vcmask @!p1 $0x308;
	v0 =	vpsel !p2, $0xFFFFFFFF, v0  }
0x238: {  	p2 =	sne.s32 @!p1 s8, s7;
	v0 =	vsel @!p1 vm0, v1, v0  }
0x239: {  	s0 =	simm.s32 @!p1 $0xF238;
	s2 =	simm.s32 @!p1 $0x0;
	p3 =	por !p2, p1;
	[tilespmem:$0x10238] =	vst @!p1 v0  }
0x23a: {  	[spmem:s2] =	stream.linear.scatter @!p1 [tilespmem:s0], [sflag:$0x1], $0x80, $0x38;
	[tilespmem:$0x1F6F8] =	vst v63  }
0x23b: {  	s0 =	sshll.u32 @!p3 s9, $0x9  }
0x23c: {  	s0 =	sshra.s32 @!p3 s0, $0x2  }
0x23d: {  	s2 =	simm.s32 @!p3 $0x80;
	s0 =	sadd.s32 @!p3 $0xF238, s0  }
0x23e: {  	[spmem:s2] =	stream.linear.scatter @!p3 [tilespmem:s0], [sflag:$0x1], $0x80, $0x38;
	[tilespmem:$0x1F6F8] =	vst v63  }
0x23f: {  	s0 =	simm.s32 @!p3 $0x1  }
0x240: {  	_ =	swait.ge @!p3 [sflag:s0], $0x100  }
0x241: {  	p1 =	por p2, p1;
	[sflag:s0] =	ssyncset.done @!p3 $0x0  }
0x242: {  	[sflag:s0] =	ssyncadd.s32 @!p3 $0xFFFFFF00;
	s0 =	simm.s32 @!p1 $0x1  }
0x243: {  	_ =	swait.ge @!p1 [sflag:s0], $0x80  }
0x244: {  	s29 =	simm.s32 $0x10238;
	[sflag:s0] =	ssyncset.done @!p1 $0x0  }
0x245: {  	s30 =	simm.s32 $0x1000;
	s31 =	simm.s32 $0x1;
	[sflag:s0] =	ssyncadd.s32 @!p1 $0xFFFFFF80  }
0x246: {  	[spmem:s30] =	stream.linear.scatter [tilespmem:s29], [sflag:$0x1], $0x10, $0x38;
	[tilespmem:$0x1F6F8] =	vst v63  }
0x247: {  	_ =	swait.ge [sflag:s31], $0x10  }
0x248: {  	[sflag:s31] =	ssyncset.done $0x0  }
0x249: {  	p1 =	seq.s32 s15, $0x0;
	s8 =	rddreg [dreg:$0x1];
	[sflag:s31] =	ssyncadd.s32 $0xFFFFFFF0  }
0x24a: {  	s2 =	sshll.u32 @p1 s8, $0xE;
	s7 =	rddreg [dreg:$0x2]  }
0x24b: {  	s0 =	sadd.s32 @p1 $0x15C3C, s2;
	s2 =	sshll.u32 @p1 s7, $0x11  }
0x24c: {  	_ =	sfence.stream.spmem;
	s0 =	sor.u32 @p1 s2, s0  }
0x24d: {  	[sflag:s0] =	ssyncadd.remote.s32 @p1 $0x1;
	s0 =	simm.s32 @p1 $0x4  }
0x24e: {  	s3 =	simm.s32 @!p1 $0x3C;
	s2 =	sand.u32 $0xFFFFFFFE, s8;
	_ =	swait.ge @p1 [sflag:s0], $0x22  }
0x24f: {  	s4 =	simm.s32 @!p1 $0x0;
	s2 =	sadd.s32 @!p1 $0x4, s2;
	[sflag:s0] =	ssyncset.done @p1 $0x0  }
0x250: {  	s5 =	simm.s32 @!p1 $0x100;
	[sflag:s0] =	ssyncadd.s32 @p1 $0xFFFFFFDE;
	s0 =	sshll.u32 @!p1 s2, $0x1A  }
0x251: {  	s2 =	sshll.u32 @!p1 s2, $0xD;
	s0 =	sor.u32 @!p1 s0, s7;
	_ =	swait.eq @!p1 [sflag:s3], $0x1  }
0x252: {  	s2 =	sor.u32 @!p1 $0x1C04, s2;
	s3 =	simm.s32 @!p1 $0x1C03;
	s0 =	sor.u32 @!p1 $0x80004000, s0  }
0x253: {  	[spmem:s5], [sflag:s2] =	dma.general @!p1 [spmem:s4], [sflag:s3], length:$0x20, [dreg:$0x0], stride_count:$0x0, ici_dest:s0, dma_misc:DstOpCode:WRITE  }
0x254: {  	p2 =	slt.s32 s9, $0x2;
	s4 =	simm.s32 @!p1 $0x200;
	s5 =	simm.s32 @!p1 $0x202  }
0x255: {  	[spmem:s5], [sflag:s2] =	dma.general @!p1 [spmem:s4], [sflag:s3], length:$0x2, [dreg:$0x0], stride_count:$0x0, ici_dest:s0, dma_misc:DstOpCode:WRITE  }
.Ltmp35:
0x256: {  	s0 =	simm.s32 @!p1 $0x3;
	(pc) =	sbr.rel @p2 .LBB3_38-.Ltmp35, $4  }
0x257: {  	s2 =	sshll.u32 @!p1 s8, $0xE;
	_ =	swait.ge @!p1 [sflag:s0], $0x22  }
0x258: {  	s3 =	sshll.u32 @!p1 s7, $0x11;
	s2 =	sadd.s32 @!p1 $0x11C3C, s2;
	[sflag:s0] =	ssyncset.done @!p1 $0x0  }
0x259: {  	[sflag:s0] =	ssyncadd.s32 @!p1 $0xFFFFFFDE;
	s0 =	sor.u32 @!p1 s3, s2  }
0x25a: {  	[sflag:s0] =	ssyncadd.remote.s32 @!p1 $0xFFFFFFFF;
	s0 =	simm.s32 $0x0  }
0x25b: {  	s0 =	simm.s32 $0xF219  }
0x25c: {  	v0 =	vld.msk [tilespmem:s0+$0x0], $0x1;
	_ =	sdelay $0x4  }
0x25d: {  	(v2sf) =	vpush v0, $0x0;
	_ =	sdelay $0xb  }
0x25e: {  	s31 =	sadd.s32 $0xFFFFFFFE, s6  }
0x25f: {  	s0 =	sadd.s32 $0xFFFFFFFF, s31  }
0x260: {  	p2 =	sne.s32 s0, $0x0  }
.Ltmp36:
0x261: {  	s2 =	spop (v2sf);
	(pc) =	sbr.rel @!p2 .LBB3_37-.Ltmp36, $4  }
0x262: {  	s4 =	simm.s32 $0xF2B8;
	s7 =	simm.s32 $0x0;
	p1 =	sgt.u32 s2, $0x270F0  }
0x263: {  	s5 =	simm.s32 $0x0;
	s6 =	simm.s32 $0xF21A;
	s3 =	sand.u32 @!p1 $0x3FFF8, s2  }
0x264: {  	s2 =	sand.u32 @!p1 $0x7, s2;
	s7 =	simm.s32 @!p1 $0x200;
	s3 =	sadd.s32 @!p1 s1, s3  }
0x265: {  	[hbm4b:s3+s2] =	stream.linear.scatter @!p1 [tilespmem:s4], [sflag:$0x5], $0x80, $0x38;
	[tilespmem:$0x1F6F8] =	vst v63  }
.LBB3_36:
0x266: {  	v0 =	vld.msk [tilespmem:s6+$0x0], $0x1;
	s0 =	sadd.s32 $0xFFFFFFFF, s0;
	s5 =	sadd.s32 s5, s7  }
0x267: {  	p1 =	sne.s32 s0, $0x0;
	_ =	sdelay $0x3  }
0x268: {  	(v2sf) =	vpush v0, $0x0;
	_ =	sdelay $0xe  }
.Ltmp37:
0x269: {  	s2 =	spop (v2sf);
	(pc) =	sbr.rel @p1 .LBB3_36-.Ltmp37, $4  }
0x26a: {  	s7 =	simm.s32 $0x0;
	p2 =	sgt.u32 s2, $0x270F0  }
0x26b: {  	s4 =	sadd.s32 $0x80, s4;
	s7 =	simm.s32 @!p2 $0x200;
	s3 =	sand.u32 @!p2 $0x3FFF8, s2  }
0x26c: {  	s6 =	sadd.s32 $0x1, s6;
	s2 =	sand.u32 @!p2 $0x7, s2;
	s3 =	sadd.s32 @!p2 s1, s3  }
0x26d: {  	[hbm4b:s3+s2] =	stream.linear.scatter @!p2 [tilespmem:s4], [sflag:$0x5], $0x80, $0x38;
	[tilespmem:$0x1F6F8] =	vst v63  }
.LBB3_37:
0x26e: {  	s0 =	sadd.s32 s5, s7  }
0x26f: {  	s0 =	sshrl.u32 s0, $0x2  }
.LBB3_38:
0x270: {  	s2 =	simm.s32 $0x5  }
0x271: {  	_ =	swait.ge [sflag:s2], s0  }
0x272: {  	s31 =	ssub.s32 $0x0, s0;
	[sflag:s2] =	ssyncset.done $0x0  }
0x273: {  	[sflag:s2] =	ssyncadd.s32 s31  }
0x274: {  	[sflag:s2] =	ssyncpa.u1 $0x1  }
.LBB3_39:
0x275: {  	s0 =	sor.u32 s15, s16  }
0x276: {  	p1 =	sne.s32 s0, $0x0  }
.Ltmp38:
0x277: {  	_ = 	snop;
	(pc) =	sbr.rel @p1 .LBB3_54-.Ltmp38, $3  }
0x278: {  	_ =	sdelay $0x1  }
0x279: {  	[bflag:$0x0] =	sbarrier.arrive $0xFFFF  }
0x27a: {  	_ =	sfence  }
0x27b: {  	s0 =	simm.s32 $0x7  }
0x27c: {  	s2 =	simm.s32 $0x1000;
	s3 =	simm.s32 $0xF218;
	[sflag:s0] =	ssyncpa.u1 $0x0  }
0x27d: {  	[tilespmem:s3], [sflag:$0x7] =	stream.linear.gather [spmem:s2], $0x20, $0x38;
	[tilespmem:$0x1F6F8] =	vst v63  }
0x27e: {  	s30 =	simm.s32 $0xF238;
	s2 =	simm.s32 $0x0  }
0x27f: {  	[tilespmem:s30], [sflag:$0x7] =	stream.linear.gather [spmem:s2], $0x1000, $0x38;
	[tilespmem:$0x1F6F8] =	vst v63  }
.Ltmp39:
0x280: {  	_ = 	snop;
	(pc) =	sbr.rel .LBB3_41-.Ltmp39, $4  }
0x281: {  	_ =	swait.ge [sflag:s0], $0x1020  }
0x282: {  	[sflag:s0] =	ssyncset.done $0x0  }
0x283: {  	s31 =	simm.s32 $0x8;
	[sflag:s0] =	ssyncadd.s32 $0xFFFFEFE0  }
0x284: {  	s3 =	simm.s32 $0x0;
	[sflag:s31] =	ssyncpa.u1 $0x0  }
.LBB3_47:
0x285: {  	p1 =	slt.u32 s4, $0x270F1  }
0x286: {  	s0 =	sand.u32 @p1 $0x3FFF8, s4  }
0x287: {  	s4 =	sand.u32 @p1 $0x7, s4;
	s5 =	simm.s32 @p1 $0xF188;
	s0 =	sadd.s32 @p1 s1, s0  }
0x288: {  	[tilespmem:s5], [sflag:$0x8] =	stream.linear.gather @p1 [hbm4b:s0+s4], $0x80, $0x38;
	[tilespmem:$0x1F6F8] =	vst v63  }
0x289: {  	s0 =	simm.s32 @p1 $0x8  }
0x28a: {  	_ =	swait.ge @p1 [sflag:s0], $0x80  }
0x28b: {  	[sflag:s0] =	ssyncset.done @p1 $0x0  }
0x28c: {  	[sflag:s0] =	ssyncadd.s32 @p1 $0xFFFFFF80  }
0x28d: {  	v1 =	vld @p1 [tilespmem:$0xF188];
	_ =	sdelay $0x2  }
0x28e: {  	s0 =	sshll.u32 @p1 s3, $0x9  }
0x28f: {  	s4 =	sshrl.u32 @p1 s0, $0x2  }
0x290: {  	[tilespmem:s4+$0xF238] =	vst.add.f32.msk @p1 $0xffff, v1  }
0x291: {  	v1 =	vld @p1 [tilespmem:$0xF198];
	_ =	sdelay $0x4  }
0x292: {  	[tilespmem:s4+$0xF248] =	vst.add.f32.msk @p1 $0xffff, v1  }
0x293: {  	v1 =	vld @p1 [tilespmem:$0xF1A8];
	_ =	sdelay $0x4  }
0x294: {  	[tilespmem:s4+$0xF258] =	vst.add.f32.msk @p1 $0xffff, v1  }
0x295: {  	v1 =	vld @p1 [tilespmem:$0xF1B8];
	_ =	sdelay $0x4  }
0x296: {  	[tilespmem:s4+$0xF268] =	vst.add.f32.msk @p1 $0xffff, v1  }
0x297: {  	v1 =	vld @p1 [tilespmem:$0xF1C8];
	_ =	sdelay $0x4  }
0x298: {  	[tilespmem:s4+$0xF278] =	vst.add.f32.msk @p1 $0xffff, v1  }
0x299: {  	v1 =	vld @p1 [tilespmem:$0xF1D8];
	_ =	sdelay $0x4  }
0x29a: {  	[tilespmem:s4+$0xF288] =	vst.add.f32.msk @p1 $0xffff, v1  }
0x29b: {  	v1 =	vld @p1 [tilespmem:$0xF1E8];
	_ =	sdelay $0x4  }
0x29c: {  	[tilespmem:s4+$0xF298] =	vst.add.f32.msk @p1 $0xffff, v1  }
0x29d: {  	v1 =	vld @p1 [tilespmem:$0xF1F8];
	_ =	sdelay $0x3  }
0x29e: {  	s5 =	sshll.u32 @!p1 s3, $0x9  }
0x29f: {  	s5 =	smov.u32 @p1 s0;
	[tilespmem:s4+$0xF2A8] =	vst.add.f32.msk @p1 $0xffff, v1  }
0x2a0: {  	s0 =	sshrl.u32 s5, $0x2;
	[tilespmem:s2+$0xF218] =	vst.msk $0x1, v0  }
0x2a1: {  	v0 =	vld [tilespmem:s0+$0xF238];
	_ =	sdelay $0x2  }
0x2a2: {  	s31 =	sshll.u32 s2, $0x9  }
0x2a3: {  	s4 =	sshra.s32 s31, $0x2  }
0x2a4: {  	[tilespmem:s4+$0xF238] =	vst v0  }
0x2a5: {  	v0 =	vld [tilespmem:s0+$0xF248];
	_ =	sdelay $0x4  }
0x2a6: {  	[tilespmem:s4+$0xF248] =	vst v0  }
0x2a7: {  	v0 =	vld [tilespmem:s0+$0xF258];
	_ =	sdelay $0x4  }
0x2a8: {  	[tilespmem:s4+$0xF258] =	vst v0  }
0x2a9: {  	v0 =	vld [tilespmem:s0+$0xF268];
	_ =	sdelay $0x4  }
0x2aa: {  	[tilespmem:s4+$0xF268] =	vst v0  }
0x2ab: {  	v0 =	vld [tilespmem:s0+$0xF278];
	_ =	sdelay $0x4  }
0x2ac: {  	[tilespmem:s4+$0xF278] =	vst v0  }
0x2ad: {  	v0 =	vld [tilespmem:s0+$0xF288];
	_ =	sdelay $0x4  }
0x2ae: {  	[tilespmem:s4+$0xF288] =	vst v0  }
0x2af: {  	v0 =	vld [tilespmem:s0+$0xF298];
	_ =	sdelay $0x4  }
0x2b0: {  	[tilespmem:s4+$0xF298] =	vst v0  }
0x2b1: {  	v0 =	vld [tilespmem:s0+$0xF2A8];
	_ =	sdelay $0x4  }
0x2b2: {  	s2 =	sadd.s32 $0x1, s2;
	[tilespmem:s4+$0xF2A8] =	vst v0  }
.LBB3_48:
0x2b3: {  	s3 =	sadd.s32 $0x1, s3  }
0x2b4: {  	p1 =	sne.s32 s3, $0x20  }
.Ltmp40:
0x2b5: {  	_ = 	snop;
	(pc) =	sbr.rel @!p1 .LBB3_49-.Ltmp40, $1  }
0x2b6: {  	_ =	sdelay $0x3  }
.LBB3_41:
0x2b7: {  	v0 =	vld.msk [tilespmem:s3+$0xF218], $0x1;
	_ =	sdelay $0x4  }
0x2b8: {  	(v2sf) =	vpush v0, $0x0;
	_ =	sdelay $0xe  }
0x2b9: {  	s4 =	spop (v2sf)  }
0x2ba: {  	p1 =	seq.s32 s4, $0xFFFFFFFF  }
.Ltmp41:
0x2bb: {  	_ = 	snop;
	(pc) =	sbr.rel @p1 .LBB3_48-.Ltmp41, $1  }
0x2bc: {  	_ =	sdelay $0x3  }
0x2bd: {  	p1 =	slt.s32 s2, $0x1  }
.Ltmp42:
0x2be: {  	_ = 	snop;
	(pc) =	sbr.rel @p1 .LBB3_47-.Ltmp42, $1  }
0x2bf: {  	_ =	sdelay $0x3  }
0x2c0: {  	s5 =	simm.s32 $0xF218;
	p1 =	por $0x0, $0x0  }
0x2c1: {  	v1 =	vld.msk @!p1 [tilespmem:s5+$0x0], $0x1;
	_ =	sdelay $0x4  }
0x2c2: {  	(v2sf) =	vpush @!p1 v1, $0x0;
	_ =	sdelay $0xd  }
0x2c3: {  	p3 =	sne.s32 s2, $0x1  }
.Ltmp43:
0x2c4: {  	s0 =	spop @!p1 (v2sf);
	(pc) =	sbr.rel @!p3 .LBB3_45-.Ltmp43, $4  }
0x2c5: {  	p2 =	seq.s32 @!p1 s4, s0  }
0x2c6: {  	s6 =	simm.s32 $0x0;
	p2 =	por !p2, p1  }
0x2c7: {  	s7 =	simm.s32 $0xFFFFFFFF;
	s6 =	simm.s32 @p2 $0xFFFFFFFF  }
0x2c8: {  	s0 =	simm.s32 $0x1;
	s6 =	smov.u32 @p1 s7  }
.LBB3_44:
0x2c9: {  	s7 =	smov.u32 s6;
	p1 =	sne.s32 s6, $0xFFFFFFFF  }
0x2ca: {  	s5 =	sadd.s32 $0x1, s5;
	s6 =	smov.u32 s0;
	s0 =	sadd.s32 $0x1, s0  }
0x2cb: {  	p2 =	sne.s32 s2, s0;
	v1 =	vld.msk @!p1 [tilespmem:s5+$0x0], $0x1;
	_ =	sdelay $0x4  }
0x2cc: {  	(v2sf) =	vpush @!p1 v1, $0x0;
	_ =	sdelay $0xe  }
.Ltmp44:
0x2cd: {  	s8 =	spop @!p1 (v2sf);
	(pc) =	sbr.rel @p2 .LBB3_44-.Ltmp44, $4  }
0x2ce: {  	p3 =	seq.s32 @!p1 s4, s8  }
0x2cf: {  	p3 =	por !p3, p1  }
0x2d0: {  	s6 =	simm.s32 @p3 $0xFFFFFFFF  }
0x2d1: {  	s6 =	smov.u32 @p1 s7  }
.LBB3_45:
0x2d2: {  	p1 =	seq.s32 s6, $0xFFFFFFFF  }
.Ltmp45:
0x2d3: {  	_ = 	snop;
	(pc) =	sbr.rel @p1 .LBB3_47-.Ltmp45, $1  }
0x2d4: {  	_ =	sdelay $0x3  }
0x2d5: {  	s0 =	sshll.u32 s3, $0x7  }
0x2d6: {  	s0 =	sand.u32 $0x3FFFFF80, s0  }
0x2d7: {  	v0 =	vld [tilespmem:s0+$0xF238];
	_ =	sdelay $0x2  }
0x2d8: {  	s4 =	sshll.u32 s6, $0x9  }
0x2d9: {  	s4 =	sshra.s32 s4, $0x2  }
0x2da: {  	[tilespmem:s4+$0xF238] =	vst.add.f32.msk $0xffff, v0  }
0x2db: {  	v0 =	vld [tilespmem:s0+$0xF248];
	_ =	sdelay $0x4  }
0x2dc: {  	[tilespmem:s4+$0xF248] =	vst.add.f32.msk $0xffff, v0  }
0x2dd: {  	v0 =	vld [tilespmem:s0+$0xF258];
	_ =	sdelay $0x4  }
0x2de: {  	[tilespmem:s4+$0xF258] =	vst.add.f32.msk $0xffff, v0  }
0x2df: {  	v0 =	vld [tilespmem:s0+$0xF268];
	_ =	sdelay $0x4  }
0x2e0: {  	[tilespmem:s4+$0xF268] =	vst.add.f32.msk $0xffff, v0  }
0x2e1: {  	v0 =	vld [tilespmem:s0+$0xF278];
	_ =	sdelay $0x4  }
0x2e2: {  	[tilespmem:s4+$0xF278] =	vst.add.f32.msk $0xffff, v0  }
0x2e3: {  	v0 =	vld [tilespmem:s0+$0xF288];
	_ =	sdelay $0x4  }
0x2e4: {  	[tilespmem:s4+$0xF288] =	vst.add.f32.msk $0xffff, v0  }
0x2e5: {  	v0 =	vld [tilespmem:s0+$0xF298];
	_ =	sdelay $0x4  }
0x2e6: {  	[tilespmem:s4+$0xF298] =	vst.add.f32.msk $0xffff, v0  }
0x2e7: {  	v0 =	vld [tilespmem:s0+$0xF2A8]  }
.Ltmp46:
0x2e8: {  	_ = 	snop;
	(pc) =	sbr.rel .LBB3_48-.Ltmp46, $2  }
0x2e9: {  	_ =	sdelay $0x2  }
0x2ea: {  	[tilespmem:s4+$0xF2A8] =	vst.add.f32.msk $0xffff, v0  }
.LBB3_49:
0x2eb: {  	p1 =	slt.s32 s2, $0x1  }
.Ltmp47:
0x2ec: {  	_ = 	snop;
	(pc) =	sbr.rel @p1 .LBB3_53-.Ltmp47, $3  }
0x2ed: {  	_ =	sdelay $0x1  }
0x2ee: {  	s0 =	simm.s32 $0x8  }
0x2ef: {  	s3 =	simm.s32 $0x0;
	[sflag:s0] =	ssyncpa.u1 $0x1  }
0x2f0: {  	s0 =	simm.s32 $0xF218  }
0x2f1: {  	v0 =	vld.msk [tilespmem:s0+$0x0], $0x1;
	_ =	sdelay $0x4  }
0x2f2: {  	(v2sf) =	vpush v0, $0x0;
	_ =	sdelay $0xe  }
0x2f3: {  	s0 =	sadd.s32 $0xFFFFFFFF, s2;
	s5 =	spop (v2sf)  }
0x2f4: {  	p2 =	sne.s32 s0, $0x0;
	p1 =	sgt.u32 s5, $0x270F0  }
.Ltmp48:
0x2f5: {  	s6 =	sand.u32 @!p1 $0x3FFF8, s5;
	(pc) =	sbr.rel @!p2 .LBB3_52-.Ltmp48, $4  }
0x2f6: {  	s4 =	simm.s32 $0xF238;
	s5 =	sand.u32 @!p1 $0x7, s5;
	s2 =	sadd.s32 @!p1 s1, s6  }
0x2f7: {  	[hbm4b:s2+s5] =	stream.linear.scatter @!p1 [tilespmem:s4], [sflag:$0x7], $0x80, $0x38;
	[tilespmem:$0x1F6F8] =	vst v63  }
0x2f8: {  	s5 =	simm.s32 $0x0  }
0x2f9: {  	s2 =	simm.s32 $0xF219;
	s5 =	simm.s32 @!p1 $0x200  }
.LBB3_51:
0x2fa: {  	v0 =	vld.msk [tilespmem:s2+$0x0], $0x1;
	s0 =	sadd.s32 $0xFFFFFFFF, s0;
	s3 =	sadd.s32 s3, s5  }
0x2fb: {  	p1 =	sne.s32 s0, $0x0;
	_ =	sdelay $0x3  }
0x2fc: {  	(v2sf) =	vpush v0, $0x0;
	_ =	sdelay $0xe  }
.Ltmp49:
0x2fd: {  	s6 =	spop (v2sf);
	(pc) =	sbr.rel @p1 .LBB3_51-.Ltmp49, $4  }
0x2fe: {  	s5 =	simm.s32 $0x0;
	p2 =	sgt.u32 s6, $0x270F0  }
0x2ff: {  	s4 =	sadd.s32 $0x80, s4;
	s5 =	simm.s32 @!p2 $0x200;
	s7 =	sand.u32 @!p2 $0x3FFF8, s6  }
0x300: {  	s2 =	sadd.s32 $0x1, s2;
	s6 =	sand.u32 @!p2 $0x7, s6;
	s7 =	sadd.s32 @!p2 s1, s7  }
0x301: {  	[hbm4b:s7+s6] =	stream.linear.scatter @!p2 [tilespmem:s4], [sflag:$0x7], $0x80, $0x38;
	[tilespmem:$0x1F6F8] =	vst v63  }
.LBB3_52:
0x302: {  	s0 =	sadd.s32 s3, s5  }
0x303: {  	s3 =	sshrl.u32 s0, $0x2  }
.LBB3_53:
0x304: {  	s0 =	simm.s32 $0x7  }
0x305: {  	_ =	swait.ge [sflag:s0], s3  }
0x306: {  	s1 =	ssub.s32 $0x0, s3;
	[sflag:s0] =	ssyncset.done $0x0  }
0x307: {  	[sflag:s0] =	ssyncadd.s32 s1  }
0x308: {  	[sflag:s0] =	ssyncpa.u1 $0x1  }
.LBB3_54:
0x309: {  	_ =	sfence;
	s0 =	simm.s32 $0x1  }
0x30a: {  	[sflag:s0] =	ssyncpa.u1 $0x1  }
0x30b: {  	_ =	strace $0x90000053  }
0x30c: {  	[bflag:$0x2] =	sbarrier.arrive $0xFFFF  }
0x30d: {  	s0 =	rddreg [dreg:$0x3]  }
0x30e: {  	s0 =	sadd.s32 @!p0 $0x100000, s0  }
0x30f: {  	[sflag:s0] =	ssyncadd.tile.s32 @!p0 $0x1;
	_ =	shalt  }
.Lfunc_end3:
_tile_overlayer_lowered:
.L_overlay_start_3:
0x310: {  	(tag) =	ssettag $0x3  }
0x311: {  	s0 =	rddreg [dreg:$0x0];
	s2 =	stileid.u32  }
0x312: {  	s1 =	rddreg [dreg:$0x1];
	p0 =	sne.s32 s2, $0x0  }
0x313: {  	s3 =	rddreg [dreg:$0x2];
	[bflag:$0x3] =	sbarrier.arrive $0xFFFF;
	s2 =	simm.s32 @!p0 $0x1C01  }
0x314: {  	[timem:s3], [sflag:s2] =	dma.local @!p0 [hbm:s0], s1  }
0x315: {  	s0 =	simm.s32 @!p0 $0x1  }
0x316: {  	_ =	swait.ge @!p0 [sflag:s0], s1  }
0x317: {  	s1 =	ssub.s32 @!p0 $0x0, s1;
	[sflag:s0] =	ssyncset.done @!p0 $0x0  }
0x318: {  	[sflag:s0] =	ssyncadd.s32 @!p0 s1  }
0x319: {  	[bflag:$0x3] =	sbarrier.arrive $0xFFFF  }
0x31a: {  	_ =	shalt  }

// kernel: scatter_offload_async_start.3
scs
__scs_entry_jumppad:
0x0: {  	(pc) =	sbr.rel $0x88, $3  }
0x1: {  	(tag) =	ssettag $0x0;
	lr =	simm.s32 $0x1  }
0x2: {  	[smem:$0x3F99] =	sst lr;
	_ =	strace $0xD0000000  }
0x3: {  	_ = 	snop  }
0x4: {  	_ = 	snop  }
0x5: {  	_ = 	snop  }
0x6: {  	_ = 	snop  }
0x7: {  	_ = 	snop  }
__scs_overlays_trampoline_lowered:
0x8: {  	[smem:$0x3FA8] =	sst s0  }
0x9: {  	[smem:$0x3FA9] =	sst s1  }
0xa: {  	[smem:$0x3FAA] =	sst s2  }
0xb: {  	[smem:$0x3FAB] =	sst s3  }
0xc: {  	[smem:$0x3FAC] =	sst s4  }
0xd: {  	[smem:$0x3FAD] =	sst s5  }
0xe: {  	[smem:$0x3FAE] =	sst s6  }
0xf: {  	[smem:$0x3FAF] =	sst s7  }
0x10: {  	[smem:$0x3FB0] =	sst s8  }
0x11: {  	[smem:$0x3FB1] =	sst s9;
	s0 =	simm.s32 @!p0 $0x0  }
0x12: {  	s1 =	sld [smem:$0x3F97];
	s0 =	simm.s32 @p0 $0x1  }
0x13: {  	[smem:$0x3FB2] =	sst s0;
	s0 =	simm.s32 @!p1 $0x0  }
0x14: {  	s2 =	sld [smem:$0x3F96];
	s0 =	simm.s32 @p1 $0x1  }
0x15: {  	[smem:$0x3FB3] =	sst s0;
	s0 =	simm.s32 @!p2 $0x0  }
0x16: {  	s3 =	sld [smem:$0x3FDB];
	s0 =	simm.s32 @p2 $0x1  }
0x17: {  	s4 =	simm.s32 $0x1BF5;
	[smem:$0x3FB5] =	sst s0  }
0x18: {  	s0 =	sld [smem:$0x3F98];
	_ =	swait.ge [sflag:s4], $0x0  }
0x19: {  	s7 =	sld [smem:$0x3F99]  }
0x1a: {  	s8 =	sadd.s32 $0xFFFFE003, lr  }
0x1b: {  	s9 =	sadd.s32 $0xFFFFFEF7, lr;
	s5 =	simm.s32 $0xFFFFFFFF;
	p2 =	slt.u32 s8, $0xFFFFF086  }
0x1c: {  	p1 =	slt.u32 s9, $0xF7A;
	s5 =	simm.s32 @!p2 $0x0  }
0x1d: {  	s5 =	simm.s32 @p1 $0x1;
	p0 =	seq.s32 s7, s2  }
0x1e: {  	s7 =	smul.u32 @!p0 $0xF7A, s2;
	p2 =	seq.s32 @!p0 s5, $0x0  }
0x1f: {  	s9 =	smul.u32 $0xF7A, s1;
	s8 =	simm.s32 @!p0 $0x1BF5;
	p2 =	por !p2, p0  }
0x20: {  	[sflag:s8] =	ssyncset.s32 @!p0 $0xFFFFF086;
	s6 =	sadd.s32 @!p0 s3, s7;
	s7 =	simm.s32 @!p0 $0x108  }
0x21: {  	s3 =	sadd.s32 s3, s9;
	s6 =	sadd.s32 @!p0 $0x88, s6;
	s7 =	simm.s32 @p2 $0x1082  }
0x22: {  	[simem:s7], [sflag:s8] =	dma.local @!p0 [hbm:s6], $0xF7A  }
0x23: {  	s9 =	sor.u32 $0xD0000000, s2;
	s6 =	simm.s32 $0x108;
	_ =	swait.ge @!p0 [sflag:s8], $0x0  }
0x24: {  	s3 =	sadd.s32 $0x88, s3;
	s6 =	simm.s32 @!p1 $0x1082;
	[sflag:s4] =	ssyncset.s32 $0xFFFFF086  }
0x25: {  	[simem:s6], [sflag:s4] =	dma.local [hbm:s3], $0xF7A  }
0x26: {  	[smem:$0x3F99] =	sst s1;
	(tag) =	ssettag s2;
	_ =	strace s9  }
0x27: {  	s1 =	sld [smem:$0x3FA9]  }
0x28: {  	s2 =	sld [smem:$0x3FAA]  }
0x29: {  	s4 =	sld [smem:$0x3FAC]  }
0x2a: {  	p0 =	seq.s32 s5, $0x0;
	s5 =	sld [smem:$0x3FAD]  }
0x2b: {  	s6 =	sld [smem:$0x3FAE]  }
0x2c: {  	s7 =	sld [smem:$0x3FAF]  }
0x2d: {  	s3 =	simm.s32 $0x108;
	s8 =	sld [smem:$0x3FB0]  }
0x2e: {  	s3 =	simm.s32 @!p0 $0x1082;
	s9 =	sld [smem:$0x3FB1]  }
0x2f: {  	lr =	sadd.s32 s0, s3;
	s0 =	sld [smem:$0x3FA8]  }
0x30: {  	s3 =	sld [smem:$0x3FAB]  }
0x31: {  	[smem:$0x3FB4] =	sst s10  }
0x32: {  	s10 =	sld [smem:$0x3FB2];
	_ =	sdelay $0x3  }
0x33: {  	p0 =	seq.s32 s10, $0x1;
	s10 =	sld [smem:$0x3FB4];
	_ =	sdelay $0x3  }
0x34: {  	[smem:$0x3FB4] =	sst s10  }
0x35: {  	s10 =	sld [smem:$0x3FB3];
	_ =	sdelay $0x3  }
0x36: {  	p1 =	seq.s32 s10, $0x1;
	s10 =	sld [smem:$0x3FB4];
	_ =	sdelay $0x3  }
0x37: {  	[smem:$0x3FB4] =	sst s10  }
0x38: {  	s10 =	sld [smem:$0x3FB5]  }
0x39: {  	_ = 	snop;
	(pc) =	sbr.ind lr, $3  }
0x3a: {  	_ = 	snop  }
0x3b: {  	_ = 	snop  }
0x3c: {  	p2 =	seq.s32 s10, $0x1;
	s10 =	sld [smem:$0x3FB4]  }
0x3d: {  	_ =	shalt  }
0x3e: {  	_ =	shalt  }
0x3f: {  	_ =	shalt  }
0x40: {  	_ =	shalt  }
0x41: {  	_ =	shalt  }
0x42: {  	_ =	shalt  }
0x43: {  	_ =	shalt  }
0x44: {  	_ =	shalt  }
0x45: {  	_ =	shalt  }
0x46: {  	_ =	shalt  }
0x47: {  	_ =	shalt  }
0x48: {  	_ =	shalt  }
0x49: {  	_ =	shalt  }
0x4a: {  	_ =	shalt  }
0x4b: {  	_ =	shalt  }
0x4c: {  	_ =	shalt  }
0x4d: {  	_ =	shalt  }
0x4e: {  	_ =	shalt  }
0x4f: {  	_ =	shalt  }
0x50: {  	_ =	shalt  }
0x51: {  	_ =	shalt  }
0x52: {  	_ =	shalt  }
0x53: {  	_ =	shalt  }
0x54: {  	_ =	shalt  }
0x55: {  	_ =	shalt  }
0x56: {  	_ =	shalt  }
0x57: {  	_ =	shalt  }
0x58: {  	_ =	shalt  }
0x59: {  	_ =	shalt  }
0x5a: {  	_ =	shalt  }
0x5b: {  	_ =	shalt  }
0x5c: {  	_ =	shalt  }
0x5d: {  	_ =	shalt  }
0x5e: {  	_ =	shalt  }
0x5f: {  	_ =	shalt  }
0x60: {  	_ =	shalt  }
0x61: {  	_ =	shalt  }
0x62: {  	_ =	shalt  }
0x63: {  	_ =	shalt  }
0x64: {  	_ =	shalt  }
0x65: {  	_ =	shalt  }
0x66: {  	_ =	shalt  }
0x67: {  	_ =	shalt  }
0x68: {  	_ =	shalt  }
0x69: {  	_ =	shalt  }
0x6a: {  	_ =	shalt  }
0x6b: {  	_ =	shalt  }
0x6c: {  	_ =	shalt  }
0x6d: {  	_ =	shalt  }
0x6e: {  	_ =	shalt  }
0x6f: {  	_ =	shalt  }
0x70: {  	_ =	shalt  }
0x71: {  	_ =	shalt  }
0x72: {  	_ =	shalt  }
0x73: {  	_ =	shalt  }
0x74: {  	_ =	shalt  }
0x75: {  	_ =	shalt  }
0x76: {  	_ =	shalt  }
0x77: {  	_ =	shalt  }
0x78: {  	_ =	shalt  }
0x79: {  	_ =	shalt  }
0x7a: {  	_ =	shalt  }
0x7b: {  	_ =	shalt  }
0x7c: {  	_ =	shalt  }
0x7d: {  	_ =	shalt  }
0x7e: {  	_ =	shalt  }
0x7f: {  	_ =	shalt  }
0x80: {  	_ =	shalt  }
0x81: {  	_ =	shalt  }
0x82: {  	_ =	shalt  }
0x83: {  	_ =	shalt  }
0x84: {  	_ =	shalt  }
0x85: {  	_ =	shalt  }
0x86: {  	_ =	shalt  }
0x87: {  	_ =	shalt  }
.Lfunc_end0:
.L_simem_size_0:
called_computation.3_lowered:
.L_overlay_start_0:
0x88: {  	s2 =	sld [smem:$0x3FD9]  }
0x89: {  	s3 =	sld [smem:$0x3FFE];
	_ =	sdelay $0x1  }
0x8a: {  	s1 =	srdreg.scid  }
0x8b: {  	s0 =	sand.u32 $0x1, s1  }
0x8c: {  	s15 =	sshll.u32 s0, $0xA;
	s2 =	sadd.s32 s3, s2  }
0x8d: {  	s2 =	sadd.s32 s2, s15  }
0x8e: {  	[smem:$0x3FC0] =	sst s2  }
0x8f: {  	_ = 	snop  }
0x90: {  	(tm) =	ssettm $0x1  }
0x91: {  	s16 =	sld [smem:$0x3FFB];
	_ =	sdelay $0x3  }
0x92: {  	_ =	strace s16  }
0x93: {  	s2 =	sld [smem:$0x3FFC];
	_ =	sdelay $0x3  }
0x94: {  	_ =	strace s2  }
0x95: {  	s2 =	sld [smem:$0x3FFD];
	_ =	sdelay $0x3  }
0x96: {  	_ =	strace s2  }
0x97: {  	_ =	strace $0x8FFFFFFF  }
0x98: {  	s17 =	sld [smem:$0x3FDB];
	_ =	sdelay $0x1  }
0x99: {  	s18 =	simm.s32 $_scs_section_size  }
0x9a: {  	s4 =	simm.s32 $_size__tile_overlayer_lowered;
	s5 =	simm.s32 $_tile_overlayer_lowered  }
0x9b: {  	s6 =	simm.s32 $0x1BFF;
	s19 =	sshll.u32 s5, $0x1;
	s3 =	sadd.s32 s18, s17  }
0x9c: {  	s20 =	simm.s32 $0x0;
	s4 =	sshll.u32 s4, $0x1;
	s5 =	sadd.s32 s19, s3  }
0x9d: {  	[timem:s20], [sflag:s6] =	dma.local [hbm:s5], s4  }
0x9e: {  	_ =	swait.ge [sflag:s6], s4  }
0x9f: {  	s4 =	ssub.s32 $0x0, s4;
	[sflag:s6] =	ssyncset.done $0x0  }
0xa0: {  	[sflag:s6] =	ssyncadd.s32 s4;
	_ =	sdelay $0x1  }
0xa1: {  	s21 =	simm.s32 $0x1B8B  }
0xa2: {  	_ =	swait.ge [sflag:s21], $0x1  }
0xa3: {  	[sflag:s21] =	ssyncset.done $0x0  }
0xa4: {  	s22 =	sld [smem:$0x3FFE];
	[sflag:s21] =	ssyncadd.s32 $0xFFFFFFFF  }
0xa5: {  	s24 =	simm.s32 $0x1B8E;
	s23 =	sld [smem:$0x0]  }
0xa6: {  	s25 =	simm.s32 $execute0_lowered;
	[smem:$0x3FD2] =	sst s24  }
0xa7: {  	s6 =	sshll.u32 s25, $0x1;
	_ =	strace $0x80000055;
	[dreg:$0x1] =	wrdreg $0xFFFFFFFF  }
0xa8: {  	s7 =	simm.s32 $_size_execute0_lowered;
	s6 =	sadd.s32 s3, s6;
	[dreg:$0x0] =	wrdreg $0x0  }
0xa9: {  	s7 =	sshll.u32 s7, $0x1;
	[dreg:$0x2] =	wrdreg s6  }
0xaa: {  	[dreg:$0x3] =	wrdreg s7  }
0xab: {  	[dreg:$0x4] =	wrdreg $0xC0  }
0xac: {  	s26 =	simm.s32 $execute1_lowered;
	_ =	task [dreg:s20], $0x5FFFF  }
0xad: {  	s6 =	sshll.u32 s26, $0x1;
	[dreg:$0x1] =	wrdreg $0xFFFFFFFF  }
0xae: {  	s3 =	sadd.s32 s3, s6;
	[dreg:$0x0] =	wrdreg $0x60  }
0xaf: {  	[dreg:$0x2] =	wrdreg s3  }
0xb0: {  	[dreg:$0x3] =	wrdreg s22  }
0xb1: {  	[dreg:$0x4] =	wrdreg $0x9  }
0xb2: {  	_ =	task.clear_ibuf [dreg:s20], $0x5FFFF;
	_ =	strace $0x90000055  }
0xb3: {  	s28 =	simm.s32 $0x9;
	_ =	strace $0x80000057  }
0xb4: {  	_ =	swait.ge [sflag:s28], $0x1  }
0xb5: {  	[sflag:s28] =	ssyncadd.s32 $0xFFFFFFFF  }
0xb6: {  	_ =	strace $0x90000057  }
0xb7: {  	s3 =	sld [smem:$0x0]  }
0xb8: {  	s6 =	sand.u32 $0xFFFFFFFE, s1  }
0xb9: {  	p0 =	sne.s32 s1, s6  }
0xba: {  	s6 =	sshll.u32 @p0 s6, $0xE  }
0xbb: {  	s6 =	sadd.s32 @p0 $0x11BF3, s6;
	s7 =	sshll.u32 @p0 s3, $0x11  }
0xbc: {  	s6 =	sor.u32 @p0 s7, s6  }
0xbd: {  	[sflag:s6] =	ssyncadd.remote.s32 @p0 $0x1;
	_ =	sdelay $0x1  }
0xbe: {  	s6 =	simm.s32 @p0 $0x1BF3  }
0xbf: {  	_ =	swait.eq @p0 [sflag:s6], $0x1  }
0xc0: {  	[sflag:s6] =	ssyncadd.s32 @p0 $0xFFFFFFFF  }
0xc1: {  	s7 =	sshll.u32 @!p0 s1, $0xE  }
0xc2: {  	s7 =	sor.u32 @!p0 $0x4000, s7;
	s6 =	simm.s32 @!p0 $0x1BF3  }
0xc3: {  	s3 =	sshll.u32 @!p0 s3, $0x11;
	s7 =	sadd.s32 @!p0 $0x11BF3, s7;
	_ =	swait.eq @!p0 [sflag:s6], $0x1  }
0xc4: {  	s3 =	sor.u32 @!p0 s3, s7;
	[sflag:s6] =	ssyncadd.s32 @!p0 $0xFFFFFFFF  }
0xc5: {  	[sflag:s3] =	ssyncadd.remote.s32 @!p0 $0x1  }
0xc6: {  	_ =	strace $0x80000058;
	[dreg:$0x1] =	wrdreg $0xFFFFFFFF  }
0xc7: {  	[dreg:$0x0] =	wrdreg $0x2030  }
0xc8: {  	[dreg:$0x2] =	wrdreg s22  }
0xc9: {  	[dreg:$0x3] =	wrdreg s1  }
0xca: {  	[dreg:$0x4] =	wrdreg s23  }
0xcb: {  	[dreg:$0x5] =	wrdreg $0xA  }
0xcc: {  	_ =	task.clear_ibuf [dreg:s20], $0x6FFFF;
	_ =	strace $0x90000058  }
0xcd: {  	s29 =	simm.s32 $0xA;
	_ =	strace $0x8000005A  }
0xce: {  	_ =	swait.ge [sflag:s29], $0x1  }
0xcf: {  	[sflag:s29] =	ssyncadd.s32 $0xFFFFFFFF  }
0xd0: {  	_ =	strace $0x9000005A  }
0xd1: {  	_ =	sfence  }
0xd2: {  	s30 =	sld [smem:$0x0];
	_ =	sdelay $0x2  }
0xd3: {  	s31 =	sshll.u32 s1, $0xD;
	s1 =	sshrl.u32 s1, $0x2  }
0xd4: {  	s4 =	sand.u32 $0x4000, s31;
	s1 =	sadd.s32 s1, s30  }
0xd5: {  	s0 =	sor.u32 s4, s0;
	s1 =	sshll.u32 s1, $0x11  }
0xd6: {  	s0 =	sor.u32 s1, s0  }
0xd7: {  	s0 =	sadd.s32 $0x8F2B, s0  }
0xd8: {  	[sflag:s0] =	ssyncadd.remote.s32 $0x1  }
0xd9: {  	_ =	sfence.sel $0xFFFF  }
0xda: {  	[dreg:$0x0] =	wrdreg $0xFFFFFFFF;
	(pc) =	sbr.abs _section_cstart, $3  }
0xdb: {  	[dreg:$0x1] =	wrdreg $0xFFFFFFFF  }
0xdc: {  	_ =	task.clear_ibuf [dreg:s20], $0x2FFFF;
	_ =	strace $0x9FFFFFFF  }
0xdd: {  	(tm) =	ssettm $0x7FFFFFFF  }
tec
execute0_lowered:
.L_overlay_start_1:
0x0: {  	(tag) =	ssettag $0x1  }
0x1: {  	s2 =	rddreg [dreg:$0x0]  }
0x2: {  	s4 =	rddreg [dreg:$0x1]  }
0x3: {  	s0 =	rddreg [dreg:$0x2];
	s3 =	stileid.u32  }
0x4: {  	[bflag:$0x3] =	sbarrier.arrive $0xFFFF;
	s1 =	simm.s32 $_size_execute1_lowered;
	s29 =	srdreg.scid  }
0x5: {  	s7 =	simm.s32 $0x2;
	s8 =	simm.s32 $0x0;
	p0 =	sne.s32 s3, $0x0  }
0x6: {  	s1 =	sshll.u32 s1, $0x1;
	s5 =	simm.s32 @!p0 $0x1C3F;
	s6 =	simm.s32 @!p0 $0x4060  }
0x7: {  	[timem:s6], [sflag:s5] =	dma.local @!p0 [hbm:s2], s1  }
0x8: {  	s12 =	simm.s32 $0x0;
	s10 =	simm.s32 $0x0;
	s2 =	sshll.u32 s29, $0x7  }
.Ltmp0:
0x9: {  	s3 =	sshll.u32 s3, $0x8;
	s30 =	sand.u32 $0x80, s2;
	(pc) =	sbr.rel .LBB2_1-.Ltmp0, $4  }
0xa: {  	s11 =	simm.s32 $0x0;
	_ =	strace $0x80000056;
	s3 =	sor.u32 s3, s30  }
0xb: {  	s5 =	simm.s32 $0x1;
	s2 =	sadd.s32 $0x513E00, s4;
	s31 =	ssub.s32 $0x2700, s3  }
0xc: {  	s4 =	sadd.s32 $0x44E00, s4;
	[sflag:s5] =	ssyncpa.u1 $0x0;
	s6 =	sshrl.u32 s31, $0xC  }
0xd: {  	[sflag:s7] =	ssyncpa.u1 $0x0;
	s9 =	smov.u32 s3;
	s7 =	sadd.s32 $0x2, s6  }
.LBB2_4:
0xe: {  	_ = 	snop  }
.LBB2_7:
0xf: {  	_ =	sdelay $0x3  }
0x10: {  	[tilespmem:v0+s16+$0x0 ss:$0x1] =	vst.idx.msk @p1 $0xffff, v2  }
0x11: {  	v56 =	vld.idx.msk [tilespmem:v1+s15+$0x0 ss:$0x1], $0xffff;
	s24 =	sor.u32 $0x70, s15;
	[tilespmem:v0+s17+$0x0 ss:$0x1] =	vst.idx.msk @p1 $0xffff, v4  }
0x12: {  	s25 =	sor.u32 $0x10, s15;
	[tilespmem:v0+s18+$0x0 ss:$0x1] =	vst.idx.msk @p1 $0xffff, v3;
	v57 =	vld.idx.msk [tilespmem:v1+s24+$0x0 ss:$0x1], $0xffff  }
0x13: {  	s26 =	sor.u32 $0x20, s15;
	[tilespmem:v0+s19+$0x0 ss:$0x1] =	vst.idx.msk @p1 $0xffff, v5;
	v58 =	vld.idx.msk [tilespmem:v1+s25+$0x0 ss:$0x1], $0xffff  }
0x14: {  	s28 =	sor.u32 $0x30, s15;
	[tilespmem:v0+s20+$0x0 ss:$0x1] =	vst.idx.msk @p1 $0xffff, v6;
	v59 =	vld.idx.msk [tilespmem:v1+s26+$0x0 ss:$0x1], $0xffff  }
0x15: {  	s29 =	sor.u32 $0x40, s15;
	[tilespmem:v0+s21+$0x0 ss:$0x1] =	vst.idx.msk @p1 $0xffff, v7;
	v60 =	vld.idx.msk [tilespmem:v1+s28+$0x0 ss:$0x1], $0xffff  }
0x16: {  	s30 =	sor.u32 $0x50, s15;
	v61 =	vld.idx.msk [tilespmem:v1+s29+$0x0 ss:$0x1], $0xffff;
	[tilespmem:v0+s15+$0x0 ss:$0x1] =	vst.idx.msk $0xffff, v56  }
0x17: {  	s31 =	sor.u32 $0x60, s15;
	v62 =	vld.idx.msk [tilespmem:v1+s30+$0x0 ss:$0x1], $0xffff;
	[tilespmem:v0+s24+$0x0 ss:$0x1] =	vst.idx.msk $0xffff, v57  }
0x18: {  	v63 =	vld.idx.msk [tilespmem:v1+s31+$0x0 ss:$0x1], $0xffff;
	[tilespmem:v0+s25+$0x0 ss:$0x1] =	vst.idx.msk $0xffff, v58  }
0x19: {  	[tilespmem:v0+s26+$0x0 ss:$0x1] =	vst.idx.msk $0xffff, v59  }
0x1a: {  	[tilespmem:v0+s28+$0x0 ss:$0x1] =	vst.idx.msk $0xffff, v60  }
0x1b: {  	[tilespmem:v0+s29+$0x0 ss:$0x1] =	vst.idx.msk $0xffff, v61  }
0x1c: {  	[tilespmem:v0+s30+$0x0 ss:$0x1] =	vst.idx.msk $0xffff, v62  }
0x1d: {  	[tilespmem:v0+s31+$0x0 ss:$0x1] =	vst.idx.msk $0xffff, v63  }
.LBB2_8:
0x1e: {  	s15 =	sand.u32 $0x1FFFFFF, s10  }
0x1f: {  	s16 =	smulhi.u32 $0x1A36E2F, s15;
	_ =	sdelay $0x1  }
0x20: {  	s16 =	sshrl.u32 s16, $0x6  }
0x21: {  	s16 =	smul.u32 $0x2710, s16;
	_ =	sdelay $0x1  }
0x22: {  	s15 =	ssub.s32 s15, s16  }
0x23: {  	s15 =	sshll.u32 s15, $0x4  }
0x24: {  	s15 =	sadd.s32 s4, s15  }
0x25: {  	[hbm4b:s15+s8] =	stream.linear.scatter [tilespmem:s14], [sflag:$0x2], s13, $0x38;
	[tilespmem:$0x10000] =	vst v63  }
.LBB2_9:
0x26: {  	p1 =	slt.u32 s11, $0x2  }
0x27: {  	p2 =	sgt.s32 @!p1 s12, $0x2690  }
0x28: {  	s13 =	smov.u32 s12;
	s14 =	sshra.s32 @!p1 s12, $0x1F;
	p2 =	por !p2, p1  }
0x29: {  	s12 =	sand.u32 @!p1 s14, s12;
	s13 =	simm.s32 @p2 $0x2690  }
0x2a: {  	s12 =	ssub.s32 @!p1 s13, s12  }
0x2b: {  	s12 =	sadd.s32 @!p1 $0xFFFFD970, s12  }
0x2c: {  	s13 =	sshll.u32 @!p1 s12, $0x9  }
0x2d: {  	p2 =	sgt.s32 @!p1 s12, $0x7F;
	s12 =	ssub.s32 @!p1 $0x10000, s13  }
0x2e: {  	s14 =	sadd.s32 $0x1000, s9;
	p2 =	por !p2, p1;
	s12 =	sshrl.u32 @!p1 s12, $0x2  }
0x2f: {  	s12 =	simm.s32 @!p2 $0x0;
	p2 =	sgt.s32 s14, $0x270F  }
0x30: {  	s14 =	smov.u32 @p2 s3;
	p2 =	sne.s32 s11, s7  }
.Ltmp1:
0x31: {  	_ = 	snop;
	(pc) =	sbr.rel @!p2 .LBB2_10-.Ltmp1, $4  }
0x32: {  	s13 =	simm.s32 @!p1 $0x2  }
0x33: {  	_ =	swait.ge @!p1 [sflag:s13], s12;
	s15 =	ssub.s32 @!p1 $0x0, s12  }
0x34: {  	s12 =	smov.u32 s10;
	s11 =	sadd.s32 $0x1, s11;
	[sflag:s13] =	ssyncset.done @!p1 $0x0  }
0x35: {  	s10 =	smov.u32 s9;
	s9 =	smov.u32 s14;
	[sflag:s13] =	ssyncadd.s32 @!p1 s15  }
.LBB2_1:
0x36: {  	p1 =	sgt.u32 s11, s6  }
0x37: {  	s13 =	sand.u32 @!p1 $0x1FFFFFF, s9  }
0x38: {  	p2 =	sgt.s32 @!p1 s9, $0x2690;
	s14 =	smulhi.u32 @!p1 $0x1A36E2F, s13  }
0x39: {  	s15 =	smov.u32 s9;
	s16 =	sshra.s32 @!p1 s9, $0x1F;
	p2 =	por !p2, p1  }
0x3a: {  	s16 =	sand.u32 @!p1 s16, s9;
	s15 =	simm.s32 @p2 $0x2690;
	s14 =	sshrl.u32 @!p1 s14, $0x6  }
0x3b: {  	s15 =	ssub.s32 @!p1 s15, s16;
	s14 =	smul.u32 @!p1 $0x2710, s14  }
0x3c: {  	s16 =	sxor.u32 @!p1 $0xFFFFFFFF, s11;
	s15 =	sadd.s32 @!p1 $0xFFFFD970, s15  }
0x3d: {  	s16 =	sshll.u32 @!p1 s16, $0xE;
	s13 =	ssub.s32 @!p1 s13, s14;
	s14 =	sshll.u32 @!p1 s15, $0x9  }
0x3e: {  	s16 =	sand.u32 @!p1 $0x4000, s16;
	p2 =	sgt.s32 @!p1 s15, $0x7F;
	s14 =	ssub.s32 @!p1 $0x10000, s14  }
0x3f: {  	p2 =	por !p2, p1;
	s13 =	sshll.u32 @!p1 s13, $0x4;
	s14 =	sshrl.u32 @!p1 s14, $0x2  }
0x40: {  	s15 =	simm.s32 @!p1 $0x0;
	s13 =	sadd.s32 @!p1 s2, s13;
	s14 =	simm.s32 @!p2 $0x0  }
0x41: {  	[tilespmem:s16], [sflag:$0x1] =	stream.linear.gather @!p1 [hbm4b:s13+s15], s14, $0x38;
	[tilespmem:$0x10000] =	vst v63  }
0x42: {  	p1 =	seq.s32 s11, $0x0  }
0x43: {  	p2 =	sge.u32 @!p1 s11, s7  }
0x44: {  	p1 =	por p1, p2  }
.Ltmp2:
0x45: {  	_ = 	snop;
	(pc) =	sbr.rel @p1 .LBB2_9-.Ltmp2, $1  }
0x46: {  	_ =	sdelay $0x3  }
0x47: {  	p1 =	sgt.s32 s10, $0x2690;
	s13 =	smov.u32 s10;
	s14 =	sshra.s32 s10, $0x1F  }
0x48: {  	s13 =	simm.s32 @!p1 $0x2690;
	s14 =	sand.u32 s14, s10  }
0x49: {  	s13 =	ssub.s32 s13, s14  }
0x4a: {  	s13 =	sadd.s32 $0xFFFFD970, s13  }
0x4b: {  	s31 =	sshll.u32 s13, $0x9  }
0x4c: {  	s14 =	ssub.s32 $0x10000, s31  }
0x4d: {  	p1 =	sgt.s32 s13, $0x7F;
	s13 =	sshrl.u32 s14, $0x2;
	s14 =	sadd.s32 $0x80, s10  }
0x4e: {  	s13 =	simm.s32 @p1 $0x0;
	p1 =	slt.s32 s14, $0x2710  }
0x4f: {  	s14 =	simm.s32 @!p1 $0x2710  }
0x50: {  	s16 =	ssub.s32 s14, s10  }
0x51: {  	p1 =	slt.s32 s16, $0x1  }
.Ltmp3:
0x52: {  	_ = 	snop;
	(pc) =	sbr.rel @p1 .LBB2_8-.Ltmp3, $4  }
0x53: {  	_ = 	snop  }
0x54: {  	s15 =	sshll.u32 s11, $0xE;
	_ =	swait.ge [sflag:s5], s13  }
0x55: {  	s15 =	sand.u32 $0x4000, s15;
	s17 =	ssub.s32 $0x0, s13;
	[sflag:s5] =	ssyncset.done $0x0  }
0x56: {  	s14 =	sor.u32 $0x8000, s15;
	[sflag:s5] =	ssyncadd.s32 s17  }
0x57: {  	p2 =	sne.s32 s16, $0x1  }
.Ltmp4:
0x58: {  	v1 =	vmov s15;
	v0 =	vmov s14;
	(pc) =	sbr.rel @!p2 .LBB2_4-.Ltmp4, $3  }
0x59: {  	_ =	sdelay $0x1  }
0x5a: {  	s17 =	simm.s32 $0x0  }
0x5b: {  	s23 =	sadd.s32 $0xFFFFFFFF, s16;
	p1 =	por $0x0, $0x0;
	s15 =	sand.u32 $0x3F80, s17  }
0x5c: {  	_ =	sdelay $0x3  }
0x5d: {  	v6 =	vld.idx.msk [tilespmem:v1+s15+$0x0 ss:$0x1], $0xffff;
	s24 =	sor.u32 $0x70, s15  }
0x5e: {  	s16 =	sor.u32 $0x10, s15;
	v8 =	vld.idx.msk [tilespmem:v1+s24+$0x0 ss:$0x1], $0xffff  }
0x5f: {  	s17 =	sor.u32 $0x20, s15;
	p2 =	sne.s32 s23, $0x1;
	v2 =	vld.idx.msk [tilespmem:v1+s16+$0x0 ss:$0x1], $0xffff  }
.Ltmp5:
0x60: {  	s18 =	sor.u32 $0x30, s15;
	v4 =	vld.idx.msk [tilespmem:v1+s17+$0x0 ss:$0x1], $0xffff;
	(pc) =	sbr.rel @!p2 .LBB2_7-.Ltmp5, $4  }
0x61: {  	s19 =	sor.u32 $0x40, s15;
	v3 =	vld.idx.msk [tilespmem:v1+s18+$0x0 ss:$0x1], $0xffff  }
0x62: {  	s21 =	sor.u32 $0x60, s15;
	v5 =	vld.idx.msk [tilespmem:v1+s19+$0x0 ss:$0x1], $0xffff  }
0x63: {  	s20 =	sor.u32 $0x50, s15;
	s22 =	simm.s32 $0x80;
	v7 =	vld.idx.msk [tilespmem:v1+s21+$0x0 ss:$0x1], $0xffff;
	[tilespmem:v0+s15+$0x0 ss:$0x1] =	vst.idx.msk $0xffff, v6  }
0x64: {  	s23 =	sadd.s32 $0xFFFFFFFF, s23;
	p1 =	por $0x1, $0x1;
	v6 =	vld.idx.msk [tilespmem:v1+s20+$0x0 ss:$0x1], $0xffff;
	s15 =	sand.u32 $0x3F80, s22;
	[tilespmem:v0+s24+$0x0 ss:$0x1] =	vst.idx.msk $0xffff, v8  }
.LBB2_6:
0x65: {  	p2 =	sne.s32 s23, $0x1;
	v8 =	vld.idx.msk [tilespmem:v1+s15+$0x0 ss:$0x1], $0xffff;
	s24 =	sor.u32 $0x70, s15;
	[tilespmem:v0+s16+$0x0 ss:$0x1] =	vst.idx.msk $0xffff, v2;
	s16 =	sor.u32 $0x10, s15  }
0x66: {  	s25 =	sor.u32 $0x30, s15;
	s26 =	sor.u32 $0x40, s15;
	v9 =	vld.idx.msk [tilespmem:v1+s24+$0x0 ss:$0x1], $0xffff;
	[tilespmem:v0+s17+$0x0 ss:$0x1] =	vst.idx.msk $0xffff, v4;
	s17 =	sor.u32 $0x20, s15  }
0x67: {  	s28 =	sor.u32 $0x50, s15;
	s29 =	sor.u32 $0x60, s15;
	v2 =	vld.idx.msk [tilespmem:v1+s16+$0x0 ss:$0x1], $0xffff;
	[tilespmem:v0+s18+$0x0 ss:$0x1] =	vst.idx.msk $0xffff, v3;
	s18 =	smov.u32 s25  }
.Ltmp6:
0x68: {  	v4 =	vld.idx.msk [tilespmem:v1+s17+$0x0 ss:$0x1], $0xffff;
	[tilespmem:v0+s19+$0x0 ss:$0x1] =	vst.idx.msk $0xffff, v5;
	s19 =	smov.u32 s26;
	(pc) =	sbr.rel @p2 .LBB2_6-.Ltmp6, $4  }
0x69: {  	v3 =	vld.idx.msk [tilespmem:v1+s18+$0x0 ss:$0x1], $0xffff;
	[tilespmem:v0+s20+$0x0 ss:$0x1] =	vst.idx.msk $0xffff, v6;
	s20 =	smov.u32 s28  }
0x6a: {  	v5 =	vld.idx.msk [tilespmem:v1+s19+$0x0 ss:$0x1], $0xffff;
	[tilespmem:v0+s21+$0x0 ss:$0x1] =	vst.idx.msk $0xffff, v7;
	s21 =	smov.u32 s29  }
0x6b: {  	s22 =	sadd.s32 $0x80, s22;
	[tilespmem:v0+s15+$0x0 ss:$0x1] =	vst.idx.msk $0xffff, v8;
	v6 =	vld.idx.msk [tilespmem:v1+s20+$0x0 ss:$0x1], $0xffff  }
0x6c: {  	s23 =	sadd.s32 $0xFFFFFFFF, s23;
	s15 =	sand.u32 $0x3F80, s22;
	v7 =	vld.idx.msk [tilespmem:v1+s21+$0x0 ss:$0x1], $0xffff;
	[tilespmem:v0+s24+$0x0 ss:$0x1] =	vst.idx.msk $0xffff, v9  }
.Ltmp7:
0x6d: {  	_ = 	snop;
	(pc) =	sbr.rel .LBB2_7-.Ltmp7, $1  }
0x6e: {  	_ =	sdelay $0x3  }
.LBB2_10:
0x6f: {  	_ =	sfence.sel $0x180000  }
0x70: {  	s2 =	simm.s32 $0x1;
	[bflag:$0x0] =	sbarrier.arrive $0xFFFF  }
0x71: {  	s31 =	simm.s32 $0x2;
	[sflag:s2] =	ssyncpa.u1 $0x1  }
0x72: {  	[sflag:s31] =	ssyncpa.u1 $0x1  }
0x73: {  	_ =	strace $0x90000056  }
0x74: {  	s0 =	sadd.s32 @!p0 $0x100000, s0;
	[bflag:$0x2] =	sbarrier.arrive $0xFFFF  }
0x75: {  	[sflag:s0] =	ssyncadd.tile.s32 @!p0 $0x1;
	s0 =	simm.s32 @!p0 $0x3F  }
0x76: {  	_ =	swait.ge @!p0 [sflag:s0], s1  }
0x77: {  	s1 =	ssub.s32 @!p0 $0x0, s1;
	[sflag:s0] =	ssyncset.done @!p0 $0x0  }
0x78: {  	[sflag:s0] =	ssyncadd.s32 @!p0 s1  }
0x79: {  	[bflag:$0x3] =	sbarrier.arrive $0xFFFF  }
0x7a: {  	_ =	shalt  }
.Lfunc_end2:
execute1_lowered:
.L_overlay_start_2:
0x7b: {  	(tag) =	ssettag $0x2  }
0x7c: {  	s2 =	rddreg [dreg:$0x0]  }
0x7d: {  	s3 =	rddreg [dreg:$0x1];
	_ =	strace $0x80000059;
	s0 =	simm.s32 $0x1  }
0x7e: {  	v0 =	vimm.s32 $0x0;
	[sflag:s0] =	ssyncpa.u1 $0x0;
	s0 =	simm.s32 $0x108  }
0x7f: {  	[tilespmem:s0+$0x70] =	vst v0  }
0x80: {  	[tilespmem:s0+$0x60] =	vst v0  }
0x81: {  	[tilespmem:s0+$0x50] =	vst v0  }
0x82: {  	[tilespmem:s0+$0x40] =	vst v0  }
0x83: {  	[tilespmem:s0+$0x30] =	vst v0  }
0x84: {  	s1 =	sadd.s32 $0x44E00, s2;
	s15 =	sadd.s32 $0xA000, s2;
	s6 =	sadd.s32 $0x563800, s2;
	[tilespmem:s0+$0x20] =	vst v0  }
0x85: {  	s14 =	sadd.s32 $0x13E00, s2;
	s5 =	sand.u32 $0x1, s3;
	s3 =	simm.s32 $0x40;
	[tilespmem:s0+$0x10] =	vst v0  }
.LBB3_1:
0x86: {  	s3 =	sadd.s32 $0x40, s3;
	[tilespmem:s0+$0x0] =	vst v0;
	s0 =	sadd.s32 $0x80, s0  }
0x87: {  	p0 =	slt.u32 s3, $0x3C40;
	[tilespmem:s0+$0x70] =	vst v0  }
0x88: {  	[tilespmem:s0+$0x60] =	vst v0  }
.Ltmp8:
0x89: {  	[tilespmem:s0+$0x50] =	vst v0;
	(pc) =	sbr.rel @p0 .LBB3_1-.Ltmp8, $4  }
0x8a: {  	[tilespmem:s0+$0x40] =	vst v0  }
0x8b: {  	[tilespmem:s0+$0x30] =	vst v0  }
0x8c: {  	[tilespmem:s0+$0x20] =	vst v0  }
0x8d: {  	[tilespmem:s0+$0x10] =	vst v0  }
0x8e: {  	s9 =	stileid.u32  }
0x8f: {  	s2 =	smul.u32 $0x29, s9  }
0x90: {  	s3 =	smin.u32 s9, $0xB  }
0x91: {  	s2 =	sadd.s32 s3, s2  }
0x92: {  	p0 =	slt.u32 s9, $0xB;
	s7 =	smul.u32 $0xF0, s2;
	s2 =	simm.s32 $0x2760  }
0x93: {  	s2 =	simm.s32 @!p0 $0x2670  }
0x94: {  	s2 =	sadd.s32 s2, s7  }
0x95: {  	s8 =	smin.u32 s2, $0x27100  }
0x96: {  	s2 =	ssub.s32 s8, s7  }
0x97: {  	p0 =	sgt.s32 s2, $0x0  }
0x98: {  	s29 =	simm.s32 $0x2;
	s10 =	simm.s32 $0x9;
	s2 =	simm.s32 @!p0 $0x0  }
0x99: {  	s4 =	simm.s32 $0xA;
	s11 =	simm.s32 $0xB;
	s28 =	smulhi.u32 $0x88888889, s2  }
0x9a: {  	[dreg:$0x4] =	wrdreg s5;
	s31 =	smul.u32 $0x4E20, s5;
	s12 =	simm.s32 $0x1  }
0x9b: {  	s22 =	simm.s32 $0x0;
	s18 =	simm.s32 $0xC;
	s30 =	sshrl.u32 s28, $0x7  }
0x9c: {  	s20 =	simm.s32 $0x0;
	s21 =	simm.s32 $0x0;
	s3 =	smul.u32 $0xF0, s30  }
.Ltmp9:
0x9d: {  	[tilespmem:s0+$0x0] =	vst v0;
	v0 =	vimm.s32 $0xFFFFFFFF;
	[sflag:s29] =	ssyncpa.u1 $0x0;
	s16 =	sshll.u32 s9, $0x8;
	(pc) =	sbr.rel .LBB3_3-.Ltmp9, $4  }
0x9e: {  	[tilespmem:$0xF208] =	vst v0;
	[sflag:s10] =	ssyncpa.u1 $0x0;
	p0 =	sne.s32 s2, s3;
	s2 =	simm.s32 $0x1  }
0x9f: {  	s14 =	sadd.s32 s31, s14;
	[sflag:s4] =	ssyncpa.u1 $0x0;
	s2 =	simm.s32 @!p0 $0x0  }
0xa0: {  	s15 =	sadd.s32 s31, s15;
	[sflag:s11] =	ssyncpa.u1 $0x0;
	s13 =	sadd.s32 s2, s30  }
0xa1: {  	v0 =	vlaneseq.u32;
	s19 =	smov.u32 s7;
	p0 =	por $0x0, $0x0;
	s17 =	sadd.s32 $0x1, s13  }
.LBB3_18:
0xa2: {  	s0 =	sshrl.u32 s31, $0x2  }
.LBB3_20:
0xa3: {  	_ =	swait.ge [sflag:s18], s0  }
0xa4: {  	s31 =	ssub.s32 $0x0, s0;
	v1 =	vmov s24;
	vm0 =	veq.s32 v0, $0x0;
	[sflag:s18] =	ssyncset.done $0x0  }
0xa5: {  	vm15 =	veq.s32 v0, $0x2;
	v1 =	vsel vm0, s30, v1;
	[sflag:s18] =	ssyncadd.s32 s31  }
0xa6: {  	v1 =	vsel vm15, s22, v1;
	[sflag:s18] =	ssyncpa.u1 $0x1  }
0xa7: {  	[tilespmem:$0xF208] =	vst v1  }
.LBB3_21:
0xa8: {  	s0 =	sadd.s32 $0xF0, s19  }
0xa9: {  	s2 =	smov.u32 s7;
	p1 =	slt.s32 s0, s8  }
0xaa: {  	s2 =	smov.u32 @p1 s0;
	p1 =	sne.s32 s21, s17  }
.Ltmp10:
0xab: {  	_ = 	snop;
	(pc) =	sbr.rel @!p1 .LBB3_22-.Ltmp10, $3  }
0xac: {  	_ =	sdelay $0x1  }
0xad: {  	s22 =	smov.u32 s20;
	s31 =	sadd.s32 $0x1, s21;
	s20 =	smov.u32 s19  }
0xae: {  	p0 =	por !p0, !p0;
	s21 =	smov.u32 s31;
	s19 =	smov.u32 s2  }
.LBB3_3:
0xaf: {  	p1 =	sge.u32 s21, s13  }
0xb0: {  	s0 =	smulhi.u32 @!p1 $0xAAAAAAAB, s21  }
0xb1: {  	s2 =	smov.u32 s19;
	p2 =	sgt.s32 @!p1 s19, $0x27010  }
0xb2: {  	s3 =	sshra.s32 @!p1 s19, $0x1F;
	p2 =	por !p2, p1;
	s0 =	sshrl.u32 @!p1 s0, $0x1  }
0xb3: {  	s3 =	sand.u32 @!p1 s3, s19;
	s2 =	simm.s32 @p2 $0x27010;
	s0 =	smul.u32 @!p1 $0x3, s0  }
0xb4: {  	s2 =	ssub.s32 @!p1 s2, s3  }
0xb5: {  	s2 =	sadd.s32 @!p1 $0xFFFD8FF0, s2;
	s0 =	ssub.s32 @!p1 s21, s0  }
0xb6: {  	s3 =	sshll.u32 @!p1 s2, $0x2;
	p2 =	sgt.s32 @!p1 s2, $0xEF;
	s0 =	smul.u32 @!p1 $0x3C0, s0  }
0xb7: {  	s4 =	sand.u32 @!p1 $0x7, s19;
	s2 =	ssub.s32 @!p1 $0x3C0, s3;
	p2 =	por !p2, p1  }
0xb8: {  	s3 =	sshrl.u32 @!p1 s19, $0x3;
	s2 =	sshrl.u32 @!p1 s2, $0x2;
	s0 =	sshrl.u32 @!p1 s0, $0x2  }
0xb9: {  	s3 =	sadd.s32 @!p1 s3, s14;
	s2 =	simm.s32 @!p2 $0x0;
	s0 =	sadd.s32 @!p1 $0x10248, s0  }
0xba: {  	[tilespmem:s0], [sflag:$0xA] =	stream.linear.gather @!p1 [hbm4b:s3+s4], s2, $0x38;
	[tilespmem:$0x1F6F8] =	vst v63  }
0xbb: {  	s0 =	sadd.s32 $0xFFFFFFFF, s21  }
0xbc: {  	p1 =	sge.u32 s0, s13  }
0xbd: {  	p2 =	sgt.s32 @!p1 s20, $0x27010  }
0xbe: {  	s2 =	smov.u32 s20;
	s3 =	sshra.s32 @!p1 s20, $0x1F;
	p2 =	por !p2, p1  }
0xbf: {  	s3 =	sand.u32 @!p1 s3, s20;
	s2 =	simm.s32 @p2 $0x27010  }
0xc0: {  	s2 =	ssub.s32 @!p1 s2, s3  }
0xc1: {  	s2 =	sadd.s32 @!p1 $0xFFFD8FF0, s2  }
0xc2: {  	s4 =	sand.u32 @!p1 $0x1, s0;
	s3 =	sshll.u32 @!p1 s2, $0x2  }
0xc3: {  	p2 =	sgt.s32 @!p1 s2, $0xEF;
	s2 =	ssub.s32 @!p1 $0x3C0, s3;
	s3 =	smulhi.u32 @!p1 $0xAAAAAAAB, s0  }
0xc4: {  	s23 =	smul.u32 @!p1 $0x3C0, s4;
	p2 =	por !p2, p1;
	s2 =	sshrl.u32 @!p1 s2, $0x2  }
0xc5: {  	s5 =	simm.s32 @!p1 $0xA;
	s2 =	simm.s32 @!p2 $0x0;
	s3 =	sshrl.u32 @!p1 s3, $0x1  }
0xc6: {  	s23 =	sshrl.u32 @!p1 s23, $0x2;
	_ =	swait.ge @!p1 [sflag:s5], s2;
	s3 =	smul.u32 @!p1 $0x3, s3  }
0xc7: {  	s23 =	sadd.s32 @!p1 $0x10518, s23;
	s24 =	ssub.s32 @!p1 $0x0, s2;
	[sflag:s5] =	ssyncset.done @!p1 $0x0  }
0xc8: {  	[sflag:s5] =	ssyncadd.s32 @!p1 s24;
	s5 =	sshrl.u32 @!p1 s20, $0x3;
	s0 =	ssub.s32 @!p1 s0, s3  }
0xc9: {  	s24 =	sand.u32 @!p1 $0x7, s20;
	s5 =	sadd.s32 @!p1 s5, s15;
	s0 =	smul.u32 @!p1 $0x3C0, s0  }
0xca: {  	[tilespmem:s23], [sflag:$0xB] =	stream.linear.gather @!p1 [hbm4b:s5+s24], s2, $0x38;
	[tilespmem:$0x1F6F8] =	vst v63  }
0xcb: {  	s3 =	ssub.s32 @!p1 $0x27100, s20;
	s2 =	smul.u32 @!p1 $0x1E000, s4  }
0xcc: {  	p2 =	slt.s32 @!p1 s3, $0xF0  }
0xcd: {  	p2 =	por !p2, p1;
	s0 =	sshrl.u32 @!p1 s0, $0x2;
	s2 =	sshrl.u32 @!p1 s2, $0x2  }
0xce: {  	s3 =	simm.s32 @p2 $0xF0;
	s0 =	sadd.s32 @!p1 $0x10248, s0;
	s2 =	sor.u32 @!p1 $0x106F8, s2  }
0xcf: {  	[tilespmem:s2], [sflag:$0x9] =	stream.indirect.gather @!p1 [hbm4b:s6+s3], $0x80, s0, s3, $0xb8;
	[tilespmem:$0x1F6F8] =	vst v63  }
0xd0: {  	p1 =	slt.u32 s21, $0x2  }
.Ltmp11:
0xd1: {  	_ = 	snop;
	(pc) =	sbr.rel @p1 .LBB3_21-.Ltmp11, $1  }
0xd2: {  	_ =	sdelay $0x3  }
0xd3: {  	p1 =	sgt.s32 s22, $0x27010  }
0xd4: {  	s0 =	smov.u32 s22;
	s2 =	sshra.s32 s22, $0x1F;
	s3 =	ssub.s32 $0x27100, s22  }
0xd5: {  	s0 =	simm.s32 @!p1 $0x27010;
	s2 =	sand.u32 s2, s22;
	p1 =	slt.s32 s3, $0xF0  }
0xd6: {  	s0 =	ssub.s32 s0, s2;
	s3 =	simm.s32 @!p1 $0xF0  }
0xd7: {  	s0 =	sadd.s32 $0xFFFD8FF0, s0;
	s25 =	sshll.u32 s3, $0x7  }
0xd8: {  	s26 =	sshll.u32 s0, $0x2;
	s2 =	sand.u32 $0x3FFFFF80, s25  }
0xd9: {  	p1 =	sgt.s32 s0, $0xEF;
	s29 =	ssub.s32 $0x3C0, s26;
	_ =	swait.ge [sflag:s10], s2  }
0xda: {  	s2 =	ssub.s32 $0x0, s2;
	[sflag:s10] =	ssyncset.done $0x0;
	s0 =	sshrl.u32 s29, $0x2  }
0xdb: {  	[sflag:s10] =	ssyncadd.s32 s2;
	s0 =	simm.s32 @p1 $0x0  }
0xdc: {  	_ =	swait.ge [sflag:s11], s0  }
0xdd: {  	s0 =	ssub.s32 $0x0, s0;
	[sflag:s11] =	ssyncset.done $0x0  }
0xde: {  	[sflag:s11] =	ssyncadd.s32 s0  }
0xdf: {  	v1 =	vld [tilespmem:$0xF208];
	_ =	sdelay $0x4  }
0xe0: {  	(v2sf) =	vpush v1, $0x0  }
0xe1: {  	(v2sf) =	vpush v1, $0x1  }
0xe2: {  	(v2sf) =	vpush v1, $0x2;
	_ =	sdelay $0x3  }
0xe3: {  	s0 =	sadd.s32 $0xF0, s22  }
0xe4: {  	s2 =	ssub.s32 $0x4E200, s22;
	p1 =	slt.s32 s8, s0  }
0xe5: {  	s0 =	smov.u32 @p1 s8;
	p1 =	sgt.s32 s2, $0x0  }
0xe6: {  	s26 =	ssub.s32 s0, s22;
	s2 =	simm.s32 @!p1 $0x0  }
0xe7: {  	p1 =	slt.s32 s2, s26  }
0xe8: {  	s26 =	smov.u32 @p1 s2  }
0xe9: {  	s25 =	simm.s32 $0x1;
	p1 =	slt.s32 s26, $0x1  }
.Ltmp12:
0xea: {  	s25 =	simm.s32 @!p0 $0x0;
	(pc) =	sbr.rel @p1 .LBB3_8-.Ltmp12, $4  }
0xeb: {  	s31 =	smul.u32 $0x3C0, s25  }
0xec: {  	s28 =	spop (v2sf)  }
0xed: {  	s0 =	sshrl.u32 s31, $0x2;
	s30 =	spop (v2sf)  }
0xee: {  	s23 =	sadd.s32 $0x10518, s0;
	s22 =	spop (v2sf)  }
0xef: {  	s0 =	smin.u32 s26, $0x10  }
0xf0: {  	v1 =	vmov s0  }
0xf1: {  	p2 =	sgt.s32 s26, $0x10;
	vm1 =	vgt.u32 v1, v0  }
.Ltmp13:
0xf2: {  	_ = 	snop;
	(pc) =	sbr.rel @!p2 .LBB3_7-.Ltmp13, $2  }
0xf3: {  	_ =	sdelay $0x2  }
0xf4: {  	s4 =	simm.s32 $0x10;
	s24 =	sadd.s32 $0xFFFFFFF0, s26;
	s0 =	smov.u32 s23;
	vm0 =	vmmov vm1  }
.LBB3_6:
0xf5: {  	s2 =	smin.u32 s24, $0x10;
	s4 =	sadd.s32 $0x10, s4;
	v1 =	vld.msk [tilespmem:s0+$0x0 ss:$0x1], vm1  }
0xf6: {  	v2 =	vmov s2;
	p2 =	slt.s32 s4, s26  }
0xf7: {  	vm1 =	vgt.u32 v2, v0  }
.Ltmp14:
0xf8: {  	(pc) =	sbr.rel @p2 .LBB3_6-.Ltmp14, $3  }
0xf9: {  	_ =	sdelay $0x1  }
0xfa: {  	v1 =	vshll.u32 v1, $0x4  }
0xfb: {  	s24 =	sadd.s32 $0xFFFFFFF0, s24;
	[tilespmem:s0+$0x0] =	vst.msk vm0, v1;
	s0 =	sadd.s32 $0x10, s0;
	vm0 =	vmmov vm1  }
.LBB3_7:
0xfc: {  	_ =	sdelay $0x4  }
0xfd: {  	v1 =	vld.msk [tilespmem:s0+$0x0 ss:$0x1], vm1;
	_ =	sdelay $0x4  }
0xfe: {  	v1 =	vshll.u32 v1, $0x4  }
0xff: {  	[tilespmem:s0+$0x0] =	vst.msk vm0, v1  }
.LBB3_8:
0x100: {  	s0 =	sand.u32 $0x1, s21  }
0x101: {  	s0 =	smul.u32 $0xF0, s0  }
0x102: {  	p2 =	sne.s32 s30, $0xFFFFFFFF  }
0x103: {  	v1 =	vld.msk @!p2 [tilespmem:s0+$0x10518], $0x1;
	_ =	sdelay $0x4  }
0x104: {  	(v2sf) =	vpush @!p2 v1, $0x0;
	_ =	sdelay $0xc  }
.Ltmp15:
0x105: {  	_ = 	snop;
	(pc) =	sbr.rel @p1 .LBB3_19-.Ltmp15, $4  }
0x106: {  	_ = 	snop  }
0x107: {  	s29 =	spop @!p2 (v2sf)  }
0x108: {  	s22 =	simm.s32 @!p2 $0x0;
	s24 =	smov.u32 s29  }
0x109: {  	[sflag:s18] =	ssyncpa.u1 $0x0;
	s29 =	smov.u32 @p2 s28;
	s24 =	smov.u32 @p2 s30  }
0x10a: {  	v1 =	vld.msk [tilespmem:s23+$0x0], $0x1;
	_ =	sdelay $0x4  }
0x10b: {  	(v2sf) =	vpush v1, $0x0;
	_ =	sdelay $0xe  }
0x10c: {  	s2 =	smul.u32 $0x1E000, s25;
	s0 =	spop (v2sf)  }
0x10d: {  	s26 =	ssub.s32 $0x0, s26;
	p1 =	seq.s32 s29, s0  }
0x10e: {  	s30 =	sadd.s32 $0x1, s26;
	s2 =	sshrl.u32 s2, $0x2;
	p2 =	sgt.s32 @!p1 s29, $0x0  }
0x10f: {  	s25 =	sor.u32 $0x10738, s2;
	s2 =	smov.u32 s29;
	p2 =	por !p2, p1  }
0x110: {  	s2 =	simm.s32 @p2 $0x0;
	p2 =	seq.s32 s30, $0x0  }
.Ltmp16:
0x111: {  	_ = 	snop;
	(pc) =	sbr.rel @p2 .LBB3_11-.Ltmp16, $4  }
0x112: {  	_ = 	snop  }
0x113: {  	s28 =	simm.s32 $0x0;
	s31 =	sadd.s32 $0x1, s23;
	s2 =	smin.u32 @!p1 s2, $0x270F0  }
0x114: {  	s4 =	simm.s32 @!p1 $0x1;
	s5 =	simm.s32 @!p1 $0x7988;
	s3 =	sand.u32 @!p1 $0x3FFF8, s2  }
0x115: {  	s4 =	smov.u32 @p1 s28;
	s2 =	sand.u32 @!p1 $0x7, s2;
	s3 =	sadd.s32 @!p1 s1, s3  }
.LBB3_10:
0x116: {  	s9 =	smov.u32 s4  }
0x117: {  	[tilespmem:s5], [sflag:$0x2] =	stream.linear.gather @!p1 [hbm4b:s3+s2], $0x80, $0x38;
	[tilespmem:$0x1F6F8] =	vst v63  }
0x118: {  	s30 =	sadd.s32 $0x1, s30;
	s2 =	smov.u32 s0;
	v1 =	vld.msk [tilespmem:s31+$0x0], $0x1  }
0x119: {  	p2 =	seq.s32 s30, $0x0;
	_ =	sdelay $0x3  }
0x11a: {  	(v2sf) =	vpush v1, $0x0;
	_ =	sdelay $0xe  }
0x11b: {  	s0 =	spop (v2sf)  }
0x11c: {  	p1 =	seq.s32 s2, s0  }
0x11d: {  	p3 =	sgt.s32 @!p1 s2, $0x0;
	s3 =	sshll.u32 @!p1 s4, $0x9;
	s4 =	sadd.s32 @!p1 $0x1, s4  }
.Ltmp17:
0x11e: {  	p3 =	por !p3, p1;
	s3 =	sshra.s32 @!p1 s3, $0x2;
	(pc) =	sbr.rel @!p2 .LBB3_10-.Ltmp17, $4  }
0x11f: {  	s4 =	smov.u32 @p1 s9;
	s2 =	simm.s32 @p3 $0x0;
	s5 =	sadd.s32 @!p1 $0x7988, s3  }
0x120: {  	s2 =	smin.u32 @!p1 s2, $0x270F0  }
0x121: {  	s3 =	sand.u32 @!p1 $0x3FFF8, s2;
	s2 =	sand.u32 @!p1 $0x7, s2  }
0x122: {  	s31 =	sadd.s32 $0x1, s31;
	s3 =	sadd.s32 @!p1 s1, s3  }
.LBB3_11:
0x123: {  	[tilespmem:s5], [sflag:$0x2] =	stream.linear.gather @!p1 [hbm4b:s3+s2], $0x80, $0x38;
	[tilespmem:$0x1F6F8] =	vst v63  }
.Ltmp18:
0x124: {  	s0 =	sshll.u32 s4, $0x7;
	(pc) =	sbr.rel .LBB3_12-.Ltmp18, $4  }
0x125: {  	s30 =	simm.s32 $0x2;
	s0 =	sand.u32 $0x3FFFFF80, s0  }
0x126: {  	_ =	swait.ge [sflag:s30], s0  }
0x127: {  	s0 =	ssub.s32 $0x0, s0;
	[sflag:s30] =	ssyncset.done $0x0  }
0x128: {  	s31 =	simm.s32 $0x0;
	[sflag:s30] =	ssyncadd.s32 s0  }
.LBB3_13:
0x129: {  	v1 =	vld [tilespmem:s25+$0xFFFFFFC0];
	_ =	sdelay $0x3  }
0x12a: {  	s0 =	sshra.s32 s0, $0x2  }
0x12b: {  	[tilespmem:s0+$0x108] =	vst.add.f32.msk $0xffff, v1  }
0x12c: {  	v1 =	vld [tilespmem:s25+$0xFFFFFFD0];
	_ =	sdelay $0x4  }
0x12d: {  	[tilespmem:s0+$0x118] =	vst.add.f32.msk $0xffff, v1  }
0x12e: {  	v1 =	vld [tilespmem:s25+$0xFFFFFFE0];
	_ =	sdelay $0x4  }
0x12f: {  	[tilespmem:s0+$0x128] =	vst.add.f32.msk $0xffff, v1  }
0x130: {  	v1 =	vld [tilespmem:s25+$0xFFFFFFF0];
	_ =	sdelay $0x4  }
0x131: {  	[tilespmem:s0+$0x138] =	vst.add.f32.msk $0xffff, v1  }
0x132: {  	v1 =	vld [tilespmem:s25+$0x0];
	_ =	sdelay $0x4  }
0x133: {  	[tilespmem:s0+$0x148] =	vst.add.f32.msk $0xffff, v1  }
0x134: {  	v1 =	vld [tilespmem:s25+$0x10];
	_ =	sdelay $0x4  }
0x135: {  	[tilespmem:s0+$0x158] =	vst.add.f32.msk $0xffff, v1  }
0x136: {  	v1 =	vld [tilespmem:s25+$0x20];
	_ =	sdelay $0x4  }
0x137: {  	[tilespmem:s0+$0x168] =	vst.add.f32.msk $0xffff, v1  }
0x138: {  	v1 =	vld [tilespmem:s25+$0x30];
	_ =	sdelay $0x4  }
0x139: {  	[tilespmem:s0+$0x178] =	vst.add.f32.msk $0xffff, v1  }
.LBB3_17:
0x13a: {  	s26 =	sadd.s32 $0x1, s26  }
0x13b: {  	p1 =	seq.s32 s26, $0x0  }
.Ltmp19:
0x13c: {  	_ = 	snop;
	(pc) =	sbr.rel @p1 .LBB3_18-.Ltmp19, $2  }
0x13d: {  	_ =	sdelay $0x2  }
0x13e: {  	s23 =	sadd.s32 $0x1, s23;
	s25 =	sadd.s32 $0x80, s25;
	s29 =	smov.u32 s30  }
.LBB3_12:
0x13f: {  	v1 =	vld.msk [tilespmem:s23+$0x0], $0x1;
	_ =	sdelay $0x4  }
0x140: {  	(v2sf) =	vpush v1, $0x0;
	_ =	sdelay $0xe  }
0x141: {  	s30 =	spop (v2sf)  }
0x142: {  	p1 =	sne.s32 s29, s30  }
.Ltmp20:
0x143: {  	_ = 	snop;
	(pc) =	sbr.rel @!p1 .LBB3_13-.Ltmp20, $2  }
0x144: {  	_ =	sdelay $0x2  }
0x145: {  	s0 =	sshll.u32 s22, $0x9  }
0x146: {  	p1 =	seq.s32 s29, s24  }
.Ltmp21:
0x147: {  	_ = 	snop;
	(pc) =	sbr.rel @!p1 .LBB3_15-.Ltmp21, $1  }
0x148: {  	_ =	sdelay $0x3  }
0x149: {  	s0 =	sshra.s32 s0, $0x2  }
.Ltmp22:
0x14a: {  	s0 =	sadd.s32 $0x108, s0;
	(pc) =	sbr.rel .LBB3_16-.Ltmp22, $4  }
0x14b: {  	[spmem:s16] =	stream.linear.scatter [tilespmem:s0], [sflag:$0x1], $0x80, $0x38;
	[tilespmem:$0x1F6F8] =	vst v63  }
0x14c: {  	_ =	swait.ge [sflag:s12], $0x80  }
0x14d: {  	[sflag:s12] =	ssyncset.done $0x0  }
0x14e: {  	[sflag:s12] =	ssyncadd.s32 $0xFFFFFF80  }
.LBB3_15:
0x14f: {  	s2 =	sshll.u32 s28, $0x9  }
0x150: {  	s2 =	sshra.s32 s2, $0x2  }
0x151: {  	v1 =	vld [tilespmem:s2+$0x7988];
	_ =	sdelay $0x3  }
0x152: {  	s0 =	sshra.s32 s0, $0x2  }
0x153: {  	[tilespmem:s0+$0x108] =	vst.add.f32.msk $0xffff, v1  }
0x154: {  	v1 =	vld [tilespmem:s2+$0x7998];
	_ =	sdelay $0x4  }
0x155: {  	[tilespmem:s0+$0x118] =	vst.add.f32.msk $0xffff, v1  }
0x156: {  	v1 =	vld [tilespmem:s2+$0x79A8];
	_ =	sdelay $0x4  }
0x157: {  	[tilespmem:s0+$0x128] =	vst.add.f32.msk $0xffff, v1  }
0x158: {  	v1 =	vld [tilespmem:s2+$0x79B8];
	_ =	sdelay $0x4  }
0x159: {  	[tilespmem:s0+$0x138] =	vst.add.f32.msk $0xffff, v1  }
0x15a: {  	v1 =	vld [tilespmem:s2+$0x79C8];
	_ =	sdelay $0x4  }
0x15b: {  	[tilespmem:s0+$0x148] =	vst.add.f32.msk $0xffff, v1  }
0x15c: {  	v1 =	vld [tilespmem:s2+$0x79D8];
	_ =	sdelay $0x4  }
0x15d: {  	[tilespmem:s0+$0x158] =	vst.add.f32.msk $0xffff, v1  }
0x15e: {  	v1 =	vld [tilespmem:s2+$0x79E8];
	_ =	sdelay $0x4  }
0x15f: {  	[tilespmem:s0+$0x168] =	vst.add.f32.msk $0xffff, v1  }
0x160: {  	v1 =	vld [tilespmem:s2+$0x79F8];
	_ =	sdelay $0x2  }
0x161: {  	p1 =	sgt.u32 s29, $0x270F0  }
0x162: {  	s2 =	sand.u32 @!p1 $0x3FFF8, s29  }
0x163: {  	s3 =	sadd.s32 $0x108, s0;
	[tilespmem:s0+$0x178] =	vst.add.f32.msk $0xffff, v1;
	s0 =	sadd.s32 @!p1 s1, s2;
	s2 =	sand.u32 @!p1 $0x7, s29  }
0x164: {  	[hbm4b:s0+s2] =	stream.linear.scatter @!p1 [tilespmem:s3], [sflag:$0xC], $0x80, $0x38;
	[tilespmem:$0x1F6F8] =	vst v63  }
0x165: {  	s0 =	simm.s32 $0x0  }
0x166: {  	s0 =	simm.s32 @!p1 $0x200  }
0x167: {  	s31 =	sadd.s32 s0, s31  }
.LBB3_16:
0x168: {  	s0 =	sadd.s32 $0x1, s22  }
0x169: {  	s2 =	smulhi.u32 $0x88888889, s0;
	_ =	sdelay $0x1  }
0x16a: {  	v1 =	vld [tilespmem:s25+$0xFFFFFFC0];
	s2 =	sshrl.u32 s2, $0x7  }
0x16b: {  	s2 =	smul.u32 $0xF0, s2;
	_ =	sdelay $0x1  }
0x16c: {  	s22 =	ssub.s32 s0, s2  }
0x16d: {  	s0 =	sshll.u32 s22, $0x7  }
0x16e: {  	[tilespmem:s0+$0x108] =	vst v1  }
0x16f: {  	v1 =	vld [tilespmem:s25+$0xFFFFFFD0];
	_ =	sdelay $0x4  }
0x170: {  	[tilespmem:s0+$0x118] =	vst v1  }
0x171: {  	v1 =	vld [tilespmem:s25+$0xFFFFFFE0];
	_ =	sdelay $0x4  }
0x172: {  	[tilespmem:s0+$0x128] =	vst v1  }
0x173: {  	v1 =	vld [tilespmem:s25+$0xFFFFFFF0];
	_ =	sdelay $0x4  }
0x174: {  	[tilespmem:s0+$0x138] =	vst v1  }
0x175: {  	v1 =	vld [tilespmem:s25+$0x0];
	_ =	sdelay $0x4  }
0x176: {  	[tilespmem:s0+$0x148] =	vst v1  }
0x177: {  	v1 =	vld [tilespmem:s25+$0x10];
	_ =	sdelay $0x4  }
0x178: {  	[tilespmem:s0+$0x158] =	vst v1  }
0x179: {  	v1 =	vld [tilespmem:s25+$0x20];
	_ =	sdelay $0x4  }
0x17a: {  	[tilespmem:s0+$0x168] =	vst v1  }
0x17b: {  	v1 =	vld [tilespmem:s25+$0x30]  }
.Ltmp23:
0x17c: {  	_ = 	snop;
	(pc) =	sbr.rel .LBB3_17-.Ltmp23, $2  }
0x17d: {  	_ =	sdelay $0x2  }
0x17e: {  	s28 =	sadd.s32 $0x1, s28;
	[tilespmem:s0+$0x178] =	vst v1  }
.LBB3_19:
.Ltmp24:
0x17f: {  	(pc) =	sbr.rel .LBB3_20-.Ltmp24, $4  }
0x180: {  	_ = 	snop  }
0x181: {  	s0 =	simm.s32 $0x2  }
0x182: {  	_ =	swait.ge [sflag:s0], $0x0  }
0x183: {  	s30 =	smov.u32 s29;
	[sflag:s0] =	ssyncset.done $0x0;
	s0 =	simm.s32 $0x0  }
.LBB3_22:
0x184: {  	_ =	sfence.sel $0x180000  }
0x185: {  	s0 =	simm.s32 $0x9;
	[bflag:$0x0] =	sbarrier.arrive $0xFFFF  }
0x186: {  	s24 =	simm.s32 $0xA;
	[sflag:s0] =	ssyncpa.u1 $0x1  }
0x187: {  	s25 =	simm.s32 $0xB;
	[sflag:s24] =	ssyncpa.u1 $0x1  }
0x188: {  	s26 =	simm.s32 $0x2;
	[sflag:s25] =	ssyncpa.u1 $0x1  }
0x189: {  	[sflag:s26] =	ssyncpa.u1 $0x1  }
0x18a: {  	v0 =	vld [tilespmem:$0xF208];
	_ =	sdelay $0x4  }
0x18b: {  	(v2sf) =	vpush v0, $0x0  }
0x18c: {  	(v2sf) =	vpush v0, $0x1;
	_ =	sdelay $0x1  }
0x18d: {  	(v2sf) =	vpush v0, $0x2;
	_ =	sdelay $0xb  }
0x18e: {  	s0 =	spop (v2sf)  }
0x18f: {  	s2 =	spop (v2sf)  }
0x190: {  	s3 =	smov.u32 s0;
	p0 =	sne.s32 s0, s2  }
0x191: {  	s4 =	spop (v2sf);
	s3 =	simm.s32 @!p0 $0xFFFFFFFF  }
0x192: {  	v2 =	vimm.s32 $0x1;
	v3 =	vlaneseq.u32;
	p0 =	seq.s32 s4, $0xFFFFFFFF;
	v1 =	vmov s3  }
0x193: {  	s16 =	stileid.u32;
	v0 =	vperm.xlane v0, v2;
	p1 =	sne.s32 @!p0 s0, s2;
	v1 =	vperm.xlane v1, v3  }
0x194: {  	vm0 =	vcmask $0x3F04;
	s6 =	simm.s32 $0xF208;
	s0 =	simm.s32 @!p0 $0x1;
	p1 =	por !p1, p0  }
0x195: {  	s3 =	sshll.u32 s16, $0x1;
	s2 =	sshll.u32 @!p0 s4, $0x9;
	s0 =	simm.s32 @p1 $0x0;
	v0 =	vsel vm0, v1, v0  }
0x196: {  	s5 =	sor.u32 $0x1000, s3;
	s2 =	sshra.s32 @!p0 s2, $0x2;
	s0 =	sor.u32 @!p0 s0, s3;
	[tilespmem:$0xF208] =	vst v0  }
0x197: {  	[spmem:s5] =	stream.linear.scatter [tilespmem:s6], [sflag:$0x1], $0x2, $0x38;
	[tilespmem:$0x1F6F8] =	vst v63  }
0x198: {  	s2 =	sadd.s32 @!p0 $0x108, s2;
	s0 =	sshll.u32 @!p0 s0, $0x7  }
0x199: {  	[spmem:s0] =	stream.linear.scatter @!p0 [tilespmem:s2], [sflag:$0x1], $0x80, $0x38;
	[tilespmem:$0x1F6F8] =	vst v63  }
0x19a: {  	s0 =	simm.s32 @!p0 $0x82  }
0x19b: {  	s28 =	simm.s32 $0x1;
	s0 =	simm.s32 @p0 $0x2  }
0x19c: {  	_ =	swait.ge [sflag:s28], s0  }
0x19d: {  	s0 =	ssub.s32 $0x0, s0;
	[sflag:s28] =	ssyncset.done $0x0  }
0x19e: {  	p0 =	sne.s32 s16, $0x0;
	[sflag:s28] =	ssyncadd.s32 s0  }
.Ltmp25:
0x19f: {  	_ =	sfence.stream.spmem;
	(pc) =	sbr.rel @p0 .LBB3_39-.Ltmp25, $4  }
0x1a0: {  	s29 =	simm.s32 $0x3;
	[bflag:$0x0] =	sbarrier.arrive $0xFFFF  }
0x1a1: {  	s30 =	simm.s32 $0x4;
	[sflag:s29] =	ssyncpa.u1 $0x1  }
0x1a2: {  	s31 =	simm.s32 $0x3C;
	[sflag:s30] =	ssyncpa.u1 $0x1  }
0x1a3: {  	s15 =	rddreg [dreg:$0x4];
	[sflag:s31] =	ssyncpa.u1 $0x1  }
0x1a4: {  	_ =	sfence.stream.spmem;
	s0 =	simm.s32 $0x5  }
0x1a5: {  	s2 =	simm.s32 $0x1000;
	s3 =	simm.s32 $0xF218;
	[sflag:s0] =	ssyncpa.u1 $0x0  }
0x1a6: {  	[tilespmem:s3], [sflag:$0x5] =	stream.linear.gather [spmem:s2], $0x20, $0x38;
	[tilespmem:$0x1F6F8] =	vst v63  }
0x1a7: {  	s26 =	simm.s32 $0x0;
	s28 =	simm.s32 $0xF238  }
0x1a8: {  	[tilespmem:s28], [sflag:$0x5] =	stream.linear.gather [spmem:s26], $0x1000, $0x38;
	[tilespmem:$0x1F6F8] =	vst v63  }
0x1a9: {  	_ =	swait.ge [sflag:s0], $0x1020  }
0x1aa: {  	[sflag:s0] =	ssyncset.done $0x0  }
0x1ab: {  	s29 =	simm.s32 $0x0;
	[sflag:s0] =	ssyncadd.s32 $0xFFFFEFE0  }
0x1ac: {  	v0 =	vld.msk [tilespmem:s29+$0xF218], $0x1;
	_ =	sdelay $0x1  }
0x1ad: {  	s30 =	simm.s32 $0x1  }
0x1ae: {  	v1 =	vld.msk [tilespmem:s30+$0xF218], $0x1;
	_ =	sdelay $0x1  }
0x1af: {  	(v2sf) =	vpush v0, $0x0;
	_ =	sdelay $0x2  }
0x1b0: {  	(v2sf) =	vpush v1, $0x0;
	_ =	sdelay $0x2  }
0x1b1: {  	s31 =	simm.s32 $0x2  }
0x1b2: {  	v0 =	vld.msk [tilespmem:s31+$0xF218], $0x1;
	_ =	sdelay $0x2  }
0x1b3: {  	s4 =	simm.s32 $0xFFFFFFFF;
	s5 =	simm.s32 $0xFFFFFFFF;
	s0 =	simm.s32 $0xC  }
.LBB3_24:
0x1b4: {  	s2 =	smov.u32 s5;
	s3 =	smov.u32 s4  }
0x1b5: {  	s4 =	sshra.s32 s0, $0x2;
	p1 =	sne.s32 s0, $0x7C;
	s0 =	sadd.s32 $0x4, s0;
	(v2sf) =	vpush v0, $0x0  }
0x1b6: {  	v0 =	vld.msk [tilespmem:s4+$0xF218], $0x1  }
.Ltmp26:
0x1b7: {  	(pc) =	sbr.rel @p1 .LBB3_24-.Ltmp26, $4  }
0x1b8: {  	s5 =	spop (v2sf)  }
0x1b9: {  	p2 =	sne.s32 s3, $0xFFFFFFFF;
	s4 =	smov.u32 s5  }
0x1ba: {  	p3 =	seq.s32 s5, $0xFFFFFFFF;
	s4 =	smov.u32 @p2 s3  }
0x1bb: {  	s5 =	smov.u32 @p3 s2;
	s4 =	smov.u32 @p3 s3  }
0x1bc: {  	(v2sf) =	vpush v0, $0x0;
	_ =	sdelay $0x8  }
0x1bd: {  	s0 =	spop (v2sf)  }
0x1be: {  	p1 =	sne.s32 s4, $0xFFFFFFFF;
	s2 =	smov.u32 s0  }
0x1bf: {  	s9 =	simm.s32 $0x6;
	p2 =	seq.s32 s0, $0xFFFFFFFF;
	s2 =	smov.u32 @p1 s4  }
0x1c0: {  	s6 =	simm.s32 $0x0;
	s2 =	smov.u32 @p2 s4;
	s3 =	spop (v2sf)  }
0x1c1: {  	s0 =	smov.u32 @p2 s5;
	p1 =	sne.s32 s2, $0xFFFFFFFF;
	s4 =	smov.u32 s3  }
.Ltmp27:
0x1c2: {  	p2 =	seq.s32 s3, $0xFFFFFFFF;
	s4 =	smov.u32 @p1 s2;
	(pc) =	sbr.rel .LBB3_26-.Ltmp27, $4  }
0x1c3: {  	s10 =	simm.s32 $0xF188;
	s4 =	smov.u32 @p2 s2;
	s7 =	spop (v2sf)  }
0x1c4: {  	s11 =	simm.s32 $0x0;
	p1 =	sne.s32 s4, $0xFFFFFFFF;
	s8 =	smov.u32 s7  }
0x1c5: {  	s3 =	smov.u32 @p2 s0;
	p2 =	seq.s32 s7, $0xFFFFFFFF;
	s8 =	smov.u32 @p1 s4  }
0x1c6: {  	[sflag:s9] =	ssyncpa.u1 $0x0;
	s7 =	smov.u32 @p2 s3;
	s8 =	smov.u32 @p2 s4  }
.LBB3_32:
0x1c7: {  	p1 =	sgt.u32 s12, $0x270F0  }
0x1c8: {  	p2 =	seq.s32 @!p1 s12, s8  }
0x1c9: {  	p1 =	por p1, p2  }
0x1ca: {  	p2 =	sne.s32 @!p1 s12, s7  }
0x1cb: {  	p1 =	por p1, !p2  }
0x1cc: {  	s0 =	sshll.u32 @p1 s11, $0x9  }
0x1cd: {  	s0 =	sand.u32 @!p1 $0x3FFF8, s12  }
0x1ce: {  	s2 =	sand.u32 @!p1 $0x7, s12;
	s0 =	sadd.s32 @!p1 s1, s0  }
0x1cf: {  	[tilespmem:s10], [sflag:$0x6] =	stream.linear.gather @!p1 [hbm4b:s0+s2], $0x80, $0x38;
	[tilespmem:$0x1F6F8] =	vst v63  }
0x1d0: {  	_ =	swait.ge @!p1 [sflag:s9], $0x80  }
0x1d1: {  	[sflag:s9] =	ssyncset.done @!p1 $0x0  }
0x1d2: {  	[sflag:s9] =	ssyncadd.s32 @!p1 $0xFFFFFF80  }
0x1d3: {  	v1 =	vld @!p1 [tilespmem:$0xF188];
	_ =	sdelay $0x2  }
0x1d4: {  	s0 =	sshll.u32 @!p1 s11, $0x9  }
0x1d5: {  	s2 =	sshrl.u32 @!p1 s0, $0x2  }
0x1d6: {  	[tilespmem:s2+$0xF238] =	vst.add.f32.msk @!p1 $0xffff, v1  }
0x1d7: {  	v1 =	vld @!p1 [tilespmem:$0xF198];
	_ =	sdelay $0x4  }
0x1d8: {  	[tilespmem:s2+$0xF248] =	vst.add.f32.msk @!p1 $0xffff, v1  }
0x1d9: {  	v1 =	vld @!p1 [tilespmem:$0xF1A8];
	_ =	sdelay $0x4  }
0x1da: {  	[tilespmem:s2+$0xF258] =	vst.add.f32.msk @!p1 $0xffff, v1  }
0x1db: {  	v1 =	vld @!p1 [tilespmem:$0xF1B8];
	_ =	sdelay $0x4  }
0x1dc: {  	[tilespmem:s2+$0xF268] =	vst.add.f32.msk @!p1 $0xffff, v1  }
0x1dd: {  	v1 =	vld @!p1 [tilespmem:$0xF1C8];
	_ =	sdelay $0x4  }
0x1de: {  	[tilespmem:s2+$0xF278] =	vst.add.f32.msk @!p1 $0xffff, v1  }
0x1df: {  	v1 =	vld @!p1 [tilespmem:$0xF1D8];
	_ =	sdelay $0x4  }
0x1e0: {  	[tilespmem:s2+$0xF288] =	vst.add.f32.msk @!p1 $0xffff, v1  }
0x1e1: {  	v1 =	vld @!p1 [tilespmem:$0xF1E8];
	_ =	sdelay $0x4  }
0x1e2: {  	[tilespmem:s2+$0xF298] =	vst.add.f32.msk @!p1 $0xffff, v1  }
0x1e3: {  	v1 =	vld @!p1 [tilespmem:$0xF1F8];
	_ =	sdelay $0x4  }
0x1e4: {  	[tilespmem:s2+$0xF2A8] =	vst.add.f32.msk @!p1 $0xffff, v1  }
0x1e5: {  	s0 =	sshrl.u32 s0, $0x2;
	[tilespmem:s6+$0xF218] =	vst.msk $0x1, v0  }
0x1e6: {  	v0 =	vld [tilespmem:s0+$0xF238];
	_ =	sdelay $0x2  }
0x1e7: {  	s31 =	sshll.u32 s6, $0x9  }
0x1e8: {  	s2 =	sshra.s32 s31, $0x2  }
0x1e9: {  	[tilespmem:s2+$0xF238] =	vst v0  }
0x1ea: {  	v0 =	vld [tilespmem:s0+$0xF248];
	_ =	sdelay $0x4  }
0x1eb: {  	[tilespmem:s2+$0xF248] =	vst v0  }
0x1ec: {  	v0 =	vld [tilespmem:s0+$0xF258];
	_ =	sdelay $0x4  }
0x1ed: {  	[tilespmem:s2+$0xF258] =	vst v0  }
0x1ee: {  	v0 =	vld [tilespmem:s0+$0xF268];
	_ =	sdelay $0x4  }
0x1ef: {  	[tilespmem:s2+$0xF268] =	vst v0  }
0x1f0: {  	v0 =	vld [tilespmem:s0+$0xF278];
	_ =	sdelay $0x4  }
0x1f1: {  	[tilespmem:s2+$0xF278] =	vst v0  }
0x1f2: {  	v0 =	vld [tilespmem:s0+$0xF288];
	_ =	sdelay $0x4  }
0x1f3: {  	[tilespmem:s2+$0xF288] =	vst v0  }
0x1f4: {  	v0 =	vld [tilespmem:s0+$0xF298];
	_ =	sdelay $0x4  }
0x1f5: {  	[tilespmem:s2+$0xF298] =	vst v0  }
0x1f6: {  	v0 =	vld [tilespmem:s0+$0xF2A8];
	_ =	sdelay $0x4  }
0x1f7: {  	s6 =	sadd.s32 $0x1, s6;
	[tilespmem:s2+$0xF2A8] =	vst v0  }
.LBB3_33:
0x1f8: {  	s11 =	sadd.s32 $0x1, s11  }
0x1f9: {  	p1 =	sne.s32 s11, $0x20  }
.Ltmp28:
0x1fa: {  	_ = 	snop;
	(pc) =	sbr.rel @!p1 .LBB3_34-.Ltmp28, $1  }
0x1fb: {  	_ =	sdelay $0x3  }
.LBB3_26:
0x1fc: {  	v0 =	vld.msk [tilespmem:s11+$0xF218], $0x1;
	_ =	sdelay $0x4  }
0x1fd: {  	(v2sf) =	vpush v0, $0x0;
	_ =	sdelay $0xe  }
0x1fe: {  	s12 =	spop (v2sf)  }
0x1ff: {  	p1 =	seq.s32 s12, $0xFFFFFFFF  }
.Ltmp29:
0x200: {  	_ = 	snop;
	(pc) =	sbr.rel @p1 .LBB3_33-.Ltmp29, $1  }
0x201: {  	_ =	sdelay $0x3  }
0x202: {  	p1 =	slt.s32 s6, $0x1  }
.Ltmp30:
0x203: {  	_ = 	snop;
	(pc) =	sbr.rel @p1 .LBB3_32-.Ltmp30, $1  }
0x204: {  	_ =	sdelay $0x3  }
0x205: {  	s13 =	simm.s32 $0xF218;
	p1 =	por $0x0, $0x0  }
0x206: {  	v1 =	vld.msk @!p1 [tilespmem:s13+$0x0], $0x1;
	_ =	sdelay $0x4  }
0x207: {  	(v2sf) =	vpush @!p1 v1, $0x0;
	_ =	sdelay $0xd  }
0x208: {  	p3 =	sne.s32 s6, $0x1  }
.Ltmp31:
0x209: {  	s0 =	spop @!p1 (v2sf);
	(pc) =	sbr.rel @!p3 .LBB3_30-.Ltmp31, $4  }
0x20a: {  	p2 =	seq.s32 @!p1 s12, s0  }
0x20b: {  	s14 =	simm.s32 $0x0;
	p2 =	por !p2, p1  }
0x20c: {  	s2 =	simm.s32 $0xFFFFFFFF;
	s14 =	simm.s32 @p2 $0xFFFFFFFF  }
0x20d: {  	s0 =	simm.s32 $0x1;
	s14 =	smov.u32 @p1 s2  }
.LBB3_29:
0x20e: {  	s2 =	smov.u32 s14;
	p1 =	sne.s32 s14, $0xFFFFFFFF  }
0x20f: {  	s13 =	sadd.s32 $0x1, s13;
	s14 =	smov.u32 s0;
	s0 =	sadd.s32 $0x1, s0  }
0x210: {  	p2 =	sne.s32 s6, s0;
	v1 =	vld.msk @!p1 [tilespmem:s13+$0x0], $0x1;
	_ =	sdelay $0x4  }
0x211: {  	(v2sf) =	vpush @!p1 v1, $0x0;
	_ =	sdelay $0xe  }
.Ltmp32:
0x212: {  	s3 =	spop @!p1 (v2sf);
	(pc) =	sbr.rel @p2 .LBB3_29-.Ltmp32, $4  }
0x213: {  	p3 =	seq.s32 @!p1 s12, s3  }
0x214: {  	p3 =	por !p3, p1  }
0x215: {  	s14 =	simm.s32 @p3 $0xFFFFFFFF  }
0x216: {  	s14 =	smov.u32 @p1 s2  }
.LBB3_30:
0x217: {  	p1 =	seq.s32 s14, $0xFFFFFFFF  }
.Ltmp33:
0x218: {  	_ = 	snop;
	(pc) =	sbr.rel @p1 .LBB3_32-.Ltmp33, $1  }
0x219: {  	_ =	sdelay $0x3  }
0x21a: {  	s0 =	sshll.u32 s11, $0x7  }
0x21b: {  	s0 =	sand.u32 $0x3FFFFF80, s0  }
0x21c: {  	v0 =	vld [tilespmem:s0+$0xF238];
	_ =	sdelay $0x2  }
0x21d: {  	s2 =	sshll.u32 s14, $0x9  }
0x21e: {  	s2 =	sshra.s32 s2, $0x2  }
0x21f: {  	[tilespmem:s2+$0xF238] =	vst.add.f32.msk $0xffff, v0  }
0x220: {  	v0 =	vld [tilespmem:s0+$0xF248];
	_ =	sdelay $0x4  }
0x221: {  	[tilespmem:s2+$0xF248] =	vst.add.f32.msk $0xffff, v0  }
0x222: {  	v0 =	vld [tilespmem:s0+$0xF258];
	_ =	sdelay $0x4  }
0x223: {  	[tilespmem:s2+$0xF258] =	vst.add.f32.msk $0xffff, v0  }
0x224: {  	v0 =	vld [tilespmem:s0+$0xF268];
	_ =	sdelay $0x4  }
0x225: {  	[tilespmem:s2+$0xF268] =	vst.add.f32.msk $0xffff, v0  }
0x226: {  	v0 =	vld [tilespmem:s0+$0xF278];
	_ =	sdelay $0x4  }
0x227: {  	[tilespmem:s2+$0xF278] =	vst.add.f32.msk $0xffff, v0  }
0x228: {  	v0 =	vld [tilespmem:s0+$0xF288];
	_ =	sdelay $0x4  }
0x229: {  	[tilespmem:s2+$0xF288] =	vst.add.f32.msk $0xffff, v0  }
0x22a: {  	v0 =	vld [tilespmem:s0+$0xF298];
	_ =	sdelay $0x4  }
0x22b: {  	[tilespmem:s2+$0xF298] =	vst.add.f32.msk $0xffff, v0  }
0x22c: {  	v0 =	vld [tilespmem:s0+$0xF2A8]  }
.Ltmp34:
0x22d: {  	_ = 	snop;
	(pc) =	sbr.rel .LBB3_33-.Ltmp34, $2  }
0x22e: {  	_ =	sdelay $0x2  }
0x22f: {  	[tilespmem:s2+$0xF2A8] =	vst.add.f32.msk $0xffff, v0  }
.LBB3_34:
0x230: {  	s0 =	simm.s32 $0x6;
	p1 =	seq.s32 s6, $0x0  }
0x231: {  	[sflag:s0] =	ssyncpa.u1 $0x1;
	v0 =	vimm.s32 @p1 $0xFFFFFFFF  }
0x232: {  	s9 =	sadd.s32 $0xFFFFFFFF, s6;
	[tilespmem:$0x10238] =	vst @p1 v0  }
0x233: {  	v0 =	vld.msk @!p1 [tilespmem:s9+$0xF218], $0x1;
	_ =	sdelay $0x1  }
0x234: {  	v1 =	vld.msk @!p1 [tilespmem:$0xF218], $0x1;
	_ =	sdelay $0x2  }
0x235: {  	p2 =	seq.s32 @!p1 s9, $0x0;
	v0 =	vbroadcast @!p1 v0, $0x0  }
0x236: {  	vm0 =	vmmov @!p1 $0x1;
	p2 =	por !p2, p1  }
0x237: {  	v1 =	vnsel @!p1 vm0, $0xFFFFFFFF, v1;
	vm0 =	vcmask @!p1 $0x308;
	v0 =	vpsel !p2, $0xFFFFFFFF, v0  }
0x238: {  	p2 =	sne.s32 @!p1 s8, s7;
	v0 =	vsel @!p1 vm0, v1, v0  }
0x239: {  	s0 =	simm.s32 @!p1 $0xF238;
	s2 =	simm.s32 @!p1 $0x0;
	p3 =	por !p2, p1;
	[tilespmem:$0x10238] =	vst @!p1 v0  }
0x23a: {  	[spmem:s2] =	stream.linear.scatter @!p1 [tilespmem:s0], [sflag:$0x1], $0x80, $0x38;
	[tilespmem:$0x1F6F8] =	vst v63  }
0x23b: {  	s0 =	sshll.u32 @!p3 s9, $0x9  }
0x23c: {  	s0 =	sshra.s32 @!p3 s0, $0x2  }
0x23d: {  	s2 =	simm.s32 @!p3 $0x80;
	s0 =	sadd.s32 @!p3 $0xF238, s0  }
0x23e: {  	[spmem:s2] =	stream.linear.scatter @!p3 [tilespmem:s0], [sflag:$0x1], $0x80, $0x38;
	[tilespmem:$0x1F6F8] =	vst v63  }
0x23f: {  	s0 =	simm.s32 @!p3 $0x1  }
0x240: {  	_ =	swait.ge @!p3 [sflag:s0], $0x100  }
0x241: {  	p1 =	por p2, p1;
	[sflag:s0] =	ssyncset.done @!p3 $0x0  }
0x242: {  	[sflag:s0] =	ssyncadd.s32 @!p3 $0xFFFFFF00;
	s0 =	simm.s32 @!p1 $0x1  }
0x243: {  	_ =	swait.ge @!p1 [sflag:s0], $0x80  }
0x244: {  	s29 =	simm.s32 $0x10238;
	[sflag:s0] =	ssyncset.done @!p1 $0x0  }
0x245: {  	s30 =	simm.s32 $0x1000;
	s31 =	simm.s32 $0x1;
	[sflag:s0] =	ssyncadd.s32 @!p1 $0xFFFFFF80  }
0x246: {  	[spmem:s30] =	stream.linear.scatter [tilespmem:s29], [sflag:$0x1], $0x10, $0x38;
	[tilespmem:$0x1F6F8] =	vst v63  }
0x247: {  	_ =	swait.ge [sflag:s31], $0x10  }
0x248: {  	[sflag:s31] =	ssyncset.done $0x0  }
0x249: {  	p1 =	seq.s32 s15, $0x0;
	s8 =	rddreg [dreg:$0x1];
	[sflag:s31] =	ssyncadd.s32 $0xFFFFFFF0  }
0x24a: {  	s2 =	sshll.u32 @p1 s8, $0xE;
	s7 =	rddreg [dreg:$0x2]  }
0x24b: {  	s0 =	sadd.s32 @p1 $0x15C3C, s2;
	s2 =	sshll.u32 @p1 s7, $0x11  }
0x24c: {  	_ =	sfence.stream.spmem;
	s0 =	sor.u32 @p1 s2, s0  }
0x24d: {  	[sflag:s0] =	ssyncadd.remote.s32 @p1 $0x1;
	s0 =	simm.s32 @p1 $0x4  }
0x24e: {  	s3 =	simm.s32 @!p1 $0x3C;
	s2 =	sand.u32 $0xFFFFFFFE, s8;
	_ =	swait.ge @p1 [sflag:s0], $0x22  }
0x24f: {  	s4 =	simm.s32 @!p1 $0x0;
	s2 =	sadd.s32 @!p1 $0x4, s2;
	[sflag:s0] =	ssyncset.done @p1 $0x0  }
0x250: {  	s5 =	simm.s32 @!p1 $0x100;
	[sflag:s0] =	ssyncadd.s32 @p1 $0xFFFFFFDE;
	s0 =	sshll.u32 @!p1 s2, $0x1A  }
0x251: {  	s2 =	sshll.u32 @!p1 s2, $0xD;
	s0 =	sor.u32 @!p1 s0, s7;
	_ =	swait.eq @!p1 [sflag:s3], $0x1  }
0x252: {  	s2 =	sor.u32 @!p1 $0x1C04, s2;
	s3 =	simm.s32 @!p1 $0x1C03;
	s0 =	sor.u32 @!p1 $0x80004000, s0  }
0x253: {  	[spmem:s5], [sflag:s2] =	dma.general @!p1 [spmem:s4], [sflag:s3], length:$0x20, [dreg:$0x0], stride_count:$0x0, ici_dest:s0, dma_misc:DstOpCode:WRITE  }
0x254: {  	p2 =	slt.s32 s9, $0x2;
	s4 =	simm.s32 @!p1 $0x200;
	s5 =	simm.s32 @!p1 $0x202  }
0x255: {  	[spmem:s5], [sflag:s2] =	dma.general @!p1 [spmem:s4], [sflag:s3], length:$0x2, [dreg:$0x0], stride_count:$0x0, ici_dest:s0, dma_misc:DstOpCode:WRITE  }
.Ltmp35:
0x256: {  	s0 =	simm.s32 @!p1 $0x3;
	(pc) =	sbr.rel @p2 .LBB3_38-.Ltmp35, $4  }
0x257: {  	s2 =	sshll.u32 @!p1 s8, $0xE;
	_ =	swait.ge @!p1 [sflag:s0], $0x22  }
0x258: {  	s3 =	sshll.u32 @!p1 s7, $0x11;
	s2 =	sadd.s32 @!p1 $0x11C3C, s2;
	[sflag:s0] =	ssyncset.done @!p1 $0x0  }
0x259: {  	[sflag:s0] =	ssyncadd.s32 @!p1 $0xFFFFFFDE;
	s0 =	sor.u32 @!p1 s3, s2  }
0x25a: {  	[sflag:s0] =	ssyncadd.remote.s32 @!p1 $0xFFFFFFFF;
	s0 =	simm.s32 $0x0  }
0x25b: {  	s0 =	simm.s32 $0xF219  }
0x25c: {  	v0 =	vld.msk [tilespmem:s0+$0x0], $0x1;
	_ =	sdelay $0x4  }
0x25d: {  	(v2sf) =	vpush v0, $0x0;
	_ =	sdelay $0xb  }
0x25e: {  	s31 =	sadd.s32 $0xFFFFFFFE, s6  }
0x25f: {  	s0 =	sadd.s32 $0xFFFFFFFF, s31  }
0x260: {  	p2 =	sne.s32 s0, $0x0  }
.Ltmp36:
0x261: {  	s2 =	spop (v2sf);
	(pc) =	sbr.rel @!p2 .LBB3_37-.Ltmp36, $4  }
0x262: {  	s4 =	simm.s32 $0xF2B8;
	s7 =	simm.s32 $0x0;
	p1 =	sgt.u32 s2, $0x270F0  }
0x263: {  	s5 =	simm.s32 $0x0;
	s6 =	simm.s32 $0xF21A;
	s3 =	sand.u32 @!p1 $0x3FFF8, s2  }
0x264: {  	s2 =	sand.u32 @!p1 $0x7, s2;
	s7 =	simm.s32 @!p1 $0x200;
	s3 =	sadd.s32 @!p1 s1, s3  }
0x265: {  	[hbm4b:s3+s2] =	stream.linear.scatter @!p1 [tilespmem:s4], [sflag:$0x5], $0x80, $0x38;
	[tilespmem:$0x1F6F8] =	vst v63  }
.LBB3_36:
0x266: {  	v0 =	vld.msk [tilespmem:s6+$0x0], $0x1;
	s0 =	sadd.s32 $0xFFFFFFFF, s0;
	s5 =	sadd.s32 s5, s7  }
0x267: {  	p1 =	sne.s32 s0, $0x0;
	_ =	sdelay $0x3  }
0x268: {  	(v2sf) =	vpush v0, $0x0;
	_ =	sdelay $0xe  }
.Ltmp37:
0x269: {  	s2 =	spop (v2sf);
	(pc) =	sbr.rel @p1 .LBB3_36-.Ltmp37, $4  }
0x26a: {  	s7 =	simm.s32 $0x0;
	p2 =	sgt.u32 s2, $0x270F0  }
0x26b: {  	s4 =	sadd.s32 $0x80, s4;
	s7 =	simm.s32 @!p2 $0x200;
	s3 =	sand.u32 @!p2 $0x3FFF8, s2  }
0x26c: {  	s6 =	sadd.s32 $0x1, s6;
	s2 =	sand.u32 @!p2 $0x7, s2;
	s3 =	sadd.s32 @!p2 s1, s3  }
0x26d: {  	[hbm4b:s3+s2] =	stream.linear.scatter @!p2 [tilespmem:s4], [sflag:$0x5], $0x80, $0x38;
	[tilespmem:$0x1F6F8] =	vst v63  }
.LBB3_37:
0x26e: {  	s0 =	sadd.s32 s5, s7  }
0x26f: {  	s0 =	sshrl.u32 s0, $0x2  }
.LBB3_38:
0x270: {  	s2 =	simm.s32 $0x5  }
0x271: {  	_ =	swait.ge [sflag:s2], s0  }
0x272: {  	s31 =	ssub.s32 $0x0, s0;
	[sflag:s2] =	ssyncset.done $0x0  }
0x273: {  	[sflag:s2] =	ssyncadd.s32 s31  }
0x274: {  	[sflag:s2] =	ssyncpa.u1 $0x1  }
.LBB3_39:
0x275: {  	s0 =	sor.u32 s15, s16  }
0x276: {  	p1 =	sne.s32 s0, $0x0  }
.Ltmp38:
0x277: {  	_ = 	snop;
	(pc) =	sbr.rel @p1 .LBB3_54-.Ltmp38, $3  }
0x278: {  	_ =	sdelay $0x1  }
0x279: {  	[bflag:$0x0] =	sbarrier.arrive $0xFFFF  }
0x27a: {  	_ =	sfence  }
0x27b: {  	s0 =	simm.s32 $0x7  }
0x27c: {  	s2 =	simm.s32 $0x1000;
	s3 =	simm.s32 $0xF218;
	[sflag:s0] =	ssyncpa.u1 $0x0  }
0x27d: {  	[tilespmem:s3], [sflag:$0x7] =	stream.linear.gather [spmem:s2], $0x20, $0x38;
	[tilespmem:$0x1F6F8] =	vst v63  }
0x27e: {  	s30 =	simm.s32 $0xF238;
	s2 =	simm.s32 $0x0  }
0x27f: {  	[tilespmem:s30], [sflag:$0x7] =	stream.linear.gather [spmem:s2], $0x1000, $0x38;
	[tilespmem:$0x1F6F8] =	vst v63  }
.Ltmp39:
0x280: {  	_ = 	snop;
	(pc) =	sbr.rel .LBB3_41-.Ltmp39, $4  }
0x281: {  	_ =	swait.ge [sflag:s0], $0x1020  }
0x282: {  	[sflag:s0] =	ssyncset.done $0x0  }
0x283: {  	s31 =	simm.s32 $0x8;
	[sflag:s0] =	ssyncadd.s32 $0xFFFFEFE0  }
0x284: {  	s3 =	simm.s32 $0x0;
	[sflag:s31] =	ssyncpa.u1 $0x0  }
.LBB3_47:
0x285: {  	p1 =	slt.u32 s4, $0x270F1  }
0x286: {  	s0 =	sand.u32 @p1 $0x3FFF8, s4  }
0x287: {  	s4 =	sand.u32 @p1 $0x7, s4;
	s5 =	simm.s32 @p1 $0xF188;
	s0 =	sadd.s32 @p1 s1, s0  }
0x288: {  	[tilespmem:s5], [sflag:$0x8] =	stream.linear.gather @p1 [hbm4b:s0+s4], $0x80, $0x38;
	[tilespmem:$0x1F6F8] =	vst v63  }
0x289: {  	s0 =	simm.s32 @p1 $0x8  }
0x28a: {  	_ =	swait.ge @p1 [sflag:s0], $0x80  }
0x28b: {  	[sflag:s0] =	ssyncset.done @p1 $0x0  }
0x28c: {  	[sflag:s0] =	ssyncadd.s32 @p1 $0xFFFFFF80  }
0x28d: {  	v1 =	vld @p1 [tilespmem:$0xF188];
	_ =	sdelay $0x2  }
0x28e: {  	s0 =	sshll.u32 @p1 s3, $0x9  }
0x28f: {  	s4 =	sshrl.u32 @p1 s0, $0x2  }
0x290: {  	[tilespmem:s4+$0xF238] =	vst.add.f32.msk @p1 $0xffff, v1  }
0x291: {  	v1 =	vld @p1 [tilespmem:$0xF198];
	_ =	sdelay $0x4  }
0x292: {  	[tilespmem:s4+$0xF248] =	vst.add.f32.msk @p1 $0xffff, v1  }
0x293: {  	v1 =	vld @p1 [tilespmem:$0xF1A8];
	_ =	sdelay $0x4  }
0x294: {  	[tilespmem:s4+$0xF258] =	vst.add.f32.msk @p1 $0xffff, v1  }
0x295: {  	v1 =	vld @p1 [tilespmem:$0xF1B8];
	_ =	sdelay $0x4  }
0x296: {  	[tilespmem:s4+$0xF268] =	vst.add.f32.msk @p1 $0xffff, v1  }
0x297: {  	v1 =	vld @p1 [tilespmem:$0xF1C8];
	_ =	sdelay $0x4  }
0x298: {  	[tilespmem:s4+$0xF278] =	vst.add.f32.msk @p1 $0xffff, v1  }
0x299: {  	v1 =	vld @p1 [tilespmem:$0xF1D8];
	_ =	sdelay $0x4  }
0x29a: {  	[tilespmem:s4+$0xF288] =	vst.add.f32.msk @p1 $0xffff, v1  }
0x29b: {  	v1 =	vld @p1 [tilespmem:$0xF1E8];
	_ =	sdelay $0x4  }
0x29c: {  	[tilespmem:s4+$0xF298] =	vst.add.f32.msk @p1 $0xffff, v1  }
0x29d: {  	v1 =	vld @p1 [tilespmem:$0xF1F8];
	_ =	sdelay $0x3  }
0x29e: {  	s5 =	sshll.u32 @!p1 s3, $0x9  }
0x29f: {  	s5 =	smov.u32 @p1 s0;
	[tilespmem:s4+$0xF2A8] =	vst.add.f32.msk @p1 $0xffff, v1  }
0x2a0: {  	s0 =	sshrl.u32 s5, $0x2;
	[tilespmem:s2+$0xF218] =	vst.msk $0x1, v0  }
0x2a1: {  	v0 =	vld [tilespmem:s0+$0xF238];
	_ =	sdelay $0x2  }
0x2a2: {  	s31 =	sshll.u32 s2, $0x9  }
0x2a3: {  	s4 =	sshra.s32 s31, $0x2  }
0x2a4: {  	[tilespmem:s4+$0xF238] =	vst v0  }
0x2a5: {  	v0 =	vld [tilespmem:s0+$0xF248];
	_ =	sdelay $0x4  }
0x2a6: {  	[tilespmem:s4+$0xF248] =	vst v0  }
0x2a7: {  	v0 =	vld [tilespmem:s0+$0xF258];
	_ =	sdelay $0x4  }
0x2a8: {  	[tilespmem:s4+$0xF258] =	vst v0  }
0x2a9: {  	v0 =	vld [tilespmem:s0+$0xF268];
	_ =	sdelay $0x4  }
0x2aa: {  	[tilespmem:s4+$0xF268] =	vst v0  }
0x2ab: {  	v0 =	vld [tilespmem:s0+$0xF278];
	_ =	sdelay $0x4  }
0x2ac: {  	[tilespmem:s4+$0xF278] =	vst v0  }
0x2ad: {  	v0 =	vld [tilespmem:s0+$0xF288];
	_ =	sdelay $0x4  }
0x2ae: {  	[tilespmem:s4+$0xF288] =	vst v0  }
0x2af: {  	v0 =	vld [tilespmem:s0+$0xF298];
	_ =	sdelay $0x4  }
0x2b0: {  	[tilespmem:s4+$0xF298] =	vst v0  }
0x2b1: {  	v0 =	vld [tilespmem:s0+$0xF2A8];
	_ =	sdelay $0x4  }
0x2b2: {  	s2 =	sadd.s32 $0x1, s2;
	[tilespmem:s4+$0xF2A8] =	vst v0  }
.LBB3_48:
0x2b3: {  	s3 =	sadd.s32 $0x1, s3  }
0x2b4: {  	p1 =	sne.s32 s3, $0x20  }
.Ltmp40:
0x2b5: {  	_ = 	snop;
	(pc) =	sbr.rel @!p1 .LBB3_49-.Ltmp40, $1  }
0x2b6: {  	_ =	sdelay $0x3  }
.LBB3_41:
0x2b7: {  	v0 =	vld.msk [tilespmem:s3+$0xF218], $0x1;
	_ =	sdelay $0x4  }
0x2b8: {  	(v2sf) =	vpush v0, $0x0;
	_ =	sdelay $0xe  }
0x2b9: {  	s4 =	spop (v2sf)  }
0x2ba: {  	p1 =	seq.s32 s4, $0xFFFFFFFF  }
.Ltmp41:
0x2bb: {  	_ = 	snop;
	(pc) =	sbr.rel @p1 .LBB3_48-.Ltmp41, $1  }
0x2bc: {  	_ =	sdelay $0x3  }
0x2bd: {  	p1 =	slt.s32 s2, $0x1  }
.Ltmp42:
0x2be: {  	_ = 	snop;
	(pc) =	sbr.rel @p1 .LBB3_47-.Ltmp42, $1  }
0x2bf: {  	_ =	sdelay $0x3  }
0x2c0: {  	s5 =	simm.s32 $0xF218;
	p1 =	por $0x0, $0x0  }
0x2c1: {  	v1 =	vld.msk @!p1 [tilespmem:s5+$0x0], $0x1;
	_ =	sdelay $0x4  }
0x2c2: {  	(v2sf) =	vpush @!p1 v1, $0x0;
	_ =	sdelay $0xd  }
0x2c3: {  	p3 =	sne.s32 s2, $0x1  }
.Ltmp43:
0x2c4: {  	s0 =	spop @!p1 (v2sf);
	(pc) =	sbr.rel @!p3 .LBB3_45-.Ltmp43, $4  }
0x2c5: {  	p2 =	seq.s32 @!p1 s4, s0  }
0x2c6: {  	s6 =	simm.s32 $0x0;
	p2 =	por !p2, p1  }
0x2c7: {  	s7 =	simm.s32 $0xFFFFFFFF;
	s6 =	simm.s32 @p2 $0xFFFFFFFF  }
0x2c8: {  	s0 =	simm.s32 $0x1;
	s6 =	smov.u32 @p1 s7  }
.LBB3_44:
0x2c9: {  	s7 =	smov.u32 s6;
	p1 =	sne.s32 s6, $0xFFFFFFFF  }
0x2ca: {  	s5 =	sadd.s32 $0x1, s5;
	s6 =	smov.u32 s0;
	s0 =	sadd.s32 $0x1, s0  }
0x2cb: {  	p2 =	sne.s32 s2, s0;
	v1 =	vld.msk @!p1 [tilespmem:s5+$0x0], $0x1;
	_ =	sdelay $0x4  }
0x2cc: {  	(v2sf) =	vpush @!p1 v1, $0x0;
	_ =	sdelay $0xe  }
.Ltmp44:
0x2cd: {  	s8 =	spop @!p1 (v2sf);
	(pc) =	sbr.rel @p2 .LBB3_44-.Ltmp44, $4  }
0x2ce: {  	p3 =	seq.s32 @!p1 s4, s8  }
0x2cf: {  	p3 =	por !p3, p1  }
0x2d0: {  	s6 =	simm.s32 @p3 $0xFFFFFFFF  }
0x2d1: {  	s6 =	smov.u32 @p1 s7  }
.LBB3_45:
0x2d2: {  	p1 =	seq.s32 s6, $0xFFFFFFFF  }
.Ltmp45:
0x2d3: {  	_ = 	snop;
	(pc) =	sbr.rel @p1 .LBB3_47-.Ltmp45, $1  }
0x2d4: {  	_ =	sdelay $0x3  }
0x2d5: {  	s0 =	sshll.u32 s3, $0x7  }
0x2d6: {  	s0 =	sand.u32 $0x3FFFFF80, s0  }
0x2d7: {  	v0 =	vld [tilespmem:s0+$0xF238];
	_ =	sdelay $0x2  }
0x2d8: {  	s4 =	sshll.u32 s6, $0x9  }
0x2d9: {  	s4 =	sshra.s32 s4, $0x2  }
0x2da: {  	[tilespmem:s4+$0xF238] =	vst.add.f32.msk $0xffff, v0  }
0x2db: {  	v0 =	vld [tilespmem:s0+$0xF248];
	_ =	sdelay $0x4  }
0x2dc: {  	[tilespmem:s4+$0xF248] =	vst.add.f32.msk $0xffff, v0  }
0x2dd: {  	v0 =	vld [tilespmem:s0+$0xF258];
	_ =	sdelay $0x4  }
0x2de: {  	[tilespmem:s4+$0xF258] =	vst.add.f32.msk $0xffff, v0  }
0x2df: {  	v0 =	vld [tilespmem:s0+$0xF268];
	_ =	sdelay $0x4  }
0x2e0: {  	[tilespmem:s4+$0xF268] =	vst.add.f32.msk $0xffff, v0  }
0x2e1: {  	v0 =	vld [tilespmem:s0+$0xF278];
	_ =	sdelay $0x4  }
0x2e2: {  	[tilespmem:s4+$0xF278] =	vst.add.f32.msk $0xffff, v0  }
0x2e3: {  	v0 =	vld [tilespmem:s0+$0xF288];
	_ =	sdelay $0x4  }
0x2e4: {  	[tilespmem:s4+$0xF288] =	vst.add.f32.msk $0xffff, v0  }
0x2e5: {  	v0 =	vld [tilespmem:s0+$0xF298];
	_ =	sdelay $0x4  }
0x2e6: {  	[tilespmem:s4+$0xF298] =	vst.add.f32.msk $0xffff, v0  }
0x2e7: {  	v0 =	vld [tilespmem:s0+$0xF2A8]  }
.Ltmp46:
0x2e8: {  	_ = 	snop;
	(pc) =	sbr.rel .LBB3_48-.Ltmp46, $2  }
0x2e9: {  	_ =	sdelay $0x2  }
0x2ea: {  	[tilespmem:s4+$0xF2A8] =	vst.add.f32.msk $0xffff, v0  }
.LBB3_49:
0x2eb: {  	p1 =	slt.s32 s2, $0x1  }
.Ltmp47:
0x2ec: {  	_ = 	snop;
	(pc) =	sbr.rel @p1 .LBB3_53-.Ltmp47, $3  }
0x2ed: {  	_ =	sdelay $0x1  }
0x2ee: {  	s0 =	simm.s32 $0x8  }
0x2ef: {  	s3 =	simm.s32 $0x0;
	[sflag:s0] =	ssyncpa.u1 $0x1  }
0x2f0: {  	s0 =	simm.s32 $0xF218  }
0x2f1: {  	v0 =	vld.msk [tilespmem:s0+$0x0], $0x1;
	_ =	sdelay $0x4  }
0x2f2: {  	(v2sf) =	vpush v0, $0x0;
	_ =	sdelay $0xe  }
0x2f3: {  	s0 =	sadd.s32 $0xFFFFFFFF, s2;
	s5 =	spop (v2sf)  }
0x2f4: {  	p2 =	sne.s32 s0, $0x0;
	p1 =	sgt.u32 s5, $0x270F0  }
.Ltmp48:
0x2f5: {  	s6 =	sand.u32 @!p1 $0x3FFF8, s5;
	(pc) =	sbr.rel @!p2 .LBB3_52-.Ltmp48, $4  }
0x2f6: {  	s4 =	simm.s32 $0xF238;
	s5 =	sand.u32 @!p1 $0x7, s5;
	s2 =	sadd.s32 @!p1 s1, s6  }
0x2f7: {  	[hbm4b:s2+s5] =	stream.linear.scatter @!p1 [tilespmem:s4], [sflag:$0x7], $0x80, $0x38;
	[tilespmem:$0x1F6F8] =	vst v63  }
0x2f8: {  	s5 =	simm.s32 $0x0  }
0x2f9: {  	s2 =	simm.s32 $0xF219;
	s5 =	simm.s32 @!p1 $0x200  }
.LBB3_51:
0x2fa: {  	v0 =	vld.msk [tilespmem:s2+$0x0], $0x1;
	s0 =	sadd.s32 $0xFFFFFFFF, s0;
	s3 =	sadd.s32 s3, s5  }
0x2fb: {  	p1 =	sne.s32 s0, $0x0;
	_ =	sdelay $0x3  }
0x2fc: {  	(v2sf) =	vpush v0, $0x0;
	_ =	sdelay $0xe  }
.Ltmp49:
0x2fd: {  	s6 =	spop (v2sf);
	(pc) =	sbr.rel @p1 .LBB3_51-.Ltmp49, $4  }
0x2fe: {  	s5 =	simm.s32 $0x0;
	p2 =	sgt.u32 s6, $0x270F0  }
0x2ff: {  	s4 =	sadd.s32 $0x80, s4;
	s5 =	simm.s32 @!p2 $0x200;
	s7 =	sand.u32 @!p2 $0x3FFF8, s6  }
0x300: {  	s2 =	sadd.s32 $0x1, s2;
	s6 =	sand.u32 @!p2 $0x7, s6;
	s7 =	sadd.s32 @!p2 s1, s7  }
0x301: {  	[hbm4b:s7+s6] =	stream.linear.scatter @!p2 [tilespmem:s4], [sflag:$0x7], $0x80, $0x38;
	[tilespmem:$0x1F6F8] =	vst v63  }
.LBB3_52:
0x302: {  	s0 =	sadd.s32 s3, s5  }
0x303: {  	s3 =	sshrl.u32 s0, $0x2  }
.LBB3_53:
0x304: {  	s0 =	simm.s32 $0x7  }
0x305: {  	_ =	swait.ge [sflag:s0], s3  }
0x306: {  	s1 =	ssub.s32 $0x0, s3;
	[sflag:s0] =	ssyncset.done $0x0  }
0x307: {  	[sflag:s0] =	ssyncadd.s32 s1  }
0x308: {  	[sflag:s0] =	ssyncpa.u1 $0x1  }
.LBB3_54:
0x309: {  	_ =	sfence;
	s0 =	simm.s32 $0x1  }
0x30a: {  	[sflag:s0] =	ssyncpa.u1 $0x1  }
0x30b: {  	_ =	strace $0x90000059  }
0x30c: {  	[bflag:$0x2] =	sbarrier.arrive $0xFFFF  }
0x30d: {  	s0 =	rddreg [dreg:$0x3]  }
0x30e: {  	s0 =	sadd.s32 @!p0 $0x100000, s0  }
0x30f: {  	[sflag:s0] =	ssyncadd.tile.s32 @!p0 $0x1;
	_ =	shalt  }
.Lfunc_end3:
_tile_overlayer_lowered:
.L_overlay_start_3:
0x310: {  	(tag) =	ssettag $0x3  }
0x311: {  	s0 =	rddreg [dreg:$0x0];
	s2 =	stileid.u32  }
0x312: {  	s1 =	rddreg [dreg:$0x1];
	p0 =	sne.s32 s2, $0x0  }
0x313: {  	s3 =	rddreg [dreg:$0x2];
	[bflag:$0x3] =	sbarrier.arrive $0xFFFF;
	s2 =	simm.s32 @!p0 $0x1C01  }
0x314: {  	[timem:s3], [sflag:s2] =	dma.local @!p0 [hbm:s0], s1  }
0x315: {  	s0 =	simm.s32 @!p0 $0x1  }
0x316: {  	_ =	swait.ge @!p0 [sflag:s0], s1  }
0x317: {  	s1 =	ssub.s32 @!p0 $0x0, s1;
	[sflag:s0] =	ssyncset.done @!p0 $0x0  }
0x318: {  	[sflag:s0] =	ssyncadd.s32 @!p0 s1  }
0x319: {  	[bflag:$0x3] =	sbarrier.arrive $0xFFFF  }
0x31a: {  	_ =	shalt  }

// kernel: scatter_offload_async_start.4
scs
__scs_entry_jumppad:
0x0: {  	(pc) =	sbr.rel $0x88, $3  }
0x1: {  	(tag) =	ssettag $0x0;
	lr =	simm.s32 $0x1  }
0x2: {  	[smem:$0x3F99] =	sst lr;
	_ =	strace $0xD0000000  }
0x3: {  	_ = 	snop  }
0x4: {  	_ = 	snop  }
0x5: {  	_ = 	snop  }
0x6: {  	_ = 	snop  }
0x7: {  	_ = 	snop  }
__scs_overlays_trampoline_lowered:
0x8: {  	[smem:$0x3FA8] =	sst s0  }
0x9: {  	[smem:$0x3FA9] =	sst s1  }
0xa: {  	[smem:$0x3FAA] =	sst s2  }
0xb: {  	[smem:$0x3FAB] =	sst s3  }
0xc: {  	[smem:$0x3FAC] =	sst s4  }
0xd: {  	[smem:$0x3FAD] =	sst s5  }
0xe: {  	[smem:$0x3FAE] =	sst s6  }
0xf: {  	[smem:$0x3FAF] =	sst s7  }
0x10: {  	[smem:$0x3FB0] =	sst s8  }
0x11: {  	[smem:$0x3FB1] =	sst s9;
	s0 =	simm.s32 @!p0 $0x0  }
0x12: {  	s1 =	sld [smem:$0x3F97];
	s0 =	simm.s32 @p0 $0x1  }
0x13: {  	[smem:$0x3FB2] =	sst s0;
	s0 =	simm.s32 @!p1 $0x0  }
0x14: {  	s2 =	sld [smem:$0x3F96];
	s0 =	simm.s32 @p1 $0x1  }
0x15: {  	[smem:$0x3FB3] =	sst s0;
	s0 =	simm.s32 @!p2 $0x0  }
0x16: {  	s3 =	sld [smem:$0x3FDB];
	s0 =	simm.s32 @p2 $0x1  }
0x17: {  	s4 =	simm.s32 $0x1BF5;
	[smem:$0x3FB5] =	sst s0  }
0x18: {  	s0 =	sld [smem:$0x3F98];
	_ =	swait.ge [sflag:s4], $0x0  }
0x19: {  	s7 =	sld [smem:$0x3F99]  }
0x1a: {  	s8 =	sadd.s32 $0xFFFFE003, lr  }
0x1b: {  	s9 =	sadd.s32 $0xFFFFFEF7, lr;
	s5 =	simm.s32 $0xFFFFFFFF;
	p2 =	slt.u32 s8, $0xFFFFF086  }
0x1c: {  	p1 =	slt.u32 s9, $0xF7A;
	s5 =	simm.s32 @!p2 $0x0  }
0x1d: {  	s5 =	simm.s32 @p1 $0x1;
	p0 =	seq.s32 s7, s2  }
0x1e: {  	s7 =	smul.u32 @!p0 $0xF7A, s2;
	p2 =	seq.s32 @!p0 s5, $0x0  }
0x1f: {  	s9 =	smul.u32 $0xF7A, s1;
	s8 =	simm.s32 @!p0 $0x1BF5;
	p2 =	por !p2, p0  }
0x20: {  	[sflag:s8] =	ssyncset.s32 @!p0 $0xFFFFF086;
	s6 =	sadd.s32 @!p0 s3, s7;
	s7 =	simm.s32 @!p0 $0x108  }
0x21: {  	s3 =	sadd.s32 s3, s9;
	s6 =	sadd.s32 @!p0 $0x88, s6;
	s7 =	simm.s32 @p2 $0x1082  }
0x22: {  	[simem:s7], [sflag:s8] =	dma.local @!p0 [hbm:s6], $0xF7A  }
0x23: {  	s9 =	sor.u32 $0xD0000000, s2;
	s6 =	simm.s32 $0x108;
	_ =	swait.ge @!p0 [sflag:s8], $0x0  }
0x24: {  	s3 =	sadd.s32 $0x88, s3;
	s6 =	simm.s32 @!p1 $0x1082;
	[sflag:s4] =	ssyncset.s32 $0xFFFFF086  }
0x25: {  	[simem:s6], [sflag:s4] =	dma.local [hbm:s3], $0xF7A  }
0x26: {  	[smem:$0x3F99] =	sst s1;
	(tag) =	ssettag s2;
	_ =	strace s9  }
0x27: {  	s1 =	sld [smem:$0x3FA9]  }
0x28: {  	s2 =	sld [smem:$0x3FAA]  }
0x29: {  	s4 =	sld [smem:$0x3FAC]  }
0x2a: {  	p0 =	seq.s32 s5, $0x0;
	s5 =	sld [smem:$0x3FAD]  }
0x2b: {  	s6 =	sld [smem:$0x3FAE]  }
0x2c: {  	s7 =	sld [smem:$0x3FAF]  }
0x2d: {  	s3 =	simm.s32 $0x108;
	s8 =	sld [smem:$0x3FB0]  }
0x2e: {  	s3 =	simm.s32 @!p0 $0x1082;
	s9 =	sld [smem:$0x3FB1]  }
0x2f: {  	lr =	sadd.s32 s0, s3;
	s0 =	sld [smem:$0x3FA8]  }
0x30: {  	s3 =	sld [smem:$0x3FAB]  }
0x31: {  	[smem:$0x3FB4] =	sst s10  }
0x32: {  	s10 =	sld [smem:$0x3FB2];
	_ =	sdelay $0x3  }
0x33: {  	p0 =	seq.s32 s10, $0x1;
	s10 =	sld [smem:$0x3FB4];
	_ =	sdelay $0x3  }
0x34: {  	[smem:$0x3FB4] =	sst s10  }
0x35: {  	s10 =	sld [smem:$0x3FB3];
	_ =	sdelay $0x3  }
0x36: {  	p1 =	seq.s32 s10, $0x1;
	s10 =	sld [smem:$0x3FB4];
	_ =	sdelay $0x3  }
0x37: {  	[smem:$0x3FB4] =	sst s10  }
0x38: {  	s10 =	sld [smem:$0x3FB5]  }
0x39: {  	_ = 	snop;
	(pc) =	sbr.ind lr, $3  }
0x3a: {  	_ = 	snop  }
0x3b: {  	_ = 	snop  }
0x3c: {  	p2 =	seq.s32 s10, $0x1;
	s10 =	sld [smem:$0x3FB4]  }
0x3d: {  	_ =	shalt  }
0x3e: {  	_ =	shalt  }
0x3f: {  	_ =	shalt  }
0x40: {  	_ =	shalt  }
0x41: {  	_ =	shalt  }
0x42: {  	_ =	shalt  }
0x43: {  	_ =	shalt  }
0x44: {  	_ =	shalt  }
0x45: {  	_ =	shalt  }
0x46: {  	_ =	shalt  }
0x47: {  	_ =	shalt  }
0x48: {  	_ =	shalt  }
0x49: {  	_ =	shalt  }
0x4a: {  	_ =	shalt  }
0x4b: {  	_ =	shalt  }
0x4c: {  	_ =	shalt  }
0x4d: {  	_ =	shalt  }
0x4e: {  	_ =	shalt  }
0x4f: {  	_ =	shalt  }
0x50: {  	_ =	shalt  }
0x51: {  	_ =	shalt  }
0x52: {  	_ =	shalt  }
0x53: {  	_ =	shalt  }
0x54: {  	_ =	shalt  }
0x55: {  	_ =	shalt  }
0x56: {  	_ =	shalt  }
0x57: {  	_ =	shalt  }
0x58: {  	_ =	shalt  }
0x59: {  	_ =	shalt  }
0x5a: {  	_ =	shalt  }
0x5b: {  	_ =	shalt  }
0x5c: {  	_ =	shalt  }
0x5d: {  	_ =	shalt  }
0x5e: {  	_ =	shalt  }
0x5f: {  	_ =	shalt  }
0x60: {  	_ =	shalt  }
0x61: {  	_ =	shalt  }
0x62: {  	_ =	shalt  }
0x63: {  	_ =	shalt  }
0x64: {  	_ =	shalt  }
0x65: {  	_ =	shalt  }
0x66: {  	_ =	shalt  }
0x67: {  	_ =	shalt  }
0x68: {  	_ =	shalt  }
0x69: {  	_ =	shalt  }
0x6a: {  	_ =	shalt  }
0x6b: {  	_ =	shalt  }
0x6c: {  	_ =	shalt  }
0x6d: {  	_ =	shalt  }
0x6e: {  	_ =	shalt  }
0x6f: {  	_ =	shalt  }
0x70: {  	_ =	shalt  }
0x71: {  	_ =	shalt  }
0x72: {  	_ =	shalt  }
0x73: {  	_ =	shalt  }
0x74: {  	_ =	shalt  }
0x75: {  	_ =	shalt  }
0x76: {  	_ =	shalt  }
0x77: {  	_ =	shalt  }
0x78: {  	_ =	shalt  }
0x79: {  	_ =	shalt  }
0x7a: {  	_ =	shalt  }
0x7b: {  	_ =	shalt  }
0x7c: {  	_ =	shalt  }
0x7d: {  	_ =	shalt  }
0x7e: {  	_ =	shalt  }
0x7f: {  	_ =	shalt  }
0x80: {  	_ =	shalt  }
0x81: {  	_ =	shalt  }
0x82: {  	_ =	shalt  }
0x83: {  	_ =	shalt  }
0x84: {  	_ =	shalt  }
0x85: {  	_ =	shalt  }
0x86: {  	_ =	shalt  }
0x87: {  	_ =	shalt  }
.Lfunc_end0:
.L_simem_size_0:
called_computation.4_lowered:
.L_overlay_start_0:
0x88: {  	s2 =	sld [smem:$0x3FD9]  }
0x89: {  	s3 =	sld [smem:$0x3FFE];
	_ =	sdelay $0x1  }
0x8a: {  	s1 =	srdreg.scid  }
0x8b: {  	s0 =	sand.u32 $0x1, s1  }
0x8c: {  	s15 =	sshll.u32 s0, $0xA;
	s2 =	sadd.s32 s3, s2  }
0x8d: {  	s2 =	sadd.s32 s2, s15  }
0x8e: {  	[smem:$0x3FC0] =	sst s2  }
0x8f: {  	_ = 	snop  }
0x90: {  	(tm) =	ssettm $0x1  }
0x91: {  	s16 =	sld [smem:$0x3FFB];
	_ =	sdelay $0x3  }
0x92: {  	_ =	strace s16  }
0x93: {  	s2 =	sld [smem:$0x3FFC];
	_ =	sdelay $0x3  }
0x94: {  	_ =	strace s2  }
0x95: {  	s2 =	sld [smem:$0x3FFD];
	_ =	sdelay $0x3  }
0x96: {  	_ =	strace s2  }
0x97: {  	_ =	strace $0x8FFFFFFF  }
0x98: {  	s17 =	sld [smem:$0x3FDB];
	_ =	sdelay $0x1  }
0x99: {  	s18 =	simm.s32 $_scs_section_size  }
0x9a: {  	s4 =	simm.s32 $_size__tile_overlayer_lowered;
	s5 =	simm.s32 $_tile_overlayer_lowered  }
0x9b: {  	s21 =	simm.s32 $0x1BFF;
	s20 =	sshll.u32 s5, $0x1;
	s2 =	sadd.s32 s18, s17  }
0x9c: {  	s6 =	simm.s32 $0x0;
	s19 =	sshll.u32 s4, $0x1;
	s4 =	sadd.s32 s20, s2  }
0x9d: {  	[timem:s6], [sflag:s21] =	dma.local [hbm:s4], s19  }
0x9e: {  	_ =	swait.ge [sflag:s21], s19  }
0x9f: {  	s3 =	ssub.s32 $0x0, s19;
	[sflag:s21] =	ssyncset.done $0x0  }
0xa0: {  	[sflag:s21] =	ssyncadd.s32 s3;
	_ =	sdelay $0x1  }
0xa1: {  	s22 =	simm.s32 $0x1B8B  }
0xa2: {  	_ =	swait.ge [sflag:s22], $0x1  }
0xa3: {  	[sflag:s22] =	ssyncset.done $0x0  }
0xa4: {  	s23 =	sld [smem:$0x3FFE];
	[sflag:s22] =	ssyncadd.s32 $0xFFFFFFFF  }
0xa5: {  	s25 =	simm.s32 $0x1B8E;
	s24 =	sld [smem:$0x0]  }
0xa6: {  	s26 =	simm.s32 $execute0_lowered;
	[smem:$0x3FD2] =	sst s25  }
0xa7: {  	s5 =	sshll.u32 s26, $0x1;
	_ =	strace $0x8000005B;
	[dreg:$0x1] =	wrdreg $0xFFFFFFFF  }
0xa8: {  	s28 =	simm.s32 $_size_execute0_lowered;
	s2 =	sadd.s32 s2, s5;
	[dreg:$0x0] =	wrdreg $0x0  }
0xa9: {  	s5 =	sshll.u32 s28, $0x1;
	[dreg:$0x2] =	wrdreg s2  }
0xaa: {  	[dreg:$0x3] =	wrdreg s5  }
0xab: {  	[dreg:$0x4] =	wrdreg $0xC0  }
0xac: {  	_ =	task [dreg:s6], $0x5FFFF  }
0xad: {  	[dreg:$0x1] =	wrdreg $0xFFFFFFFF  }
0xae: {  	[dreg:$0x0] =	wrdreg $0x60  }
0xaf: {  	[dreg:$0x2] =	wrdreg s23  }
0xb0: {  	[dreg:$0x3] =	wrdreg s1  }
0xb1: {  	[dreg:$0x4] =	wrdreg s24  }
0xb2: {  	[dreg:$0x5] =	wrdreg $0x9  }
0xb3: {  	_ =	task.clear_ibuf [dreg:s6], $0x6FFFF;
	_ =	strace $0x9000005B  }
0xb4: {  	s29 =	simm.s32 $0x9;
	_ =	strace $0x8000005D  }
0xb5: {  	_ =	swait.ge [sflag:s29], $0x1  }
0xb6: {  	[sflag:s29] =	ssyncadd.s32 $0xFFFFFFFF  }
0xb7: {  	_ =	strace $0x9000005D  }
0xb8: {  	_ =	sfence  }
0xb9: {  	s30 =	sld [smem:$0x0];
	_ =	sdelay $0x2  }
0xba: {  	s31 =	sshll.u32 s1, $0xD;
	s1 =	sshrl.u32 s1, $0x2  }
0xbb: {  	s3 =	sand.u32 $0x4000, s31;
	s1 =	sadd.s32 s1, s30  }
0xbc: {  	s0 =	sor.u32 s3, s0;
	s1 =	sshll.u32 s1, $0x11  }
0xbd: {  	s0 =	sor.u32 s1, s0  }
0xbe: {  	s0 =	sadd.s32 $0x8F2B, s0  }
0xbf: {  	[sflag:s0] =	ssyncadd.remote.s32 $0x1  }
0xc0: {  	_ =	sfence.sel $0xFFFF  }
0xc1: {  	[dreg:$0x0] =	wrdreg $0xFFFFFFFF;
	(pc) =	sbr.abs _section_cstart, $3  }
0xc2: {  	[dreg:$0x1] =	wrdreg $0xFFFFFFFF  }
0xc3: {  	_ =	task.clear_ibuf [dreg:s6], $0x2FFFF;
	_ =	strace $0x9FFFFFFF  }
0xc4: {  	(tm) =	ssettm $0x7FFFFFFF  }
0xc5: {  	_ =	shalt  }
tec
execute0_lowered:
.L_overlay_start_1:
0x0: {  	(tag) =	ssettag $0x1  }
0x1: {  	s2 =	rddreg [dreg:$0x0]  }
0x2: {  	s3 =	rddreg [dreg:$0x1];
	_ =	strace $0x8000005C;
	s0 =	simm.s32 $0x1  }
0x3: {  	v0 =	vimm.s32 $0x0;
	[sflag:s0] =	ssyncpa.u1 $0x0;
	s0 =	simm.s32 $0x108  }
0x4: {  	[tilespmem:s0+$0x70] =	vst v0  }
0x5: {  	[tilespmem:s0+$0x60] =	vst v0  }
0x6: {  	[tilespmem:s0+$0x50] =	vst v0  }
0x7: {  	[tilespmem:s0+$0x40] =	vst v0  }
0x8: {  	s1 =	sadd.s32 $0x513E00, s2;
	[tilespmem:s0+$0x30] =	vst v0  }
0x9: {  	s15 =	sadd.s32 $0xA000, s2;
	s6 =	sadd.s32 $0x563800, s2;
	[tilespmem:s0+$0x20] =	vst v0  }
0xa: {  	s14 =	sadd.s32 $0x13E00, s2;
	s5 =	sand.u32 $0x1, s3;
	s3 =	simm.s32 $0x40;
	[tilespmem:s0+$0x10] =	vst v0  }
.LBB2_1:
0xb: {  	s3 =	sadd.s32 $0x40, s3;
	[tilespmem:s0+$0x0] =	vst v0;
	s0 =	sadd.s32 $0x80, s0  }
0xc: {  	p0 =	slt.u32 s3, $0x3C40;
	[tilespmem:s0+$0x70] =	vst v0  }
0xd: {  	[tilespmem:s0+$0x60] =	vst v0  }
.Ltmp0:
0xe: {  	[tilespmem:s0+$0x50] =	vst v0;
	(pc) =	sbr.rel @p0 .LBB2_1-.Ltmp0, $4  }
0xf: {  	[tilespmem:s0+$0x40] =	vst v0  }
0x10: {  	[tilespmem:s0+$0x30] =	vst v0  }
0x11: {  	[tilespmem:s0+$0x20] =	vst v0  }
0x12: {  	[tilespmem:s0+$0x10] =	vst v0  }
0x13: {  	s9 =	stileid.u32  }
0x14: {  	s2 =	smul.u32 $0x29, s9  }
0x15: {  	s3 =	smin.u32 s9, $0xB  }
0x16: {  	s2 =	sadd.s32 s3, s2  }
0x17: {  	p0 =	slt.u32 s9, $0xB;
	s7 =	smul.u32 $0xF0, s2;
	s2 =	simm.s32 $0x2760  }
0x18: {  	s2 =	simm.s32 @!p0 $0x2670  }
0x19: {  	s2 =	sadd.s32 s2, s7  }
0x1a: {  	s8 =	smin.u32 s2, $0x27100  }
0x1b: {  	s2 =	ssub.s32 s8, s7  }
0x1c: {  	p0 =	sgt.s32 s2, $0x0  }
0x1d: {  	s29 =	simm.s32 $0x2;
	s10 =	simm.s32 $0x9;
	s2 =	simm.s32 @!p0 $0x0  }
0x1e: {  	s4 =	simm.s32 $0xA;
	s11 =	simm.s32 $0xB;
	s28 =	smulhi.u32 $0x88888889, s2  }
0x1f: {  	[dreg:$0x4] =	wrdreg s5;
	s31 =	smul.u32 $0x4E20, s5;
	s12 =	simm.s32 $0x1  }
0x20: {  	s22 =	simm.s32 $0x0;
	s18 =	simm.s32 $0xC;
	s30 =	sshrl.u32 s28, $0x7  }
0x21: {  	s20 =	simm.s32 $0x0;
	s21 =	simm.s32 $0x0;
	s3 =	smul.u32 $0xF0, s30  }
.Ltmp1:
0x22: {  	[tilespmem:s0+$0x0] =	vst v0;
	v0 =	vimm.s32 $0xFFFFFFFF;
	[sflag:s29] =	ssyncpa.u1 $0x0;
	s16 =	sshll.u32 s9, $0x8;
	(pc) =	sbr.rel .LBB2_3-.Ltmp1, $4  }
0x23: {  	[tilespmem:$0xF208] =	vst v0;
	[sflag:s10] =	ssyncpa.u1 $0x0;
	p0 =	sne.s32 s2, s3;
	s2 =	simm.s32 $0x1  }
0x24: {  	s14 =	sadd.s32 s31, s14;
	[sflag:s4] =	ssyncpa.u1 $0x0;
	s2 =	simm.s32 @!p0 $0x0  }
0x25: {  	s15 =	sadd.s32 s31, s15;
	[sflag:s11] =	ssyncpa.u1 $0x0;
	s13 =	sadd.s32 s2, s30  }
0x26: {  	v0 =	vlaneseq.u32;
	s19 =	smov.u32 s7;
	p0 =	por $0x0, $0x0;
	s17 =	sadd.s32 $0x1, s13  }
.LBB2_18:
0x27: {  	s0 =	sshrl.u32 s31, $0x2  }
.LBB2_20:
0x28: {  	_ =	swait.ge [sflag:s18], s0  }
0x29: {  	s31 =	ssub.s32 $0x0, s0;
	v1 =	vmov s24;
	vm0 =	veq.s32 v0, $0x0;
	[sflag:s18] =	ssyncset.done $0x0  }
0x2a: {  	vm15 =	veq.s32 v0, $0x2;
	v1 =	vsel vm0, s30, v1;
	[sflag:s18] =	ssyncadd.s32 s31  }
0x2b: {  	v1 =	vsel vm15, s22, v1;
	[sflag:s18] =	ssyncpa.u1 $0x1  }
0x2c: {  	[tilespmem:$0xF208] =	vst v1  }
.LBB2_21:
0x2d: {  	s0 =	sadd.s32 $0xF0, s19  }
0x2e: {  	s2 =	smov.u32 s7;
	p1 =	slt.s32 s0, s8  }
0x2f: {  	s2 =	smov.u32 @p1 s0;
	p1 =	sne.s32 s21, s17  }
.Ltmp2:
0x30: {  	_ = 	snop;
	(pc) =	sbr.rel @!p1 .LBB2_22-.Ltmp2, $3  }
0x31: {  	_ =	sdelay $0x1  }
0x32: {  	s22 =	smov.u32 s20;
	s31 =	sadd.s32 $0x1, s21;
	s20 =	smov.u32 s19  }
0x33: {  	p0 =	por !p0, !p0;
	s21 =	smov.u32 s31;
	s19 =	smov.u32 s2  }
.LBB2_3:
0x34: {  	p1 =	sge.u32 s21, s13  }
0x35: {  	s0 =	smulhi.u32 @!p1 $0xAAAAAAAB, s21  }
0x36: {  	s2 =	smov.u32 s19;
	p2 =	sgt.s32 @!p1 s19, $0x27010  }
0x37: {  	s3 =	sshra.s32 @!p1 s19, $0x1F;
	p2 =	por !p2, p1;
	s0 =	sshrl.u32 @!p1 s0, $0x1  }
0x38: {  	s3 =	sand.u32 @!p1 s3, s19;
	s2 =	simm.s32 @p2 $0x27010;
	s0 =	smul.u32 @!p1 $0x3, s0  }
0x39: {  	s2 =	ssub.s32 @!p1 s2, s3  }
0x3a: {  	s2 =	sadd.s32 @!p1 $0xFFFD8FF0, s2;
	s0 =	ssub.s32 @!p1 s21, s0  }
0x3b: {  	s3 =	sshll.u32 @!p1 s2, $0x2;
	p2 =	sgt.s32 @!p1 s2, $0xEF;
	s0 =	smul.u32 @!p1 $0x3C0, s0  }
0x3c: {  	s4 =	sand.u32 @!p1 $0x7, s19;
	s2 =	ssub.s32 @!p1 $0x3C0, s3;
	p2 =	por !p2, p1  }
0x3d: {  	s3 =	sshrl.u32 @!p1 s19, $0x3;
	s2 =	sshrl.u32 @!p1 s2, $0x2;
	s0 =	sshrl.u32 @!p1 s0, $0x2  }
0x3e: {  	s3 =	sadd.s32 @!p1 s3, s14;
	s2 =	simm.s32 @!p2 $0x0;
	s0 =	sadd.s32 @!p1 $0x10248, s0  }
0x3f: {  	[tilespmem:s0], [sflag:$0xA] =	stream.linear.gather @!p1 [hbm4b:s3+s4], s2, $0x38;
	[tilespmem:$0x1F6F8] =	vst v63  }
0x40: {  	s0 =	sadd.s32 $0xFFFFFFFF, s21  }
0x41: {  	p1 =	sge.u32 s0, s13  }
0x42: {  	p2 =	sgt.s32 @!p1 s20, $0x27010  }
0x43: {  	s2 =	smov.u32 s20;
	s3 =	sshra.s32 @!p1 s20, $0x1F;
	p2 =	por !p2, p1  }
0x44: {  	s3 =	sand.u32 @!p1 s3, s20;
	s2 =	simm.s32 @p2 $0x27010  }
0x45: {  	s2 =	ssub.s32 @!p1 s2, s3  }
0x46: {  	s2 =	sadd.s32 @!p1 $0xFFFD8FF0, s2  }
0x47: {  	s4 =	sand.u32 @!p1 $0x1, s0;
	s3 =	sshll.u32 @!p1 s2, $0x2  }
0x48: {  	p2 =	sgt.s32 @!p1 s2, $0xEF;
	s2 =	ssub.s32 @!p1 $0x3C0, s3;
	s3 =	smulhi.u32 @!p1 $0xAAAAAAAB, s0  }
0x49: {  	s23 =	smul.u32 @!p1 $0x3C0, s4;
	p2 =	por !p2, p1;
	s2 =	sshrl.u32 @!p1 s2, $0x2  }
0x4a: {  	s5 =	simm.s32 @!p1 $0xA;
	s2 =	simm.s32 @!p2 $0x0;
	s3 =	sshrl.u32 @!p1 s3, $0x1  }
0x4b: {  	s23 =	sshrl.u32 @!p1 s23, $0x2;
	_ =	swait.ge @!p1 [sflag:s5], s2;
	s3 =	smul.u32 @!p1 $0x3, s3  }
0x4c: {  	s23 =	sadd.s32 @!p1 $0x10518, s23;
	s24 =	ssub.s32 @!p1 $0x0, s2;
	[sflag:s5] =	ssyncset.done @!p1 $0x0  }
0x4d: {  	[sflag:s5] =	ssyncadd.s32 @!p1 s24;
	s5 =	sshrl.u32 @!p1 s20, $0x3;
	s0 =	ssub.s32 @!p1 s0, s3  }
0x4e: {  	s24 =	sand.u32 @!p1 $0x7, s20;
	s5 =	sadd.s32 @!p1 s5, s15;
	s0 =	smul.u32 @!p1 $0x3C0, s0  }
0x4f: {  	[tilespmem:s23], [sflag:$0xB] =	stream.linear.gather @!p1 [hbm4b:s5+s24], s2, $0x38;
	[tilespmem:$0x1F6F8] =	vst v63  }
0x50: {  	s3 =	ssub.s32 @!p1 $0x27100, s20;
	s2 =	smul.u32 @!p1 $0x1E000, s4  }
0x51: {  	p2 =	slt.s32 @!p1 s3, $0xF0  }
0x52: {  	p2 =	por !p2, p1;
	s0 =	sshrl.u32 @!p1 s0, $0x2;
	s2 =	sshrl.u32 @!p1 s2, $0x2  }
0x53: {  	s3 =	simm.s32 @p2 $0xF0;
	s0 =	sadd.s32 @!p1 $0x10248, s0;
	s2 =	sor.u32 @!p1 $0x106F8, s2  }
0x54: {  	[tilespmem:s2], [sflag:$0x9] =	stream.indirect.gather @!p1 [hbm4b:s6+s3], $0x80, s0, s3, $0xb8;
	[tilespmem:$0x1F6F8] =	vst v63  }
0x55: {  	p1 =	slt.u32 s21, $0x2  }
.Ltmp3:
0x56: {  	_ = 	snop;
	(pc) =	sbr.rel @p1 .LBB2_21-.Ltmp3, $1  }
0x57: {  	_ =	sdelay $0x3  }
0x58: {  	p1 =	sgt.s32 s22, $0x27010  }
0x59: {  	s0 =	smov.u32 s22;
	s2 =	sshra.s32 s22, $0x1F;
	s3 =	ssub.s32 $0x27100, s22  }
0x5a: {  	s0 =	simm.s32 @!p1 $0x27010;
	s2 =	sand.u32 s2, s22;
	p1 =	slt.s32 s3, $0xF0  }
0x5b: {  	s0 =	ssub.s32 s0, s2;
	s3 =	simm.s32 @!p1 $0xF0  }
0x5c: {  	s0 =	sadd.s32 $0xFFFD8FF0, s0;
	s25 =	sshll.u32 s3, $0x7  }
0x5d: {  	s26 =	sshll.u32 s0, $0x2;
	s2 =	sand.u32 $0x3FFFFF80, s25  }
0x5e: {  	p1 =	sgt.s32 s0, $0xEF;
	s29 =	ssub.s32 $0x3C0, s26;
	_ =	swait.ge [sflag:s10], s2  }
0x5f: {  	s2 =	ssub.s32 $0x0, s2;
	[sflag:s10] =	ssyncset.done $0x0;
	s0 =	sshrl.u32 s29, $0x2  }
0x60: {  	[sflag:s10] =	ssyncadd.s32 s2;
	s0 =	simm.s32 @p1 $0x0  }
0x61: {  	_ =	swait.ge [sflag:s11], s0  }
0x62: {  	s0 =	ssub.s32 $0x0, s0;
	[sflag:s11] =	ssyncset.done $0x0  }
0x63: {  	[sflag:s11] =	ssyncadd.s32 s0  }
0x64: {  	v1 =	vld [tilespmem:$0xF208];
	_ =	sdelay $0x4  }
0x65: {  	(v2sf) =	vpush v1, $0x0  }
0x66: {  	(v2sf) =	vpush v1, $0x1  }
0x67: {  	(v2sf) =	vpush v1, $0x2;
	_ =	sdelay $0x3  }
0x68: {  	s0 =	sadd.s32 $0xF0, s22  }
0x69: {  	s2 =	ssub.s32 $0x4E200, s22;
	p1 =	slt.s32 s8, s0  }
0x6a: {  	s0 =	smov.u32 @p1 s8;
	p1 =	sgt.s32 s2, $0x0  }
0x6b: {  	s26 =	ssub.s32 s0, s22;
	s2 =	simm.s32 @!p1 $0x0  }
0x6c: {  	p1 =	slt.s32 s2, s26  }
0x6d: {  	s26 =	smov.u32 @p1 s2  }
0x6e: {  	s25 =	simm.s32 $0x1;
	p1 =	slt.s32 s26, $0x1  }
.Ltmp4:
0x6f: {  	s25 =	simm.s32 @!p0 $0x0;
	(pc) =	sbr.rel @p1 .LBB2_8-.Ltmp4, $4  }
0x70: {  	s31 =	smul.u32 $0x3C0, s25  }
0x71: {  	s28 =	spop (v2sf)  }
0x72: {  	s0 =	sshrl.u32 s31, $0x2;
	s30 =	spop (v2sf)  }
0x73: {  	s23 =	sadd.s32 $0x10518, s0;
	s22 =	spop (v2sf)  }
0x74: {  	s0 =	smin.u32 s26, $0x10  }
0x75: {  	v1 =	vmov s0  }
0x76: {  	p2 =	sgt.s32 s26, $0x10;
	vm1 =	vgt.u32 v1, v0  }
.Ltmp5:
0x77: {  	_ = 	snop;
	(pc) =	sbr.rel @!p2 .LBB2_7-.Ltmp5, $2  }
0x78: {  	_ =	sdelay $0x2  }
0x79: {  	s4 =	simm.s32 $0x10;
	s24 =	sadd.s32 $0xFFFFFFF0, s26;
	s0 =	smov.u32 s23;
	vm0 =	vmmov vm1  }
.LBB2_6:
0x7a: {  	s2 =	smin.u32 s24, $0x10;
	s4 =	sadd.s32 $0x10, s4;
	v1 =	vld.msk [tilespmem:s0+$0x0 ss:$0x1], vm1  }
0x7b: {  	v2 =	vmov s2;
	p2 =	slt.s32 s4, s26  }
0x7c: {  	vm1 =	vgt.u32 v2, v0  }
.Ltmp6:
0x7d: {  	(pc) =	sbr.rel @p2 .LBB2_6-.Ltmp6, $3  }
0x7e: {  	_ =	sdelay $0x1  }
0x7f: {  	v1 =	vshll.u32 v1, $0x4  }
0x80: {  	s24 =	sadd.s32 $0xFFFFFFF0, s24;
	[tilespmem:s0+$0x0] =	vst.msk vm0, v1;
	s0 =	sadd.s32 $0x10, s0;
	vm0 =	vmmov vm1  }
.LBB2_7:
0x81: {  	_ =	sdelay $0x4  }
0x82: {  	v1 =	vld.msk [tilespmem:s0+$0x0 ss:$0x1], vm1;
	_ =	sdelay $0x4  }
0x83: {  	v1 =	vshll.u32 v1, $0x4  }
0x84: {  	[tilespmem:s0+$0x0] =	vst.msk vm0, v1  }
.LBB2_8:
0x85: {  	s0 =	sand.u32 $0x1, s21  }
0x86: {  	s0 =	smul.u32 $0xF0, s0  }
0x87: {  	p2 =	sne.s32 s30, $0xFFFFFFFF  }
0x88: {  	v1 =	vld.msk @!p2 [tilespmem:s0+$0x10518], $0x1;
	_ =	sdelay $0x4  }
0x89: {  	(v2sf) =	vpush @!p2 v1, $0x0;
	_ =	sdelay $0xc  }
.Ltmp7:
0x8a: {  	_ = 	snop;
	(pc) =	sbr.rel @p1 .LBB2_19-.Ltmp7, $4  }
0x8b: {  	_ = 	snop  }
0x8c: {  	s29 =	spop @!p2 (v2sf)  }
0x8d: {  	s22 =	simm.s32 @!p2 $0x0;
	s24 =	smov.u32 s29  }
0x8e: {  	[sflag:s18] =	ssyncpa.u1 $0x0;
	s29 =	smov.u32 @p2 s28;
	s24 =	smov.u32 @p2 s30  }
0x8f: {  	v1 =	vld.msk [tilespmem:s23+$0x0], $0x1;
	_ =	sdelay $0x4  }
0x90: {  	(v2sf) =	vpush v1, $0x0;
	_ =	sdelay $0xe  }
0x91: {  	s2 =	smul.u32 $0x1E000, s25;
	s0 =	spop (v2sf)  }
0x92: {  	s26 =	ssub.s32 $0x0, s26;
	p1 =	seq.s32 s29, s0  }
0x93: {  	s30 =	sadd.s32 $0x1, s26;
	s2 =	sshrl.u32 s2, $0x2;
	p2 =	sgt.s32 @!p1 s29, $0x0  }
0x94: {  	s25 =	sor.u32 $0x10738, s2;
	s2 =	smov.u32 s29;
	p2 =	por !p2, p1  }
0x95: {  	s2 =	simm.s32 @p2 $0x0;
	p2 =	seq.s32 s30, $0x0  }
.Ltmp8:
0x96: {  	_ = 	snop;
	(pc) =	sbr.rel @p2 .LBB2_11-.Ltmp8, $4  }
0x97: {  	_ = 	snop  }
0x98: {  	s28 =	simm.s32 $0x0;
	s31 =	sadd.s32 $0x1, s23;
	s2 =	smin.u32 @!p1 s2, $0x270F0  }
0x99: {  	s4 =	simm.s32 @!p1 $0x1;
	s5 =	simm.s32 @!p1 $0x7988;
	s3 =	sand.u32 @!p1 $0x3FFF8, s2  }
0x9a: {  	s4 =	smov.u32 @p1 s28;
	s2 =	sand.u32 @!p1 $0x7, s2;
	s3 =	sadd.s32 @!p1 s1, s3  }
.LBB2_10:
0x9b: {  	s9 =	smov.u32 s4  }
0x9c: {  	[tilespmem:s5], [sflag:$0x2] =	stream.linear.gather @!p1 [hbm4b:s3+s2], $0x80, $0x38;
	[tilespmem:$0x1F6F8] =	vst v63  }
0x9d: {  	s30 =	sadd.s32 $0x1, s30;
	s2 =	smov.u32 s0;
	v1 =	vld.msk [tilespmem:s31+$0x0], $0x1  }
0x9e: {  	p2 =	seq.s32 s30, $0x0;
	_ =	sdelay $0x3  }
0x9f: {  	(v2sf) =	vpush v1, $0x0;
	_ =	sdelay $0xe  }
0xa0: {  	s0 =	spop (v2sf)  }
0xa1: {  	p1 =	seq.s32 s2, s0  }
0xa2: {  	p3 =	sgt.s32 @!p1 s2, $0x0;
	s3 =	sshll.u32 @!p1 s4, $0x9;
	s4 =	sadd.s32 @!p1 $0x1, s4  }
.Ltmp9:
0xa3: {  	p3 =	por !p3, p1;
	s3 =	sshra.s32 @!p1 s3, $0x2;
	(pc) =	sbr.rel @!p2 .LBB2_10-.Ltmp9, $4  }
0xa4: {  	s4 =	smov.u32 @p1 s9;
	s2 =	simm.s32 @p3 $0x0;
	s5 =	sadd.s32 @!p1 $0x7988, s3  }
0xa5: {  	s2 =	smin.u32 @!p1 s2, $0x270F0  }
0xa6: {  	s3 =	sand.u32 @!p1 $0x3FFF8, s2;
	s2 =	sand.u32 @!p1 $0x7, s2  }
0xa7: {  	s31 =	sadd.s32 $0x1, s31;
	s3 =	sadd.s32 @!p1 s1, s3  }
.LBB2_11:
0xa8: {  	[tilespmem:s5], [sflag:$0x2] =	stream.linear.gather @!p1 [hbm4b:s3+s2], $0x80, $0x38;
	[tilespmem:$0x1F6F8] =	vst v63  }
.Ltmp10:
0xa9: {  	s0 =	sshll.u32 s4, $0x7;
	(pc) =	sbr.rel .LBB2_12-.Ltmp10, $4  }
0xaa: {  	s30 =	simm.s32 $0x2;
	s0 =	sand.u32 $0x3FFFFF80, s0  }
0xab: {  	_ =	swait.ge [sflag:s30], s0  }
0xac: {  	s0 =	ssub.s32 $0x0, s0;
	[sflag:s30] =	ssyncset.done $0x0  }
0xad: {  	s31 =	simm.s32 $0x0;
	[sflag:s30] =	ssyncadd.s32 s0  }
.LBB2_13:
0xae: {  	v1 =	vld [tilespmem:s25+$0xFFFFFFC0];
	_ =	sdelay $0x3  }
0xaf: {  	s0 =	sshra.s32 s0, $0x2  }
0xb0: {  	[tilespmem:s0+$0x108] =	vst.add.f32.msk $0xffff, v1  }
0xb1: {  	v1 =	vld [tilespmem:s25+$0xFFFFFFD0];
	_ =	sdelay $0x4  }
0xb2: {  	[tilespmem:s0+$0x118] =	vst.add.f32.msk $0xffff, v1  }
0xb3: {  	v1 =	vld [tilespmem:s25+$0xFFFFFFE0];
	_ =	sdelay $0x4  }
0xb4: {  	[tilespmem:s0+$0x128] =	vst.add.f32.msk $0xffff, v1  }
0xb5: {  	v1 =	vld [tilespmem:s25+$0xFFFFFFF0];
	_ =	sdelay $0x4  }
0xb6: {  	[tilespmem:s0+$0x138] =	vst.add.f32.msk $0xffff, v1  }
0xb7: {  	v1 =	vld [tilespmem:s25+$0x0];
	_ =	sdelay $0x4  }
0xb8: {  	[tilespmem:s0+$0x148] =	vst.add.f32.msk $0xffff, v1  }
0xb9: {  	v1 =	vld [tilespmem:s25+$0x10];
	_ =	sdelay $0x4  }
0xba: {  	[tilespmem:s0+$0x158] =	vst.add.f32.msk $0xffff, v1  }
0xbb: {  	v1 =	vld [tilespmem:s25+$0x20];
	_ =	sdelay $0x4  }
0xbc: {  	[tilespmem:s0+$0x168] =	vst.add.f32.msk $0xffff, v1  }
0xbd: {  	v1 =	vld [tilespmem:s25+$0x30];
	_ =	sdelay $0x4  }
0xbe: {  	[tilespmem:s0+$0x178] =	vst.add.f32.msk $0xffff, v1  }
.LBB2_17:
0xbf: {  	s26 =	sadd.s32 $0x1, s26  }
0xc0: {  	p1 =	seq.s32 s26, $0x0  }
.Ltmp11:
0xc1: {  	_ = 	snop;
	(pc) =	sbr.rel @p1 .LBB2_18-.Ltmp11, $2  }
0xc2: {  	_ =	sdelay $0x2  }
0xc3: {  	s23 =	sadd.s32 $0x1, s23;
	s25 =	sadd.s32 $0x80, s25;
	s29 =	smov.u32 s30  }
.LBB2_12:
0xc4: {  	v1 =	vld.msk [tilespmem:s23+$0x0], $0x1;
	_ =	sdelay $0x4  }
0xc5: {  	(v2sf) =	vpush v1, $0x0;
	_ =	sdelay $0xe  }
0xc6: {  	s30 =	spop (v2sf)  }
0xc7: {  	p1 =	sne.s32 s29, s30  }
.Ltmp12:
0xc8: {  	_ = 	snop;
	(pc) =	sbr.rel @!p1 .LBB2_13-.Ltmp12, $2  }
0xc9: {  	_ =	sdelay $0x2  }
0xca: {  	s0 =	sshll.u32 s22, $0x9  }
0xcb: {  	p1 =	seq.s32 s29, s24  }
.Ltmp13:
0xcc: {  	_ = 	snop;
	(pc) =	sbr.rel @!p1 .LBB2_15-.Ltmp13, $1  }
0xcd: {  	_ =	sdelay $0x3  }
0xce: {  	s0 =	sshra.s32 s0, $0x2  }
.Ltmp14:
0xcf: {  	s0 =	sadd.s32 $0x108, s0;
	(pc) =	sbr.rel .LBB2_16-.Ltmp14, $4  }
0xd0: {  	[spmem:s16] =	stream.linear.scatter [tilespmem:s0], [sflag:$0x1], $0x80, $0x38;
	[tilespmem:$0x1F6F8] =	vst v63  }
0xd1: {  	_ =	swait.ge [sflag:s12], $0x80  }
0xd2: {  	[sflag:s12] =	ssyncset.done $0x0  }
0xd3: {  	[sflag:s12] =	ssyncadd.s32 $0xFFFFFF80  }
.LBB2_15:
0xd4: {  	s2 =	sshll.u32 s28, $0x9  }
0xd5: {  	s2 =	sshra.s32 s2, $0x2  }
0xd6: {  	v1 =	vld [tilespmem:s2+$0x7988];
	_ =	sdelay $0x3  }
0xd7: {  	s0 =	sshra.s32 s0, $0x2  }
0xd8: {  	[tilespmem:s0+$0x108] =	vst.add.f32.msk $0xffff, v1  }
0xd9: {  	v1 =	vld [tilespmem:s2+$0x7998];
	_ =	sdelay $0x4  }
0xda: {  	[tilespmem:s0+$0x118] =	vst.add.f32.msk $0xffff, v1  }
0xdb: {  	v1 =	vld [tilespmem:s2+$0x79A8];
	_ =	sdelay $0x4  }
0xdc: {  	[tilespmem:s0+$0x128] =	vst.add.f32.msk $0xffff, v1  }
0xdd: {  	v1 =	vld [tilespmem:s2+$0x79B8];
	_ =	sdelay $0x4  }
0xde: {  	[tilespmem:s0+$0x138] =	vst.add.f32.msk $0xffff, v1  }
0xdf: {  	v1 =	vld [tilespmem:s2+$0x79C8];
	_ =	sdelay $0x4  }
0xe0: {  	[tilespmem:s0+$0x148] =	vst.add.f32.msk $0xffff, v1  }
0xe1: {  	v1 =	vld [tilespmem:s2+$0x79D8];
	_ =	sdelay $0x4  }
0xe2: {  	[tilespmem:s0+$0x158] =	vst.add.f32.msk $0xffff, v1  }
0xe3: {  	v1 =	vld [tilespmem:s2+$0x79E8];
	_ =	sdelay $0x4  }
0xe4: {  	[tilespmem:s0+$0x168] =	vst.add.f32.msk $0xffff, v1  }
0xe5: {  	v1 =	vld [tilespmem:s2+$0x79F8];
	_ =	sdelay $0x2  }
0xe6: {  	p1 =	sgt.u32 s29, $0x270F0  }
0xe7: {  	s2 =	sand.u32 @!p1 $0x3FFF8, s29  }
0xe8: {  	s3 =	sadd.s32 $0x108, s0;
	[tilespmem:s0+$0x178] =	vst.add.f32.msk $0xffff, v1;
	s0 =	sadd.s32 @!p1 s1, s2;
	s2 =	sand.u32 @!p1 $0x7, s29  }
0xe9: {  	[hbm4b:s0+s2] =	stream.linear.scatter @!p1 [tilespmem:s3], [sflag:$0xC], $0x80, $0x38;
	[tilespmem:$0x1F6F8] =	vst v63  }
0xea: {  	s0 =	simm.s32 $0x0  }
0xeb: {  	s0 =	simm.s32 @!p1 $0x200  }
0xec: {  	s31 =	sadd.s32 s0, s31  }
.LBB2_16:
0xed: {  	s0 =	sadd.s32 $0x1, s22  }
0xee: {  	s2 =	smulhi.u32 $0x88888889, s0;
	_ =	sdelay $0x1  }
0xef: {  	v1 =	vld [tilespmem:s25+$0xFFFFFFC0];
	s2 =	sshrl.u32 s2, $0x7  }
0xf0: {  	s2 =	smul.u32 $0xF0, s2;
	_ =	sdelay $0x1  }
0xf1: {  	s22 =	ssub.s32 s0, s2  }
0xf2: {  	s0 =	sshll.u32 s22, $0x7  }
0xf3: {  	[tilespmem:s0+$0x108] =	vst v1  }
0xf4: {  	v1 =	vld [tilespmem:s25+$0xFFFFFFD0];
	_ =	sdelay $0x4  }
0xf5: {  	[tilespmem:s0+$0x118] =	vst v1  }
0xf6: {  	v1 =	vld [tilespmem:s25+$0xFFFFFFE0];
	_ =	sdelay $0x4  }
0xf7: {  	[tilespmem:s0+$0x128] =	vst v1  }
0xf8: {  	v1 =	vld [tilespmem:s25+$0xFFFFFFF0];
	_ =	sdelay $0x4  }
0xf9: {  	[tilespmem:s0+$0x138] =	vst v1  }
0xfa: {  	v1 =	vld [tilespmem:s25+$0x0];
	_ =	sdelay $0x4  }
0xfb: {  	[tilespmem:s0+$0x148] =	vst v1  }
0xfc: {  	v1 =	vld [tilespmem:s25+$0x10];
	_ =	sdelay $0x4  }
0xfd: {  	[tilespmem:s0+$0x158] =	vst v1  }
0xfe: {  	v1 =	vld [tilespmem:s25+$0x20];
	_ =	sdelay $0x4  }
0xff: {  	[tilespmem:s0+$0x168] =	vst v1  }
0x100: {  	v1 =	vld [tilespmem:s25+$0x30]  }
.Ltmp15:
0x101: {  	_ = 	snop;
	(pc) =	sbr.rel .LBB2_17-.Ltmp15, $2  }
0x102: {  	_ =	sdelay $0x2  }
0x103: {  	s28 =	sadd.s32 $0x1, s28;
	[tilespmem:s0+$0x178] =	vst v1  }
.LBB2_19:
.Ltmp16:
0x104: {  	(pc) =	sbr.rel .LBB2_20-.Ltmp16, $4  }
0x105: {  	_ = 	snop  }
0x106: {  	s0 =	simm.s32 $0x2  }
0x107: {  	_ =	swait.ge [sflag:s0], $0x0  }
0x108: {  	s30 =	smov.u32 s29;
	[sflag:s0] =	ssyncset.done $0x0;
	s0 =	simm.s32 $0x0  }
.LBB2_22:
0x109: {  	_ =	sfence.sel $0x180000  }
0x10a: {  	s0 =	simm.s32 $0x9;
	[bflag:$0x0] =	sbarrier.arrive $0xFFFF  }
0x10b: {  	s24 =	simm.s32 $0xA;
	[sflag:s0] =	ssyncpa.u1 $0x1  }
0x10c: {  	s25 =	simm.s32 $0xB;
	[sflag:s24] =	ssyncpa.u1 $0x1  }
0x10d: {  	s26 =	simm.s32 $0x2;
	[sflag:s25] =	ssyncpa.u1 $0x1  }
0x10e: {  	[sflag:s26] =	ssyncpa.u1 $0x1  }
0x10f: {  	v0 =	vld [tilespmem:$0xF208];
	_ =	sdelay $0x4  }
0x110: {  	(v2sf) =	vpush v0, $0x0  }
0x111: {  	(v2sf) =	vpush v0, $0x1;
	_ =	sdelay $0x1  }
0x112: {  	(v2sf) =	vpush v0, $0x2;
	_ =	sdelay $0xb  }
0x113: {  	s0 =	spop (v2sf)  }
0x114: {  	s2 =	spop (v2sf)  }
0x115: {  	s3 =	smov.u32 s0;
	p0 =	sne.s32 s0, s2  }
0x116: {  	s4 =	spop (v2sf);
	s3 =	simm.s32 @!p0 $0xFFFFFFFF  }
0x117: {  	v2 =	vimm.s32 $0x1;
	v3 =	vlaneseq.u32;
	p0 =	seq.s32 s4, $0xFFFFFFFF;
	v1 =	vmov s3  }
0x118: {  	s16 =	stileid.u32;
	v0 =	vperm.xlane v0, v2;
	p1 =	sne.s32 @!p0 s0, s2;
	v1 =	vperm.xlane v1, v3  }
0x119: {  	vm0 =	vcmask $0x3F04;
	s6 =	simm.s32 $0xF208;
	s0 =	simm.s32 @!p0 $0x1;
	p1 =	por !p1, p0  }
0x11a: {  	s3 =	sshll.u32 s16, $0x1;
	s2 =	sshll.u32 @!p0 s4, $0x9;
	s0 =	simm.s32 @p1 $0x0;
	v0 =	vsel vm0, v1, v0  }
0x11b: {  	s5 =	sor.u32 $0x1000, s3;
	s2 =	sshra.s32 @!p0 s2, $0x2;
	s0 =	sor.u32 @!p0 s0, s3;
	[tilespmem:$0xF208] =	vst v0  }
0x11c: {  	[spmem:s5] =	stream.linear.scatter [tilespmem:s6], [sflag:$0x1], $0x2, $0x38;
	[tilespmem:$0x1F6F8] =	vst v63  }
0x11d: {  	s2 =	sadd.s32 @!p0 $0x108, s2;
	s0 =	sshll.u32 @!p0 s0, $0x7  }
0x11e: {  	[spmem:s0] =	stream.linear.scatter @!p0 [tilespmem:s2], [sflag:$0x1], $0x80, $0x38;
	[tilespmem:$0x1F6F8] =	vst v63  }
0x11f: {  	s0 =	simm.s32 @!p0 $0x82  }
0x120: {  	s28 =	simm.s32 $0x1;
	s0 =	simm.s32 @p0 $0x2  }
0x121: {  	_ =	swait.ge [sflag:s28], s0  }
0x122: {  	s0 =	ssub.s32 $0x0, s0;
	[sflag:s28] =	ssyncset.done $0x0  }
0x123: {  	p0 =	sne.s32 s16, $0x0;
	[sflag:s28] =	ssyncadd.s32 s0  }
.Ltmp17:
0x124: {  	_ =	sfence.stream.spmem;
	(pc) =	sbr.rel @p0 .LBB2_39-.Ltmp17, $4  }
0x125: {  	s29 =	simm.s32 $0x3;
	[bflag:$0x0] =	sbarrier.arrive $0xFFFF  }
0x126: {  	s30 =	simm.s32 $0x4;
	[sflag:s29] =	ssyncpa.u1 $0x1  }
0x127: {  	s31 =	simm.s32 $0x3C;
	[sflag:s30] =	ssyncpa.u1 $0x1  }
0x128: {  	s15 =	rddreg [dreg:$0x4];
	[sflag:s31] =	ssyncpa.u1 $0x1  }
0x129: {  	_ =	sfence.stream.spmem;
	s0 =	simm.s32 $0x5  }
0x12a: {  	s2 =	simm.s32 $0x1000;
	s3 =	simm.s32 $0xF218;
	[sflag:s0] =	ssyncpa.u1 $0x0  }
0x12b: {  	[tilespmem:s3], [sflag:$0x5] =	stream.linear.gather [spmem:s2], $0x20, $0x38;
	[tilespmem:$0x1F6F8] =	vst v63  }
0x12c: {  	s26 =	simm.s32 $0x0;
	s28 =	simm.s32 $0xF238  }
0x12d: {  	[tilespmem:s28], [sflag:$0x5] =	stream.linear.gather [spmem:s26], $0x1000, $0x38;
	[tilespmem:$0x1F6F8] =	vst v63  }
0x12e: {  	_ =	swait.ge [sflag:s0], $0x1020  }
0x12f: {  	[sflag:s0] =	ssyncset.done $0x0  }
0x130: {  	s29 =	simm.s32 $0x0;
	[sflag:s0] =	ssyncadd.s32 $0xFFFFEFE0  }
0x131: {  	v0 =	vld.msk [tilespmem:s29+$0xF218], $0x1;
	_ =	sdelay $0x1  }
0x132: {  	s30 =	simm.s32 $0x1  }
0x133: {  	v1 =	vld.msk [tilespmem:s30+$0xF218], $0x1;
	_ =	sdelay $0x1  }
0x134: {  	(v2sf) =	vpush v0, $0x0;
	_ =	sdelay $0x2  }
0x135: {  	(v2sf) =	vpush v1, $0x0;
	_ =	sdelay $0x2  }
0x136: {  	s31 =	simm.s32 $0x2  }
0x137: {  	v0 =	vld.msk [tilespmem:s31+$0xF218], $0x1;
	_ =	sdelay $0x2  }
0x138: {  	s4 =	simm.s32 $0xFFFFFFFF;
	s5 =	simm.s32 $0xFFFFFFFF;
	s0 =	simm.s32 $0xC  }
.LBB2_24:
0x139: {  	s2 =	smov.u32 s5;
	s3 =	smov.u32 s4  }
0x13a: {  	s4 =	sshra.s32 s0, $0x2;
	p1 =	sne.s32 s0, $0x7C;
	s0 =	sadd.s32 $0x4, s0;
	(v2sf) =	vpush v0, $0x0  }
0x13b: {  	v0 =	vld.msk [tilespmem:s4+$0xF218], $0x1  }
.Ltmp18:
0x13c: {  	(pc) =	sbr.rel @p1 .LBB2_24-.Ltmp18, $4  }
0x13d: {  	s5 =	spop (v2sf)  }
0x13e: {  	p2 =	sne.s32 s3, $0xFFFFFFFF;
	s4 =	smov.u32 s5  }
0x13f: {  	p3 =	seq.s32 s5, $0xFFFFFFFF;
	s4 =	smov.u32 @p2 s3  }
0x140: {  	s5 =	smov.u32 @p3 s2;
	s4 =	smov.u32 @p3 s3  }
0x141: {  	(v2sf) =	vpush v0, $0x0;
	_ =	sdelay $0x8  }
0x142: {  	s0 =	spop (v2sf)  }
0x143: {  	p1 =	sne.s32 s4, $0xFFFFFFFF;
	s2 =	smov.u32 s0  }
0x144: {  	s9 =	simm.s32 $0x6;
	p2 =	seq.s32 s0, $0xFFFFFFFF;
	s2 =	smov.u32 @p1 s4  }
0x145: {  	s6 =	simm.s32 $0x0;
	s2 =	smov.u32 @p2 s4;
	s3 =	spop (v2sf)  }
0x146: {  	s0 =	smov.u32 @p2 s5;
	p1 =	sne.s32 s2, $0xFFFFFFFF;
	s4 =	smov.u32 s3  }
.Ltmp19:
0x147: {  	p2 =	seq.s32 s3, $0xFFFFFFFF;
	s4 =	smov.u32 @p1 s2;
	(pc) =	sbr.rel .LBB2_26-.Ltmp19, $4  }
0x148: {  	s10 =	simm.s32 $0xF188;
	s4 =	smov.u32 @p2 s2;
	s7 =	spop (v2sf)  }
0x149: {  	s11 =	simm.s32 $0x0;
	p1 =	sne.s32 s4, $0xFFFFFFFF;
	s8 =	smov.u32 s7  }
0x14a: {  	s3 =	smov.u32 @p2 s0;
	p2 =	seq.s32 s7, $0xFFFFFFFF;
	s8 =	smov.u32 @p1 s4  }
0x14b: {  	[sflag:s9] =	ssyncpa.u1 $0x0;
	s7 =	smov.u32 @p2 s3;
	s8 =	smov.u32 @p2 s4  }
.LBB2_32:
0x14c: {  	p1 =	sgt.u32 s12, $0x270F0  }
0x14d: {  	p2 =	seq.s32 @!p1 s12, s8  }
0x14e: {  	p1 =	por p1, p2  }
0x14f: {  	p2 =	sne.s32 @!p1 s12, s7  }
0x150: {  	p1 =	por p1, !p2  }
0x151: {  	s0 =	sshll.u32 @p1 s11, $0x9  }
0x152: {  	s0 =	sand.u32 @!p1 $0x3FFF8, s12  }
0x153: {  	s2 =	sand.u32 @!p1 $0x7, s12;
	s0 =	sadd.s32 @!p1 s1, s0  }
0x154: {  	[tilespmem:s10], [sflag:$0x6] =	stream.linear.gather @!p1 [hbm4b:s0+s2], $0x80, $0x38;
	[tilespmem:$0x1F6F8] =	vst v63  }
0x155: {  	_ =	swait.ge @!p1 [sflag:s9], $0x80  }
0x156: {  	[sflag:s9] =	ssyncset.done @!p1 $0x0  }
0x157: {  	[sflag:s9] =	ssyncadd.s32 @!p1 $0xFFFFFF80  }
0x158: {  	v1 =	vld @!p1 [tilespmem:$0xF188];
	_ =	sdelay $0x2  }
0x159: {  	s0 =	sshll.u32 @!p1 s11, $0x9  }
0x15a: {  	s2 =	sshrl.u32 @!p1 s0, $0x2  }
0x15b: {  	[tilespmem:s2+$0xF238] =	vst.add.f32.msk @!p1 $0xffff, v1  }
0x15c: {  	v1 =	vld @!p1 [tilespmem:$0xF198];
	_ =	sdelay $0x4  }
0x15d: {  	[tilespmem:s2+$0xF248] =	vst.add.f32.msk @!p1 $0xffff, v1  }
0x15e: {  	v1 =	vld @!p1 [tilespmem:$0xF1A8];
	_ =	sdelay $0x4  }
0x15f: {  	[tilespmem:s2+$0xF258] =	vst.add.f32.msk @!p1 $0xffff, v1  }
0x160: {  	v1 =	vld @!p1 [tilespmem:$0xF1B8];
	_ =	sdelay $0x4  }
0x161: {  	[tilespmem:s2+$0xF268] =	vst.add.f32.msk @!p1 $0xffff, v1  }
0x162: {  	v1 =	vld @!p1 [tilespmem:$0xF1C8];
	_ =	sdelay $0x4  }
0x163: {  	[tilespmem:s2+$0xF278] =	vst.add.f32.msk @!p1 $0xffff, v1  }
0x164: {  	v1 =	vld @!p1 [tilespmem:$0xF1D8];
	_ =	sdelay $0x4  }
0x165: {  	[tilespmem:s2+$0xF288] =	vst.add.f32.msk @!p1 $0xffff, v1  }
0x166: {  	v1 =	vld @!p1 [tilespmem:$0xF1E8];
	_ =	sdelay $0x4  }
0x167: {  	[tilespmem:s2+$0xF298] =	vst.add.f32.msk @!p1 $0xffff, v1  }
0x168: {  	v1 =	vld @!p1 [tilespmem:$0xF1F8];
	_ =	sdelay $0x4  }
0x169: {  	[tilespmem:s2+$0xF2A8] =	vst.add.f32.msk @!p1 $0xffff, v1  }
0x16a: {  	s0 =	sshrl.u32 s0, $0x2;
	[tilespmem:s6+$0xF218] =	vst.msk $0x1, v0  }
0x16b: {  	v0 =	vld [tilespmem:s0+$0xF238];
	_ =	sdelay $0x2  }
0x16c: {  	s31 =	sshll.u32 s6, $0x9  }
0x16d: {  	s2 =	sshra.s32 s31, $0x2  }
0x16e: {  	[tilespmem:s2+$0xF238] =	vst v0  }
0x16f: {  	v0 =	vld [tilespmem:s0+$0xF248];
	_ =	sdelay $0x4  }
0x170: {  	[tilespmem:s2+$0xF248] =	vst v0  }
0x171: {  	v0 =	vld [tilespmem:s0+$0xF258];
	_ =	sdelay $0x4  }
0x172: {  	[tilespmem:s2+$0xF258] =	vst v0  }
0x173: {  	v0 =	vld [tilespmem:s0+$0xF268];
	_ =	sdelay $0x4  }
0x174: {  	[tilespmem:s2+$0xF268] =	vst v0  }
0x175: {  	v0 =	vld [tilespmem:s0+$0xF278];
	_ =	sdelay $0x4  }
0x176: {  	[tilespmem:s2+$0xF278] =	vst v0  }
0x177: {  	v0 =	vld [tilespmem:s0+$0xF288];
	_ =	sdelay $0x4  }
0x178: {  	[tilespmem:s2+$0xF288] =	vst v0  }
0x179: {  	v0 =	vld [tilespmem:s0+$0xF298];
	_ =	sdelay $0x4  }
0x17a: {  	[tilespmem:s2+$0xF298] =	vst v0  }
0x17b: {  	v0 =	vld [tilespmem:s0+$0xF2A8];
	_ =	sdelay $0x4  }
0x17c: {  	s6 =	sadd.s32 $0x1, s6;
	[tilespmem:s2+$0xF2A8] =	vst v0  }
.LBB2_33:
0x17d: {  	s11 =	sadd.s32 $0x1, s11  }
0x17e: {  	p1 =	sne.s32 s11, $0x20  }
.Ltmp20:
0x17f: {  	_ = 	snop;
	(pc) =	sbr.rel @!p1 .LBB2_34-.Ltmp20, $1  }
0x180: {  	_ =	sdelay $0x3  }
.LBB2_26:
0x181: {  	v0 =	vld.msk [tilespmem:s11+$0xF218], $0x1;
	_ =	sdelay $0x4  }
0x182: {  	(v2sf) =	vpush v0, $0x0;
	_ =	sdelay $0xe  }
0x183: {  	s12 =	spop (v2sf)  }
0x184: {  	p1 =	seq.s32 s12, $0xFFFFFFFF  }
.Ltmp21:
0x185: {  	_ = 	snop;
	(pc) =	sbr.rel @p1 .LBB2_33-.Ltmp21, $1  }
0x186: {  	_ =	sdelay $0x3  }
0x187: {  	p1 =	slt.s32 s6, $0x1  }
.Ltmp22:
0x188: {  	_ = 	snop;
	(pc) =	sbr.rel @p1 .LBB2_32-.Ltmp22, $1  }
0x189: {  	_ =	sdelay $0x3  }
0x18a: {  	s13 =	simm.s32 $0xF218;
	p1 =	por $0x0, $0x0  }
0x18b: {  	v1 =	vld.msk @!p1 [tilespmem:s13+$0x0], $0x1;
	_ =	sdelay $0x4  }
0x18c: {  	(v2sf) =	vpush @!p1 v1, $0x0;
	_ =	sdelay $0xd  }
0x18d: {  	p3 =	sne.s32 s6, $0x1  }
.Ltmp23:
0x18e: {  	s0 =	spop @!p1 (v2sf);
	(pc) =	sbr.rel @!p3 .LBB2_30-.Ltmp23, $4  }
0x18f: {  	p2 =	seq.s32 @!p1 s12, s0  }
0x190: {  	s14 =	simm.s32 $0x0;
	p2 =	por !p2, p1  }
0x191: {  	s2 =	simm.s32 $0xFFFFFFFF;
	s14 =	simm.s32 @p2 $0xFFFFFFFF  }
0x192: {  	s0 =	simm.s32 $0x1;
	s14 =	smov.u32 @p1 s2  }
.LBB2_29:
0x193: {  	s2 =	smov.u32 s14;
	p1 =	sne.s32 s14, $0xFFFFFFFF  }
0x194: {  	s13 =	sadd.s32 $0x1, s13;
	s14 =	smov.u32 s0;
	s0 =	sadd.s32 $0x1, s0  }
0x195: {  	p2 =	sne.s32 s6, s0;
	v1 =	vld.msk @!p1 [tilespmem:s13+$0x0], $0x1;
	_ =	sdelay $0x4  }
0x196: {  	(v2sf) =	vpush @!p1 v1, $0x0;
	_ =	sdelay $0xe  }
.Ltmp24:
0x197: {  	s3 =	spop @!p1 (v2sf);
	(pc) =	sbr.rel @p2 .LBB2_29-.Ltmp24, $4  }
0x198: {  	p3 =	seq.s32 @!p1 s12, s3  }
0x199: {  	p3 =	por !p3, p1  }
0x19a: {  	s14 =	simm.s32 @p3 $0xFFFFFFFF  }
0x19b: {  	s14 =	smov.u32 @p1 s2  }
.LBB2_30:
0x19c: {  	p1 =	seq.s32 s14, $0xFFFFFFFF  }
.Ltmp25:
0x19d: {  	_ = 	snop;
	(pc) =	sbr.rel @p1 .LBB2_32-.Ltmp25, $1  }
0x19e: {  	_ =	sdelay $0x3  }
0x19f: {  	s0 =	sshll.u32 s11, $0x7  }
0x1a0: {  	s0 =	sand.u32 $0x3FFFFF80, s0  }
0x1a1: {  	v0 =	vld [tilespmem:s0+$0xF238];
	_ =	sdelay $0x2  }
0x1a2: {  	s2 =	sshll.u32 s14, $0x9  }
0x1a3: {  	s2 =	sshra.s32 s2, $0x2  }
0x1a4: {  	[tilespmem:s2+$0xF238] =	vst.add.f32.msk $0xffff, v0  }
0x1a5: {  	v0 =	vld [tilespmem:s0+$0xF248];
	_ =	sdelay $0x4  }
0x1a6: {  	[tilespmem:s2+$0xF248] =	vst.add.f32.msk $0xffff, v0  }
0x1a7: {  	v0 =	vld [tilespmem:s0+$0xF258];
	_ =	sdelay $0x4  }
0x1a8: {  	[tilespmem:s2+$0xF258] =	vst.add.f32.msk $0xffff, v0  }
0x1a9: {  	v0 =	vld [tilespmem:s0+$0xF268];
	_ =	sdelay $0x4  }
0x1aa: {  	[tilespmem:s2+$0xF268] =	vst.add.f32.msk $0xffff, v0  }
0x1ab: {  	v0 =	vld [tilespmem:s0+$0xF278];
	_ =	sdelay $0x4  }
0x1ac: {  	[tilespmem:s2+$0xF278] =	vst.add.f32.msk $0xffff, v0  }
0x1ad: {  	v0 =	vld [tilespmem:s0+$0xF288];
	_ =	sdelay $0x4  }
0x1ae: {  	[tilespmem:s2+$0xF288] =	vst.add.f32.msk $0xffff, v0  }
0x1af: {  	v0 =	vld [tilespmem:s0+$0xF298];
	_ =	sdelay $0x4  }
0x1b0: {  	[tilespmem:s2+$0xF298] =	vst.add.f32.msk $0xffff, v0  }
0x1b1: {  	v0 =	vld [tilespmem:s0+$0xF2A8]  }
.Ltmp26:
0x1b2: {  	_ = 	snop;
	(pc) =	sbr.rel .LBB2_33-.Ltmp26, $2  }
0x1b3: {  	_ =	sdelay $0x2  }
0x1b4: {  	[tilespmem:s2+$0xF2A8] =	vst.add.f32.msk $0xffff, v0  }
.LBB2_34:
0x1b5: {  	s0 =	simm.s32 $0x6;
	p1 =	seq.s32 s6, $0x0  }
0x1b6: {  	[sflag:s0] =	ssyncpa.u1 $0x1;
	v0 =	vimm.s32 @p1 $0xFFFFFFFF  }
0x1b7: {  	s9 =	sadd.s32 $0xFFFFFFFF, s6;
	[tilespmem:$0x10238] =	vst @p1 v0  }
0x1b8: {  	v0 =	vld.msk @!p1 [tilespmem:s9+$0xF218], $0x1;
	_ =	sdelay $0x1  }
0x1b9: {  	v1 =	vld.msk @!p1 [tilespmem:$0xF218], $0x1;
	_ =	sdelay $0x2  }
0x1ba: {  	p2 =	seq.s32 @!p1 s9, $0x0;
	v0 =	vbroadcast @!p1 v0, $0x0  }
0x1bb: {  	vm0 =	vmmov @!p1 $0x1;
	p2 =	por !p2, p1  }
0x1bc: {  	v1 =	vnsel @!p1 vm0, $0xFFFFFFFF, v1;
	vm0 =	vcmask @!p1 $0x308;
	v0 =	vpsel !p2, $0xFFFFFFFF, v0  }
0x1bd: {  	p2 =	sne.s32 @!p1 s8, s7;
	v0 =	vsel @!p1 vm0, v1, v0  }
0x1be: {  	s0 =	simm.s32 @!p1 $0xF238;
	s2 =	simm.s32 @!p1 $0x0;
	p3 =	por !p2, p1;
	[tilespmem:$0x10238] =	vst @!p1 v0  }
0x1bf: {  	[spmem:s2] =	stream.linear.scatter @!p1 [tilespmem:s0], [sflag:$0x1], $0x80, $0x38;
	[tilespmem:$0x1F6F8] =	vst v63  }
0x1c0: {  	s0 =	sshll.u32 @!p3 s9, $0x9  }
0x1c1: {  	s0 =	sshra.s32 @!p3 s0, $0x2  }
0x1c2: {  	s2 =	simm.s32 @!p3 $0x80;
	s0 =	sadd.s32 @!p3 $0xF238, s0  }
0x1c3: {  	[spmem:s2] =	stream.linear.scatter @!p3 [tilespmem:s0], [sflag:$0x1], $0x80, $0x38;
	[tilespmem:$0x1F6F8] =	vst v63  }
0x1c4: {  	s0 =	simm.s32 @!p3 $0x1  }
0x1c5: {  	_ =	swait.ge @!p3 [sflag:s0], $0x100  }
0x1c6: {  	p1 =	por p2, p1;
	[sflag:s0] =	ssyncset.done @!p3 $0x0  }
0x1c7: {  	[sflag:s0] =	ssyncadd.s32 @!p3 $0xFFFFFF00;
	s0 =	simm.s32 @!p1 $0x1  }
0x1c8: {  	_ =	swait.ge @!p1 [sflag:s0], $0x80  }
0x1c9: {  	s29 =	simm.s32 $0x10238;
	[sflag:s0] =	ssyncset.done @!p1 $0x0  }
0x1ca: {  	s30 =	simm.s32 $0x1000;
	s31 =	simm.s32 $0x1;
	[sflag:s0] =	ssyncadd.s32 @!p1 $0xFFFFFF80  }
0x1cb: {  	[spmem:s30] =	stream.linear.scatter [tilespmem:s29], [sflag:$0x1], $0x10, $0x38;
	[tilespmem:$0x1F6F8] =	vst v63  }
0x1cc: {  	_ =	swait.ge [sflag:s31], $0x10  }
0x1cd: {  	[sflag:s31] =	ssyncset.done $0x0  }
0x1ce: {  	p1 =	seq.s32 s15, $0x0;
	s8 =	rddreg [dreg:$0x1];
	[sflag:s31] =	ssyncadd.s32 $0xFFFFFFF0  }
0x1cf: {  	s2 =	sshll.u32 @p1 s8, $0xE;
	s7 =	rddreg [dreg:$0x2]  }
0x1d0: {  	s0 =	sadd.s32 @p1 $0x15C3C, s2;
	s2 =	sshll.u32 @p1 s7, $0x11  }
0x1d1: {  	_ =	sfence.stream.spmem;
	s0 =	sor.u32 @p1 s2, s0  }
0x1d2: {  	[sflag:s0] =	ssyncadd.remote.s32 @p1 $0x1;
	s0 =	simm.s32 @p1 $0x4  }
0x1d3: {  	s3 =	simm.s32 @!p1 $0x3C;
	s2 =	sand.u32 $0xFFFFFFFE, s8;
	_ =	swait.ge @p1 [sflag:s0], $0x22  }
0x1d4: {  	s4 =	simm.s32 @!p1 $0x0;
	s2 =	sadd.s32 @!p1 $0x4, s2;
	[sflag:s0] =	ssyncset.done @p1 $0x0  }
0x1d5: {  	s5 =	simm.s32 @!p1 $0x100;
	[sflag:s0] =	ssyncadd.s32 @p1 $0xFFFFFFDE;
	s0 =	sshll.u32 @!p1 s2, $0x1A  }
0x1d6: {  	s2 =	sshll.u32 @!p1 s2, $0xD;
	s0 =	sor.u32 @!p1 s0, s7;
	_ =	swait.eq @!p1 [sflag:s3], $0x1  }
0x1d7: {  	s2 =	sor.u32 @!p1 $0x1C04, s2;
	s3 =	simm.s32 @!p1 $0x1C03;
	s0 =	sor.u32 @!p1 $0x80004000, s0  }
0x1d8: {  	[spmem:s5], [sflag:s2] =	dma.general @!p1 [spmem:s4], [sflag:s3], length:$0x20, [dreg:$0x0], stride_count:$0x0, ici_dest:s0, dma_misc:DstOpCode:WRITE  }
0x1d9: {  	p2 =	slt.s32 s9, $0x2;
	s4 =	simm.s32 @!p1 $0x200;
	s5 =	simm.s32 @!p1 $0x202  }
0x1da: {  	[spmem:s5], [sflag:s2] =	dma.general @!p1 [spmem:s4], [sflag:s3], length:$0x2, [dreg:$0x0], stride_count:$0x0, ici_dest:s0, dma_misc:DstOpCode:WRITE  }
.Ltmp27:
0x1db: {  	s0 =	simm.s32 @!p1 $0x3;
	(pc) =	sbr.rel @p2 .LBB2_38-.Ltmp27, $4  }
0x1dc: {  	s2 =	sshll.u32 @!p1 s8, $0xE;
	_ =	swait.ge @!p1 [sflag:s0], $0x22  }
0x1dd: {  	s3 =	sshll.u32 @!p1 s7, $0x11;
	s2 =	sadd.s32 @!p1 $0x11C3C, s2;
	[sflag:s0] =	ssyncset.done @!p1 $0x0  }
0x1de: {  	[sflag:s0] =	ssyncadd.s32 @!p1 $0xFFFFFFDE;
	s0 =	sor.u32 @!p1 s3, s2  }
0x1df: {  	[sflag:s0] =	ssyncadd.remote.s32 @!p1 $0xFFFFFFFF;
	s0 =	simm.s32 $0x0  }
0x1e0: {  	s0 =	simm.s32 $0xF219  }
0x1e1: {  	v0 =	vld.msk [tilespmem:s0+$0x0], $0x1;
	_ =	sdelay $0x4  }
0x1e2: {  	(v2sf) =	vpush v0, $0x0;
	_ =	sdelay $0xb  }
0x1e3: {  	s31 =	sadd.s32 $0xFFFFFFFE, s6  }
0x1e4: {  	s0 =	sadd.s32 $0xFFFFFFFF, s31  }
0x1e5: {  	p2 =	sne.s32 s0, $0x0  }
.Ltmp28:
0x1e6: {  	s2 =	spop (v2sf);
	(pc) =	sbr.rel @!p2 .LBB2_37-.Ltmp28, $4  }
0x1e7: {  	s4 =	simm.s32 $0xF2B8;
	s7 =	simm.s32 $0x0;
	p1 =	sgt.u32 s2, $0x270F0  }
0x1e8: {  	s5 =	simm.s32 $0x0;
	s6 =	simm.s32 $0xF21A;
	s3 =	sand.u32 @!p1 $0x3FFF8, s2  }
0x1e9: {  	s2 =	sand.u32 @!p1 $0x7, s2;
	s7 =	simm.s32 @!p1 $0x200;
	s3 =	sadd.s32 @!p1 s1, s3  }
0x1ea: {  	[hbm4b:s3+s2] =	stream.linear.scatter @!p1 [tilespmem:s4], [sflag:$0x5], $0x80, $0x38;
	[tilespmem:$0x1F6F8] =	vst v63  }
.LBB2_36:
0x1eb: {  	v0 =	vld.msk [tilespmem:s6+$0x0], $0x1;
	s0 =	sadd.s32 $0xFFFFFFFF, s0;
	s5 =	sadd.s32 s5, s7  }
0x1ec: {  	p1 =	sne.s32 s0, $0x0;
	_ =	sdelay $0x3  }
0x1ed: {  	(v2sf) =	vpush v0, $0x0;
	_ =	sdelay $0xe  }
.Ltmp29:
0x1ee: {  	s2 =	spop (v2sf);
	(pc) =	sbr.rel @p1 .LBB2_36-.Ltmp29, $4  }
0x1ef: {  	s7 =	simm.s32 $0x0;
	p2 =	sgt.u32 s2, $0x270F0  }
0x1f0: {  	s4 =	sadd.s32 $0x80, s4;
	s7 =	simm.s32 @!p2 $0x200;
	s3 =	sand.u32 @!p2 $0x3FFF8, s2  }
0x1f1: {  	s6 =	sadd.s32 $0x1, s6;
	s2 =	sand.u32 @!p2 $0x7, s2;
	s3 =	sadd.s32 @!p2 s1, s3  }
0x1f2: {  	[hbm4b:s3+s2] =	stream.linear.scatter @!p2 [tilespmem:s4], [sflag:$0x5], $0x80, $0x38;
	[tilespmem:$0x1F6F8] =	vst v63  }
.LBB2_37:
0x1f3: {  	s0 =	sadd.s32 s5, s7  }
0x1f4: {  	s0 =	sshrl.u32 s0, $0x2  }
.LBB2_38:
0x1f5: {  	s2 =	simm.s32 $0x5  }
0x1f6: {  	_ =	swait.ge [sflag:s2], s0  }
0x1f7: {  	s31 =	ssub.s32 $0x0, s0;
	[sflag:s2] =	ssyncset.done $0x0  }
0x1f8: {  	[sflag:s2] =	ssyncadd.s32 s31  }
0x1f9: {  	[sflag:s2] =	ssyncpa.u1 $0x1  }
.LBB2_39:
0x1fa: {  	s0 =	sor.u32 s15, s16  }
0x1fb: {  	p1 =	sne.s32 s0, $0x0  }
.Ltmp30:
0x1fc: {  	_ = 	snop;
	(pc) =	sbr.rel @p1 .LBB2_54-.Ltmp30, $3  }
0x1fd: {  	_ =	sdelay $0x1  }
0x1fe: {  	[bflag:$0x0] =	sbarrier.arrive $0xFFFF  }
0x1ff: {  	_ =	sfence  }
0x200: {  	s0 =	simm.s32 $0x7  }
0x201: {  	s2 =	simm.s32 $0x1000;
	s3 =	simm.s32 $0xF218;
	[sflag:s0] =	ssyncpa.u1 $0x0  }
0x202: {  	[tilespmem:s3], [sflag:$0x7] =	stream.linear.gather [spmem:s2], $0x20, $0x38;
	[tilespmem:$0x1F6F8] =	vst v63  }
0x203: {  	s30 =	simm.s32 $0xF238;
	s2 =	simm.s32 $0x0  }
0x204: {  	[tilespmem:s30], [sflag:$0x7] =	stream.linear.gather [spmem:s2], $0x1000, $0x38;
	[tilespmem:$0x1F6F8] =	vst v63  }
.Ltmp31:
0x205: {  	_ = 	snop;
	(pc) =	sbr.rel .LBB2_41-.Ltmp31, $4  }
0x206: {  	_ =	swait.ge [sflag:s0], $0x1020  }
0x207: {  	[sflag:s0] =	ssyncset.done $0x0  }
0x208: {  	s31 =	simm.s32 $0x8;
	[sflag:s0] =	ssyncadd.s32 $0xFFFFEFE0  }
0x209: {  	s3 =	simm.s32 $0x0;
	[sflag:s31] =	ssyncpa.u1 $0x0  }
.LBB2_47:
0x20a: {  	p1 =	slt.u32 s4, $0x270F1  }
0x20b: {  	s0 =	sand.u32 @p1 $0x3FFF8, s4  }
0x20c: {  	s4 =	sand.u32 @p1 $0x7, s4;
	s5 =	simm.s32 @p1 $0xF188;
	s0 =	sadd.s32 @p1 s1, s0  }
0x20d: {  	[tilespmem:s5], [sflag:$0x8] =	stream.linear.gather @p1 [hbm4b:s0+s4], $0x80, $0x38;
	[tilespmem:$0x1F6F8] =	vst v63  }
0x20e: {  	s0 =	simm.s32 @p1 $0x8  }
0x20f: {  	_ =	swait.ge @p1 [sflag:s0], $0x80  }
0x210: {  	[sflag:s0] =	ssyncset.done @p1 $0x0  }
0x211: {  	[sflag:s0] =	ssyncadd.s32 @p1 $0xFFFFFF80  }
0x212: {  	v1 =	vld @p1 [tilespmem:$0xF188];
	_ =	sdelay $0x2  }
0x213: {  	s0 =	sshll.u32 @p1 s3, $0x9  }
0x214: {  	s4 =	sshrl.u32 @p1 s0, $0x2  }
0x215: {  	[tilespmem:s4+$0xF238] =	vst.add.f32.msk @p1 $0xffff, v1  }
0x216: {  	v1 =	vld @p1 [tilespmem:$0xF198];
	_ =	sdelay $0x4  }
0x217: {  	[tilespmem:s4+$0xF248] =	vst.add.f32.msk @p1 $0xffff, v1  }
0x218: {  	v1 =	vld @p1 [tilespmem:$0xF1A8];
	_ =	sdelay $0x4  }
0x219: {  	[tilespmem:s4+$0xF258] =	vst.add.f32.msk @p1 $0xffff, v1  }
0x21a: {  	v1 =	vld @p1 [tilespmem:$0xF1B8];
	_ =	sdelay $0x4  }
0x21b: {  	[tilespmem:s4+$0xF268] =	vst.add.f32.msk @p1 $0xffff, v1  }
0x21c: {  	v1 =	vld @p1 [tilespmem:$0xF1C8];
	_ =	sdelay $0x4  }
0x21d: {  	[tilespmem:s4+$0xF278] =	vst.add.f32.msk @p1 $0xffff, v1  }
0x21e: {  	v1 =	vld @p1 [tilespmem:$0xF1D8];
	_ =	sdelay $0x4  }
0x21f: {  	[tilespmem:s4+$0xF288] =	vst.add.f32.msk @p1 $0xffff, v1  }
0x220: {  	v1 =	vld @p1 [tilespmem:$0xF1E8];
	_ =	sdelay $0x4  }
0x221: {  	[tilespmem:s4+$0xF298] =	vst.add.f32.msk @p1 $0xffff, v1  }
0x222: {  	v1 =	vld @p1 [tilespmem:$0xF1F8];
	_ =	sdelay $0x3  }
0x223: {  	s5 =	sshll.u32 @!p1 s3, $0x9  }
0x224: {  	s5 =	smov.u32 @p1 s0;
	[tilespmem:s4+$0xF2A8] =	vst.add.f32.msk @p1 $0xffff, v1  }
0x225: {  	s0 =	sshrl.u32 s5, $0x2;
	[tilespmem:s2+$0xF218] =	vst.msk $0x1, v0  }
0x226: {  	v0 =	vld [tilespmem:s0+$0xF238];
	_ =	sdelay $0x2  }
0x227: {  	s31 =	sshll.u32 s2, $0x9  }
0x228: {  	s4 =	sshra.s32 s31, $0x2  }
0x229: {  	[tilespmem:s4+$0xF238] =	vst v0  }
0x22a: {  	v0 =	vld [tilespmem:s0+$0xF248];
	_ =	sdelay $0x4  }
0x22b: {  	[tilespmem:s4+$0xF248] =	vst v0  }
0x22c: {  	v0 =	vld [tilespmem:s0+$0xF258];
	_ =	sdelay $0x4  }
0x22d: {  	[tilespmem:s4+$0xF258] =	vst v0  }
0x22e: {  	v0 =	vld [tilespmem:s0+$0xF268];
	_ =	sdelay $0x4  }
0x22f: {  	[tilespmem:s4+$0xF268] =	vst v0  }
0x230: {  	v0 =	vld [tilespmem:s0+$0xF278];
	_ =	sdelay $0x4  }
0x231: {  	[tilespmem:s4+$0xF278] =	vst v0  }
0x232: {  	v0 =	vld [tilespmem:s0+$0xF288];
	_ =	sdelay $0x4  }
0x233: {  	[tilespmem:s4+$0xF288] =	vst v0  }
0x234: {  	v0 =	vld [tilespmem:s0+$0xF298];
	_ =	sdelay $0x4  }
0x235: {  	[tilespmem:s4+$0xF298] =	vst v0  }
0x236: {  	v0 =	vld [tilespmem:s0+$0xF2A8];
	_ =	sdelay $0x4  }
0x237: {  	s2 =	sadd.s32 $0x1, s2;
	[tilespmem:s4+$0xF2A8] =	vst v0  }
.LBB2_48:
0x238: {  	s3 =	sadd.s32 $0x1, s3  }
0x239: {  	p1 =	sne.s32 s3, $0x20  }
.Ltmp32:
0x23a: {  	_ = 	snop;
	(pc) =	sbr.rel @!p1 .LBB2_49-.Ltmp32, $1  }
0x23b: {  	_ =	sdelay $0x3  }
.LBB2_41:
0x23c: {  	v0 =	vld.msk [tilespmem:s3+$0xF218], $0x1;
	_ =	sdelay $0x4  }
0x23d: {  	(v2sf) =	vpush v0, $0x0;
	_ =	sdelay $0xe  }
0x23e: {  	s4 =	spop (v2sf)  }
0x23f: {  	p1 =	seq.s32 s4, $0xFFFFFFFF  }
.Ltmp33:
0x240: {  	_ = 	snop;
	(pc) =	sbr.rel @p1 .LBB2_48-.Ltmp33, $1  }
0x241: {  	_ =	sdelay $0x3  }
0x242: {  	p1 =	slt.s32 s2, $0x1  }
.Ltmp34:
0x243: {  	_ = 	snop;
	(pc) =	sbr.rel @p1 .LBB2_47-.Ltmp34, $1  }
0x244: {  	_ =	sdelay $0x3  }
0x245: {  	s5 =	simm.s32 $0xF218;
	p1 =	por $0x0, $0x0  }
0x246: {  	v1 =	vld.msk @!p1 [tilespmem:s5+$0x0], $0x1;
	_ =	sdelay $0x4  }
0x247: {  	(v2sf) =	vpush @!p1 v1, $0x0;
	_ =	sdelay $0xd  }
0x248: {  	p3 =	sne.s32 s2, $0x1  }
.Ltmp35:
0x249: {  	s0 =	spop @!p1 (v2sf);
	(pc) =	sbr.rel @!p3 .LBB2_45-.Ltmp35, $4  }
0x24a: {  	p2 =	seq.s32 @!p1 s4, s0  }
0x24b: {  	s6 =	simm.s32 $0x0;
	p2 =	por !p2, p1  }
0x24c: {  	s7 =	simm.s32 $0xFFFFFFFF;
	s6 =	simm.s32 @p2 $0xFFFFFFFF  }
0x24d: {  	s0 =	simm.s32 $0x1;
	s6 =	smov.u32 @p1 s7  }
.LBB2_44:
0x24e: {  	s7 =	smov.u32 s6;
	p1 =	sne.s32 s6, $0xFFFFFFFF  }
0x24f: {  	s5 =	sadd.s32 $0x1, s5;
	s6 =	smov.u32 s0;
	s0 =	sadd.s32 $0x1, s0  }
0x250: {  	p2 =	sne.s32 s2, s0;
	v1 =	vld.msk @!p1 [tilespmem:s5+$0x0], $0x1;
	_ =	sdelay $0x4  }
0x251: {  	(v2sf) =	vpush @!p1 v1, $0x0;
	_ =	sdelay $0xe  }
.Ltmp36:
0x252: {  	s8 =	spop @!p1 (v2sf);
	(pc) =	sbr.rel @p2 .LBB2_44-.Ltmp36, $4  }
0x253: {  	p3 =	seq.s32 @!p1 s4, s8  }
0x254: {  	p3 =	por !p3, p1  }
0x255: {  	s6 =	simm.s32 @p3 $0xFFFFFFFF  }
0x256: {  	s6 =	smov.u32 @p1 s7  }
.LBB2_45:
0x257: {  	p1 =	seq.s32 s6, $0xFFFFFFFF  }
.Ltmp37:
0x258: {  	_ = 	snop;
	(pc) =	sbr.rel @p1 .LBB2_47-.Ltmp37, $1  }
0x259: {  	_ =	sdelay $0x3  }
0x25a: {  	s0 =	sshll.u32 s3, $0x7  }
0x25b: {  	s0 =	sand.u32 $0x3FFFFF80, s0  }
0x25c: {  	v0 =	vld [tilespmem:s0+$0xF238];
	_ =	sdelay $0x2  }
0x25d: {  	s4 =	sshll.u32 s6, $0x9  }
0x25e: {  	s4 =	sshra.s32 s4, $0x2  }
0x25f: {  	[tilespmem:s4+$0xF238] =	vst.add.f32.msk $0xffff, v0  }
0x260: {  	v0 =	vld [tilespmem:s0+$0xF248];
	_ =	sdelay $0x4  }
0x261: {  	[tilespmem:s4+$0xF248] =	vst.add.f32.msk $0xffff, v0  }
0x262: {  	v0 =	vld [tilespmem:s0+$0xF258];
	_ =	sdelay $0x4  }
0x263: {  	[tilespmem:s4+$0xF258] =	vst.add.f32.msk $0xffff, v0  }
0x264: {  	v0 =	vld [tilespmem:s0+$0xF268];
	_ =	sdelay $0x4  }
0x265: {  	[tilespmem:s4+$0xF268] =	vst.add.f32.msk $0xffff, v0  }
0x266: {  	v0 =	vld [tilespmem:s0+$0xF278];
	_ =	sdelay $0x4  }
0x267: {  	[tilespmem:s4+$0xF278] =	vst.add.f32.msk $0xffff, v0  }
0x268: {  	v0 =	vld [tilespmem:s0+$0xF288];
	_ =	sdelay $0x4  }
0x269: {  	[tilespmem:s4+$0xF288] =	vst.add.f32.msk $0xffff, v0  }
0x26a: {  	v0 =	vld [tilespmem:s0+$0xF298];
	_ =	sdelay $0x4  }
0x26b: {  	[tilespmem:s4+$0xF298] =	vst.add.f32.msk $0xffff, v0  }
0x26c: {  	v0 =	vld [tilespmem:s0+$0xF2A8]  }
.Ltmp38:
0x26d: {  	_ = 	snop;
	(pc) =	sbr.rel .LBB2_48-.Ltmp38, $2  }
0x26e: {  	_ =	sdelay $0x2  }
0x26f: {  	[tilespmem:s4+$0xF2A8] =	vst.add.f32.msk $0xffff, v0  }
.LBB2_49:
0x270: {  	p1 =	slt.s32 s2, $0x1  }
.Ltmp39:
0x271: {  	_ = 	snop;
	(pc) =	sbr.rel @p1 .LBB2_53-.Ltmp39, $3  }
0x272: {  	_ =	sdelay $0x1  }
0x273: {  	s0 =	simm.s32 $0x8  }
0x274: {  	s3 =	simm.s32 $0x0;
	[sflag:s0] =	ssyncpa.u1 $0x1  }
0x275: {  	s0 =	simm.s32 $0xF218  }
0x276: {  	v0 =	vld.msk [tilespmem:s0+$0x0], $0x1;
	_ =	sdelay $0x4  }
0x277: {  	(v2sf) =	vpush v0, $0x0;
	_ =	sdelay $0xe  }
0x278: {  	s0 =	sadd.s32 $0xFFFFFFFF, s2;
	s5 =	spop (v2sf)  }
0x279: {  	p2 =	sne.s32 s0, $0x0;
	p1 =	sgt.u32 s5, $0x270F0  }
.Ltmp40:
0x27a: {  	s6 =	sand.u32 @!p1 $0x3FFF8, s5;
	(pc) =	sbr.rel @!p2 .LBB2_52-.Ltmp40, $4  }
0x27b: {  	s4 =	simm.s32 $0xF238;
	s5 =	sand.u32 @!p1 $0x7, s5;
	s2 =	sadd.s32 @!p1 s1, s6  }
0x27c: {  	[hbm4b:s2+s5] =	stream.linear.scatter @!p1 [tilespmem:s4], [sflag:$0x7], $0x80, $0x38;
	[tilespmem:$0x1F6F8] =	vst v63  }
0x27d: {  	s5 =	simm.s32 $0x0  }
0x27e: {  	s2 =	simm.s32 $0xF219;
	s5 =	simm.s32 @!p1 $0x200  }
.LBB2_51:
0x27f: {  	v0 =	vld.msk [tilespmem:s2+$0x0], $0x1;
	s0 =	sadd.s32 $0xFFFFFFFF, s0;
	s3 =	sadd.s32 s3, s5  }
0x280: {  	p1 =	sne.s32 s0, $0x0;
	_ =	sdelay $0x3  }
0x281: {  	(v2sf) =	vpush v0, $0x0;
	_ =	sdelay $0xe  }
.Ltmp41:
0x282: {  	s6 =	spop (v2sf);
	(pc) =	sbr.rel @p1 .LBB2_51-.Ltmp41, $4  }
0x283: {  	s5 =	simm.s32 $0x0;
	p2 =	sgt.u32 s6, $0x270F0  }
0x284: {  	s4 =	sadd.s32 $0x80, s4;
	s5 =	simm.s32 @!p2 $0x200;
	s7 =	sand.u32 @!p2 $0x3FFF8, s6  }
0x285: {  	s2 =	sadd.s32 $0x1, s2;
	s6 =	sand.u32 @!p2 $0x7, s6;
	s7 =	sadd.s32 @!p2 s1, s7  }
0x286: {  	[hbm4b:s7+s6] =	stream.linear.scatter @!p2 [tilespmem:s4], [sflag:$0x7], $0x80, $0x38;
	[tilespmem:$0x1F6F8] =	vst v63  }
.LBB2_52:
0x287: {  	s0 =	sadd.s32 s3, s5  }
0x288: {  	s3 =	sshrl.u32 s0, $0x2  }
.LBB2_53:
0x289: {  	s0 =	simm.s32 $0x7  }
0x28a: {  	_ =	swait.ge [sflag:s0], s3  }
0x28b: {  	s1 =	ssub.s32 $0x0, s3;
	[sflag:s0] =	ssyncset.done $0x0  }
0x28c: {  	[sflag:s0] =	ssyncadd.s32 s1  }
0x28d: {  	[sflag:s0] =	ssyncpa.u1 $0x1  }
.LBB2_54:
0x28e: {  	_ =	sfence;
	s0 =	simm.s32 $0x1  }
0x28f: {  	[sflag:s0] =	ssyncpa.u1 $0x1  }
0x290: {  	_ =	strace $0x9000005C  }
0x291: {  	[bflag:$0x2] =	sbarrier.arrive $0xFFFF  }
0x292: {  	s0 =	rddreg [dreg:$0x3]  }
0x293: {  	s0 =	sadd.s32 @!p0 $0x100000, s0  }
0x294: {  	[sflag:s0] =	ssyncadd.tile.s32 @!p0 $0x1;
	_ =	shalt  }
.Lfunc_end2:
_tile_overlayer_lowered:
.L_overlay_start_2:
0x295: {  	(tag) =	ssettag $0x2  }
0x296: {  	s0 =	rddreg [dreg:$0x0];
	s2 =	stileid.u32  }
0x297: {  	s1 =	rddreg [dreg:$0x1];
	p0 =	sne.s32 s2, $0x0  }
0x298: {  	s3 =	rddreg [dreg:$0x2];
	[bflag:$0x3] =	sbarrier.arrive $0xFFFF;
	s2 =	simm.s32 @!p0 $0x1C01  }
0x299: {  	[timem:s3], [sflag:s2] =	dma.local @!p0 [hbm:s0], s1  }
0x29a: {  	s0 =	simm.s32 @!p0 $0x1  }
0x29b: {  	_ =	swait.ge @!p0 [sflag:s0], s1  }
0x29c: {  	s1 =	ssub.s32 @!p0 $0x0, s1;
	[sflag:s0] =	ssyncset.done @!p0 $0x0  }
0x29d: {  	[sflag:s0] =	ssyncadd.s32 @!p0 s1  }
0x29e: {  	[bflag:$0x3] =	sbarrier.arrive $0xFFFF  }
0x29f: {  	_ =	shalt  }

// kernel: scatter_offload_async_start
scs
__scs_entry_jumppad:
0x0: {  	(pc) =	sbr.rel $0x88, $3  }
0x1: {  	(tag) =	ssettag $0x0;
	lr =	simm.s32 $0x1  }
0x2: {  	[smem:$0x3F99] =	sst lr;
	_ =	strace $0xD0000000  }
0x3: {  	_ = 	snop  }
0x4: {  	_ = 	snop  }
0x5: {  	_ = 	snop  }
0x6: {  	_ = 	snop  }
0x7: {  	_ = 	snop  }
__scs_overlays_trampoline_lowered:
0x8: {  	[smem:$0x3FA8] =	sst s0  }
0x9: {  	[smem:$0x3FA9] =	sst s1  }
0xa: {  	[smem:$0x3FAA] =	sst s2  }
0xb: {  	[smem:$0x3FAB] =	sst s3  }
0xc: {  	[smem:$0x3FAC] =	sst s4  }
0xd: {  	[smem:$0x3FAD] =	sst s5  }
0xe: {  	[smem:$0x3FAE] =	sst s6  }
0xf: {  	[smem:$0x3FAF] =	sst s7  }
0x10: {  	[smem:$0x3FB0] =	sst s8  }
0x11: {  	[smem:$0x3FB1] =	sst s9;
	s0 =	simm.s32 @!p0 $0x0  }
0x12: {  	s1 =	sld [smem:$0x3F97];
	s0 =	simm.s32 @p0 $0x1  }
0x13: {  	[smem:$0x3FB2] =	sst s0;
	s0 =	simm.s32 @!p1 $0x0  }
0x14: {  	s2 =	sld [smem:$0x3F96];
	s0 =	simm.s32 @p1 $0x1  }
0x15: {  	[smem:$0x3FB3] =	sst s0;
	s0 =	simm.s32 @!p2 $0x0  }
0x16: {  	s3 =	sld [smem:$0x3FDB];
	s0 =	simm.s32 @p2 $0x1  }
0x17: {  	s4 =	simm.s32 $0x1BF5;
	[smem:$0x3FB5] =	sst s0  }
0x18: {  	s0 =	sld [smem:$0x3F98];
	_ =	swait.ge [sflag:s4], $0x0  }
0x19: {  	s7 =	sld [smem:$0x3F99]  }
0x1a: {  	s8 =	sadd.s32 $0xFFFFE003, lr  }
0x1b: {  	s9 =	sadd.s32 $0xFFFFFEF7, lr;
	s5 =	simm.s32 $0xFFFFFFFF;
	p2 =	slt.u32 s8, $0xFFFFF086  }
0x1c: {  	p1 =	slt.u32 s9, $0xF7A;
	s5 =	simm.s32 @!p2 $0x0  }
0x1d: {  	s5 =	simm.s32 @p1 $0x1;
	p0 =	seq.s32 s7, s2  }
0x1e: {  	s7 =	smul.u32 @!p0 $0xF7A, s2;
	p2 =	seq.s32 @!p0 s5, $0x0  }
0x1f: {  	s9 =	smul.u32 $0xF7A, s1;
	s8 =	simm.s32 @!p0 $0x1BF5;
	p2 =	por !p2, p0  }
0x20: {  	[sflag:s8] =	ssyncset.s32 @!p0 $0xFFFFF086;
	s6 =	sadd.s32 @!p0 s3, s7;
	s7 =	simm.s32 @!p0 $0x108  }
0x21: {  	s3 =	sadd.s32 s3, s9;
	s6 =	sadd.s32 @!p0 $0x88, s6;
	s7 =	simm.s32 @p2 $0x1082  }
0x22: {  	[simem:s7], [sflag:s8] =	dma.local @!p0 [hbm:s6], $0xF7A  }
0x23: {  	s9 =	sor.u32 $0xD0000000, s2;
	s6 =	simm.s32 $0x108;
	_ =	swait.ge @!p0 [sflag:s8], $0x0  }
0x24: {  	s3 =	sadd.s32 $0x88, s3;
	s6 =	simm.s32 @!p1 $0x1082;
	[sflag:s4] =	ssyncset.s32 $0xFFFFF086  }
0x25: {  	[simem:s6], [sflag:s4] =	dma.local [hbm:s3], $0xF7A  }
0x26: {  	[smem:$0x3F99] =	sst s1;
	(tag) =	ssettag s2;
	_ =	strace s9  }
0x27: {  	s1 =	sld [smem:$0x3FA9]  }
0x28: {  	s2 =	sld [smem:$0x3FAA]  }
0x29: {  	s4 =	sld [smem:$0x3FAC]  }
0x2a: {  	p0 =	seq.s32 s5, $0x0;
	s5 =	sld [smem:$0x3FAD]  }
0x2b: {  	s6 =	sld [smem:$0x3FAE]  }
0x2c: {  	s7 =	sld [smem:$0x3FAF]  }
0x2d: {  	s3 =	simm.s32 $0x108;
	s8 =	sld [smem:$0x3FB0]  }
0x2e: {  	s3 =	simm.s32 @!p0 $0x1082;
	s9 =	sld [smem:$0x3FB1]  }
0x2f: {  	lr =	sadd.s32 s0, s3;
	s0 =	sld [smem:$0x3FA8]  }
0x30: {  	s3 =	sld [smem:$0x3FAB]  }
0x31: {  	[smem:$0x3FB4] =	sst s10  }
0x32: {  	s10 =	sld [smem:$0x3FB2];
	_ =	sdelay $0x3  }
0x33: {  	p0 =	seq.s32 s10, $0x1;
	s10 =	sld [smem:$0x3FB4];
	_ =	sdelay $0x3  }
0x34: {  	[smem:$0x3FB4] =	sst s10  }
0x35: {  	s10 =	sld [smem:$0x3FB3];
	_ =	sdelay $0x3  }
0x36: {  	p1 =	seq.s32 s10, $0x1;
	s10 =	sld [smem:$0x3FB4];
	_ =	sdelay $0x3  }
0x37: {  	[smem:$0x3FB4] =	sst s10  }
0x38: {  	s10 =	sld [smem:$0x3FB5]  }
0x39: {  	_ = 	snop;
	(pc) =	sbr.ind lr, $3  }
0x3a: {  	_ = 	snop  }
0x3b: {  	_ = 	snop  }
0x3c: {  	p2 =	seq.s32 s10, $0x1;
	s10 =	sld [smem:$0x3FB4]  }
0x3d: {  	_ =	shalt  }
0x3e: {  	_ =	shalt  }
0x3f: {  	_ =	shalt  }
0x40: {  	_ =	shalt  }
0x41: {  	_ =	shalt  }
0x42: {  	_ =	shalt  }
0x43: {  	_ =	shalt  }
0x44: {  	_ =	shalt  }
0x45: {  	_ =	shalt  }
0x46: {  	_ =	shalt  }
0x47: {  	_ =	shalt  }
0x48: {  	_ =	shalt  }
0x49: {  	_ =	shalt  }
0x4a: {  	_ =	shalt  }
0x4b: {  	_ =	shalt  }
0x4c: {  	_ =	shalt  }
0x4d: {  	_ =	shalt  }
0x4e: {  	_ =	shalt  }
0x4f: {  	_ =	shalt  }
0x50: {  	_ =	shalt  }
0x51: {  	_ =	shalt  }
0x52: {  	_ =	shalt  }
0x53: {  	_ =	shalt  }
0x54: {  	_ =	shalt  }
0x55: {  	_ =	shalt  }
0x56: {  	_ =	shalt  }
0x57: {  	_ =	shalt  }
0x58: {  	_ =	shalt  }
0x59: {  	_ =	shalt  }
0x5a: {  	_ =	shalt  }
0x5b: {  	_ =	shalt  }
0x5c: {  	_ =	shalt  }
0x5d: {  	_ =	shalt  }
0x5e: {  	_ =	shalt  }
0x5f: {  	_ =	shalt  }
0x60: {  	_ =	shalt  }
0x61: {  	_ =	shalt  }
0x62: {  	_ =	shalt  }
0x63: {  	_ =	shalt  }
0x64: {  	_ =	shalt  }
0x65: {  	_ =	shalt  }
0x66: {  	_ =	shalt  }
0x67: {  	_ =	shalt  }
0x68: {  	_ =	shalt  }
0x69: {  	_ =	shalt  }
0x6a: {  	_ =	shalt  }
0x6b: {  	_ =	shalt  }
0x6c: {  	_ =	shalt  }
0x6d: {  	_ =	shalt  }
0x6e: {  	_ =	shalt  }
0x6f: {  	_ =	shalt  }
0x70: {  	_ =	shalt  }
0x71: {  	_ =	shalt  }
0x72: {  	_ =	shalt  }
0x73: {  	_ =	shalt  }
0x74: {  	_ =	shalt  }
0x75: {  	_ =	shalt  }
0x76: {  	_ =	shalt  }
0x77: {  	_ =	shalt  }
0x78: {  	_ =	shalt  }
0x79: {  	_ =	shalt  }
0x7a: {  	_ =	shalt  }
0x7b: {  	_ =	shalt  }
0x7c: {  	_ =	shalt  }
0x7d: {  	_ =	shalt  }
0x7e: {  	_ =	shalt  }
0x7f: {  	_ =	shalt  }
0x80: {  	_ =	shalt  }
0x81: {  	_ =	shalt  }
0x82: {  	_ =	shalt  }
0x83: {  	_ =	shalt  }
0x84: {  	_ =	shalt  }
0x85: {  	_ =	shalt  }
0x86: {  	_ =	shalt  }
0x87: {  	_ =	shalt  }
.Lfunc_end0:
.L_simem_size_0:
called_computation_lowered:
.L_overlay_start_0:
0x88: {  	s2 =	sld [smem:$0x3FD9]  }
0x89: {  	s3 =	sld [smem:$0x3FFE];
	_ =	sdelay $0x1  }
0x8a: {  	s1 =	srdreg.scid  }
0x8b: {  	s0 =	sand.u32 $0x1, s1  }
0x8c: {  	s12 =	sshll.u32 s0, $0xA;
	s2 =	sadd.s32 s3, s2  }
0x8d: {  	s2 =	sadd.s32 s2, s12  }
0x8e: {  	[smem:$0x3FC0] =	sst s2  }
0x8f: {  	_ = 	snop  }
0x90: {  	(tm) =	ssettm $0x1  }
0x91: {  	s13 =	sld [smem:$0x3FFB];
	_ =	sdelay $0x3  }
0x92: {  	_ =	strace s13  }
0x93: {  	s2 =	sld [smem:$0x3FFC];
	_ =	sdelay $0x3  }
0x94: {  	_ =	strace s2  }
0x95: {  	s2 =	sld [smem:$0x3FFD];
	_ =	sdelay $0x3  }
0x96: {  	_ =	strace s2  }
0x97: {  	_ =	strace $0x8FFFFFFF  }
0x98: {  	s14 =	sld [smem:$0x3FDB];
	_ =	sdelay $0x1  }
0x99: {  	s15 =	simm.s32 $_scs_section_size  }
0x9a: {  	s4 =	simm.s32 $_size__tile_overlayer_lowered;
	s5 =	simm.s32 $_tile_overlayer_lowered  }
0x9b: {  	s19 =	simm.s32 $0x1BFF;
	s17 =	sshll.u32 s5, $0x1;
	s6 =	sadd.s32 s15, s14  }
0x9c: {  	s20 =	simm.s32 $0x0;
	s16 =	sshll.u32 s4, $0x1;
	s18 =	sadd.s32 s17, s6  }
0x9d: {  	[timem:s20], [sflag:s19] =	dma.local [hbm:s18], s16  }
0x9e: {  	_ =	swait.ge [sflag:s19], s16  }
0x9f: {  	s3 =	ssub.s32 $0x0, s16;
	[sflag:s19] =	ssyncset.done $0x0  }
0xa0: {  	[sflag:s19] =	ssyncadd.s32 s3;
	_ =	sdelay $0x1  }
0xa1: {  	s21 =	simm.s32 $0x1B8B  }
0xa2: {  	_ =	swait.ge [sflag:s21], $0x1  }
0xa3: {  	[sflag:s21] =	ssyncset.done $0x0  }
0xa4: {  	[sflag:s21] =	ssyncadd.s32 $0xFFFFFFFF  }
0xa5: {  	s3 =	sld [smem:$0x0]  }
0xa6: {  	s4 =	sand.u32 $0xFFFFFFFE, s1  }
0xa7: {  	p0 =	sne.s32 s1, s4  }
0xa8: {  	s4 =	sshll.u32 @p0 s4, $0xE  }
0xa9: {  	s5 =	sadd.s32 @p0 $0x11B8D, s4;
	s7 =	sshll.u32 @p0 s3, $0x11  }
0xaa: {  	s5 =	sor.u32 @p0 s7, s5  }
0xab: {  	[sflag:s5] =	ssyncadd.remote.s32 @p0 $0x1;
	_ =	sdelay $0x1  }
0xac: {  	s5 =	simm.s32 @p0 $0x1B8D  }
0xad: {  	_ =	swait.eq @p0 [sflag:s5], $0x1  }
0xae: {  	[sflag:s5] =	ssyncadd.s32 @p0 $0xFFFFFFFF  }
0xaf: {  	s7 =	sshll.u32 @!p0 s1, $0xE  }
0xb0: {  	s7 =	sor.u32 @!p0 $0x4000, s7;
	s5 =	simm.s32 @!p0 $0x1B8D  }
0xb1: {  	s9 =	sshll.u32 @!p0 s3, $0x11;
	s8 =	sadd.s32 @!p0 $0x11B8D, s7;
	_ =	swait.eq @!p0 [sflag:s5], $0x1  }
0xb2: {  	[sflag:s5] =	ssyncadd.s32 @!p0 $0xFFFFFFFF;
	s5 =	sor.u32 @!p0 s9, s8  }
0xb3: {  	s23 =	simm.s32 $0x1B8E;
	s22 =	sld [smem:$0x3FFE];
	[sflag:s5] =	ssyncadd.remote.s32 @!p0 $0x1  }
0xb4: {  	s24 =	simm.s32 $execute0_lowered;
	[smem:$0x3FD2] =	sst s23  }
0xb5: {  	s8 =	sshll.u32 s24, $0x1;
	_ =	strace $0x80000049;
	[dreg:$0x1] =	wrdreg $0xFFFFFFFF  }
0xb6: {  	s25 =	simm.s32 $_size_execute0_lowered;
	s8 =	sadd.s32 s6, s8;
	[dreg:$0x0] =	wrdreg $0x0  }
0xb7: {  	s9 =	sshll.u32 s25, $0x1;
	[dreg:$0x2] =	wrdreg s8  }
0xb8: {  	[dreg:$0x3] =	wrdreg s9  }
0xb9: {  	[dreg:$0x4] =	wrdreg $0xC0  }
0xba: {  	s26 =	simm.s32 $execute1_lowered;
	_ =	task [dreg:s20], $0x5FFFF  }
0xbb: {  	s8 =	sshll.u32 s26, $0x1;
	[dreg:$0x1] =	wrdreg $0xFFFFFFFF  }
0xbc: {  	s6 =	sadd.s32 s6, s8;
	[dreg:$0x0] =	wrdreg $0x60  }
0xbd: {  	[dreg:$0x2] =	wrdreg s6  }
0xbe: {  	[dreg:$0x3] =	wrdreg s22  }
0xbf: {  	[dreg:$0x4] =	wrdreg $0x9  }
0xc0: {  	_ =	task.clear_ibuf [dreg:s20], $0x5FFFF;
	_ =	strace $0x90000049  }
0xc1: {  	s28 =	simm.s32 $0x9;
	_ =	strace $0x8000004B  }
0xc2: {  	_ =	swait.ge [sflag:s28], $0x1  }
0xc3: {  	[sflag:s28] =	ssyncadd.s32 $0xFFFFFFFF  }
0xc4: {  	_ =	strace $0x9000004B  }
0xc5: {  	s6 =	sld [smem:$0x0];
	_ =	sdelay $0x3  }
0xc6: {  	s4 =	sadd.s32 @p0 $0x11BF3, s4;
	s8 =	sshll.u32 @p0 s6, $0x11  }
0xc7: {  	s4 =	sor.u32 @p0 s8, s4  }
0xc8: {  	[sflag:s4] =	ssyncadd.remote.s32 @p0 $0x1;
	_ =	sdelay $0x1  }
0xc9: {  	s4 =	simm.s32 @p0 $0x1BF3  }
0xca: {  	_ =	swait.eq @p0 [sflag:s4], $0x1  }
0xcb: {  	[sflag:s4] =	ssyncadd.s32 @p0 $0xFFFFFFFF;
	_ =	sdelay $0x1  }
0xcc: {  	s4 =	simm.s32 @!p0 $0x1BF3  }
0xcd: {  	s7 =	sadd.s32 @!p0 $0x11BF3, s7;
	s6 =	sshll.u32 @!p0 s6, $0x11;
	_ =	swait.eq @!p0 [sflag:s4], $0x1  }
0xce: {  	[sflag:s4] =	ssyncadd.s32 @!p0 $0xFFFFFFFF;
	s4 =	sor.u32 @!p0 s6, s7  }
0xcf: {  	[sflag:s4] =	ssyncadd.remote.s32 @!p0 $0x1  }
0xd0: {  	_ =	strace $0x8000004C;
	[dreg:$0x1] =	wrdreg $0xFFFFFFFF  }
0xd1: {  	[dreg:$0x0] =	wrdreg $0x2030  }
0xd2: {  	[dreg:$0x2] =	wrdreg s22  }
0xd3: {  	[dreg:$0x3] =	wrdreg s1  }
0xd4: {  	[dreg:$0x4] =	wrdreg s3  }
0xd5: {  	[dreg:$0x5] =	wrdreg $0xA  }
0xd6: {  	_ =	task.clear_ibuf [dreg:s20], $0x6FFFF;
	_ =	strace $0x9000004C  }
0xd7: {  	s29 =	simm.s32 $0xA;
	_ =	strace $0x8000004E  }
0xd8: {  	_ =	swait.ge [sflag:s29], $0x1  }
0xd9: {  	[sflag:s29] =	ssyncadd.s32 $0xFFFFFFFF  }
0xda: {  	_ =	strace $0x9000004E  }
0xdb: {  	_ =	sfence  }
0xdc: {  	s30 =	sld [smem:$0x0];
	_ =	sdelay $0x2  }
0xdd: {  	s31 =	sshll.u32 s1, $0xD;
	s1 =	sshrl.u32 s1, $0x2  }
0xde: {  	s4 =	sand.u32 $0x4000, s31;
	s1 =	sadd.s32 s1, s30  }
0xdf: {  	s0 =	sor.u32 s4, s0;
	s1 =	sshll.u32 s1, $0x11  }
0xe0: {  	s0 =	sor.u32 s1, s0  }
0xe1: {  	s0 =	sadd.s32 $0x8F2B, s0  }
0xe2: {  	[sflag:s0] =	ssyncadd.remote.s32 $0x1  }
0xe3: {  	_ =	sfence.sel $0xFFFF  }
0xe4: {  	[dreg:$0x0] =	wrdreg $0xFFFFFFFF;
	(pc) =	sbr.abs _section_cstart, $3  }
0xe5: {  	[dreg:$0x1] =	wrdreg $0xFFFFFFFF  }
0xe6: {  	_ =	task.clear_ibuf [dreg:s20], $0x2FFFF;
	_ =	strace $0x9FFFFFFF  }
0xe7: {  	(tm) =	ssettm $0x7FFFFFFF  }
tec
execute0_lowered:
.L_overlay_start_1:
0x0: {  	(tag) =	ssettag $0x1  }
0x1: {  	s2 =	rddreg [dreg:$0x0]  }
0x2: {  	s4 =	rddreg [dreg:$0x1]  }
0x3: {  	s0 =	rddreg [dreg:$0x2];
	s3 =	stileid.u32  }
0x4: {  	[bflag:$0x3] =	sbarrier.arrive $0xFFFF;
	s1 =	simm.s32 $_size_execute1_lowered;
	s29 =	srdreg.scid  }
0x5: {  	s7 =	simm.s32 $0x2;
	s8 =	simm.s32 $0x0;
	p0 =	sne.s32 s3, $0x0  }
0x6: {  	s1 =	sshll.u32 s1, $0x1;
	s5 =	simm.s32 @!p0 $0x1C3F;
	s6 =	simm.s32 @!p0 $0x4060  }
0x7: {  	[timem:s6], [sflag:s5] =	dma.local @!p0 [hbm:s2], s1  }
0x8: {  	s12 =	simm.s32 $0x0;
	s10 =	simm.s32 $0x0;
	s2 =	sshll.u32 s29, $0x7  }
.Ltmp0:
0x9: {  	s3 =	sshll.u32 s3, $0x8;
	s30 =	sand.u32 $0x80, s2;
	(pc) =	sbr.rel .LBB2_1-.Ltmp0, $4  }
0xa: {  	s11 =	simm.s32 $0x0;
	_ =	strace $0x8000004A;
	s3 =	sor.u32 s3, s30  }
0xb: {  	s5 =	simm.s32 $0x1;
	s2 =	sadd.s32 $0x513E00, s4;
	s31 =	ssub.s32 $0x2700, s3  }
0xc: {  	s4 =	sadd.s32 $0x53B000, s4;
	[sflag:s5] =	ssyncpa.u1 $0x0;
	s6 =	sshrl.u32 s31, $0xC  }
0xd: {  	[sflag:s7] =	ssyncpa.u1 $0x0;
	s9 =	smov.u32 s3;
	s7 =	sadd.s32 $0x2, s6  }
.LBB2_4:
0xe: {  	_ = 	snop  }
.LBB2_7:
0xf: {  	_ =	sdelay $0x3  }
0x10: {  	[tilespmem:v0+s16+$0x0 ss:$0x1] =	vst.idx.msk @p1 $0xffff, v2  }
0x11: {  	v56 =	vld.idx.msk [tilespmem:v1+s15+$0x0 ss:$0x1], $0xffff;
	s24 =	sor.u32 $0x70, s15;
	[tilespmem:v0+s17+$0x0 ss:$0x1] =	vst.idx.msk @p1 $0xffff, v4  }
0x12: {  	s25 =	sor.u32 $0x10, s15;
	[tilespmem:v0+s18+$0x0 ss:$0x1] =	vst.idx.msk @p1 $0xffff, v3;
	v57 =	vld.idx.msk [tilespmem:v1+s24+$0x0 ss:$0x1], $0xffff  }
0x13: {  	s26 =	sor.u32 $0x20, s15;
	[tilespmem:v0+s19+$0x0 ss:$0x1] =	vst.idx.msk @p1 $0xffff, v5;
	v58 =	vld.idx.msk [tilespmem:v1+s25+$0x0 ss:$0x1], $0xffff  }
0x14: {  	s28 =	sor.u32 $0x30, s15;
	[tilespmem:v0+s20+$0x0 ss:$0x1] =	vst.idx.msk @p1 $0xffff, v6;
	v59 =	vld.idx.msk [tilespmem:v1+s26+$0x0 ss:$0x1], $0xffff  }
0x15: {  	s29 =	sor.u32 $0x40, s15;
	[tilespmem:v0+s21+$0x0 ss:$0x1] =	vst.idx.msk @p1 $0xffff, v7;
	v60 =	vld.idx.msk [tilespmem:v1+s28+$0x0 ss:$0x1], $0xffff  }
0x16: {  	s30 =	sor.u32 $0x50, s15;
	v61 =	vld.idx.msk [tilespmem:v1+s29+$0x0 ss:$0x1], $0xffff;
	[tilespmem:v0+s15+$0x0 ss:$0x1] =	vst.idx.msk $0xffff, v56  }
0x17: {  	s31 =	sor.u32 $0x60, s15;
	v62 =	vld.idx.msk [tilespmem:v1+s30+$0x0 ss:$0x1], $0xffff;
	[tilespmem:v0+s24+$0x0 ss:$0x1] =	vst.idx.msk $0xffff, v57  }
0x18: {  	v63 =	vld.idx.msk [tilespmem:v1+s31+$0x0 ss:$0x1], $0xffff;
	[tilespmem:v0+s25+$0x0 ss:$0x1] =	vst.idx.msk $0xffff, v58  }
0x19: {  	[tilespmem:v0+s26+$0x0 ss:$0x1] =	vst.idx.msk $0xffff, v59  }
0x1a: {  	[tilespmem:v0+s28+$0x0 ss:$0x1] =	vst.idx.msk $0xffff, v60  }
0x1b: {  	[tilespmem:v0+s29+$0x0 ss:$0x1] =	vst.idx.msk $0xffff, v61  }
0x1c: {  	[tilespmem:v0+s30+$0x0 ss:$0x1] =	vst.idx.msk $0xffff, v62  }
0x1d: {  	[tilespmem:v0+s31+$0x0 ss:$0x1] =	vst.idx.msk $0xffff, v63  }
.LBB2_8:
0x1e: {  	s15 =	sand.u32 $0x1FFFFFF, s10  }
0x1f: {  	s16 =	smulhi.u32 $0x1A36E2F, s15;
	_ =	sdelay $0x1  }
0x20: {  	s16 =	sshrl.u32 s16, $0x6  }
0x21: {  	s16 =	smul.u32 $0x2710, s16;
	_ =	sdelay $0x1  }
0x22: {  	s15 =	ssub.s32 s15, s16  }
0x23: {  	s15 =	sshll.u32 s15, $0x4  }
0x24: {  	s15 =	sadd.s32 s4, s15  }
0x25: {  	[hbm4b:s15+s8] =	stream.linear.scatter [tilespmem:s14], [sflag:$0x2], s13, $0x38;
	[tilespmem:$0x10000] =	vst v63  }
.LBB2_9:
0x26: {  	p1 =	slt.u32 s11, $0x2  }
0x27: {  	p2 =	sgt.s32 @!p1 s12, $0x2690  }
0x28: {  	s13 =	smov.u32 s12;
	s14 =	sshra.s32 @!p1 s12, $0x1F;
	p2 =	por !p2, p1  }
0x29: {  	s12 =	sand.u32 @!p1 s14, s12;
	s13 =	simm.s32 @p2 $0x2690  }
0x2a: {  	s12 =	ssub.s32 @!p1 s13, s12  }
0x2b: {  	s12 =	sadd.s32 @!p1 $0xFFFFD970, s12  }
0x2c: {  	s13 =	sshll.u32 @!p1 s12, $0x9  }
0x2d: {  	p2 =	sgt.s32 @!p1 s12, $0x7F;
	s12 =	ssub.s32 @!p1 $0x10000, s13  }
0x2e: {  	s14 =	sadd.s32 $0x1000, s9;
	p2 =	por !p2, p1;
	s12 =	sshrl.u32 @!p1 s12, $0x2  }
0x2f: {  	s12 =	simm.s32 @!p2 $0x0;
	p2 =	sgt.s32 s14, $0x270F  }
0x30: {  	s14 =	smov.u32 @p2 s3;
	p2 =	sne.s32 s11, s7  }
.Ltmp1:
0x31: {  	_ = 	snop;
	(pc) =	sbr.rel @!p2 .LBB2_10-.Ltmp1, $4  }
0x32: {  	s13 =	simm.s32 @!p1 $0x2  }
0x33: {  	_ =	swait.ge @!p1 [sflag:s13], s12;
	s15 =	ssub.s32 @!p1 $0x0, s12  }
0x34: {  	s12 =	smov.u32 s10;
	s11 =	sadd.s32 $0x1, s11;
	[sflag:s13] =	ssyncset.done @!p1 $0x0  }
0x35: {  	s10 =	smov.u32 s9;
	s9 =	smov.u32 s14;
	[sflag:s13] =	ssyncadd.s32 @!p1 s15  }
.LBB2_1:
0x36: {  	p1 =	sgt.u32 s11, s6  }
0x37: {  	s13 =	sand.u32 @!p1 $0x1FFFFFF, s9  }
0x38: {  	p2 =	sgt.s32 @!p1 s9, $0x2690;
	s14 =	smulhi.u32 @!p1 $0x1A36E2F, s13  }
0x39: {  	s15 =	smov.u32 s9;
	s16 =	sshra.s32 @!p1 s9, $0x1F;
	p2 =	por !p2, p1  }
0x3a: {  	s16 =	sand.u32 @!p1 s16, s9;
	s15 =	simm.s32 @p2 $0x2690;
	s14 =	sshrl.u32 @!p1 s14, $0x6  }
0x3b: {  	s15 =	ssub.s32 @!p1 s15, s16;
	s14 =	smul.u32 @!p1 $0x2710, s14  }
0x3c: {  	s16 =	sxor.u32 @!p1 $0xFFFFFFFF, s11;
	s15 =	sadd.s32 @!p1 $0xFFFFD970, s15  }
0x3d: {  	s16 =	sshll.u32 @!p1 s16, $0xE;
	s13 =	ssub.s32 @!p1 s13, s14;
	s14 =	sshll.u32 @!p1 s15, $0x9  }
0x3e: {  	s16 =	sand.u32 @!p1 $0x4000, s16;
	p2 =	sgt.s32 @!p1 s15, $0x7F;
	s14 =	ssub.s32 @!p1 $0x10000, s14  }
0x3f: {  	p2 =	por !p2, p1;
	s13 =	sshll.u32 @!p1 s13, $0x4;
	s14 =	sshrl.u32 @!p1 s14, $0x2  }
0x40: {  	s15 =	simm.s32 @!p1 $0x0;
	s13 =	sadd.s32 @!p1 s2, s13;
	s14 =	simm.s32 @!p2 $0x0  }
0x41: {  	[tilespmem:s16], [sflag:$0x1] =	stream.linear.gather @!p1 [hbm4b:s13+s15], s14, $0x38;
	[tilespmem:$0x10000] =	vst v63  }
0x42: {  	p1 =	seq.s32 s11, $0x0  }
0x43: {  	p2 =	sge.u32 @!p1 s11, s7  }
0x44: {  	p1 =	por p1, p2  }
.Ltmp2:
0x45: {  	_ = 	snop;
	(pc) =	sbr.rel @p1 .LBB2_9-.Ltmp2, $1  }
0x46: {  	_ =	sdelay $0x3  }
0x47: {  	p1 =	sgt.s32 s10, $0x2690;
	s13 =	smov.u32 s10;
	s14 =	sshra.s32 s10, $0x1F  }
0x48: {  	s13 =	simm.s32 @!p1 $0x2690;
	s14 =	sand.u32 s14, s10  }
0x49: {  	s13 =	ssub.s32 s13, s14  }
0x4a: {  	s13 =	sadd.s32 $0xFFFFD970, s13  }
0x4b: {  	s31 =	sshll.u32 s13, $0x9  }
0x4c: {  	s14 =	ssub.s32 $0x10000, s31  }
0x4d: {  	p1 =	sgt.s32 s13, $0x7F;
	s13 =	sshrl.u32 s14, $0x2;
	s14 =	sadd.s32 $0x80, s10  }
0x4e: {  	s13 =	simm.s32 @p1 $0x0;
	p1 =	slt.s32 s14, $0x2710  }
0x4f: {  	s14 =	simm.s32 @!p1 $0x2710  }
0x50: {  	s16 =	ssub.s32 s14, s10  }
0x51: {  	p1 =	slt.s32 s16, $0x1  }
.Ltmp3:
0x52: {  	_ = 	snop;
	(pc) =	sbr.rel @p1 .LBB2_8-.Ltmp3, $4  }
0x53: {  	_ = 	snop  }
0x54: {  	s15 =	sshll.u32 s11, $0xE;
	_ =	swait.ge [sflag:s5], s13  }
0x55: {  	s15 =	sand.u32 $0x4000, s15;
	s17 =	ssub.s32 $0x0, s13;
	[sflag:s5] =	ssyncset.done $0x0  }
0x56: {  	s14 =	sor.u32 $0x8000, s15;
	[sflag:s5] =	ssyncadd.s32 s17  }
0x57: {  	p2 =	sne.s32 s16, $0x1  }
.Ltmp4:
0x58: {  	v1 =	vmov s15;
	v0 =	vmov s14;
	(pc) =	sbr.rel @!p2 .LBB2_4-.Ltmp4, $3  }
0x59: {  	_ =	sdelay $0x1  }
0x5a: {  	s17 =	simm.s32 $0x0  }
0x5b: {  	s23 =	sadd.s32 $0xFFFFFFFF, s16;
	p1 =	por $0x0, $0x0;
	s15 =	sand.u32 $0x3F80, s17  }
0x5c: {  	_ =	sdelay $0x3  }
0x5d: {  	v6 =	vld.idx.msk [tilespmem:v1+s15+$0x0 ss:$0x1], $0xffff;
	s24 =	sor.u32 $0x70, s15  }
0x5e: {  	s16 =	sor.u32 $0x10, s15;
	v8 =	vld.idx.msk [tilespmem:v1+s24+$0x0 ss:$0x1], $0xffff  }
0x5f: {  	s17 =	sor.u32 $0x20, s15;
	p2 =	sne.s32 s23, $0x1;
	v2 =	vld.idx.msk [tilespmem:v1+s16+$0x0 ss:$0x1], $0xffff  }
.Ltmp5:
0x60: {  	s18 =	sor.u32 $0x30, s15;
	v4 =	vld.idx.msk [tilespmem:v1+s17+$0x0 ss:$0x1], $0xffff;
	(pc) =	sbr.rel @!p2 .LBB2_7-.Ltmp5, $4  }
0x61: {  	s19 =	sor.u32 $0x40, s15;
	v3 =	vld.idx.msk [tilespmem:v1+s18+$0x0 ss:$0x1], $0xffff  }
0x62: {  	s21 =	sor.u32 $0x60, s15;
	v5 =	vld.idx.msk [tilespmem:v1+s19+$0x0 ss:$0x1], $0xffff  }
0x63: {  	s20 =	sor.u32 $0x50, s15;
	s22 =	simm.s32 $0x80;
	v7 =	vld.idx.msk [tilespmem:v1+s21+$0x0 ss:$0x1], $0xffff;
	[tilespmem:v0+s15+$0x0 ss:$0x1] =	vst.idx.msk $0xffff, v6  }
0x64: {  	s23 =	sadd.s32 $0xFFFFFFFF, s23;
	p1 =	por $0x1, $0x1;
	v6 =	vld.idx.msk [tilespmem:v1+s20+$0x0 ss:$0x1], $0xffff;
	s15 =	sand.u32 $0x3F80, s22;
	[tilespmem:v0+s24+$0x0 ss:$0x1] =	vst.idx.msk $0xffff, v8  }
.LBB2_6:
0x65: {  	p2 =	sne.s32 s23, $0x1;
	v8 =	vld.idx.msk [tilespmem:v1+s15+$0x0 ss:$0x1], $0xffff;
	s24 =	sor.u32 $0x70, s15;
	[tilespmem:v0+s16+$0x0 ss:$0x1] =	vst.idx.msk $0xffff, v2;
	s16 =	sor.u32 $0x10, s15  }
0x66: {  	s25 =	sor.u32 $0x30, s15;
	s26 =	sor.u32 $0x40, s15;
	v9 =	vld.idx.msk [tilespmem:v1+s24+$0x0 ss:$0x1], $0xffff;
	[tilespmem:v0+s17+$0x0 ss:$0x1] =	vst.idx.msk $0xffff, v4;
	s17 =	sor.u32 $0x20, s15  }
0x67: {  	s28 =	sor.u32 $0x50, s15;
	s29 =	sor.u32 $0x60, s15;
	v2 =	vld.idx.msk [tilespmem:v1+s16+$0x0 ss:$0x1], $0xffff;
	[tilespmem:v0+s18+$0x0 ss:$0x1] =	vst.idx.msk $0xffff, v3;
	s18 =	smov.u32 s25  }
.Ltmp6:
0x68: {  	v4 =	vld.idx.msk [tilespmem:v1+s17+$0x0 ss:$0x1], $0xffff;
	[tilespmem:v0+s19+$0x0 ss:$0x1] =	vst.idx.msk $0xffff, v5;
	s19 =	smov.u32 s26;
	(pc) =	sbr.rel @p2 .LBB2_6-.Ltmp6, $4  }
0x69: {  	v3 =	vld.idx.msk [tilespmem:v1+s18+$0x0 ss:$0x1], $0xffff;
	[tilespmem:v0+s20+$0x0 ss:$0x1] =	vst.idx.msk $0xffff, v6;
	s20 =	smov.u32 s28  }
0x6a: {  	v5 =	vld.idx.msk [tilespmem:v1+s19+$0x0 ss:$0x1], $0xffff;
	[tilespmem:v0+s21+$0x0 ss:$0x1] =	vst.idx.msk $0xffff, v7;
	s21 =	smov.u32 s29  }
0x6b: {  	s22 =	sadd.s32 $0x80, s22;
	[tilespmem:v0+s15+$0x0 ss:$0x1] =	vst.idx.msk $0xffff, v8;
	v6 =	vld.idx.msk [tilespmem:v1+s20+$0x0 ss:$0x1], $0xffff  }
0x6c: {  	s23 =	sadd.s32 $0xFFFFFFFF, s23;
	s15 =	sand.u32 $0x3F80, s22;
	v7 =	vld.idx.msk [tilespmem:v1+s21+$0x0 ss:$0x1], $0xffff;
	[tilespmem:v0+s24+$0x0 ss:$0x1] =	vst.idx.msk $0xffff, v9  }
.Ltmp7:
0x6d: {  	_ = 	snop;
	(pc) =	sbr.rel .LBB2_7-.Ltmp7, $1  }
0x6e: {  	_ =	sdelay $0x3  }
.LBB2_10:
0x6f: {  	_ =	sfence.sel $0x180000  }
0x70: {  	s2 =	simm.s32 $0x1;
	[bflag:$0x0] =	sbarrier.arrive $0xFFFF  }
0x71: {  	s31 =	simm.s32 $0x2;
	[sflag:s2] =	ssyncpa.u1 $0x1  }
0x72: {  	[sflag:s31] =	ssyncpa.u1 $0x1  }
0x73: {  	_ =	strace $0x9000004A  }
0x74: {  	s0 =	sadd.s32 @!p0 $0x100000, s0;
	[bflag:$0x2] =	sbarrier.arrive $0xFFFF  }
0x75: {  	[sflag:s0] =	ssyncadd.tile.s32 @!p0 $0x1;
	s0 =	simm.s32 @!p0 $0x3F  }
0x76: {  	_ =	swait.ge @!p0 [sflag:s0], s1  }
0x77: {  	s1 =	ssub.s32 @!p0 $0x0, s1;
	[sflag:s0] =	ssyncset.done @!p0 $0x0  }
0x78: {  	[sflag:s0] =	ssyncadd.s32 @!p0 s1  }
0x79: {  	[bflag:$0x3] =	sbarrier.arrive $0xFFFF  }
0x7a: {  	_ =	shalt  }
.Lfunc_end2:
execute1_lowered:
.L_overlay_start_2:
0x7b: {  	(tag) =	ssettag $0x2  }
0x7c: {  	s2 =	rddreg [dreg:$0x0]  }
0x7d: {  	s3 =	rddreg [dreg:$0x1];
	_ =	strace $0x8000004D;
	s0 =	simm.s32 $0x1  }
0x7e: {  	v0 =	vimm.s32 $0x0;
	[sflag:s0] =	ssyncpa.u1 $0x0;
	s0 =	simm.s32 $0x108  }
0x7f: {  	[tilespmem:s0+$0x70] =	vst v0  }
0x80: {  	[tilespmem:s0+$0x60] =	vst v0  }
0x81: {  	[tilespmem:s0+$0x50] =	vst v0  }
0x82: {  	[tilespmem:s0+$0x40] =	vst v0  }
0x83: {  	[tilespmem:s0+$0x30] =	vst v0  }
0x84: {  	s1 =	sadd.s32 $0x53B000, s2;
	s15 =	sadd.s32 $0xA000, s2;
	s6 =	sadd.s32 $0x31800, s2;
	[tilespmem:s0+$0x20] =	vst v0  }
0x85: {  	s14 =	sadd.s32 $0x13E00, s2;
	s5 =	sand.u32 $0x1, s3;
	s3 =	simm.s32 $0x40;
	[tilespmem:s0+$0x10] =	vst v0  }
.LBB3_1:
0x86: {  	s3 =	sadd.s32 $0x40, s3;
	[tilespmem:s0+$0x0] =	vst v0;
	s0 =	sadd.s32 $0x80, s0  }
0x87: {  	p0 =	slt.u32 s3, $0x3C40;
	[tilespmem:s0+$0x70] =	vst v0  }
0x88: {  	[tilespmem:s0+$0x60] =	vst v0  }
.Ltmp8:
0x89: {  	[tilespmem:s0+$0x50] =	vst v0;
	(pc) =	sbr.rel @p0 .LBB3_1-.Ltmp8, $4  }
0x8a: {  	[tilespmem:s0+$0x40] =	vst v0  }
0x8b: {  	[tilespmem:s0+$0x30] =	vst v0  }
0x8c: {  	[tilespmem:s0+$0x20] =	vst v0  }
0x8d: {  	[tilespmem:s0+$0x10] =	vst v0  }
0x8e: {  	s9 =	stileid.u32  }
0x8f: {  	s2 =	smul.u32 $0x29, s9  }
0x90: {  	s3 =	smin.u32 s9, $0xB  }
0x91: {  	s2 =	sadd.s32 s3, s2  }
0x92: {  	p0 =	slt.u32 s9, $0xB;
	s7 =	smul.u32 $0xF0, s2;
	s2 =	simm.s32 $0x2760  }
0x93: {  	s2 =	simm.s32 @!p0 $0x2670  }
0x94: {  	s2 =	sadd.s32 s2, s7  }
0x95: {  	s8 =	smin.u32 s2, $0x27100  }
0x96: {  	s2 =	ssub.s32 s8, s7  }
0x97: {  	p0 =	sgt.s32 s2, $0x0  }
0x98: {  	s29 =	simm.s32 $0x2;
	s10 =	simm.s32 $0x9;
	s2 =	simm.s32 @!p0 $0x0  }
0x99: {  	s4 =	simm.s32 $0xA;
	s11 =	simm.s32 $0xB;
	s28 =	smulhi.u32 $0x88888889, s2  }
0x9a: {  	[dreg:$0x4] =	wrdreg s5;
	s31 =	smul.u32 $0x4E20, s5;
	s12 =	simm.s32 $0x1  }
0x9b: {  	s22 =	simm.s32 $0x0;
	s18 =	simm.s32 $0xC;
	s30 =	sshrl.u32 s28, $0x7  }
0x9c: {  	s20 =	simm.s32 $0x0;
	s21 =	simm.s32 $0x0;
	s3 =	smul.u32 $0xF0, s30  }
.Ltmp9:
0x9d: {  	[tilespmem:s0+$0x0] =	vst v0;
	v0 =	vimm.s32 $0xFFFFFFFF;
	[sflag:s29] =	ssyncpa.u1 $0x0;
	s16 =	sshll.u32 s9, $0x8;
	(pc) =	sbr.rel .LBB3_3-.Ltmp9, $4  }
0x9e: {  	[tilespmem:$0xF208] =	vst v0;
	[sflag:s10] =	ssyncpa.u1 $0x0;
	p0 =	sne.s32 s2, s3;
	s2 =	simm.s32 $0x1  }
0x9f: {  	s14 =	sadd.s32 s31, s14;
	[sflag:s4] =	ssyncpa.u1 $0x0;
	s2 =	simm.s32 @!p0 $0x0  }
0xa0: {  	s15 =	sadd.s32 s31, s15;
	[sflag:s11] =	ssyncpa.u1 $0x0;
	s13 =	sadd.s32 s2, s30  }
0xa1: {  	v0 =	vlaneseq.u32;
	s19 =	smov.u32 s7;
	p0 =	por $0x0, $0x0;
	s17 =	sadd.s32 $0x1, s13  }
.LBB3_18:
0xa2: {  	s0 =	sshrl.u32 s31, $0x2  }
.LBB3_20:
0xa3: {  	_ =	swait.ge [sflag:s18], s0  }
0xa4: {  	s31 =	ssub.s32 $0x0, s0;
	v1 =	vmov s24;
	vm0 =	veq.s32 v0, $0x0;
	[sflag:s18] =	ssyncset.done $0x0  }
0xa5: {  	vm15 =	veq.s32 v0, $0x2;
	v1 =	vsel vm0, s30, v1;
	[sflag:s18] =	ssyncadd.s32 s31  }
0xa6: {  	v1 =	vsel vm15, s22, v1;
	[sflag:s18] =	ssyncpa.u1 $0x1  }
0xa7: {  	[tilespmem:$0xF208] =	vst v1  }
.LBB3_21:
0xa8: {  	s0 =	sadd.s32 $0xF0, s19  }
0xa9: {  	s2 =	smov.u32 s7;
	p1 =	slt.s32 s0, s8  }
0xaa: {  	s2 =	smov.u32 @p1 s0;
	p1 =	sne.s32 s21, s17  }
.Ltmp10:
0xab: {  	_ = 	snop;
	(pc) =	sbr.rel @!p1 .LBB3_22-.Ltmp10, $3  }
0xac: {  	_ =	sdelay $0x1  }
0xad: {  	s22 =	smov.u32 s20;
	s31 =	sadd.s32 $0x1, s21;
	s20 =	smov.u32 s19  }
0xae: {  	p0 =	por !p0, !p0;
	s21 =	smov.u32 s31;
	s19 =	smov.u32 s2  }
.LBB3_3:
0xaf: {  	p1 =	sge.u32 s21, s13  }
0xb0: {  	s0 =	smulhi.u32 @!p1 $0xAAAAAAAB, s21  }
0xb1: {  	s2 =	smov.u32 s19;
	p2 =	sgt.s32 @!p1 s19, $0x27010  }
0xb2: {  	s3 =	sshra.s32 @!p1 s19, $0x1F;
	p2 =	por !p2, p1;
	s0 =	sshrl.u32 @!p1 s0, $0x1  }
0xb3: {  	s3 =	sand.u32 @!p1 s3, s19;
	s2 =	simm.s32 @p2 $0x27010;
	s0 =	smul.u32 @!p1 $0x3, s0  }
0xb4: {  	s2 =	ssub.s32 @!p1 s2, s3  }
0xb5: {  	s2 =	sadd.s32 @!p1 $0xFFFD8FF0, s2;
	s0 =	ssub.s32 @!p1 s21, s0  }
0xb6: {  	s3 =	sshll.u32 @!p1 s2, $0x2;
	p2 =	sgt.s32 @!p1 s2, $0xEF;
	s0 =	smul.u32 @!p1 $0x3C0, s0  }
0xb7: {  	s4 =	sand.u32 @!p1 $0x7, s19;
	s2 =	ssub.s32 @!p1 $0x3C0, s3;
	p2 =	por !p2, p1  }
0xb8: {  	s3 =	sshrl.u32 @!p1 s19, $0x3;
	s2 =	sshrl.u32 @!p1 s2, $0x2;
	s0 =	sshrl.u32 @!p1 s0, $0x2  }
0xb9: {  	s3 =	sadd.s32 @!p1 s3, s14;
	s2 =	simm.s32 @!p2 $0x0;
	s0 =	sadd.s32 @!p1 $0x10248, s0  }
0xba: {  	[tilespmem:s0], [sflag:$0xA] =	stream.linear.gather @!p1 [hbm4b:s3+s4], s2, $0x38;
	[tilespmem:$0x1F6F8] =	vst v63  }
0xbb: {  	s0 =	sadd.s32 $0xFFFFFFFF, s21  }
0xbc: {  	p1 =	sge.u32 s0, s13  }
0xbd: {  	p2 =	sgt.s32 @!p1 s20, $0x27010  }
0xbe: {  	s2 =	smov.u32 s20;
	s3 =	sshra.s32 @!p1 s20, $0x1F;
	p2 =	por !p2, p1  }
0xbf: {  	s3 =	sand.u32 @!p1 s3, s20;
	s2 =	simm.s32 @p2 $0x27010  }
0xc0: {  	s2 =	ssub.s32 @!p1 s2, s3  }
0xc1: {  	s2 =	sadd.s32 @!p1 $0xFFFD8FF0, s2  }
0xc2: {  	s4 =	sand.u32 @!p1 $0x1, s0;
	s3 =	sshll.u32 @!p1 s2, $0x2  }
0xc3: {  	p2 =	sgt.s32 @!p1 s2, $0xEF;
	s2 =	ssub.s32 @!p1 $0x3C0, s3;
	s3 =	smulhi.u32 @!p1 $0xAAAAAAAB, s0  }
0xc4: {  	s23 =	smul.u32 @!p1 $0x3C0, s4;
	p2 =	por !p2, p1;
	s2 =	sshrl.u32 @!p1 s2, $0x2  }
0xc5: {  	s5 =	simm.s32 @!p1 $0xA;
	s2 =	simm.s32 @!p2 $0x0;
	s3 =	sshrl.u32 @!p1 s3, $0x1  }
0xc6: {  	s23 =	sshrl.u32 @!p1 s23, $0x2;
	_ =	swait.ge @!p1 [sflag:s5], s2;
	s3 =	smul.u32 @!p1 $0x3, s3  }
0xc7: {  	s23 =	sadd.s32 @!p1 $0x10518, s23;
	s24 =	ssub.s32 @!p1 $0x0, s2;
	[sflag:s5] =	ssyncset.done @!p1 $0x0  }
0xc8: {  	[sflag:s5] =	ssyncadd.s32 @!p1 s24;
	s5 =	sshrl.u32 @!p1 s20, $0x3;
	s0 =	ssub.s32 @!p1 s0, s3  }
0xc9: {  	s24 =	sand.u32 @!p1 $0x7, s20;
	s5 =	sadd.s32 @!p1 s5, s15;
	s0 =	smul.u32 @!p1 $0x3C0, s0  }
0xca: {  	[tilespmem:s23], [sflag:$0xB] =	stream.linear.gather @!p1 [hbm4b:s5+s24], s2, $0x38;
	[tilespmem:$0x1F6F8] =	vst v63  }
0xcb: {  	s3 =	ssub.s32 @!p1 $0x27100, s20;
	s2 =	smul.u32 @!p1 $0x1E000, s4  }
0xcc: {  	p2 =	slt.s32 @!p1 s3, $0xF0  }
0xcd: {  	p2 =	por !p2, p1;
	s0 =	sshrl.u32 @!p1 s0, $0x2;
	s2 =	sshrl.u32 @!p1 s2, $0x2  }
0xce: {  	s3 =	simm.s32 @p2 $0xF0;
	s0 =	sadd.s32 @!p1 $0x10248, s0;
	s2 =	sor.u32 @!p1 $0x106F8, s2  }
0xcf: {  	[tilespmem:s2], [sflag:$0x9] =	stream.indirect.gather @!p1 [hbm4b:s6+s3], $0x80, s0, s3, $0xb8;
	[tilespmem:$0x1F6F8] =	vst v63  }
0xd0: {  	p1 =	slt.u32 s21, $0x2  }
.Ltmp11:
0xd1: {  	_ = 	snop;
	(pc) =	sbr.rel @p1 .LBB3_21-.Ltmp11, $1  }
0xd2: {  	_ =	sdelay $0x3  }
0xd3: {  	p1 =	sgt.s32 s22, $0x27010  }
0xd4: {  	s0 =	smov.u32 s22;
	s2 =	sshra.s32 s22, $0x1F;
	s3 =	ssub.s32 $0x27100, s22  }
0xd5: {  	s0 =	simm.s32 @!p1 $0x27010;
	s2 =	sand.u32 s2, s22;
	p1 =	slt.s32 s3, $0xF0  }
0xd6: {  	s0 =	ssub.s32 s0, s2;
	s3 =	simm.s32 @!p1 $0xF0  }
0xd7: {  	s0 =	sadd.s32 $0xFFFD8FF0, s0;
	s25 =	sshll.u32 s3, $0x7  }
0xd8: {  	s26 =	sshll.u32 s0, $0x2;
	s2 =	sand.u32 $0x3FFFFF80, s25  }
0xd9: {  	p1 =	sgt.s32 s0, $0xEF;
	s29 =	ssub.s32 $0x3C0, s26;
	_ =	swait.ge [sflag:s10], s2  }
0xda: {  	s2 =	ssub.s32 $0x0, s2;
	[sflag:s10] =	ssyncset.done $0x0;
	s0 =	sshrl.u32 s29, $0x2  }
0xdb: {  	[sflag:s10] =	ssyncadd.s32 s2;
	s0 =	simm.s32 @p1 $0x0  }
0xdc: {  	_ =	swait.ge [sflag:s11], s0  }
0xdd: {  	s0 =	ssub.s32 $0x0, s0;
	[sflag:s11] =	ssyncset.done $0x0  }
0xde: {  	[sflag:s11] =	ssyncadd.s32 s0  }
0xdf: {  	v1 =	vld [tilespmem:$0xF208];
	_ =	sdelay $0x4  }
0xe0: {  	(v2sf) =	vpush v1, $0x0  }
0xe1: {  	(v2sf) =	vpush v1, $0x1  }
0xe2: {  	(v2sf) =	vpush v1, $0x2;
	_ =	sdelay $0x3  }
0xe3: {  	s0 =	sadd.s32 $0xF0, s22  }
0xe4: {  	s2 =	ssub.s32 $0x4E200, s22;
	p1 =	slt.s32 s8, s0  }
0xe5: {  	s0 =	smov.u32 @p1 s8;
	p1 =	sgt.s32 s2, $0x0  }
0xe6: {  	s26 =	ssub.s32 s0, s22;
	s2 =	simm.s32 @!p1 $0x0  }
0xe7: {  	p1 =	slt.s32 s2, s26  }
0xe8: {  	s26 =	smov.u32 @p1 s2  }
0xe9: {  	s25 =	simm.s32 $0x1;
	p1 =	slt.s32 s26, $0x1  }
.Ltmp12:
0xea: {  	s25 =	simm.s32 @!p0 $0x0;
	(pc) =	sbr.rel @p1 .LBB3_8-.Ltmp12, $4  }
0xeb: {  	s31 =	smul.u32 $0x3C0, s25  }
0xec: {  	s28 =	spop (v2sf)  }
0xed: {  	s0 =	sshrl.u32 s31, $0x2;
	s30 =	spop (v2sf)  }
0xee: {  	s23 =	sadd.s32 $0x10518, s0;
	s22 =	spop (v2sf)  }
0xef: {  	s0 =	smin.u32 s26, $0x10  }
0xf0: {  	v1 =	vmov s0  }
0xf1: {  	p2 =	sgt.s32 s26, $0x10;
	vm1 =	vgt.u32 v1, v0  }
.Ltmp13:
0xf2: {  	_ = 	snop;
	(pc) =	sbr.rel @!p2 .LBB3_7-.Ltmp13, $2  }
0xf3: {  	_ =	sdelay $0x2  }
0xf4: {  	s4 =	simm.s32 $0x10;
	s24 =	sadd.s32 $0xFFFFFFF0, s26;
	s0 =	smov.u32 s23;
	vm0 =	vmmov vm1  }
.LBB3_6:
0xf5: {  	s2 =	smin.u32 s24, $0x10;
	s4 =	sadd.s32 $0x10, s4;
	v1 =	vld.msk [tilespmem:s0+$0x0 ss:$0x1], vm1  }
0xf6: {  	v2 =	vmov s2;
	p2 =	slt.s32 s4, s26  }
0xf7: {  	vm1 =	vgt.u32 v2, v0  }
.Ltmp14:
0xf8: {  	(pc) =	sbr.rel @p2 .LBB3_6-.Ltmp14, $3  }
0xf9: {  	_ =	sdelay $0x1  }
0xfa: {  	v1 =	vshll.u32 v1, $0x4  }
0xfb: {  	s24 =	sadd.s32 $0xFFFFFFF0, s24;
	[tilespmem:s0+$0x0] =	vst.msk vm0, v1;
	s0 =	sadd.s32 $0x10, s0;
	vm0 =	vmmov vm1  }
.LBB3_7:
0xfc: {  	_ =	sdelay $0x4  }
0xfd: {  	v1 =	vld.msk [tilespmem:s0+$0x0 ss:$0x1], vm1;
	_ =	sdelay $0x4  }
0xfe: {  	v1 =	vshll.u32 v1, $0x4  }
0xff: {  	[tilespmem:s0+$0x0] =	vst.msk vm0, v1  }
.LBB3_8:
0x100: {  	s0 =	sand.u32 $0x1, s21  }
0x101: {  	s0 =	smul.u32 $0xF0, s0  }
0x102: {  	p2 =	sne.s32 s30, $0xFFFFFFFF  }
0x103: {  	v1 =	vld.msk @!p2 [tilespmem:s0+$0x10518], $0x1;
	_ =	sdelay $0x4  }
0x104: {  	(v2sf) =	vpush @!p2 v1, $0x0;
	_ =	sdelay $0xc  }
.Ltmp15:
0x105: {  	_ = 	snop;
	(pc) =	sbr.rel @p1 .LBB3_19-.Ltmp15, $4  }
0x106: {  	_ = 	snop  }
0x107: {  	s29 =	spop @!p2 (v2sf)  }
0x108: {  	s22 =	simm.s32 @!p2 $0x0;
	s24 =	smov.u32 s29  }
0x109: {  	[sflag:s18] =	ssyncpa.u1 $0x0;
	s29 =	smov.u32 @p2 s28;
	s24 =	smov.u32 @p2 s30  }
0x10a: {  	v1 =	vld.msk [tilespmem:s23+$0x0], $0x1;
	_ =	sdelay $0x4  }
0x10b: {  	(v2sf) =	vpush v1, $0x0;
	_ =	sdelay $0xe  }
0x10c: {  	s2 =	smul.u32 $0x1E000, s25;
	s0 =	spop (v2sf)  }
0x10d: {  	s26 =	ssub.s32 $0x0, s26;
	p1 =	seq.s32 s29, s0  }
0x10e: {  	s30 =	sadd.s32 $0x1, s26;
	s2 =	sshrl.u32 s2, $0x2;
	p2 =	sgt.s32 @!p1 s29, $0x0  }
0x10f: {  	s25 =	sor.u32 $0x10738, s2;
	s2 =	smov.u32 s29;
	p2 =	por !p2, p1  }
0x110: {  	s2 =	simm.s32 @p2 $0x0;
	p2 =	seq.s32 s30, $0x0  }
.Ltmp16:
0x111: {  	_ = 	snop;
	(pc) =	sbr.rel @p2 .LBB3_11-.Ltmp16, $4  }
0x112: {  	_ = 	snop  }
0x113: {  	s28 =	simm.s32 $0x0;
	s31 =	sadd.s32 $0x1, s23;
	s2 =	smin.u32 @!p1 s2, $0x270F0  }
0x114: {  	s4 =	simm.s32 @!p1 $0x1;
	s5 =	simm.s32 @!p1 $0x7988;
	s3 =	sand.u32 @!p1 $0x3FFF8, s2  }
0x115: {  	s4 =	smov.u32 @p1 s28;
	s2 =	sand.u32 @!p1 $0x7, s2;
	s3 =	sadd.s32 @!p1 s1, s3  }
.LBB3_10:
0x116: {  	s9 =	smov.u32 s4  }
0x117: {  	[tilespmem:s5], [sflag:$0x2] =	stream.linear.gather @!p1 [hbm4b:s3+s2], $0x80, $0x38;
	[tilespmem:$0x1F6F8] =	vst v63  }
0x118: {  	s30 =	sadd.s32 $0x1, s30;
	s2 =	smov.u32 s0;
	v1 =	vld.msk [tilespmem:s31+$0x0], $0x1  }
0x119: {  	p2 =	seq.s32 s30, $0x0;
	_ =	sdelay $0x3  }
0x11a: {  	(v2sf) =	vpush v1, $0x0;
	_ =	sdelay $0xe  }
0x11b: {  	s0 =	spop (v2sf)  }
0x11c: {  	p1 =	seq.s32 s2, s0  }
0x11d: {  	p3 =	sgt.s32 @!p1 s2, $0x0;
	s3 =	sshll.u32 @!p1 s4, $0x9;
	s4 =	sadd.s32 @!p1 $0x1, s4  }
.Ltmp17:
0x11e: {  	p3 =	por !p3, p1;
	s3 =	sshra.s32 @!p1 s3, $0x2;
	(pc) =	sbr.rel @!p2 .LBB3_10-.Ltmp17, $4  }
0x11f: {  	s4 =	smov.u32 @p1 s9;
	s2 =	simm.s32 @p3 $0x0;
	s5 =	sadd.s32 @!p1 $0x7988, s3  }
0x120: {  	s2 =	smin.u32 @!p1 s2, $0x270F0  }
0x121: {  	s3 =	sand.u32 @!p1 $0x3FFF8, s2;
	s2 =	sand.u32 @!p1 $0x7, s2  }
0x122: {  	s31 =	sadd.s32 $0x1, s31;
	s3 =	sadd.s32 @!p1 s1, s3  }
.LBB3_11:
0x123: {  	[tilespmem:s5], [sflag:$0x2] =	stream.linear.gather @!p1 [hbm4b:s3+s2], $0x80, $0x38;
	[tilespmem:$0x1F6F8] =	vst v63  }
.Ltmp18:
0x124: {  	s0 =	sshll.u32 s4, $0x7;
	(pc) =	sbr.rel .LBB3_12-.Ltmp18, $4  }
0x125: {  	s30 =	simm.s32 $0x2;
	s0 =	sand.u32 $0x3FFFFF80, s0  }
0x126: {  	_ =	swait.ge [sflag:s30], s0  }
0x127: {  	s0 =	ssub.s32 $0x0, s0;
	[sflag:s30] =	ssyncset.done $0x0  }
0x128: {  	s31 =	simm.s32 $0x0;
	[sflag:s30] =	ssyncadd.s32 s0  }
.LBB3_13:
0x129: {  	v1 =	vld [tilespmem:s25+$0xFFFFFFC0];
	_ =	sdelay $0x3  }
0x12a: {  	s0 =	sshra.s32 s0, $0x2  }
0x12b: {  	[tilespmem:s0+$0x108] =	vst.add.f32.msk $0xffff, v1  }
0x12c: {  	v1 =	vld [tilespmem:s25+$0xFFFFFFD0];
	_ =	sdelay $0x4  }
0x12d: {  	[tilespmem:s0+$0x118] =	vst.add.f32.msk $0xffff, v1  }
0x12e: {  	v1 =	vld [tilespmem:s25+$0xFFFFFFE0];
	_ =	sdelay $0x4  }
0x12f: {  	[tilespmem:s0+$0x128] =	vst.add.f32.msk $0xffff, v1  }
0x130: {  	v1 =	vld [tilespmem:s25+$0xFFFFFFF0];
	_ =	sdelay $0x4  }
0x131: {  	[tilespmem:s0+$0x138] =	vst.add.f32.msk $0xffff, v1  }
0x132: {  	v1 =	vld [tilespmem:s25+$0x0];
	_ =	sdelay $0x4  }
0x133: {  	[tilespmem:s0+$0x148] =	vst.add.f32.msk $0xffff, v1  }
0x134: {  	v1 =	vld [tilespmem:s25+$0x10];
	_ =	sdelay $0x4  }
0x135: {  	[tilespmem:s0+$0x158] =	vst.add.f32.msk $0xffff, v1  }
0x136: {  	v1 =	vld [tilespmem:s25+$0x20];
	_ =	sdelay $0x4  }
0x137: {  	[tilespmem:s0+$0x168] =	vst.add.f32.msk $0xffff, v1  }
0x138: {  	v1 =	vld [tilespmem:s25+$0x30];
	_ =	sdelay $0x4  }
0x139: {  	[tilespmem:s0+$0x178] =	vst.add.f32.msk $0xffff, v1  }
.LBB3_17:
0x13a: {  	s26 =	sadd.s32 $0x1, s26  }
0x13b: {  	p1 =	seq.s32 s26, $0x0  }
.Ltmp19:
0x13c: {  	_ = 	snop;
	(pc) =	sbr.rel @p1 .LBB3_18-.Ltmp19, $2  }
0x13d: {  	_ =	sdelay $0x2  }
0x13e: {  	s23 =	sadd.s32 $0x1, s23;
	s25 =	sadd.s32 $0x80, s25;
	s29 =	smov.u32 s30  }
.LBB3_12:
0x13f: {  	v1 =	vld.msk [tilespmem:s23+$0x0], $0x1;
	_ =	sdelay $0x4  }
0x140: {  	(v2sf) =	vpush v1, $0x0;
	_ =	sdelay $0xe  }
0x141: {  	s30 =	spop (v2sf)  }
0x142: {  	p1 =	sne.s32 s29, s30  }
.Ltmp20:
0x143: {  	_ = 	snop;
	(pc) =	sbr.rel @!p1 .LBB3_13-.Ltmp20, $2  }
0x144: {  	_ =	sdelay $0x2  }
0x145: {  	s0 =	sshll.u32 s22, $0x9  }
0x146: {  	p1 =	seq.s32 s29, s24  }
.Ltmp21:
0x147: {  	_ = 	snop;
	(pc) =	sbr.rel @!p1 .LBB3_15-.Ltmp21, $1  }
0x148: {  	_ =	sdelay $0x3  }
0x149: {  	s0 =	sshra.s32 s0, $0x2  }
.Ltmp22:
0x14a: {  	s0 =	sadd.s32 $0x108, s0;
	(pc) =	sbr.rel .LBB3_16-.Ltmp22, $4  }
0x14b: {  	[spmem:s16] =	stream.linear.scatter [tilespmem:s0], [sflag:$0x1], $0x80, $0x38;
	[tilespmem:$0x1F6F8] =	vst v63  }
0x14c: {  	_ =	swait.ge [sflag:s12], $0x80  }
0x14d: {  	[sflag:s12] =	ssyncset.done $0x0  }
0x14e: {  	[sflag:s12] =	ssyncadd.s32 $0xFFFFFF80  }
.LBB3_15:
0x14f: {  	s2 =	sshll.u32 s28, $0x9  }
0x150: {  	s2 =	sshra.s32 s2, $0x2  }
0x151: {  	v1 =	vld [tilespmem:s2+$0x7988];
	_ =	sdelay $0x3  }
0x152: {  	s0 =	sshra.s32 s0, $0x2  }
0x153: {  	[tilespmem:s0+$0x108] =	vst.add.f32.msk $0xffff, v1  }
0x154: {  	v1 =	vld [tilespmem:s2+$0x7998];
	_ =	sdelay $0x4  }
0x155: {  	[tilespmem:s0+$0x118] =	vst.add.f32.msk $0xffff, v1  }
0x156: {  	v1 =	vld [tilespmem:s2+$0x79A8];
	_ =	sdelay $0x4  }
0x157: {  	[tilespmem:s0+$0x128] =	vst.add.f32.msk $0xffff, v1  }
0x158: {  	v1 =	vld [tilespmem:s2+$0x79B8];
	_ =	sdelay $0x4  }
0x159: {  	[tilespmem:s0+$0x138] =	vst.add.f32.msk $0xffff, v1  }
0x15a: {  	v1 =	vld [tilespmem:s2+$0x79C8];
	_ =	sdelay $0x4  }
0x15b: {  	[tilespmem:s0+$0x148] =	vst.add.f32.msk $0xffff, v1  }
0x15c: {  	v1 =	vld [tilespmem:s2+$0x79D8];
	_ =	sdelay $0x4  }
0x15d: {  	[tilespmem:s0+$0x158] =	vst.add.f32.msk $0xffff, v1  }
0x15e: {  	v1 =	vld [tilespmem:s2+$0x79E8];
	_ =	sdelay $0x4  }
0x15f: {  	[tilespmem:s0+$0x168] =	vst.add.f32.msk $0xffff, v1  }
0x160: {  	v1 =	vld [tilespmem:s2+$0x79F8];
	_ =	sdelay $0x2  }
0x161: {  	p1 =	sgt.u32 s29, $0x270F0  }
0x162: {  	s2 =	sand.u32 @!p1 $0x3FFF8, s29  }
0x163: {  	s3 =	sadd.s32 $0x108, s0;
	[tilespmem:s0+$0x178] =	vst.add.f32.msk $0xffff, v1;
	s0 =	sadd.s32 @!p1 s1, s2;
	s2 =	sand.u32 @!p1 $0x7, s29  }
0x164: {  	[hbm4b:s0+s2] =	stream.linear.scatter @!p1 [tilespmem:s3], [sflag:$0xC], $0x80, $0x38;
	[tilespmem:$0x1F6F8] =	vst v63  }
0x165: {  	s0 =	simm.s32 $0x0  }
0x166: {  	s0 =	simm.s32 @!p1 $0x200  }
0x167: {  	s31 =	sadd.s32 s0, s31  }
.LBB3_16:
0x168: {  	s0 =	sadd.s32 $0x1, s22  }
0x169: {  	s2 =	smulhi.u32 $0x88888889, s0;
	_ =	sdelay $0x1  }
0x16a: {  	v1 =	vld [tilespmem:s25+$0xFFFFFFC0];
	s2 =	sshrl.u32 s2, $0x7  }
0x16b: {  	s2 =	smul.u32 $0xF0, s2;
	_ =	sdelay $0x1  }
0x16c: {  	s22 =	ssub.s32 s0, s2  }
0x16d: {  	s0 =	sshll.u32 s22, $0x7  }
0x16e: {  	[tilespmem:s0+$0x108] =	vst v1  }
0x16f: {  	v1 =	vld [tilespmem:s25+$0xFFFFFFD0];
	_ =	sdelay $0x4  }
0x170: {  	[tilespmem:s0+$0x118] =	vst v1  }
0x171: {  	v1 =	vld [tilespmem:s25+$0xFFFFFFE0];
	_ =	sdelay $0x4  }
0x172: {  	[tilespmem:s0+$0x128] =	vst v1  }
0x173: {  	v1 =	vld [tilespmem:s25+$0xFFFFFFF0];
	_ =	sdelay $0x4  }
0x174: {  	[tilespmem:s0+$0x138] =	vst v1  }
0x175: {  	v1 =	vld [tilespmem:s25+$0x0];
	_ =	sdelay $0x4  }
0x176: {  	[tilespmem:s0+$0x148] =	vst v1  }
0x177: {  	v1 =	vld [tilespmem:s25+$0x10];
	_ =	sdelay $0x4  }
0x178: {  	[tilespmem:s0+$0x158] =	vst v1  }
0x179: {  	v1 =	vld [tilespmem:s25+$0x20];
	_ =	sdelay $0x4  }
0x17a: {  	[tilespmem:s0+$0x168] =	vst v1  }
0x17b: {  	v1 =	vld [tilespmem:s25+$0x30]  }
.Ltmp23:
0x17c: {  	_ = 	snop;
	(pc) =	sbr.rel .LBB3_17-.Ltmp23, $2  }
0x17d: {  	_ =	sdelay $0x2  }
0x17e: {  	s28 =	sadd.s32 $0x1, s28;
	[tilespmem:s0+$0x178] =	vst v1  }
.LBB3_19:
.Ltmp24:
0x17f: {  	(pc) =	sbr.rel .LBB3_20-.Ltmp24, $4  }
0x180: {  	_ = 	snop  }
0x181: {  	s0 =	simm.s32 $0x2  }
0x182: {  	_ =	swait.ge [sflag:s0], $0x0  }
0x183: {  	s30 =	smov.u32 s29;
	[sflag:s0] =	ssyncset.done $0x0;
	s0 =	simm.s32 $0x0  }
.LBB3_22:
0x184: {  	_ =	sfence.sel $0x180000  }
0x185: {  	s0 =	simm.s32 $0x9;
	[bflag:$0x0] =	sbarrier.arrive $0xFFFF  }
0x186: {  	s24 =	simm.s32 $0xA;
	[sflag:s0] =	ssyncpa.u1 $0x1  }
0x187: {  	s25 =	simm.s32 $0xB;
	[sflag:s24] =	ssyncpa.u1 $0x1  }
0x188: {  	s26 =	simm.s32 $0x2;
	[sflag:s25] =	ssyncpa.u1 $0x1  }
0x189: {  	[sflag:s26] =	ssyncpa.u1 $0x1  }
0x18a: {  	v0 =	vld [tilespmem:$0xF208];
	_ =	sdelay $0x4  }
0x18b: {  	(v2sf) =	vpush v0, $0x0  }
0x18c: {  	(v2sf) =	vpush v0, $0x1;
	_ =	sdelay $0x1  }
0x18d: {  	(v2sf) =	vpush v0, $0x2;
	_ =	sdelay $0xb  }
0x18e: {  	s0 =	spop (v2sf)  }
0x18f: {  	s2 =	spop (v2sf)  }
0x190: {  	s3 =	smov.u32 s0;
	p0 =	sne.s32 s0, s2  }
0x191: {  	s4 =	spop (v2sf);
	s3 =	simm.s32 @!p0 $0xFFFFFFFF  }
0x192: {  	v2 =	vimm.s32 $0x1;
	v3 =	vlaneseq.u32;
	p0 =	seq.s32 s4, $0xFFFFFFFF;
	v1 =	vmov s3  }
0x193: {  	s16 =	stileid.u32;
	v0 =	vperm.xlane v0, v2;
	p1 =	sne.s32 @!p0 s0, s2;
	v1 =	vperm.xlane v1, v3  }
0x194: {  	vm0 =	vcmask $0x3F04;
	s6 =	simm.s32 $0xF208;
	s0 =	simm.s32 @!p0 $0x1;
	p1 =	por !p1, p0  }
0x195: {  	s3 =	sshll.u32 s16, $0x1;
	s2 =	sshll.u32 @!p0 s4, $0x9;
	s0 =	simm.s32 @p1 $0x0;
	v0 =	vsel vm0, v1, v0  }
0x196: {  	s5 =	sor.u32 $0x1000, s3;
	s2 =	sshra.s32 @!p0 s2, $0x2;
	s0 =	sor.u32 @!p0 s0, s3;
	[tilespmem:$0xF208] =	vst v0  }
0x197: {  	[spmem:s5] =	stream.linear.scatter [tilespmem:s6], [sflag:$0x1], $0x2, $0x38;
	[tilespmem:$0x1F6F8] =	vst v63  }
0x198: {  	s2 =	sadd.s32 @!p0 $0x108, s2;
	s0 =	sshll.u32 @!p0 s0, $0x7  }
0x199: {  	[spmem:s0] =	stream.linear.scatter @!p0 [tilespmem:s2], [sflag:$0x1], $0x80, $0x38;
	[tilespmem:$0x1F6F8] =	vst v63  }
0x19a: {  	s0 =	simm.s32 @!p0 $0x82  }
0x19b: {  	s28 =	simm.s32 $0x1;
	s0 =	simm.s32 @p0 $0x2  }
0x19c: {  	_ =	swait.ge [sflag:s28], s0  }
0x19d: {  	s0 =	ssub.s32 $0x0, s0;
	[sflag:s28] =	ssyncset.done $0x0  }
0x19e: {  	p0 =	sne.s32 s16, $0x0;
	[sflag:s28] =	ssyncadd.s32 s0  }
.Ltmp25:
0x19f: {  	_ =	sfence.stream.spmem;
	(pc) =	sbr.rel @p0 .LBB3_39-.Ltmp25, $4  }
0x1a0: {  	s29 =	simm.s32 $0x3;
	[bflag:$0x0] =	sbarrier.arrive $0xFFFF  }
0x1a1: {  	s30 =	simm.s32 $0x4;
	[sflag:s29] =	ssyncpa.u1 $0x1  }
0x1a2: {  	s31 =	simm.s32 $0x3C;
	[sflag:s30] =	ssyncpa.u1 $0x1  }
0x1a3: {  	s15 =	rddreg [dreg:$0x4];
	[sflag:s31] =	ssyncpa.u1 $0x1  }
0x1a4: {  	_ =	sfence.stream.spmem;
	s0 =	simm.s32 $0x5  }
0x1a5: {  	s2 =	simm.s32 $0x1000;
	s3 =	simm.s32 $0xF218;
	[sflag:s0] =	ssyncpa.u1 $0x0  }
0x1a6: {  	[tilespmem:s3], [sflag:$0x5] =	stream.linear.gather [spmem:s2], $0x20, $0x38;
	[tilespmem:$0x1F6F8] =	vst v63  }
0x1a7: {  	s26 =	simm.s32 $0x0;
	s28 =	simm.s32 $0xF238  }
0x1a8: {  	[tilespmem:s28], [sflag:$0x5] =	stream.linear.gather [spmem:s26], $0x1000, $0x38;
	[tilespmem:$0x1F6F8] =	vst v63  }
0x1a9: {  	_ =	swait.ge [sflag:s0], $0x1020  }
0x1aa: {  	[sflag:s0] =	ssyncset.done $0x0  }
0x1ab: {  	s29 =	simm.s32 $0x0;
	[sflag:s0] =	ssyncadd.s32 $0xFFFFEFE0  }
0x1ac: {  	v0 =	vld.msk [tilespmem:s29+$0xF218], $0x1;
	_ =	sdelay $0x1  }
0x1ad: {  	s30 =	simm.s32 $0x1  }
0x1ae: {  	v1 =	vld.msk [tilespmem:s30+$0xF218], $0x1;
	_ =	sdelay $0x1  }
0x1af: {  	(v2sf) =	vpush v0, $0x0;
	_ =	sdelay $0x2  }
0x1b0: {  	(v2sf) =	vpush v1, $0x0;
	_ =	sdelay $0x2  }
0x1b1: {  	s31 =	simm.s32 $0x2  }
0x1b2: {  	v0 =	vld.msk [tilespmem:s31+$0xF218], $0x1;
	_ =	sdelay $0x2  }
0x1b3: {  	s4 =	simm.s32 $0xFFFFFFFF;
	s5 =	simm.s32 $0xFFFFFFFF;
	s0 =	simm.s32 $0xC  }
.LBB3_24:
0x1b4: {  	s2 =	smov.u32 s5;
	s3 =	smov.u32 s4  }
0x1b5: {  	s4 =	sshra.s32 s0, $0x2;
	p1 =	sne.s32 s0, $0x7C;
	s0 =	sadd.s32 $0x4, s0;
	(v2sf) =	vpush v0, $0x0  }
0x1b6: {  	v0 =	vld.msk [tilespmem:s4+$0xF218], $0x1  }
.Ltmp26:
0x1b7: {  	(pc) =	sbr.rel @p1 .LBB3_24-.Ltmp26, $4  }
0x1b8: {  	s5 =	spop (v2sf)  }
0x1b9: {  	p2 =	sne.s32 s3, $0xFFFFFFFF;
	s4 =	smov.u32 s5  }
0x1ba: {  	p3 =	seq.s32 s5, $0xFFFFFFFF;
	s4 =	smov.u32 @p2 s3  }
0x1bb: {  	s5 =	smov.u32 @p3 s2;
	s4 =	smov.u32 @p3 s3  }
0x1bc: {  	(v2sf) =	vpush v0, $0x0;
	_ =	sdelay $0x8  }
0x1bd: {  	s0 =	spop (v2sf)  }
0x1be: {  	p1 =	sne.s32 s4, $0xFFFFFFFF;
	s2 =	smov.u32 s0  }
0x1bf: {  	s9 =	simm.s32 $0x6;
	p2 =	seq.s32 s0, $0xFFFFFFFF;
	s2 =	smov.u32 @p1 s4  }
0x1c0: {  	s6 =	simm.s32 $0x0;
	s2 =	smov.u32 @p2 s4;
	s3 =	spop (v2sf)  }
0x1c1: {  	s0 =	smov.u32 @p2 s5;
	p1 =	sne.s32 s2, $0xFFFFFFFF;
	s4 =	smov.u32 s3  }
.Ltmp27:
0x1c2: {  	p2 =	seq.s32 s3, $0xFFFFFFFF;
	s4 =	smov.u32 @p1 s2;
	(pc) =	sbr.rel .LBB3_26-.Ltmp27, $4  }
0x1c3: {  	s10 =	simm.s32 $0xF188;
	s4 =	smov.u32 @p2 s2;
	s7 =	spop (v2sf)  }
0x1c4: {  	s11 =	simm.s32 $0x0;
	p1 =	sne.s32 s4, $0xFFFFFFFF;
	s8 =	smov.u32 s7  }
0x1c5: {  	s3 =	smov.u32 @p2 s0;
	p2 =	seq.s32 s7, $0xFFFFFFFF;
	s8 =	smov.u32 @p1 s4  }
0x1c6: {  	[sflag:s9] =	ssyncpa.u1 $0x0;
	s7 =	smov.u32 @p2 s3;
	s8 =	smov.u32 @p2 s4  }
.LBB3_32:
0x1c7: {  	p1 =	sgt.u32 s12, $0x270F0  }
0x1c8: {  	p2 =	seq.s32 @!p1 s12, s8  }
0x1c9: {  	p1 =	por p1, p2  }
0x1ca: {  	p2 =	sne.s32 @!p1 s12, s7  }
0x1cb: {  	p1 =	por p1, !p2  }
0x1cc: {  	s0 =	sshll.u32 @p1 s11, $0x9  }
0x1cd: {  	s0 =	sand.u32 @!p1 $0x3FFF8, s12  }
0x1ce: {  	s2 =	sand.u32 @!p1 $0x7, s12;
	s0 =	sadd.s32 @!p1 s1, s0  }
0x1cf: {  	[tilespmem:s10], [sflag:$0x6] =	stream.linear.gather @!p1 [hbm4b:s0+s2], $0x80, $0x38;
	[tilespmem:$0x1F6F8] =	vst v63  }
0x1d0: {  	_ =	swait.ge @!p1 [sflag:s9], $0x80  }
0x1d1: {  	[sflag:s9] =	ssyncset.done @!p1 $0x0  }
0x1d2: {  	[sflag:s9] =	ssyncadd.s32 @!p1 $0xFFFFFF80  }
0x1d3: {  	v1 =	vld @!p1 [tilespmem:$0xF188];
	_ =	sdelay $0x2  }
0x1d4: {  	s0 =	sshll.u32 @!p1 s11, $0x9  }
0x1d5: {  	s2 =	sshrl.u32 @!p1 s0, $0x2  }
0x1d6: {  	[tilespmem:s2+$0xF238] =	vst.add.f32.msk @!p1 $0xffff, v1  }
0x1d7: {  	v1 =	vld @!p1 [tilespmem:$0xF198];
	_ =	sdelay $0x4  }
0x1d8: {  	[tilespmem:s2+$0xF248] =	vst.add.f32.msk @!p1 $0xffff, v1  }
0x1d9: {  	v1 =	vld @!p1 [tilespmem:$0xF1A8];
	_ =	sdelay $0x4  }
0x1da: {  	[tilespmem:s2+$0xF258] =	vst.add.f32.msk @!p1 $0xffff, v1  }
0x1db: {  	v1 =	vld @!p1 [tilespmem:$0xF1B8];
	_ =	sdelay $0x4  }
0x1dc: {  	[tilespmem:s2+$0xF268] =	vst.add.f32.msk @!p1 $0xffff, v1  }
0x1dd: {  	v1 =	vld @!p1 [tilespmem:$0xF1C8];
	_ =	sdelay $0x4  }
0x1de: {  	[tilespmem:s2+$0xF278] =	vst.add.f32.msk @!p1 $0xffff, v1  }
0x1df: {  	v1 =	vld @!p1 [tilespmem:$0xF1D8];
	_ =	sdelay $0x4  }
0x1e0: {  	[tilespmem:s2+$0xF288] =	vst.add.f32.msk @!p1 $0xffff, v1  }
0x1e1: {  	v1 =	vld @!p1 [tilespmem:$0xF1E8];
	_ =	sdelay $0x4  }
0x1e2: {  	[tilespmem:s2+$0xF298] =	vst.add.f32.msk @!p1 $0xffff, v1  }
0x1e3: {  	v1 =	vld @!p1 [tilespmem:$0xF1F8];
	_ =	sdelay $0x4  }
0x1e4: {  	[tilespmem:s2+$0xF2A8] =	vst.add.f32.msk @!p1 $0xffff, v1  }
0x1e5: {  	s0 =	sshrl.u32 s0, $0x2;
	[tilespmem:s6+$0xF218] =	vst.msk $0x1, v0  }
0x1e6: {  	v0 =	vld [tilespmem:s0+$0xF238];
	_ =	sdelay $0x2  }
0x1e7: {  	s31 =	sshll.u32 s6, $0x9  }
0x1e8: {  	s2 =	sshra.s32 s31, $0x2  }
0x1e9: {  	[tilespmem:s2+$0xF238] =	vst v0  }
0x1ea: {  	v0 =	vld [tilespmem:s0+$0xF248];
	_ =	sdelay $0x4  }
0x1eb: {  	[tilespmem:s2+$0xF248] =	vst v0  }
0x1ec: {  	v0 =	vld [tilespmem:s0+$0xF258];
	_ =	sdelay $0x4  }
0x1ed: {  	[tilespmem:s2+$0xF258] =	vst v0  }
0x1ee: {  	v0 =	vld [tilespmem:s0+$0xF268];
	_ =	sdelay $0x4  }
0x1ef: {  	[tilespmem:s2+$0xF268] =	vst v0  }
0x1f0: {  	v0 =	vld [tilespmem:s0+$0xF278];
	_ =	sdelay $0x4  }
0x1f1: {  	[tilespmem:s2+$0xF278] =	vst v0  }
0x1f2: {  	v0 =	vld [tilespmem:s0+$0xF288];
	_ =	sdelay $0x4  }
0x1f3: {  	[tilespmem:s2+$0xF288] =	vst v0  }
0x1f4: {  	v0 =	vld [tilespmem:s0+$0xF298];
	_ =	sdelay $0x4  }
0x1f5: {  	[tilespmem:s2+$0xF298] =	vst v0  }
0x1f6: {  	v0 =	vld [tilespmem:s0+$0xF2A8];
	_ =	sdelay $0x4  }
0x1f7: {  	s6 =	sadd.s32 $0x1, s6;
	[tilespmem:s2+$0xF2A8] =	vst v0  }
.LBB3_33:
0x1f8: {  	s11 =	sadd.s32 $0x1, s11  }
0x1f9: {  	p1 =	sne.s32 s11, $0x20  }
.Ltmp28:
0x1fa: {  	_ = 	snop;
	(pc) =	sbr.rel @!p1 .LBB3_34-.Ltmp28, $1  }
0x1fb: {  	_ =	sdelay $0x3  }
.LBB3_26:
0x1fc: {  	v0 =	vld.msk [tilespmem:s11+$0xF218], $0x1;
	_ =	sdelay $0x4  }
0x1fd: {  	(v2sf) =	vpush v0, $0x0;
	_ =	sdelay $0xe  }
0x1fe: {  	s12 =	spop (v2sf)  }
0x1ff: {  	p1 =	seq.s32 s12, $0xFFFFFFFF  }
.Ltmp29:
0x200: {  	_ = 	snop;
	(pc) =	sbr.rel @p1 .LBB3_33-.Ltmp29, $1  }
0x201: {  	_ =	sdelay $0x3  }
0x202: {  	p1 =	slt.s32 s6, $0x1  }
.Ltmp30:
0x203: {  	_ = 	snop;
	(pc) =	sbr.rel @p1 .LBB3_32-.Ltmp30, $1  }
0x204: {  	_ =	sdelay $0x3  }
0x205: {  	s13 =	simm.s32 $0xF218;
	p1 =	por $0x0, $0x0  }
0x206: {  	v1 =	vld.msk @!p1 [tilespmem:s13+$0x0], $0x1;
	_ =	sdelay $0x4  }
0x207: {  	(v2sf) =	vpush @!p1 v1, $0x0;
	_ =	sdelay $0xd  }
0x208: {  	p3 =	sne.s32 s6, $0x1  }
.Ltmp31:
0x209: {  	s0 =	spop @!p1 (v2sf);
	(pc) =	sbr.rel @!p3 .LBB3_30-.Ltmp31, $4  }
0x20a: {  	p2 =	seq.s32 @!p1 s12, s0  }
0x20b: {  	s14 =	simm.s32 $0x0;
	p2 =	por !p2, p1  }
0x20c: {  	s2 =	simm.s32 $0xFFFFFFFF;
	s14 =	simm.s32 @p2 $0xFFFFFFFF  }
0x20d: {  	s0 =	simm.s32 $0x1;
	s14 =	smov.u32 @p1 s2  }
.LBB3_29:
0x20e: {  	s2 =	smov.u32 s14;
	p1 =	sne.s32 s14, $0xFFFFFFFF  }
0x20f: {  	s13 =	sadd.s32 $0x1, s13;
	s14 =	smov.u32 s0;
	s0 =	sadd.s32 $0x1, s0  }
0x210: {  	p2 =	sne.s32 s6, s0;
	v1 =	vld.msk @!p1 [tilespmem:s13+$0x0], $0x1;
	_ =	sdelay $0x4  }
0x211: {  	(v2sf) =	vpush @!p1 v1, $0x0;
	_ =	sdelay $0xe  }
.Ltmp32:
0x212: {  	s3 =	spop @!p1 (v2sf);
	(pc) =	sbr.rel @p2 .LBB3_29-.Ltmp32, $4  }
0x213: {  	p3 =	seq.s32 @!p1 s12, s3  }
0x214: {  	p3 =	por !p3, p1  }
0x215: {  	s14 =	simm.s32 @p3 $0xFFFFFFFF  }
0x216: {  	s14 =	smov.u32 @p1 s2  }
.LBB3_30:
0x217: {  	p1 =	seq.s32 s14, $0xFFFFFFFF  }
.Ltmp33:
0x218: {  	_ = 	snop;
	(pc) =	sbr.rel @p1 .LBB3_32-.Ltmp33, $1  }
0x219: {  	_ =	sdelay $0x3  }
0x21a: {  	s0 =	sshll.u32 s11, $0x7  }
0x21b: {  	s0 =	sand.u32 $0x3FFFFF80, s0  }
0x21c: {  	v0 =	vld [tilespmem:s0+$0xF238];
	_ =	sdelay $0x2  }
0x21d: {  	s2 =	sshll.u32 s14, $0x9  }
0x21e: {  	s2 =	sshra.s32 s2, $0x2  }
0x21f: {  	[tilespmem:s2+$0xF238] =	vst.add.f32.msk $0xffff, v0  }
0x220: {  	v0 =	vld [tilespmem:s0+$0xF248];
	_ =	sdelay $0x4  }
0x221: {  	[tilespmem:s2+$0xF248] =	vst.add.f32.msk $0xffff, v0  }
0x222: {  	v0 =	vld [tilespmem:s0+$0xF258];
	_ =	sdelay $0x4  }
0x223: {  	[tilespmem:s2+$0xF258] =	vst.add.f32.msk $0xffff, v0  }
0x224: {  	v0 =	vld [tilespmem:s0+$0xF268];
	_ =	sdelay $0x4  }
0x225: {  	[tilespmem:s2+$0xF268] =	vst.add.f32.msk $0xffff, v0  }
0x226: {  	v0 =	vld [tilespmem:s0+$0xF278];
	_ =	sdelay $0x4  }
0x227: {  	[tilespmem:s2+$0xF278] =	vst.add.f32.msk $0xffff, v0  }
0x228: {  	v0 =	vld [tilespmem:s0+$0xF288];
	_ =	sdelay $0x4  }
0x229: {  	[tilespmem:s2+$0xF288] =	vst.add.f32.msk $0xffff, v0  }
0x22a: {  	v0 =	vld [tilespmem:s0+$0xF298];
	_ =	sdelay $0x4  }
0x22b: {  	[tilespmem:s2+$0xF298] =	vst.add.f32.msk $0xffff, v0  }
0x22c: {  	v0 =	vld [tilespmem:s0+$0xF2A8]  }
.Ltmp34:
0x22d: {  	_ = 	snop;
	(pc) =	sbr.rel .LBB3_33-.Ltmp34, $2  }
0x22e: {  	_ =	sdelay $0x2  }
0x22f: {  	[tilespmem:s2+$0xF2A8] =	vst.add.f32.msk $0xffff, v0  }
.LBB3_34:
0x230: {  	s0 =	simm.s32 $0x6;
	p1 =	seq.s32 s6, $0x0  }
0x231: {  	[sflag:s0] =	ssyncpa.u1 $0x1;
	v0 =	vimm.s32 @p1 $0xFFFFFFFF  }
0x232: {  	s9 =	sadd.s32 $0xFFFFFFFF, s6;
	[tilespmem:$0x10238] =	vst @p1 v0  }
0x233: {  	v0 =	vld.msk @!p1 [tilespmem:s9+$0xF218], $0x1;
	_ =	sdelay $0x1  }
0x234: {  	v1 =	vld.msk @!p1 [tilespmem:$0xF218], $0x1;
	_ =	sdelay $0x2  }
0x235: {  	p2 =	seq.s32 @!p1 s9, $0x0;
	v0 =	vbroadcast @!p1 v0, $0x0  }
0x236: {  	vm0 =	vmmov @!p1 $0x1;
	p2 =	por !p2, p1  }
0x237: {  	v1 =	vnsel @!p1 vm0, $0xFFFFFFFF, v1;
	vm0 =	vcmask @!p1 $0x308;
	v0 =	vpsel !p2, $0xFFFFFFFF, v0  }
0x238: {  	p2 =	sne.s32 @!p1 s8, s7;
	v0 =	vsel @!p1 vm0, v1, v0  }
0x239: {  	s0 =	simm.s32 @!p1 $0xF238;
	s2 =	simm.s32 @!p1 $0x0;
	p3 =	por !p2, p1;
	[tilespmem:$0x10238] =	vst @!p1 v0  }
0x23a: {  	[spmem:s2] =	stream.linear.scatter @!p1 [tilespmem:s0], [sflag:$0x1], $0x80, $0x38;
	[tilespmem:$0x1F6F8] =	vst v63  }
0x23b: {  	s0 =	sshll.u32 @!p3 s9, $0x9  }
0x23c: {  	s0 =	sshra.s32 @!p3 s0, $0x2  }
0x23d: {  	s2 =	simm.s32 @!p3 $0x80;
	s0 =	sadd.s32 @!p3 $0xF238, s0  }
0x23e: {  	[spmem:s2] =	stream.linear.scatter @!p3 [tilespmem:s0], [sflag:$0x1], $0x80, $0x38;
	[tilespmem:$0x1F6F8] =	vst v63  }
0x23f: {  	s0 =	simm.s32 @!p3 $0x1  }
0x240: {  	_ =	swait.ge @!p3 [sflag:s0], $0x100  }
0x241: {  	p1 =	por p2, p1;
	[sflag:s0] =	ssyncset.done @!p3 $0x0  }
0x242: {  	[sflag:s0] =	ssyncadd.s32 @!p3 $0xFFFFFF00;
	s0 =	simm.s32 @!p1 $0x1  }
0x243: {  	_ =	swait.ge @!p1 [sflag:s0], $0x80  }
0x244: {  	s29 =	simm.s32 $0x10238;
	[sflag:s0] =	ssyncset.done @!p1 $0x0  }
0x245: {  	s30 =	simm.s32 $0x1000;
	s31 =	simm.s32 $0x1;
	[sflag:s0] =	ssyncadd.s32 @!p1 $0xFFFFFF80  }
0x246: {  	[spmem:s30] =	stream.linear.scatter [tilespmem:s29], [sflag:$0x1], $0x10, $0x38;
	[tilespmem:$0x1F6F8] =	vst v63  }
0x247: {  	_ =	swait.ge [sflag:s31], $0x10  }
0x248: {  	[sflag:s31] =	ssyncset.done $0x0  }
0x249: {  	p1 =	seq.s32 s15, $0x0;
	s8 =	rddreg [dreg:$0x1];
	[sflag:s31] =	ssyncadd.s32 $0xFFFFFFF0  }
0x24a: {  	s2 =	sshll.u32 @p1 s8, $0xE;
	s7 =	rddreg [dreg:$0x2]  }
0x24b: {  	s0 =	sadd.s32 @p1 $0x15C3C, s2;
	s2 =	sshll.u32 @p1 s7, $0x11  }
0x24c: {  	_ =	sfence.stream.spmem;
	s0 =	sor.u32 @p1 s2, s0  }
0x24d: {  	[sflag:s0] =	ssyncadd.remote.s32 @p1 $0x1;
	s0 =	simm.s32 @p1 $0x4  }
0x24e: {  	s3 =	simm.s32 @!p1 $0x3C;
	s2 =	sand.u32 $0xFFFFFFFE, s8;
	_ =	swait.ge @p1 [sflag:s0], $0x22  }
0x24f: {  	s4 =	simm.s32 @!p1 $0x0;
	s2 =	sadd.s32 @!p1 $0x4, s2;
	[sflag:s0] =	ssyncset.done @p1 $0x0  }
0x250: {  	s5 =	simm.s32 @!p1 $0x100;
	[sflag:s0] =	ssyncadd.s32 @p1 $0xFFFFFFDE;
	s0 =	sshll.u32 @!p1 s2, $0x1A  }
0x251: {  	s2 =	sshll.u32 @!p1 s2, $0xD;
	s0 =	sor.u32 @!p1 s0, s7;
	_ =	swait.eq @!p1 [sflag:s3], $0x1  }
0x252: {  	s2 =	sor.u32 @!p1 $0x1C04, s2;
	s3 =	simm.s32 @!p1 $0x1C03;
	s0 =	sor.u32 @!p1 $0x80004000, s0  }
0x253: {  	[spmem:s5], [sflag:s2] =	dma.general @!p1 [spmem:s4], [sflag:s3], length:$0x20, [dreg:$0x0], stride_count:$0x0, ici_dest:s0, dma_misc:DstOpCode:WRITE  }
0x254: {  	p2 =	slt.s32 s9, $0x2;
	s4 =	simm.s32 @!p1 $0x200;
	s5 =	simm.s32 @!p1 $0x202  }
0x255: {  	[spmem:s5], [sflag:s2] =	dma.general @!p1 [spmem:s4], [sflag:s3], length:$0x2, [dreg:$0x0], stride_count:$0x0, ici_dest:s0, dma_misc:DstOpCode:WRITE  }
.Ltmp35:
0x256: {  	s0 =	simm.s32 @!p1 $0x3;
	(pc) =	sbr.rel @p2 .LBB3_38-.Ltmp35, $4  }
0x257: {  	s2 =	sshll.u32 @!p1 s8, $0xE;
	_ =	swait.ge @!p1 [sflag:s0], $0x22  }
0x258: {  	s3 =	sshll.u32 @!p1 s7, $0x11;
	s2 =	sadd.s32 @!p1 $0x11C3C, s2;
	[sflag:s0] =	ssyncset.done @!p1 $0x0  }
0x259: {  	[sflag:s0] =	ssyncadd.s32 @!p1 $0xFFFFFFDE;
	s0 =	sor.u32 @!p1 s3, s2  }
0x25a: {  	[sflag:s0] =	ssyncadd.remote.s32 @!p1 $0xFFFFFFFF;
	s0 =	simm.s32 $0x0  }
0x25b: {  	s0 =	simm.s32 $0xF219  }
0x25c: {  	v0 =	vld.msk [tilespmem:s0+$0x0], $0x1;
	_ =	sdelay $0x4  }
0x25d: {  	(v2sf) =	vpush v0, $0x0;
	_ =	sdelay $0xb  }
0x25e: {  	s31 =	sadd.s32 $0xFFFFFFFE, s6  }
0x25f: {  	s0 =	sadd.s32 $0xFFFFFFFF, s31  }
0x260: {  	p2 =	sne.s32 s0, $0x0  }
.Ltmp36:
0x261: {  	s2 =	spop (v2sf);
	(pc) =	sbr.rel @!p2 .LBB3_37-.Ltmp36, $4  }
0x262: {  	s4 =	simm.s32 $0xF2B8;
	s7 =	simm.s32 $0x0;
	p1 =	sgt.u32 s2, $0x270F0  }
0x263: {  	s5 =	simm.s32 $0x0;
	s6 =	simm.s32 $0xF21A;
	s3 =	sand.u32 @!p1 $0x3FFF8, s2  }
0x264: {  	s2 =	sand.u32 @!p1 $0x7, s2;
	s7 =	simm.s32 @!p1 $0x200;
	s3 =	sadd.s32 @!p1 s1, s3  }
0x265: {  	[hbm4b:s3+s2] =	stream.linear.scatter @!p1 [tilespmem:s4], [sflag:$0x5], $0x80, $0x38;
	[tilespmem:$0x1F6F8] =	vst v63  }
.LBB3_36:
0x266: {  	v0 =	vld.msk [tilespmem:s6+$0x0], $0x1;
	s0 =	sadd.s32 $0xFFFFFFFF, s0;
	s5 =	sadd.s32 s5, s7  }
0x267: {  	p1 =	sne.s32 s0, $0x0;
	_ =	sdelay $0x3  }
0x268: {  	(v2sf) =	vpush v0, $0x0;
	_ =	sdelay $0xe  }
.Ltmp37:
0x269: {  	s2 =	spop (v2sf);
	(pc) =	sbr.rel @p1 .LBB3_36-.Ltmp37, $4  }
0x26a: {  	s7 =	simm.s32 $0x0;
	p2 =	sgt.u32 s2, $0x270F0  }
0x26b: {  	s4 =	sadd.s32 $0x80, s4;
	s7 =	simm.s32 @!p2 $0x200;
	s3 =	sand.u32 @!p2 $0x3FFF8, s2  }
0x26c: {  	s6 =	sadd.s32 $0x1, s6;
	s2 =	sand.u32 @!p2 $0x7, s2;
	s3 =	sadd.s32 @!p2 s1, s3  }
0x26d: {  	[hbm4b:s3+s2] =	stream.linear.scatter @!p2 [tilespmem:s4], [sflag:$0x5], $0x80, $0x38;
	[tilespmem:$0x1F6F8] =	vst v63  }
.LBB3_37:
0x26e: {  	s0 =	sadd.s32 s5, s7  }
0x26f: {  	s0 =	sshrl.u32 s0, $0x2  }
.LBB3_38:
0x270: {  	s2 =	simm.s32 $0x5  }
0x271: {  	_ =	swait.ge [sflag:s2], s0  }
0x272: {  	s31 =	ssub.s32 $0x0, s0;
	[sflag:s2] =	ssyncset.done $0x0  }
0x273: {  	[sflag:s2] =	ssyncadd.s32 s31  }
0x274: {  	[sflag:s2] =	ssyncpa.u1 $0x1  }
.LBB3_39:
0x275: {  	s0 =	sor.u32 s15, s16  }
0x276: {  	p1 =	sne.s32 s0, $0x0  }
.Ltmp38:
0x277: {  	_ = 	snop;
	(pc) =	sbr.rel @p1 .LBB3_54-.Ltmp38, $3  }
0x278: {  	_ =	sdelay $0x1  }
0x279: {  	[bflag:$0x0] =	sbarrier.arrive $0xFFFF  }
0x27a: {  	_ =	sfence  }
0x27b: {  	s0 =	simm.s32 $0x7  }
0x27c: {  	s2 =	simm.s32 $0x1000;
	s3 =	simm.s32 $0xF218;
	[sflag:s0] =	ssyncpa.u1 $0x0  }
0x27d: {  	[tilespmem:s3], [sflag:$0x7] =	stream.linear.gather [spmem:s2], $0x20, $0x38;
	[tilespmem:$0x1F6F8] =	vst v63  }
0x27e: {  	s30 =	simm.s32 $0xF238;
	s2 =	simm.s32 $0x0  }
0x27f: {  	[tilespmem:s30], [sflag:$0x7] =	stream.linear.gather [spmem:s2], $0x1000, $0x38;
	[tilespmem:$0x1F6F8] =	vst v63  }
.Ltmp39:
0x280: {  	_ = 	snop;
	(pc) =	sbr.rel .LBB3_41-.Ltmp39, $4  }
0x281: {  	_ =	swait.ge [sflag:s0], $0x1020  }
0x282: {  	[sflag:s0] =	ssyncset.done $0x0  }
0x283: {  	s31 =	simm.s32 $0x8;
	[sflag:s0] =	ssyncadd.s32 $0xFFFFEFE0  }
0x284: {  	s3 =	simm.s32 $0x0;
	[sflag:s31] =	ssyncpa.u1 $0x0  }
.LBB3_47:
0x285: {  	p1 =	slt.u32 s4, $0x270F1  }
0x286: {  	s0 =	sand.u32 @p1 $0x3FFF8, s4  }
0x287: {  	s4 =	sand.u32 @p1 $0x7, s4;
	s5 =	simm.s32 @p1 $0xF188;
	s0 =	sadd.s32 @p1 s1, s0  }
0x288: {  	[tilespmem:s5], [sflag:$0x8] =	stream.linear.gather @p1 [hbm4b:s0+s4], $0x80, $0x38;
	[tilespmem:$0x1F6F8] =	vst v63  }
0x289: {  	s0 =	simm.s32 @p1 $0x8  }
0x28a: {  	_ =	swait.ge @p1 [sflag:s0], $0x80  }
0x28b: {  	[sflag:s0] =	ssyncset.done @p1 $0x0  }
0x28c: {  	[sflag:s0] =	ssyncadd.s32 @p1 $0xFFFFFF80  }
0x28d: {  	v1 =	vld @p1 [tilespmem:$0xF188];
	_ =	sdelay $0x2  }
0x28e: {  	s0 =	sshll.u32 @p1 s3, $0x9  }
0x28f: {  	s4 =	sshrl.u32 @p1 s0, $0x2  }
0x290: {  	[tilespmem:s4+$0xF238] =	vst.add.f32.msk @p1 $0xffff, v1  }
0x291: {  	v1 =	vld @p1 [tilespmem:$0xF198];
	_ =	sdelay $0x4  }
0x292: {  	[tilespmem:s4+$0xF248] =	vst.add.f32.msk @p1 $0xffff, v1  }
0x293: {  	v1 =	vld @p1 [tilespmem:$0xF1A8];
	_ =	sdelay $0x4  }
0x294: {  	[tilespmem:s4+$0xF258] =	vst.add.f32.msk @p1 $0xffff, v1  }
0x295: {  	v1 =	vld @p1 [tilespmem:$0xF1B8];
	_ =	sdelay $0x4  }
0x296: {  	[tilespmem:s4+$0xF268] =	vst.add.f32.msk @p1 $0xffff, v1  }
0x297: {  	v1 =	vld @p1 [tilespmem:$0xF1C8];
	_ =	sdelay $0x4  }
0x298: {  	[tilespmem:s4+$0xF278] =	vst.add.f32.msk @p1 $0xffff, v1  }
0x299: {  	v1 =	vld @p1 [tilespmem:$0xF1D8];
	_ =	sdelay $0x4  }
0x29a: {  	[tilespmem:s4+$0xF288] =	vst.add.f32.msk @p1 $0xffff, v1  }
0x29b: {  	v1 =	vld @p1 [tilespmem:$0xF1E8];
	_ =	sdelay $0x4  }
0x29c: {  	[tilespmem:s4+$0xF298] =	vst.add.f32.msk @p1 $0xffff, v1  }
0x29d: {  	v1 =	vld @p1 [tilespmem:$0xF1F8];
	_ =	sdelay $0x3  }
0x29e: {  	s5 =	sshll.u32 @!p1 s3, $0x9  }
0x29f: {  	s5 =	smov.u32 @p1 s0;
	[tilespmem:s4+$0xF2A8] =	vst.add.f32.msk @p1 $0xffff, v1  }
0x2a0: {  	s0 =	sshrl.u32 s5, $0x2;
	[tilespmem:s2+$0xF218] =	vst.msk $0x1, v0  }
0x2a1: {  	v0 =	vld [tilespmem:s0+$0xF238];
	_ =	sdelay $0x2  }
0x2a2: {  	s31 =	sshll.u32 s2, $0x9  }
0x2a3: {  	s4 =	sshra.s32 s31, $0x2  }
0x2a4: {  	[tilespmem:s4+$0xF238] =	vst v0  }
0x2a5: {  	v0 =	vld [tilespmem:s0+$0xF248];
	_ =	sdelay $0x4  }
0x2a6: {  	[tilespmem:s4+$0xF248] =	vst v0  }
0x2a7: {  	v0 =	vld [tilespmem:s0+$0xF258];
	_ =	sdelay $0x4  }
0x2a8: {  	[tilespmem:s4+$0xF258] =	vst v0  }
0x2a9: {  	v0 =	vld [tilespmem:s0+$0xF268];
	_ =	sdelay $0x4  }
0x2aa: {  	[tilespmem:s4+$0xF268] =	vst v0  }
0x2ab: {  	v0 =	vld [tilespmem:s0+$0xF278];
	_ =	sdelay $0x4  }
0x2ac: {  	[tilespmem:s4+$0xF278] =	vst v0  }
0x2ad: {  	v0 =	vld [tilespmem:s0+$0xF288];
	_ =	sdelay $0x4  }
0x2ae: {  	[tilespmem:s4+$0xF288] =	vst v0  }
0x2af: {  	v0 =	vld [tilespmem:s0+$0xF298];
	_ =	sdelay $0x4  }
0x2b0: {  	[tilespmem:s4+$0xF298] =	vst v0  }
0x2b1: {  	v0 =	vld [tilespmem:s0+$0xF2A8];
	_ =	sdelay $0x4  }
0x2b2: {  	s2 =	sadd.s32 $0x1, s2;
	[tilespmem:s4+$0xF2A8] =	vst v0  }
.LBB3_48:
0x2b3: {  	s3 =	sadd.s32 $0x1, s3  }
0x2b4: {  	p1 =	sne.s32 s3, $0x20  }
.Ltmp40:
0x2b5: {  	_ = 	snop;
	(pc) =	sbr.rel @!p1 .LBB3_49-.Ltmp40, $1  }
0x2b6: {  	_ =	sdelay $0x3  }
.LBB3_41:
0x2b7: {  	v0 =	vld.msk [tilespmem:s3+$0xF218], $0x1;
	_ =	sdelay $0x4  }
0x2b8: {  	(v2sf) =	vpush v0, $0x0;
	_ =	sdelay $0xe  }
0x2b9: {  	s4 =	spop (v2sf)  }
0x2ba: {  	p1 =	seq.s32 s4, $0xFFFFFFFF  }
.Ltmp41:
0x2bb: {  	_ = 	snop;
	(pc) =	sbr.rel @p1 .LBB3_48-.Ltmp41, $1  }
0x2bc: {  	_ =	sdelay $0x3  }
0x2bd: {  	p1 =	slt.s32 s2, $0x1  }
.Ltmp42:
0x2be: {  	_ = 	snop;
	(pc) =	sbr.rel @p1 .LBB3_47-.Ltmp42, $1  }
0x2bf: {  	_ =	sdelay $0x3  }
0x2c0: {  	s5 =	simm.s32 $0xF218;
	p1 =	por $0x0, $0x0  }
0x2c1: {  	v1 =	vld.msk @!p1 [tilespmem:s5+$0x0], $0x1;
	_ =	sdelay $0x4  }
0x2c2: {  	(v2sf) =	vpush @!p1 v1, $0x0;
	_ =	sdelay $0xd  }
0x2c3: {  	p3 =	sne.s32 s2, $0x1  }
.Ltmp43:
0x2c4: {  	s0 =	spop @!p1 (v2sf);
	(pc) =	sbr.rel @!p3 .LBB3_45-.Ltmp43, $4  }
0x2c5: {  	p2 =	seq.s32 @!p1 s4, s0  }
0x2c6: {  	s6 =	simm.s32 $0x0;
	p2 =	por !p2, p1  }
0x2c7: {  	s7 =	simm.s32 $0xFFFFFFFF;
	s6 =	simm.s32 @p2 $0xFFFFFFFF  }
0x2c8: {  	s0 =	simm.s32 $0x1;
	s6 =	smov.u32 @p1 s7  }
.LBB3_44:
0x2c9: {  	s7 =	smov.u32 s6;
	p1 =	sne.s32 s6, $0xFFFFFFFF  }
0x2ca: {  	s5 =	sadd.s32 $0x1, s5;
	s6 =	smov.u32 s0;
	s0 =	sadd.s32 $0x1, s0  }
0x2cb: {  	p2 =	sne.s32 s2, s0;
	v1 =	vld.msk @!p1 [tilespmem:s5+$0x0], $0x1;
	_ =	sdelay $0x4  }
0x2cc: {  	(v2sf) =	vpush @!p1 v1, $0x0;
	_ =	sdelay $0xe  }
.Ltmp44:
0x2cd: {  	s8 =	spop @!p1 (v2sf);
	(pc) =	sbr.rel @p2 .LBB3_44-.Ltmp44, $4  }
0x2ce: {  	p3 =	seq.s32 @!p1 s4, s8  }
0x2cf: {  	p3 =	por !p3, p1  }
0x2d0: {  	s6 =	simm.s32 @p3 $0xFFFFFFFF  }
0x2d1: {  	s6 =	smov.u32 @p1 s7  }
.LBB3_45:
0x2d2: {  	p1 =	seq.s32 s6, $0xFFFFFFFF  }
.Ltmp45:
0x2d3: {  	_ = 	snop;
	(pc) =	sbr.rel @p1 .LBB3_47-.Ltmp45, $1  }
0x2d4: {  	_ =	sdelay $0x3  }
0x2d5: {  	s0 =	sshll.u32 s3, $0x7  }
0x2d6: {  	s0 =	sand.u32 $0x3FFFFF80, s0  }
0x2d7: {  	v0 =	vld [tilespmem:s0+$0xF238];
	_ =	sdelay $0x2  }
0x2d8: {  	s4 =	sshll.u32 s6, $0x9  }
0x2d9: {  	s4 =	sshra.s32 s4, $0x2  }
0x2da: {  	[tilespmem:s4+$0xF238] =	vst.add.f32.msk $0xffff, v0  }
0x2db: {  	v0 =	vld [tilespmem:s0+$0xF248];
	_ =	sdelay $0x4  }
0x2dc: {  	[tilespmem:s4+$0xF248] =	vst.add.f32.msk $0xffff, v0  }
0x2dd: {  	v0 =	vld [tilespmem:s0+$0xF258];
	_ =	sdelay $0x4  }
0x2de: {  	[tilespmem:s4+$0xF258] =	vst.add.f32.msk $0xffff, v0  }
0x2df: {  	v0 =	vld [tilespmem:s0+$0xF268];
	_ =	sdelay $0x4  }
0x2e0: {  	[tilespmem:s4+$0xF268] =	vst.add.f32.msk $0xffff, v0  }
0x2e1: {  	v0 =	vld [tilespmem:s0+$0xF278];
	_ =	sdelay $0x4  }
0x2e2: {  	[tilespmem:s4+$0xF278] =	vst.add.f32.msk $0xffff, v0  }
0x2e3: {  	v0 =	vld [tilespmem:s0+$0xF288];
	_ =	sdelay $0x4  }
0x2e4: {  	[tilespmem:s4+$0xF288] =	vst.add.f32.msk $0xffff, v0  }
0x2e5: {  	v0 =	vld [tilespmem:s0+$0xF298];
	_ =	sdelay $0x4  }
0x2e6: {  	[tilespmem:s4+$0xF298] =	vst.add.f32.msk $0xffff, v0  }
0x2e7: {  	v0 =	vld [tilespmem:s0+$0xF2A8]  }
.Ltmp46:
0x2e8: {  	_ = 	snop;
	(pc) =	sbr.rel .LBB3_48-.Ltmp46, $2  }
0x2e9: {  	_ =	sdelay $0x2  }
0x2ea: {  	[tilespmem:s4+$0xF2A8] =	vst.add.f32.msk $0xffff, v0  }
.LBB3_49:
0x2eb: {  	p1 =	slt.s32 s2, $0x1  }
.Ltmp47:
0x2ec: {  	_ = 	snop;
	(pc) =	sbr.rel @p1 .LBB3_53-.Ltmp47, $3  }
0x2ed: {  	_ =	sdelay $0x1  }
0x2ee: {  	s0 =	simm.s32 $0x8  }
0x2ef: {  	s3 =	simm.s32 $0x0;
	[sflag:s0] =	ssyncpa.u1 $0x1  }
0x2f0: {  	s0 =	simm.s32 $0xF218  }
0x2f1: {  	v0 =	vld.msk [tilespmem:s0+$0x0], $0x1;
	_ =	sdelay $0x4  }
0x2f2: {  	(v2sf) =	vpush v0, $0x0;
	_ =	sdelay $0xe  }
0x2f3: {  	s0 =	sadd.s32 $0xFFFFFFFF, s2;
	s5 =	spop (v2sf)  }
0x2f4: {  	p2 =	sne.s32 s0, $0x0;
	p1 =	sgt.u32 s5, $0x270F0  }
.Ltmp48:
0x2f5: {  	s6 =	sand.u32 @!p1 $0x3FFF8, s5;
	(pc) =	sbr.rel @!p2 .LBB3_52-.Ltmp48, $4  }
0x2f6: {  	s4 =	simm.s32 $0xF238;
	s5 =	sand.u32 @!p1 $0x7, s5;
	s2 =	sadd.s32 @!p1 s1, s6  }
0x2f7: {  	[hbm4b:s2+s5] =	stream.linear.scatter @!p1 [tilespmem:s4], [sflag:$0x7], $0x80, $0x38;
	[tilespmem:$0x1F6F8] =	vst v63  }
0x2f8: {  	s5 =	simm.s32 $0x0  }
0x2f9: {  	s2 =	simm.s32 $0xF219;
	s5 =	simm.s32 @!p1 $0x200  }
.LBB3_51:
0x2fa: {  	v0 =	vld.msk [tilespmem:s2+$0x0], $0x1;
	s0 =	sadd.s32 $0xFFFFFFFF, s0;
	s3 =	sadd.s32 s3, s5  }
0x2fb: {  	p1 =	sne.s32 s0, $0x0;
	_ =	sdelay $0x3  }
0x2fc: {  	(v2sf) =	vpush v0, $0x0;
	_ =	sdelay $0xe  }
.Ltmp49:
0x2fd: {  	s6 =	spop (v2sf);
	(pc) =	sbr.rel @p1 .LBB3_51-.Ltmp49, $4  }
0x2fe: {  	s5 =	simm.s32 $0x0;
	p2 =	sgt.u32 s6, $0x270F0  }
0x2ff: {  	s4 =	sadd.s32 $0x80, s4;
	s5 =	simm.s32 @!p2 $0x200;
	s7 =	sand.u32 @!p2 $0x3FFF8, s6  }
0x300: {  	s2 =	sadd.s32 $0x1, s2;
	s6 =	sand.u32 @!p2 $0x7, s6;
	s7 =	sadd.s32 @!p2 s1, s7  }
0x301: {  	[hbm4b:s7+s6] =	stream.linear.scatter @!p2 [tilespmem:s4], [sflag:$0x7], $0x80, $0x38;
	[tilespmem:$0x1F6F8] =	vst v63  }
.LBB3_52:
0x302: {  	s0 =	sadd.s32 s3, s5  }
0x303: {  	s3 =	sshrl.u32 s0, $0x2  }
.LBB3_53:
0x304: {  	s0 =	simm.s32 $0x7  }
0x305: {  	_ =	swait.ge [sflag:s0], s3  }
0x306: {  	s1 =	ssub.s32 $0x0, s3;
	[sflag:s0] =	ssyncset.done $0x0  }
0x307: {  	[sflag:s0] =	ssyncadd.s32 s1  }
0x308: {  	[sflag:s0] =	ssyncpa.u1 $0x1  }
.LBB3_54:
0x309: {  	_ =	sfence;
	s0 =	simm.s32 $0x1  }
0x30a: {  	[sflag:s0] =	ssyncpa.u1 $0x1  }
0x30b: {  	_ =	strace $0x9000004D  }
0x30c: {  	[bflag:$0x2] =	sbarrier.arrive $0xFFFF  }
0x30d: {  	s0 =	rddreg [dreg:$0x3]  }
0x30e: {  	s0 =	sadd.s32 @!p0 $0x100000, s0  }
0x30f: {  	[sflag:s0] =	ssyncadd.tile.s32 @!p0 $0x1;
	_ =	shalt  }
.Lfunc_end3:
_tile_overlayer_lowered:
.L_overlay_start_3:
0x310: {  	(tag) =	ssettag $0x3  }
0x311: {  	s0 =	rddreg [dreg:$0x0];
	s2 =	stileid.u32  }
0x312: {  	s1 =	rddreg [dreg:$0x1];
	p0 =	sne.s32 s2, $0x0  }
0x313: {  	s3 =	rddreg [dreg:$0x2];
	[bflag:$0x3] =	sbarrier.arrive $0xFFFF;
	s2 =	simm.s32 @!p0 $0x1C01  }
0x314: {  	[timem:s3], [sflag:s2] =	dma.local @!p0 [hbm:s0], s1  }
0x315: {  	s0 =	simm.s32 @!p0 $0x1  }
0x316: {  	_ =	swait.ge @!p0 [sflag:s0], s1  }
0x317: {  	s1 =	ssub.s32 @!p0 $0x0, s1;
	[sflag:s0] =	ssyncset.done @!p0 $0x0  }
0x318: {  	[sflag:s0] =	ssyncadd.s32 @!p0 s1  }
0x319: {  	[bflag:$0x3] =	sbarrier.arrive $0xFFFF  }
0x31a: {  	_ =	shalt  }

</sc_bundles>
